<compile_context>
chip_gen: v7x
topology: tpu7x:2x2x1
jax: 0.10.2.dev20260603
libtpu: 0.0.44.dev20260713+nightly
codegen_flags: <defaults>
</compile_context>

<pallas_src>
import functools

import jax
import jax.numpy as jnp
from jax import lax
from jax.experimental import pallas as pl
from jax.experimental.pallas import tpu as pltpu
from jax.experimental.pallas import tpu_sc as plsc

N = 10000
D = 128
NPAD = 10240
NC = 2
NS = 16
NW = NC * NS
CH = 64
NBUF = 4
PIECE = 40
C0 = 280
C1 = 40
TOTCH = NS * (C0 + C1)
EPAD = TOTCH * CH
RPW = NPAD // NS
PADIDX = NPAD - 1

_mesh = plsc.VectorSubcoreMesh(core_axis_name="c", subcore_axis_name="s")



@functools.partial(
    pl.kernel,
    out_type=jax.ShapeDtypeStruct((NC, NPAD, 16), jnp.float32),
    mesh=_mesh,
    scratch_types=[
        pltpu.VMEM((TOTCH // NW, CH), jnp.int32),
        pltpu.VMEM((CH, 16), jnp.float32),
        pltpu.VMEM_SHARED((NPAD, 16), jnp.float32),
        pltpu.SemaphoreType.DMA,
        pltpu.SemaphoreType.DMA,
        pltpu.SemaphoreType.DMA,
        pltpu.SemaphoreType.DMA,
    ],
)
def _deg_sc(dst_hbm, zo_hbm, out_hbm, dst_v, buf_v, deg_sh,
            ds0, ds1, ds2, ds3):
    c = lax.axis_index("c")
    s = lax.axis_index("s")
    w = c * NS + s
    pltpu.sync_copy(zo_hbm.at[0], buf_v)
    for k in range(RPW // CH):
        pltpu.sync_copy(buf_v, deg_sh.at[pl.ds(s * RPW + k * CH, CH)])
    plsc.subcore_barrier()
    pltpu.sync_copy(dst_hbm.at[pl.ds(w * (TOTCH // NW), TOTCH // NW)], dst_v)
    pltpu.sync_copy(zo_hbm.at[1], buf_v)

    dsems = (ds0, ds1, ds2, ds3)

    def body(q, carry):
        i = 4 * q
        for b in range(4):
            pltpu.async_copy(buf_v, deg_sh.at[dst_v.at[i + b]], dsems[b],
                             add=True)
        for b in range(4):
            pltpu.make_async_copy(buf_v, deg_sh.at[dst_v.at[i + b]],
                                  dsems[b]).wait()
        return carry

    lax.fori_loop(0, TOTCH // NW // 4, body, 0)
    plsc.subcore_barrier()
    pltpu.sync_copy(deg_sh.at[pl.ds(s * RPW, RPW)],
                    out_hbm.at[c, pl.ds(s * RPW, RPW)])


@functools.partial(
    pl.kernel,
    out_type=jax.ShapeDtypeStruct((NC, NPAD, D), jnp.float32),
    mesh=_mesh,
    scratch_types=(
        [pltpu.VMEM((PIECE, CH), jnp.int32)] * 2
        + [pltpu.VMEM((CH, D), jnp.float32)] * NBUF
        + [pltpu.VMEM_SHARED((NPAD, D), jnp.float32)]
        + [pltpu.SemaphoreType.DMA] * (2 * NBUF)
    ),
)
def _agg_sc(y_hbm, src_hbm, dst_hbm, out_hbm, src_v, dst_v, *rest):
    bufs = rest[:NBUF]
    acc_sh = rest[NBUF]
    gs = rest[NBUF + 1:2 * NBUF + 1]
    ss = rest[2 * NBUF + 1:]
    c = lax.axis_index("c")
    s = lax.axis_index("s")
    w = c * NS + s

    def gather(i, b):
        return pltpu.async_copy(y_hbm.at[src_v.at[i]], bufs[b], gs[b])

    def gwait(i, b):
        pltpu.make_async_copy(y_hbm.at[src_v.at[i]], bufs[b], gs[b]).wait()

    def scatter(i, b):
        return pltpu.async_copy(bufs[b], acc_sh.at[dst_v.at[i]], ss[b],
                                add=True)

    def swait(i, b):
        pltpu.make_async_copy(bufs[b], acc_sh.at[dst_v.at[i]], ss[b]).wait()

    pltpu.sync_copy(y_hbm.at[pl.ds(NPAD - CH, CH)], bufs[0])
    for k in range(RPW // CH):
        pltpu.sync_copy(bufs[0], acc_sh.at[pl.ds(s * RPW + k * CH, CH)])
    plsc.subcore_barrier()

    cbase = jnp.where(c == 0, s * C0, NS * C0 + s * C1)
    npieces = jnp.where(c == 0, C0 // PIECE, C1 // PIECE)

    def piece(q, carry):
        pbase = cbase + q * PIECE
        pltpu.sync_copy(src_hbm.at[pl.ds(pbase, PIECE)], src_v)
        pltpu.sync_copy(dst_hbm.at[pl.ds(pbase, PIECE)], dst_v)
        for b in range(NBUF):
            gather(b, b)

        def body(qq, carry2):
            i = NBUF * qq
            for b in range(NBUF):
                gwait(i + b, b)
                scatter(i + b, b)
            for b in range(NBUF):
                swait(i + b, b)
                gather(i + NBUF + b, b)
            return carry2

        lax.fori_loop(0, PIECE // NBUF - 1, body, 0)
        i = PIECE - NBUF
        for b in range(NBUF):
            gwait(i + b, b)
            scatter(i + b, b)
        for b in range(NBUF):
            swait(i + b, b)
        return carry

    lax.fori_loop(0, npieces, piece, 0)
    plsc.subcore_barrier()
    pltpu.sync_copy(acc_sh.at[pl.ds(s * RPW, RPW)],
                    out_hbm.at[c, pl.ds(s * RPW, RPW)])



_R = 1024
_G = NPAD // _R


def _dinv_blk(dp_ref):
    deg = dp_ref[0, :, 0:1] + dp_ref[1, :, 0:1] + 1.0
    return lax.rsqrt(deg)


def _pre_tc(x_ref, w_ref, dp_ref, y_ref):
    dinv = _dinv_blk(dp_ref)
    y_ref[...] = jnp.dot(x_ref[...] * dinv, w_ref[...],
                         preferred_element_type=jnp.float32)


def _mid_tc(p_ref, y1_ref, dp_ref, b_ref, w_ref, o_ref):
    dinv = _dinv_blk(dp_ref)
    a = p_ref[0] + p_ref[1] + y1_ref[...]
    h = jnp.maximum(a * dinv + b_ref[...], 0.0)
    y2 = jnp.dot(h * dinv, w_ref[...], preferred_element_type=jnp.float32)
    row = pl.program_id(0) * _R + lax.broadcasted_iota(jnp.int32, (_R, 1), 0)
    o_ref[...] = jnp.where(row < N, y2, 0.0)


def _post_tc(p_ref, y2_ref, dp_ref, b_ref, x_ref, o_ref):
    dinv = _dinv_blk(dp_ref)
    a = p_ref[0] + p_ref[1] + y2_ref[...]
    h = jnp.maximum(a * dinv + b_ref[...], 0.0)
    o_ref[...] = (x_ref[...] + h) * 0.5


_rowspec = pl.BlockSpec((_R, D), lambda i: (i, 0))
_wspec = pl.BlockSpec((D, D), lambda i: (0, 0))
_dpspec = pl.BlockSpec((NC, _R, 16), lambda i: (0, i, 0))
_pspec = pl.BlockSpec((NC, _R, D), lambda i: (0, i, 0))
_bspec = pl.BlockSpec((1, D), lambda i: (0, 0))
_out128 = jax.ShapeDtypeStruct((NPAD, D), jnp.float32)

_pre_call = pl.pallas_call(
    _pre_tc, grid=(_G,),
    in_specs=[_rowspec, _wspec, _dpspec],
    out_specs=_rowspec, out_shape=_out128)

_mid_call = pl.pallas_call(
    _mid_tc, grid=(_G,),
    in_specs=[_pspec, _rowspec, _dpspec, _bspec, _wspec],
    out_specs=_rowspec, out_shape=_out128)

_post_call = pl.pallas_call(
    _post_tc, grid=(_G,),
    in_specs=[_pspec, _rowspec, _dpspec, _bspec, _rowspec],
    out_specs=_rowspec, out_shape=_out128)



def kernel(inputs, edge_index, W1, b1, W2, b2):
    src = edge_index[0].astype(jnp.int32)
    dst = edge_index[1].astype(jnp.int32)
    e = src.shape[0]
    pad = jnp.full((EPAD - e,), PADIDX, jnp.int32)
    src_r = jnp.concatenate([src, pad]).reshape(TOTCH, CH)
    dst_r = jnp.concatenate([dst, pad]).reshape(TOTCH, CH)
    x_p = jnp.concatenate(
        [inputs.astype(jnp.float32), jnp.zeros((NPAD - N, D), jnp.float32)])
    zo = jnp.concatenate([jnp.zeros((1, CH, 16), jnp.float32),
                          jnp.ones((1, CH, 16), jnp.float32)])
    b1r = b1.astype(jnp.float32).reshape(1, D)
    b2r = b2.astype(jnp.float32).reshape(1, D)

    deg_parts = _deg_sc(dst_r, zo)
    y1 = _pre_call(x_p, W1.astype(jnp.float32), deg_parts)
    p1 = _agg_sc(y1, src_r, dst_r)
    y2 = _mid_call(p1, y1, deg_parts, b1r, W2.astype(jnp.float32))
    p2 = _agg_sc(y2, src_r, dst_r)
    out_p = _post_call(p2, y2, deg_parts, b2r, x_p)
    return out_p[:N]

# --- scband reference (transcript-rebuilt; emitter-appended) ---
"""Pipeline reference for scband-gres-block-26800595927569 (READ-ONLY COPY).

The authoritative reference and input builder live on the scoring server;
editing this copy changes nothing except your own understanding.
"""

import jax, jax.numpy as jnp
import numpy as np

N = 10000
E = 320000
IN_DIM = 128
HID_DIM = 128


def setup_inputs(seed: int = 0) -> dict:
    key = jax.random.key(seed)
    k1, k2, k3, k4, k5, k6 = jax.random.split(key, 6)
    x = jax.random.normal(k1, (N, IN_DIM), dtype=jnp.float32)
    edge_index = jax.random.randint(k2, (2, E), 0, N).astype(jnp.int64)
    # GCNConv learned parameters (glorot-ish init)
    W1 = jax.random.normal(k3, (IN_DIM, HID_DIM), dtype=jnp.float32) * (1.0 / np.sqrt(IN_DIM))
    b1 = jnp.zeros((HID_DIM,), dtype=jnp.float32)
    W2 = jax.random.normal(k4, (HID_DIM, IN_DIM), dtype=jnp.float32) * (1.0 / np.sqrt(HID_DIM))
    b2 = jnp.zeros((IN_DIM,), dtype=jnp.float32)
    return {"inputs": x, "edge_index": edge_index, "W1": W1, "b1": b1, "W2": W2, "b2": b2}


def _gcn_conv(x, src, dst, norm, W, b, num_nodes):
    # x' = D^{-1/2} (A + I) D^{-1/2} X W + b, messages gathered from src, scattered to dst
    xw = x @ W
    msg = xw[src] * norm[:, None]
    out = jnp.zeros((num_nodes, xw.shape[1]), dtype=xw.dtype).at[dst].add(msg)
    return out + b


def reference(inputs, edge_index, W1, b1, W2, b2):
    num_nodes = inputs.shape[0]
    src = edge_index[0]
    dst = edge_index[1]
    # add self-loops (PyG GCNConv default)
    loop = jnp.arange(num_nodes, dtype=src.dtype)
    src_f = jnp.concatenate([src, loop])
    dst_f = jnp.concatenate([dst, loop])
    # symmetric normalization
    deg = jnp.zeros((num_nodes,), dtype=inputs.dtype).at[dst_f].add(1.0)
    dinv = jnp.where(deg > 0, jax.lax.rsqrt(jnp.maximum(deg, 1e-12)), 0.0)
    norm = dinv[src_f] * dinv[dst_f]
    h = _gcn_conv(inputs, src_f, dst_f, norm, W1, b1, num_nodes)
    h = jax.nn.relu(h)
    h = _gcn_conv(h, src_f, dst_f, norm, W2, b2, num_nodes)
    h = jax.nn.relu(h)
    return (inputs + h) * 0.5

if __name__ == "__main__":
    import jax
    _d = setup_inputs()
    print(jax.jit(kernel)(*tuple(_d.values())))

</pallas_src>

<mosaic_0001>
#map = affine_map<(d0, d1) -> (0, 0)>
#map1 = affine_map<(d0, d1) -> (0, 0, 0)>
module attributes {stable_mosaic.version = 14 : i64} {
  func.func @_deg_sc(%arg0: i32, %arg1: i32, %arg2: memref<5120x64xi32, #tpu.memory_space<hbm>>, %arg3: memref<2x64x16xf32, #tpu.memory_space<hbm>>, %arg4: memref<2x10240x16xf32, #tpu.memory_space<hbm>>, %arg5: memref<160x64xi32, #tpu.memory_space<vmem>>, %arg6: memref<64x16xf32, #tpu.memory_space<vmem>>, %arg7: memref<10240x16xf32, #tpu.memory_space<vmem_shared>>, %arg8: memref<!tpu.dma_semaphore, #tpu.memory_space<semaphore_mem>>, %arg9: memref<!tpu.dma_semaphore, #tpu.memory_space<semaphore_mem>>, %arg10: memref<!tpu.dma_semaphore, #tpu.memory_space<semaphore_mem>>, %arg11: memref<!tpu.dma_semaphore, #tpu.memory_space<semaphore_mem>>) attributes {dimension_semantics = [#tpu.dimension_semantics<core_parallel>, #tpu.dimension_semantics<subcore_parallel>], iteration_bounds = array<i64: 2, 16>, scalar_prefetch = 0 : i64, scratch_operands = 7 : i64, tpu.core_type = #tpu.core_type<sc_vector_subcore>, window_params = [{transform_indices = #map}, {transform_indices = #map1}, {transform_indices = #map1}]} {
    %mul3A = arith.constant 16 : i32
    %mul3A_0 = arith.muli %arg0, %mul3A : i32
    %add3A = arith.addi %mul3A_0, %arg1 : i32
    %run_scoped3A = arith.constant 0 : i32
    "tpu.region"() ({
      %run_scoped3A_54 = tpu.sem_alloc : memref<!tpu.dma_semaphore, #tpu.memory_space<semaphore_mem>>
      %dma_start3A = arith.constant 0 : i32
      %dma_start3A_55 = arith.constant 0 : i32
      %dma_start3A_56 = tpu.memref_slice %arg3[%run_scoped3A, %dma_start3A, %dma_start3A_55] : memref<2x64x16xf32, #tpu.memory_space<hbm>> -> memref<1x64x16xf32, #tpu.memory_space<hbm>>
      %dma_start3A_57 = tpu.memref_squeeze %dma_start3A_56 : memref<1x64x16xf32, #tpu.memory_space<hbm>> -> memref<64x16xf32, #tpu.memory_space<hbm>>
      %dma_start3A_58 = arith.constant 0 : i32
      %dma_start3A_59 = arith.constant 0 : i32
      %dma_start3A_60 = tpu.memref_slice %arg3[%run_scoped3A, %dma_start3A_58, %dma_start3A_59] : memref<2x64x16xf32, #tpu.memory_space<hbm>> -> memref<1x64x16xf32, #tpu.memory_space<hbm>>
      %dma_start3A_61 = tpu.memref_squeeze %dma_start3A_60 : memref<1x64x16xf32, #tpu.memory_space<hbm>> -> memref<64x16xf32, #tpu.memory_space<hbm>>
      tpu.enqueue_dma source(%dma_start3A_61 : memref<64x16xf32, #tpu.memory_space<hbm>>) target(%arg6 : memref<64x16xf32, #tpu.memory_space<vmem>>) target_semaphore(%run_scoped3A_54 : memref<!tpu.dma_semaphore, #tpu.memory_space<semaphore_mem>>)
      %dma_wait3A = arith.constant 0 : i32
      %dma_wait3A_62 = arith.constant 0 : i32
      %dma_wait3A_63 = tpu.memref_slice %arg3[%run_scoped3A, %dma_wait3A, %dma_wait3A_62] : memref<2x64x16xf32, #tpu.memory_space<hbm>> -> memref<1x64x16xf32, #tpu.memory_space<hbm>>
      %dma_wait3A_64 = tpu.memref_squeeze %dma_wait3A_63 : memref<1x64x16xf32, #tpu.memory_space<hbm>> -> memref<64x16xf32, #tpu.memory_space<hbm>>
      %dma_wait3A_65 = arith.constant 0 : i32
      %dma_wait3A_66 = arith.constant 0 : i32
      %dma_wait3A_67 = tpu.memref_slice %arg3[%run_scoped3A, %dma_wait3A_65, %dma_wait3A_66] : memref<2x64x16xf32, #tpu.memory_space<hbm>> -> memref<1x64x16xf32, #tpu.memory_space<hbm>>
      %dma_wait3A_68 = tpu.memref_squeeze %dma_wait3A_67 : memref<1x64x16xf32, #tpu.memory_space<hbm>> -> memref<64x16xf32, #tpu.memory_space<hbm>>
      tpu.wait_dma2 semaphore(%run_scoped3A_54 : memref<!tpu.dma_semaphore, #tpu.memory_space<semaphore_mem>>) src(%dma_wait3A_68 : memref<64x16xf32, #tpu.memory_space<hbm>>) dst(%arg6 : memref<64x16xf32, #tpu.memory_space<vmem>>)
      tpu.yield
    }) : () -> ()
    %mul3A_1 = arith.constant 640 : i32
    %mul3A_2 = arith.muli %arg1, %mul3A_1 : i32
    %add3A_3 = arith.constant 0 : i32
    %add3A_4 = arith.addi %mul3A_2, %add3A_3 : i32
    "tpu.region"() ({
      %run_scoped3A_54 = tpu.sem_alloc : memref<!tpu.dma_semaphore, #tpu.memory_space<semaphore_mem>>
      %dma_start3A = arith.constant 0 : i32
      %dma_start3A_55 = tpu.memref_slice %arg7[%add3A_4, %dma_start3A] : memref<10240x16xf32, #tpu.memory_space<vmem_shared>> -> memref<64x16xf32, #tpu.memory_space<vmem_shared>>
      %dma_start3A_56 = arith.constant 0 : i32
      %dma_start3A_57 = tpu.memref_slice %arg7[%add3A_4, %dma_start3A_56] : memref<10240x16xf32, #tpu.memory_space<vmem_shared>> -> memref<64x16xf32, #tpu.memory_space<vmem_shared>>
      tpu.enqueue_dma source(%arg6 : memref<64x16xf32, #tpu.memory_space<vmem>>) target(%dma_start3A_57 : memref<64x16xf32, #tpu.memory_space<vmem_shared>>) target_semaphore(%run_scoped3A_54 : memref<!tpu.dma_semaphore, #tpu.memory_space<semaphore_mem>>)
      %dma_wait3A = arith.constant 0 : i32
      %dma_wait3A_58 = tpu.memref_slice %arg7[%add3A_4, %dma_wait3A] : memref<10240x16xf32, #tpu.memory_space<vmem_shared>> -> memref<64x16xf32, #tpu.memory_space<vmem_shared>>
      %dma_wait3A_59 = arith.constant 0 : i32
      %dma_wait3A_60 = tpu.memref_slice %arg7[%add3A_4, %dma_wait3A_59] : memref<10240x16xf32, #tpu.memory_space<vmem_shared>> -> memref<64x16xf32, #tpu.memory_space<vmem_shared>>
      tpu.wait_dma2 semaphore(%run_scoped3A_54 : memref<!tpu.dma_semaphore, #tpu.memory_space<semaphore_mem>>) src(%arg6 : memref<64x16xf32, #tpu.memory_space<vmem>>) dst(%dma_wait3A_60 : memref<64x16xf32, #tpu.memory_space<vmem_shared>>)
      tpu.yield
    }) : () -> ()
    %mul3A_5 = arith.constant 640 : i32
    %mul3A_6 = arith.muli %arg1, %mul3A_5 : i32
    %add3A_7 = arith.constant 64 : i32
    %add3A_8 = arith.addi %mul3A_6, %add3A_7 : i32
    "tpu.region"() ({
      %run_scoped3A_54 = tpu.sem_alloc : memref<!tpu.dma_semaphore, #tpu.memory_space<semaphore_mem>>
      %dma_start3A = arith.constant 0 : i32
      %dma_start3A_55 = tpu.memref_slice %arg7[%add3A_8, %dma_start3A] : memref<10240x16xf32, #tpu.memory_space<vmem_shared>> -> memref<64x16xf32, #tpu.memory_space<vmem_shared>>
      %dma_start3A_56 = arith.constant 0 : i32
      %dma_start3A_57 = tpu.memref_slice %arg7[%add3A_8, %dma_start3A_56] : memref<10240x16xf32, #tpu.memory_space<vmem_shared>> -> memref<64x16xf32, #tpu.memory_space<vmem_shared>>
      tpu.enqueue_dma source(%arg6 : memref<64x16xf32, #tpu.memory_space<vmem>>) target(%dma_start3A_57 : memref<64x16xf32, #tpu.memory_space<vmem_shared>>) target_semaphore(%run_scoped3A_54 : memref<!tpu.dma_semaphore, #tpu.memory_space<semaphore_mem>>)
      %dma_wait3A = arith.constant 0 : i32
      %dma_wait3A_58 = tpu.memref_slice %arg7[%add3A_8, %dma_wait3A] : memref<10240x16xf32, #tpu.memory_space<vmem_shared>> -> memref<64x16xf32, #tpu.memory_space<vmem_shared>>
      %dma_wait3A_59 = arith.constant 0 : i32
      %dma_wait3A_60 = tpu.memref_slice %arg7[%add3A_8, %dma_wait3A_59] : memref<10240x16xf32, #tpu.memory_space<vmem_shared>> -> memref<64x16xf32, #tpu.memory_space<vmem_shared>>
      tpu.wait_dma2 semaphore(%run_scoped3A_54 : memref<!tpu.dma_semaphore, #tpu.memory_space<semaphore_mem>>) src(%arg6 : memref<64x16xf32, #tpu.memory_space<vmem>>) dst(%dma_wait3A_60 : memref<64x16xf32, #tpu.memory_space<vmem_shared>>)
      tpu.yield
    }) : () -> ()
    %mul3A_9 = arith.constant 640 : i32
    %mul3A_10 = arith.muli %arg1, %mul3A_9 : i32
    %add3A_11 = arith.constant 128 : i32
    %add3A_12 = arith.addi %mul3A_10, %add3A_11 : i32
    "tpu.region"() ({
      %run_scoped3A_54 = tpu.sem_alloc : memref<!tpu.dma_semaphore, #tpu.memory_space<semaphore_mem>>
      %dma_start3A = arith.constant 0 : i32
      %dma_start3A_55 = tpu.memref_slice %arg7[%add3A_12, %dma_start3A] : memref<10240x16xf32, #tpu.memory_space<vmem_shared>> -> memref<64x16xf32, #tpu.memory_space<vmem_shared>>
      %dma_start3A_56 = arith.constant 0 : i32
      %dma_start3A_57 = tpu.memref_slice %arg7[%add3A_12, %dma_start3A_56] : memref<10240x16xf32, #tpu.memory_space<vmem_shared>> -> memref<64x16xf32, #tpu.memory_space<vmem_shared>>
      tpu.enqueue_dma source(%arg6 : memref<64x16xf32, #tpu.memory_space<vmem>>) target(%dma_start3A_57 : memref<64x16xf32, #tpu.memory_space<vmem_shared>>) target_semaphore(%run_scoped3A_54 : memref<!tpu.dma_semaphore, #tpu.memory_space<semaphore_mem>>)
      %dma_wait3A = arith.constant 0 : i32
      %dma_wait3A_58 = tpu.memref_slice %arg7[%add3A_12, %dma_wait3A] : memref<10240x16xf32, #tpu.memory_space<vmem_shared>> -> memref<64x16xf32, #tpu.memory_space<vmem_shared>>
      %dma_wait3A_59 = arith.constant 0 : i32
      %dma_wait3A_60 = tpu.memref_slice %arg7[%add3A_12, %dma_wait3A_59] : memref<10240x16xf32, #tpu.memory_space<vmem_shared>> -> memref<64x16xf32, #tpu.memory_space<vmem_shared>>
      tpu.wait_dma2 semaphore(%run_scoped3A_54 : memref<!tpu.dma_semaphore, #tpu.memory_space<semaphore_mem>>) src(%arg6 : memref<64x16xf32, #tpu.memory_space<vmem>>) dst(%dma_wait3A_60 : memref<64x16xf32, #tpu.memory_space<vmem_shared>>)
      tpu.yield
    }) : () -> ()
    %mul3A_13 = arith.constant 640 : i32
    %mul3A_14 = arith.muli %arg1, %mul3A_13 : i32
    %add3A_15 = arith.constant 192 : i32
    %add3A_16 = arith.addi %mul3A_14, %add3A_15 : i32
    "tpu.region"() ({
      %run_scoped3A_54 = tpu.sem_alloc : memref<!tpu.dma_semaphore, #tpu.memory_space<semaphore_mem>>
      %dma_start3A = arith.constant 0 : i32
      %dma_start3A_55 = tpu.memref_slice %arg7[%add3A_16, %dma_start3A] : memref<10240x16xf32, #tpu.memory_space<vmem_shared>> -> memref<64x16xf32, #tpu.memory_space<vmem_shared>>
      %dma_start3A_56 = arith.constant 0 : i32
      %dma_start3A_57 = tpu.memref_slice %arg7[%add3A_16, %dma_start3A_56] : memref<10240x16xf32, #tpu.memory_space<vmem_shared>> -> memref<64x16xf32, #tpu.memory_space<vmem_shared>>
      tpu.enqueue_dma source(%arg6 : memref<64x16xf32, #tpu.memory_space<vmem>>) target(%dma_start3A_57 : memref<64x16xf32, #tpu.memory_space<vmem_shared>>) target_semaphore(%run_scoped3A_54 : memref<!tpu.dma_semaphore, #tpu.memory_space<semaphore_mem>>)
      %dma_wait3A = arith.constant 0 : i32
      %dma_wait3A_58 = tpu.memref_slice %arg7[%add3A_16, %dma_wait3A] : memref<10240x16xf32, #tpu.memory_space<vmem_shared>> -> memref<64x16xf32, #tpu.memory_space<vmem_shared>>
      %dma_wait3A_59 = arith.constant 0 : i32
      %dma_wait3A_60 = tpu.memref_slice %arg7[%add3A_16, %dma_wait3A_59] : memref<10240x16xf32, #tpu.memory_space<vmem_shared>> -> memref<64x16xf32, #tpu.memory_space<vmem_shared>>
      tpu.wait_dma2 semaphore(%run_scoped3A_54 : memref<!tpu.dma_semaphore, #tpu.memory_space<semaphore_mem>>) src(%arg6 : memref<64x16xf32, #tpu.memory_space<vmem>>) dst(%dma_wait3A_60 : memref<64x16xf32, #tpu.memory_space<vmem_shared>>)
      tpu.yield
    }) : () -> ()
    %mul3A_17 = arith.constant 640 : i32
    %mul3A_18 = arith.muli %arg1, %mul3A_17 : i32
    %add3A_19 = arith.constant 256 : i32
    %add3A_20 = arith.addi %mul3A_18, %add3A_19 : i32
    "tpu.region"() ({
      %run_scoped3A_54 = tpu.sem_alloc : memref<!tpu.dma_semaphore, #tpu.memory_space<semaphore_mem>>
      %dma_start3A = arith.constant 0 : i32
      %dma_start3A_55 = tpu.memref_slice %arg7[%add3A_20, %dma_start3A] : memref<10240x16xf32, #tpu.memory_space<vmem_shared>> -> memref<64x16xf32, #tpu.memory_space<vmem_shared>>
      %dma_start3A_56 = arith.constant 0 : i32
      %dma_start3A_57 = tpu.memref_slice %arg7[%add3A_20, %dma_start3A_56] : memref<10240x16xf32, #tpu.memory_space<vmem_shared>> -> memref<64x16xf32, #tpu.memory_space<vmem_shared>>
      tpu.enqueue_dma source(%arg6 : memref<64x16xf32, #tpu.memory_space<vmem>>) target(%dma_start3A_57 : memref<64x16xf32, #tpu.memory_space<vmem_shared>>) target_semaphore(%run_scoped3A_54 : memref<!tpu.dma_semaphore, #tpu.memory_space<semaphore_mem>>)
      %dma_wait3A = arith.constant 0 : i32
      %dma_wait3A_58 = tpu.memref_slice %arg7[%add3A_20, %dma_wait3A] : memref<10240x16xf32, #tpu.memory_space<vmem_shared>> -> memref<64x16xf32, #tpu.memory_space<vmem_shared>>
      %dma_wait3A_59 = arith.constant 0 : i32
      %dma_wait3A_60 = tpu.memref_slice %arg7[%add3A_20, %dma_wait3A_59] : memref<10240x16xf32, #tpu.memory_space<vmem_shared>> -> memref<64x16xf32, #tpu.memory_space<vmem_shared>>
      tpu.wait_dma2 semaphore(%run_scoped3A_54 : memref<!tpu.dma_semaphore, #tpu.memory_space<semaphore_mem>>) src(%arg6 : memref<64x16xf32, #tpu.memory_space<vmem>>) dst(%dma_wait3A_60 : memref<64x16xf32, #tpu.memory_space<vmem_shared>>)
      tpu.yield
    }) : () -> ()
    %mul3A_21 = arith.constant 640 : i32
    %mul3A_22 = arith.muli %arg1, %mul3A_21 : i32
    %add3A_23 = arith.constant 320 : i32
    %add3A_24 = arith.addi %mul3A_22, %add3A_23 : i32
    "tpu.region"() ({
      %run_scoped3A_54 = tpu.sem_alloc : memref<!tpu.dma_semaphore, #tpu.memory_space<semaphore_mem>>
      %dma_start3A = arith.constant 0 : i32
      %dma_start3A_55 = tpu.memref_slice %arg7[%add3A_24, %dma_start3A] : memref<10240x16xf32, #tpu.memory_space<vmem_shared>> -> memref<64x16xf32, #tpu.memory_space<vmem_shared>>
      %dma_start3A_56 = arith.constant 0 : i32
      %dma_start3A_57 = tpu.memref_slice %arg7[%add3A_24, %dma_start3A_56] : memref<10240x16xf32, #tpu.memory_space<vmem_shared>> -> memref<64x16xf32, #tpu.memory_space<vmem_shared>>
      tpu.enqueue_dma source(%arg6 : memref<64x16xf32, #tpu.memory_space<vmem>>) target(%dma_start3A_57 : memref<64x16xf32, #tpu.memory_space<vmem_shared>>) target_semaphore(%run_scoped3A_54 : memref<!tpu.dma_semaphore, #tpu.memory_space<semaphore_mem>>)
      %dma_wait3A = arith.constant 0 : i32
      %dma_wait3A_58 = tpu.memref_slice %arg7[%add3A_24, %dma_wait3A] : memref<10240x16xf32, #tpu.memory_space<vmem_shared>> -> memref<64x16xf32, #tpu.memory_space<vmem_shared>>
      %dma_wait3A_59 = arith.constant 0 : i32
      %dma_wait3A_60 = tpu.memref_slice %arg7[%add3A_24, %dma_wait3A_59] : memref<10240x16xf32, #tpu.memory_space<vmem_shared>> -> memref<64x16xf32, #tpu.memory_space<vmem_shared>>
      tpu.wait_dma2 semaphore(%run_scoped3A_54 : memref<!tpu.dma_semaphore, #tpu.memory_space<semaphore_mem>>) src(%arg6 : memref<64x16xf32, #tpu.memory_space<vmem>>) dst(%dma_wait3A_60 : memref<64x16xf32, #tpu.memory_space<vmem_shared>>)
      tpu.yield
    }) : () -> ()
    %mul3A_25 = arith.constant 640 : i32
    %mul3A_26 = arith.muli %arg1, %mul3A_25 : i32
    %add3A_27 = arith.constant 384 : i32
    %add3A_28 = arith.addi %mul3A_26, %add3A_27 : i32
    "tpu.region"() ({
      %run_scoped3A_54 = tpu.sem_alloc : memref<!tpu.dma_semaphore, #tpu.memory_space<semaphore_mem>>
      %dma_start3A = arith.constant 0 : i32
      %dma_start3A_55 = tpu.memref_slice %arg7[%add3A_28, %dma_start3A] : memref<10240x16xf32, #tpu.memory_space<vmem_shared>> -> memref<64x16xf32, #tpu.memory_space<vmem_shared>>
      %dma_start3A_56 = arith.constant 0 : i32
      %dma_start3A_57 = tpu.memref_slice %arg7[%add3A_28, %dma_start3A_56] : memref<10240x16xf32, #tpu.memory_space<vmem_shared>> -> memref<64x16xf32, #tpu.memory_space<vmem_shared>>
      tpu.enqueue_dma source(%arg6 : memref<64x16xf32, #tpu.memory_space<vmem>>) target(%dma_start3A_57 : memref<64x16xf32, #tpu.memory_space<vmem_shared>>) target_semaphore(%run_scoped3A_54 : memref<!tpu.dma_semaphore, #tpu.memory_space<semaphore_mem>>)
      %dma_wait3A = arith.constant 0 : i32
      %dma_wait3A_58 = tpu.memref_slice %arg7[%add3A_28, %dma_wait3A] : memref<10240x16xf32, #tpu.memory_space<vmem_shared>> -> memref<64x16xf32, #tpu.memory_space<vmem_shared>>
      %dma_wait3A_59 = arith.constant 0 : i32
      %dma_wait3A_60 = tpu.memref_slice %arg7[%add3A_28, %dma_wait3A_59] : memref<10240x16xf32, #tpu.memory_space<vmem_shared>> -> memref<64x16xf32, #tpu.memory_space<vmem_shared>>
      tpu.wait_dma2 semaphore(%run_scoped3A_54 : memref<!tpu.dma_semaphore, #tpu.memory_space<semaphore_mem>>) src(%arg6 : memref<64x16xf32, #tpu.memory_space<vmem>>) dst(%dma_wait3A_60 : memref<64x16xf32, #tpu.memory_space<vmem_shared>>)
      tpu.yield
    }) : () -> ()
    %mul3A_29 = arith.constant 640 : i32
    %mul3A_30 = arith.muli %arg1, %mul3A_29 : i32
    %add3A_31 = arith.constant 448 : i32
    %add3A_32 = arith.addi %mul3A_30, %add3A_31 : i32
    "tpu.region"() ({
      %run_scoped3A_54 = tpu.sem_alloc : memref<!tpu.dma_semaphore, #tpu.memory_space<semaphore_mem>>
      %dma_start3A = arith.constant 0 : i32
      %dma_start3A_55 = tpu.memref_slice %arg7[%add3A_32, %dma_start3A] : memref<10240x16xf32, #tpu.memory_space<vmem_shared>> -> memref<64x16xf32, #tpu.memory_space<vmem_shared>>
      %dma_start3A_56 = arith.constant 0 : i32
      %dma_start3A_57 = tpu.memref_slice %arg7[%add3A_32, %dma_start3A_56] : memref<10240x16xf32, #tpu.memory_space<vmem_shared>> -> memref<64x16xf32, #tpu.memory_space<vmem_shared>>
      tpu.enqueue_dma source(%arg6 : memref<64x16xf32, #tpu.memory_space<vmem>>) target(%dma_start3A_57 : memref<64x16xf32, #tpu.memory_space<vmem_shared>>) target_semaphore(%run_scoped3A_54 : memref<!tpu.dma_semaphore, #tpu.memory_space<semaphore_mem>>)
      %dma_wait3A = arith.constant 0 : i32
      %dma_wait3A_58 = tpu.memref_slice %arg7[%add3A_32, %dma_wait3A] : memref<10240x16xf32, #tpu.memory_space<vmem_shared>> -> memref<64x16xf32, #tpu.memory_space<vmem_shared>>
      %dma_wait3A_59 = arith.constant 0 : i32
      %dma_wait3A_60 = tpu.memref_slice %arg7[%add3A_32, %dma_wait3A_59] : memref<10240x16xf32, #tpu.memory_space<vmem_shared>> -> memref<64x16xf32, #tpu.memory_space<vmem_shared>>
      tpu.wait_dma2 semaphore(%run_scoped3A_54 : memref<!tpu.dma_semaphore, #tpu.memory_space<semaphore_mem>>) src(%arg6 : memref<64x16xf32, #tpu.memory_space<vmem>>) dst(%dma_wait3A_60 : memref<64x16xf32, #tpu.memory_space<vmem_shared>>)
      tpu.yield
    }) : () -> ()
    %mul3A_33 = arith.constant 640 : i32
    %mul3A_34 = arith.muli %arg1, %mul3A_33 : i32
    %add3A_35 = arith.constant 512 : i32
    %add3A_36 = arith.addi %mul3A_34, %add3A_35 : i32
    "tpu.region"() ({
      %run_scoped3A_54 = tpu.sem_alloc : memref<!tpu.dma_semaphore, #tpu.memory_space<semaphore_mem>>
      %dma_start3A = arith.constant 0 : i32
      %dma_start3A_55 = tpu.memref_slice %arg7[%add3A_36, %dma_start3A] : memref<10240x16xf32, #tpu.memory_space<vmem_shared>> -> memref<64x16xf32, #tpu.memory_space<vmem_shared>>
      %dma_start3A_56 = arith.constant 0 : i32
      %dma_start3A_57 = tpu.memref_slice %arg7[%add3A_36, %dma_start3A_56] : memref<10240x16xf32, #tpu.memory_space<vmem_shared>> -> memref<64x16xf32, #tpu.memory_space<vmem_shared>>
      tpu.enqueue_dma source(%arg6 : memref<64x16xf32, #tpu.memory_space<vmem>>) target(%dma_start3A_57 : memref<64x16xf32, #tpu.memory_space<vmem_shared>>) target_semaphore(%run_scoped3A_54 : memref<!tpu.dma_semaphore, #tpu.memory_space<semaphore_mem>>)
      %dma_wait3A = arith.constant 0 : i32
      %dma_wait3A_58 = tpu.memref_slice %arg7[%add3A_36, %dma_wait3A] : memref<10240x16xf32, #tpu.memory_space<vmem_shared>> -> memref<64x16xf32, #tpu.memory_space<vmem_shared>>
      %dma_wait3A_59 = arith.constant 0 : i32
      %dma_wait3A_60 = tpu.memref_slice %arg7[%add3A_36, %dma_wait3A_59] : memref<10240x16xf32, #tpu.memory_space<vmem_shared>> -> memref<64x16xf32, #tpu.memory_space<vmem_shared>>
      tpu.wait_dma2 semaphore(%run_scoped3A_54 : memref<!tpu.dma_semaphore, #tpu.memory_space<semaphore_mem>>) src(%arg6 : memref<64x16xf32, #tpu.memory_space<vmem>>) dst(%dma_wait3A_60 : memref<64x16xf32, #tpu.memory_space<vmem_shared>>)
      tpu.yield
    }) : () -> ()
    %mul3A_37 = arith.constant 640 : i32
    %mul3A_38 = arith.muli %arg1, %mul3A_37 : i32
    %add3A_39 = arith.constant 576 : i32
    %add3A_40 = arith.addi %mul3A_38, %add3A_39 : i32
    "tpu.region"() ({
      %run_scoped3A_54 = tpu.sem_alloc : memref<!tpu.dma_semaphore, #tpu.memory_space<semaphore_mem>>
      %dma_start3A = arith.constant 0 : i32
      %dma_start3A_55 = tpu.memref_slice %arg7[%add3A_40, %dma_start3A] : memref<10240x16xf32, #tpu.memory_space<vmem_shared>> -> memref<64x16xf32, #tpu.memory_space<vmem_shared>>
      %dma_start3A_56 = arith.constant 0 : i32
      %dma_start3A_57 = tpu.memref_slice %arg7[%add3A_40, %dma_start3A_56] : memref<10240x16xf32, #tpu.memory_space<vmem_shared>> -> memref<64x16xf32, #tpu.memory_space<vmem_shared>>
      tpu.enqueue_dma source(%arg6 : memref<64x16xf32, #tpu.memory_space<vmem>>) target(%dma_start3A_57 : memref<64x16xf32, #tpu.memory_space<vmem_shared>>) target_semaphore(%run_scoped3A_54 : memref<!tpu.dma_semaphore, #tpu.memory_space<semaphore_mem>>)
      %dma_wait3A = arith.constant 0 : i32
      %dma_wait3A_58 = tpu.memref_slice %arg7[%add3A_40, %dma_wait3A] : memref<10240x16xf32, #tpu.memory_space<vmem_shared>> -> memref<64x16xf32, #tpu.memory_space<vmem_shared>>
      %dma_wait3A_59 = arith.constant 0 : i32
      %dma_wait3A_60 = tpu.memref_slice %arg7[%add3A_40, %dma_wait3A_59] : memref<10240x16xf32, #tpu.memory_space<vmem_shared>> -> memref<64x16xf32, #tpu.memory_space<vmem_shared>>
      tpu.wait_dma2 semaphore(%run_scoped3A_54 : memref<!tpu.dma_semaphore, #tpu.memory_space<semaphore_mem>>) src(%arg6 : memref<64x16xf32, #tpu.memory_space<vmem>>) dst(%dma_wait3A_60 : memref<64x16xf32, #tpu.memory_space<vmem_shared>>)
      tpu.yield
    }) : () -> ()
    %barrier3A = arith.constant 0 : index
    tpu.barrier barrier_id(%barrier3A)
    %mul3A_41 = arith.constant 160 : i32
    %mul3A_42 = arith.muli %add3A, %mul3A_41 : i32
    "tpu.region"() ({
      %run_scoped3A_54 = tpu.sem_alloc : memref<!tpu.dma_semaphore, #tpu.memory_space<semaphore_mem>>
      %dma_start3A = arith.constant 0 : i32
      %dma_start3A_55 = tpu.memref_slice %arg2[%mul3A_42, %dma_start3A] : memref<5120x64xi32, #tpu.memory_space<hbm>> -> memref<160x64xi32, #tpu.memory_space<hbm>>
      %dma_start3A_56 = arith.constant 0 : i32
      %dma_start3A_57 = tpu.memref_slice %arg2[%mul3A_42, %dma_start3A_56] : memref<5120x64xi32, #tpu.memory_space<hbm>> -> memref<160x64xi32, #tpu.memory_space<hbm>>
      tpu.enqueue_dma source(%dma_start3A_57 : memref<160x64xi32, #tpu.memory_space<hbm>>) target(%arg5 : memref<160x64xi32, #tpu.memory_space<vmem>>) target_semaphore(%run_scoped3A_54 : memref<!tpu.dma_semaphore, #tpu.memory_space<semaphore_mem>>)
      %dma_wait3A = arith.constant 0 : i32
      %dma_wait3A_58 = tpu.memref_slice %arg2[%mul3A_42, %dma_wait3A] : memref<5120x64xi32, #tpu.memory_space<hbm>> -> memref<160x64xi32, #tpu.memory_space<hbm>>
      %dma_wait3A_59 = arith.constant 0 : i32
      %dma_wait3A_60 = tpu.memref_slice %arg2[%mul3A_42, %dma_wait3A_59] : memref<5120x64xi32, #tpu.memory_space<hbm>> -> memref<160x64xi32, #tpu.memory_space<hbm>>
      tpu.wait_dma2 semaphore(%run_scoped3A_54 : memref<!tpu.dma_semaphore, #tpu.memory_space<semaphore_mem>>) src(%dma_wait3A_60 : memref<160x64xi32, #tpu.memory_space<hbm>>) dst(%arg5 : memref<160x64xi32, #tpu.memory_space<vmem>>)
      tpu.yield
    }) : () -> ()
    %run_scoped3A_43 = arith.constant 1 : i32
    "tpu.region"() ({
      %run_scoped3A_54 = tpu.sem_alloc : memref<!tpu.dma_semaphore, #tpu.memory_space<semaphore_mem>>
      %dma_start3A = arith.constant 0 : i32
      %dma_start3A_55 = arith.constant 0 : i32
      %dma_start3A_56 = tpu.memref_slice %arg3[%run_scoped3A_43, %dma_start3A, %dma_start3A_55] : memref<2x64x16xf32, #tpu.memory_space<hbm>> -> memref<1x64x16xf32, #tpu.memory_space<hbm>>
      %dma_start3A_57 = tpu.memref_squeeze %dma_start3A_56 : memref<1x64x16xf32, #tpu.memory_space<hbm>> -> memref<64x16xf32, #tpu.memory_space<hbm>>
      %dma_start3A_58 = arith.constant 0 : i32
      %dma_start3A_59 = arith.constant 0 : i32
      %dma_start3A_60 = tpu.memref_slice %arg3[%run_scoped3A_43, %dma_start3A_58, %dma_start3A_59] : memref<2x64x16xf32, #tpu.memory_space<hbm>> -> memref<1x64x16xf32, #tpu.memory_space<hbm>>
      %dma_start3A_61 = tpu.memref_squeeze %dma_start3A_60 : memref<1x64x16xf32, #tpu.memory_space<hbm>> -> memref<64x16xf32, #tpu.memory_space<hbm>>
      tpu.enqueue_dma source(%dma_start3A_61 : memref<64x16xf32, #tpu.memory_space<hbm>>) target(%arg6 : memref<64x16xf32, #tpu.memory_space<vmem>>) target_semaphore(%run_scoped3A_54 : memref<!tpu.dma_semaphore, #tpu.memory_space<semaphore_mem>>)
      %dma_wait3A = arith.constant 0 : i32
      %dma_wait3A_62 = arith.constant 0 : i32
      %dma_wait3A_63 = tpu.memref_slice %arg3[%run_scoped3A_43, %dma_wait3A, %dma_wait3A_62] : memref<2x64x16xf32, #tpu.memory_space<hbm>> -> memref<1x64x16xf32, #tpu.memory_space<hbm>>
      %dma_wait3A_64 = tpu.memref_squeeze %dma_wait3A_63 : memref<1x64x16xf32, #tpu.memory_space<hbm>> -> memref<64x16xf32, #tpu.memory_space<hbm>>
      %dma_wait3A_65 = arith.constant 0 : i32
      %dma_wait3A_66 = arith.constant 0 : i32
      %dma_wait3A_67 = tpu.memref_slice %arg3[%run_scoped3A_43, %dma_wait3A_65, %dma_wait3A_66] : memref<2x64x16xf32, #tpu.memory_space<hbm>> -> memref<1x64x16xf32, #tpu.memory_space<hbm>>
      %dma_wait3A_68 = tpu.memref_squeeze %dma_wait3A_67 : memref<1x64x16xf32, #tpu.memory_space<hbm>> -> memref<64x16xf32, #tpu.memory_space<hbm>>
      tpu.wait_dma2 semaphore(%run_scoped3A_54 : memref<!tpu.dma_semaphore, #tpu.memory_space<semaphore_mem>>) src(%dma_wait3A_68 : memref<64x16xf32, #tpu.memory_space<hbm>>) dst(%arg6 : memref<64x16xf32, #tpu.memory_space<vmem>>)
      tpu.yield
    }) : () -> ()
    %scan3A = arith.constant 0 : i32
    %scan3A_44 = arith.constant 0 : i32
    %scan3A_45 = arith.constant 40 : i32
    %scan3A_46 = arith.addi %scan3A_44, %scan3A_45 : i32
    %scan3A_47 = arith.constant 1 : i32
    scf.for %scan3A_54 = %scan3A_44 to %scan3A_46 step %scan3A_47  : i32 {
      %mul3A_55 = arith.constant 4 : i32
      %mul3A_56 = arith.muli %mul3A_55, %scan3A_54 : i32
      %add3A_57 = arith.constant 0 : i32
      %add3A_58 = arith.addi %mul3A_56, %add3A_57 : i32
      %dma_start3A = arith.constant 0 : i32
      %dma_start3A_59 = tpu.memref_slice %arg5[%add3A_58, %dma_start3A] : memref<160x64xi32, #tpu.memory_space<vmem>> -> memref<1x64xi32, #tpu.memory_space<vmem>>
      %dma_start3A_60 = tpu.memref_squeeze %dma_start3A_59 : memref<1x64xi32, #tpu.memory_space<vmem>> -> memref<64xi32, #tpu.memory_space<vmem>>
      %dma_start3A_61 = arith.constant 0 : i32
      %dma_start3A_62 = arith.constant 0 : i32
      %dma_start3A_63 = tpu.memref_slice %arg7[%dma_start3A_61, %dma_start3A_62] : memref<10240x16xf32, #tpu.memory_space<vmem_shared>> -> memref<10240x16xf32, #tpu.memory_space<vmem_shared>>
      tpu.enqueue_indirect_dma source(%arg6 : memref<64x16xf32, #tpu.memory_space<vmem>>) target(%dma_start3A_63 : memref<10240x16xf32, #tpu.memory_space<vmem_shared>>) offsets(%dma_start3A_60 : memref<64xi32, #tpu.memory_space<vmem>>) semaphore(%arg8 : memref<!tpu.dma_semaphore, #tpu.memory_space<semaphore_mem>>) {add = true}
      %add3A_64 = arith.constant 1 : i32
      %add3A_65 = arith.addi %mul3A_56, %add3A_64 : i32
      %dma_start3A_66 = arith.constant 0 : i32
      %dma_start3A_67 = tpu.memref_slice %arg5[%add3A_65, %dma_start3A_66] : memref<160x64xi32, #tpu.memory_space<vmem>> -> memref<1x64xi32, #tpu.memory_space<vmem>>
      %dma_start3A_68 = tpu.memref_squeeze %dma_start3A_67 : memref<1x64xi32, #tpu.memory_space<vmem>> -> memref<64xi32, #tpu.memory_space<vmem>>
      %dma_start3A_69 = arith.constant 0 : i32
      %dma_start3A_70 = arith.constant 0 : i32
      %dma_start3A_71 = tpu.memref_slice %arg7[%dma_start3A_69, %dma_start3A_70] : memref<10240x16xf32, #tpu.memory_space<vmem_shared>> -> memref<10240x16xf32, #tpu.memory_space<vmem_shared>>
      tpu.enqueue_indirect_dma source(%arg6 : memref<64x16xf32, #tpu.memory_space<vmem>>) target(%dma_start3A_71 : memref<10240x16xf32, #tpu.memory_space<vmem_shared>>) offsets(%dma_start3A_68 : memref<64xi32, #tpu.memory_space<vmem>>) semaphore(%arg9 : memref<!tpu.dma_semaphore, #tpu.memory_space<semaphore_mem>>) {add = true}
      %add3A_72 = arith.constant 2 : i32
      %add3A_73 = arith.addi %mul3A_56, %add3A_72 : i32
      %dma_start3A_74 = arith.constant 0 : i32
      %dma_start3A_75 = tpu.memref_slice %arg5[%add3A_73, %dma_start3A_74] : memref<160x64xi32, #tpu.memory_space<vmem>> -> memref<1x64xi32, #tpu.memory_space<vmem>>
      %dma_start3A_76 = tpu.memref_squeeze %dma_start3A_75 : memref<1x64xi32, #tpu.memory_space<vmem>> -> memref<64xi32, #tpu.memory_space<vmem>>
      %dma_start3A_77 = arith.constant 0 : i32
      %dma_start3A_78 = arith.constant 0 : i32
      %dma_start3A_79 = tpu.memref_slice %arg7[%dma_start3A_77, %dma_start3A_78] : memref<10240x16xf32, #tpu.memory_space<vmem_shared>> -> memref<10240x16xf32, #tpu.memory_space<vmem_shared>>
      tpu.enqueue_indirect_dma source(%arg6 : memref<64x16xf32, #tpu.memory_space<vmem>>) target(%dma_start3A_79 : memref<10240x16xf32, #tpu.memory_space<vmem_shared>>) offsets(%dma_start3A_76 : memref<64xi32, #tpu.memory_space<vmem>>) semaphore(%arg10 : memref<!tpu.dma_semaphore, #tpu.memory_space<semaphore_mem>>) {add = true}
      %add3A_80 = arith.constant 3 : i32
      %add3A_81 = arith.addi %mul3A_56, %add3A_80 : i32
      %dma_start3A_82 = arith.constant 0 : i32
      %dma_start3A_83 = tpu.memref_slice %arg5[%add3A_81, %dma_start3A_82] : memref<160x64xi32, #tpu.memory_space<vmem>> -> memref<1x64xi32, #tpu.memory_space<vmem>>
      %dma_start3A_84 = tpu.memref_squeeze %dma_start3A_83 : memref<1x64xi32, #tpu.memory_space<vmem>> -> memref<64xi32, #tpu.memory_space<vmem>>
      %dma_start3A_85 = arith.constant 0 : i32
      %dma_start3A_86 = arith.constant 0 : i32
      %dma_start3A_87 = tpu.memref_slice %arg7[%dma_start3A_85, %dma_start3A_86] : memref<10240x16xf32, #tpu.memory_space<vmem_shared>> -> memref<10240x16xf32, #tpu.memory_space<vmem_shared>>
      tpu.enqueue_indirect_dma source(%arg6 : memref<64x16xf32, #tpu.memory_space<vmem>>) target(%dma_start3A_87 : memref<10240x16xf32, #tpu.memory_space<vmem_shared>>) offsets(%dma_start3A_84 : memref<64xi32, #tpu.memory_space<vmem>>) semaphore(%arg11 : memref<!tpu.dma_semaphore, #tpu.memory_space<semaphore_mem>>) {add = true}
      %add3A_88 = arith.constant 0 : i32
      %add3A_89 = arith.addi %mul3A_56, %add3A_88 : i32
      %dma_wait3A = arith.constant 0 : i32
      %dma_wait3A_90 = tpu.memref_slice %arg5[%add3A_89, %dma_wait3A] : memref<160x64xi32, #tpu.memory_space<vmem>> -> memref<1x64xi32, #tpu.memory_space<vmem>>
      %dma_wait3A_91 = tpu.memref_squeeze %dma_wait3A_90 : memref<1x64xi32, #tpu.memory_space<vmem>> -> memref<64xi32, #tpu.memory_space<vmem>>
      %dma_wait3A_92 = arith.constant 0 : i32
      %dma_wait3A_93 = arith.constant 0 : i32
      %dma_wait3A_94 = tpu.memref_slice %arg7[%dma_wait3A_92, %dma_wait3A_93] : memref<10240x16xf32, #tpu.memory_space<vmem_shared>> -> memref<10240x16xf32, #tpu.memory_space<vmem_shared>>
      tpu.wait_indirect_dma semaphore(%arg8 : memref<!tpu.dma_semaphore, #tpu.memory_space<semaphore_mem>>) src(%arg6 : memref<64x16xf32, #tpu.memory_space<vmem>>) dst(%dma_wait3A_94 : memref<10240x16xf32, #tpu.memory_space<vmem_shared>>)
      %add3A_95 = arith.constant 1 : i32
      %add3A_96 = arith.addi %mul3A_56, %add3A_95 : i32
      %dma_wait3A_97 = arith.constant 0 : i32
      %dma_wait3A_98 = tpu.memref_slice %arg5[%add3A_96, %dma_wait3A_97] : memref<160x64xi32, #tpu.memory_space<vmem>> -> memref<1x64xi32, #tpu.memory_space<vmem>>
      %dma_wait3A_99 = tpu.memref_squeeze %dma_wait3A_98 : memref<1x64xi32, #tpu.memory_space<vmem>> -> memref<64xi32, #tpu.memory_space<vmem>>
      %dma_wait3A_100 = arith.constant 0 : i32
      %dma_wait3A_101 = arith.constant 0 : i32
      %dma_wait3A_102 = tpu.memref_slice %arg7[%dma_wait3A_100, %dma_wait3A_101] : memref<10240x16xf32, #tpu.memory_space<vmem_shared>> -> memref<10240x16xf32, #tpu.memory_space<vmem_shared>>
      tpu.wait_indirect_dma semaphore(%arg9 : memref<!tpu.dma_semaphore, #tpu.memory_space<semaphore_mem>>) src(%arg6 : memref<64x16xf32, #tpu.memory_space<vmem>>) dst(%dma_wait3A_102 : memref<10240x16xf32, #tpu.memory_space<vmem_shared>>)
      %add3A_103 = arith.constant 2 : i32
      %add3A_104 = arith.addi %mul3A_56, %add3A_103 : i32
      %dma_wait3A_105 = arith.constant 0 : i32
      %dma_wait3A_106 = tpu.memref_slice %arg5[%add3A_104, %dma_wait3A_105] : memref<160x64xi32, #tpu.memory_space<vmem>> -> memref<1x64xi32, #tpu.memory_space<vmem>>
      %dma_wait3A_107 = tpu.memref_squeeze %dma_wait3A_106 : memref<1x64xi32, #tpu.memory_space<vmem>> -> memref<64xi32, #tpu.memory_space<vmem>>
      %dma_wait3A_108 = arith.constant 0 : i32
      %dma_wait3A_109 = arith.constant 0 : i32
      %dma_wait3A_110 = tpu.memref_slice %arg7[%dma_wait3A_108, %dma_wait3A_109] : memref<10240x16xf32, #tpu.memory_space<vmem_shared>> -> memref<10240x16xf32, #tpu.memory_space<vmem_shared>>
      tpu.wait_indirect_dma semaphore(%arg10 : memref<!tpu.dma_semaphore, #tpu.memory_space<semaphore_mem>>) src(%arg6 : memref<64x16xf32, #tpu.memory_space<vmem>>) dst(%dma_wait3A_110 : memref<10240x16xf32, #tpu.memory_space<vmem_shared>>)
      %add3A_111 = arith.constant 3 : i32
      %add3A_112 = arith.addi %mul3A_56, %add3A_111 : i32
      %dma_wait3A_113 = arith.constant 0 : i32
      %dma_wait3A_114 = tpu.memref_slice %arg5[%add3A_112, %dma_wait3A_113] : memref<160x64xi32, #tpu.memory_space<vmem>> -> memref<1x64xi32, #tpu.memory_space<vmem>>
      %dma_wait3A_115 = tpu.memref_squeeze %dma_wait3A_114 : memref<1x64xi32, #tpu.memory_space<vmem>> -> memref<64xi32, #tpu.memory_space<vmem>>
      %dma_wait3A_116 = arith.constant 0 : i32
      %dma_wait3A_117 = arith.constant 0 : i32
      %dma_wait3A_118 = tpu.memref_slice %arg7[%dma_wait3A_116, %dma_wait3A_117] : memref<10240x16xf32, #tpu.memory_space<vmem_shared>> -> memref<10240x16xf32, #tpu.memory_space<vmem_shared>>
      tpu.wait_indirect_dma semaphore(%arg11 : memref<!tpu.dma_semaphore, #tpu.memory_space<semaphore_mem>>) src(%arg6 : memref<64x16xf32, #tpu.memory_space<vmem>>) dst(%dma_wait3A_118 : memref<10240x16xf32, #tpu.memory_space<vmem_shared>>)
    }
    %scan3A_48 = arith.constant 40 : i32
    %barrier3A_49 = arith.constant 0 : index
    tpu.barrier barrier_id(%barrier3A_49)
    %mul3A_50 = arith.constant 640 : i32
    %mul3A_51 = arith.muli %arg1, %mul3A_50 : i32
    %mul3A_52 = arith.constant 640 : i32
    %mul3A_53 = arith.muli %arg1, %mul3A_52 : i32
    "tpu.region"() ({
      %run_scoped3A_54 = tpu.sem_alloc : memref<!tpu.dma_semaphore, #tpu.memory_space<semaphore_mem>>
      %dma_start3A = arith.constant 0 : i32
      %dma_start3A_55 = tpu.memref_slice %arg4[%arg0, %mul3A_53, %dma_start3A] : memref<2x10240x16xf32, #tpu.memory_space<hbm>> -> memref<1x640x16xf32, #tpu.memory_space<hbm>>
      %dma_start3A_56 = tpu.memref_squeeze %dma_start3A_55 : memref<1x640x16xf32, #tpu.memory_space<hbm>> -> memref<640x16xf32, #tpu.memory_space<hbm>>
      %dma_start3A_57 = arith.constant 0 : i32
      %dma_start3A_58 = tpu.memref_slice %arg7[%mul3A_51, %dma_start3A_57] : memref<10240x16xf32, #tpu.memory_space<vmem_shared>> -> memref<640x16xf32, #tpu.memory_space<vmem_shared>>
      tpu.enqueue_dma source(%dma_start3A_58 : memref<640x16xf32, #tpu.memory_space<vmem_shared>>) target(%dma_start3A_56 : memref<640x16xf32, #tpu.memory_space<hbm>>) target_semaphore(%run_scoped3A_54 : memref<!tpu.dma_semaphore, #tpu.memory_space<semaphore_mem>>)
      %dma_wait3A = arith.constant 0 : i32
      %dma_wait3A_59 = tpu.memref_slice %arg4[%arg0, %mul3A_53, %dma_wait3A] : memref<2x10240x16xf32, #tpu.memory_space<hbm>> -> memref<1x640x16xf32, #tpu.memory_space<hbm>>
      %dma_wait3A_60 = tpu.memref_squeeze %dma_wait3A_59 : memref<1x640x16xf32, #tpu.memory_space<hbm>> -> memref<640x16xf32, #tpu.memory_space<hbm>>
      %dma_wait3A_61 = arith.constant 0 : i32
      %dma_wait3A_62 = tpu.memref_slice %arg7[%mul3A_51, %dma_wait3A_61] : memref<10240x16xf32, #tpu.memory_space<vmem_shared>> -> memref<640x16xf32, #tpu.memory_space<vmem_shared>>
      tpu.wait_dma2 semaphore(%run_scoped3A_54 : memref<!tpu.dma_semaphore, #tpu.memory_space<semaphore_mem>>) src(%dma_wait3A_62 : memref<640x16xf32, #tpu.memory_space<vmem_shared>>) dst(%dma_wait3A_60 : memref<640x16xf32, #tpu.memory_space<hbm>>)
      tpu.yield
    }) : () -> ()
    return
  }
}

#map = affine_map<(d0, d1) -> (0, 0)>
#map1 = affine_map<(d0, d1) -> (0, 0, 0)>
module attributes {stable_mosaic.version = 14 : i64} {
  func.func @_agg_sc(%arg0: i32, %arg1: i32, %arg2: memref<10240x128xf32, #tpu.memory_space<hbm>>, %arg3: memref<5120x64xi32, #tpu.memory_space<hbm>>, %arg4: memref<5120x64xi32, #tpu.memory_space<hbm>>, %arg5: memref<2x10240x128xf32, #tpu.memory_space<hbm>>, %arg6: memref<40x64xi32, #tpu.memory_space<vmem>>, %arg7: memref<40x64xi32, #tpu.memory_space<vmem>>, %arg8: memref<64x128xf32, #tpu.memory_space<vmem>>, %arg9: memref<64x128xf32, #tpu.memory_space<vmem>>, %arg10: memref<64x128xf32, #tpu.memory_space<vmem>>, %arg11: memref<64x128xf32, #tpu.memory_space<vmem>>, %arg12: memref<10240x128xf32, #tpu.memory_space<vmem_shared>>, %arg13: memref<!tpu.dma_semaphore, #tpu.memory_space<semaphore_mem>>, %arg14: memref<!tpu.dma_semaphore, #tpu.memory_space<semaphore_mem>>, %arg15: memref<!tpu.dma_semaphore, #tpu.memory_space<semaphore_mem>>, %arg16: memref<!tpu.dma_semaphore, #tpu.memory_space<semaphore_mem>>, %arg17: memref<!tpu.dma_semaphore, #tpu.memory_space<semaphore_mem>>, %arg18: memref<!tpu.dma_semaphore, #tpu.memory_space<semaphore_mem>>, %arg19: memref<!tpu.dma_semaphore, #tpu.memory_space<semaphore_mem>>, %arg20: memref<!tpu.dma_semaphore, #tpu.memory_space<semaphore_mem>>) attributes {dimension_semantics = [#tpu.dimension_semantics<core_parallel>, #tpu.dimension_semantics<subcore_parallel>], iteration_bounds = array<i64: 2, 16>, scalar_prefetch = 0 : i64, scratch_operands = 15 : i64, tpu.core_type = #tpu.core_type<sc_vector_subcore>, window_params = [{transform_indices = #map}, {transform_indices = #map}, {transform_indices = #map}, {transform_indices = #map1}]} {
    %mul3A = arith.constant 16 : i32
    %mul3A_0 = arith.muli %arg0, %mul3A : i32
    %add3A = arith.addi %mul3A_0, %arg1 : i32
    "tpu.region"() ({
      %run_scoped3A = tpu.sem_alloc : memref<!tpu.dma_semaphore, #tpu.memory_space<semaphore_mem>>
      %dma_start3A = arith.constant 10176 : i32
      %dma_start3A_66 = arith.constant 0 : i32
      %dma_start3A_67 = tpu.memref_slice %arg2[%dma_start3A, %dma_start3A_66] : memref<10240x128xf32, #tpu.memory_space<hbm>> -> memref<64x128xf32, #tpu.memory_space<hbm>>
      %dma_start3A_68 = arith.constant 10176 : i32
      %dma_start3A_69 = arith.constant 0 : i32
      %dma_start3A_70 = tpu.memref_slice %arg2[%dma_start3A_68, %dma_start3A_69] : memref<10240x128xf32, #tpu.memory_space<hbm>> -> memref<64x128xf32, #tpu.memory_space<hbm>>
      tpu.enqueue_dma source(%dma_start3A_70 : memref<64x128xf32, #tpu.memory_space<hbm>>) target(%arg8 : memref<64x128xf32, #tpu.memory_space<vmem>>) target_semaphore(%run_scoped3A : memref<!tpu.dma_semaphore, #tpu.memory_space<semaphore_mem>>)
      %dma_wait3A = arith.constant 10176 : i32
      %dma_wait3A_71 = arith.constant 0 : i32
      %dma_wait3A_72 = tpu.memref_slice %arg2[%dma_wait3A, %dma_wait3A_71] : memref<10240x128xf32, #tpu.memory_space<hbm>> -> memref<64x128xf32, #tpu.memory_space<hbm>>
      %dma_wait3A_73 = arith.constant 10176 : i32
      %dma_wait3A_74 = arith.constant 0 : i32
      %dma_wait3A_75 = tpu.memref_slice %arg2[%dma_wait3A_73, %dma_wait3A_74] : memref<10240x128xf32, #tpu.memory_space<hbm>> -> memref<64x128xf32, #tpu.memory_space<hbm>>
      tpu.wait_dma2 semaphore(%run_scoped3A : memref<!tpu.dma_semaphore, #tpu.memory_space<semaphore_mem>>) src(%dma_wait3A_75 : memref<64x128xf32, #tpu.memory_space<hbm>>) dst(%arg8 : memref<64x128xf32, #tpu.memory_space<vmem>>)
      tpu.yield
    }) : () -> ()
    %mul3A_1 = arith.constant 640 : i32
    %mul3A_2 = arith.muli %arg1, %mul3A_1 : i32
    %add3A_3 = arith.constant 0 : i32
    %add3A_4 = arith.addi %mul3A_2, %add3A_3 : i32
    "tpu.region"() ({
      %run_scoped3A = tpu.sem_alloc : memref<!tpu.dma_semaphore, #tpu.memory_space<semaphore_mem>>
      %dma_start3A = arith.constant 0 : i32
      %dma_start3A_66 = tpu.memref_slice %arg12[%add3A_4, %dma_start3A] : memref<10240x128xf32, #tpu.memory_space<vmem_shared>> -> memref<64x128xf32, #tpu.memory_space<vmem_shared>>
      %dma_start3A_67 = arith.constant 0 : i32
      %dma_start3A_68 = tpu.memref_slice %arg12[%add3A_4, %dma_start3A_67] : memref<10240x128xf32, #tpu.memory_space<vmem_shared>> -> memref<64x128xf32, #tpu.memory_space<vmem_shared>>
      tpu.enqueue_dma source(%arg8 : memref<64x128xf32, #tpu.memory_space<vmem>>) target(%dma_start3A_68 : memref<64x128xf32, #tpu.memory_space<vmem_shared>>) target_semaphore(%run_scoped3A : memref<!tpu.dma_semaphore, #tpu.memory_space<semaphore_mem>>)
      %dma_wait3A = arith.constant 0 : i32
      %dma_wait3A_69 = tpu.memref_slice %arg12[%add3A_4, %dma_wait3A] : memref<10240x128xf32, #tpu.memory_space<vmem_shared>> -> memref<64x128xf32, #tpu.memory_space<vmem_shared>>
      %dma_wait3A_70 = arith.constant 0 : i32
      %dma_wait3A_71 = tpu.memref_slice %arg12[%add3A_4, %dma_wait3A_70] : memref<10240x128xf32, #tpu.memory_space<vmem_shared>> -> memref<64x128xf32, #tpu.memory_space<vmem_shared>>
      tpu.wait_dma2 semaphore(%run_scoped3A : memref<!tpu.dma_semaphore, #tpu.memory_space<semaphore_mem>>) src(%arg8 : memref<64x128xf32, #tpu.memory_space<vmem>>) dst(%dma_wait3A_71 : memref<64x128xf32, #tpu.memory_space<vmem_shared>>)
      tpu.yield
    }) : () -> ()
    %mul3A_5 = arith.constant 640 : i32
    %mul3A_6 = arith.muli %arg1, %mul3A_5 : i32
    %add3A_7 = arith.constant 64 : i32
    %add3A_8 = arith.addi %mul3A_6, %add3A_7 : i32
    "tpu.region"() ({
      %run_scoped3A = tpu.sem_alloc : memref<!tpu.dma_semaphore, #tpu.memory_space<semaphore_mem>>
      %dma_start3A = arith.constant 0 : i32
      %dma_start3A_66 = tpu.memref_slice %arg12[%add3A_8, %dma_start3A] : memref<10240x128xf32, #tpu.memory_space<vmem_shared>> -> memref<64x128xf32, #tpu.memory_space<vmem_shared>>
      %dma_start3A_67 = arith.constant 0 : i32
      %dma_start3A_68 = tpu.memref_slice %arg12[%add3A_8, %dma_start3A_67] : memref<10240x128xf32, #tpu.memory_space<vmem_shared>> -> memref<64x128xf32, #tpu.memory_space<vmem_shared>>
      tpu.enqueue_dma source(%arg8 : memref<64x128xf32, #tpu.memory_space<vmem>>) target(%dma_start3A_68 : memref<64x128xf32, #tpu.memory_space<vmem_shared>>) target_semaphore(%run_scoped3A : memref<!tpu.dma_semaphore, #tpu.memory_space<semaphore_mem>>)
      %dma_wait3A = arith.constant 0 : i32
      %dma_wait3A_69 = tpu.memref_slice %arg12[%add3A_8, %dma_wait3A] : memref<10240x128xf32, #tpu.memory_space<vmem_shared>> -> memref<64x128xf32, #tpu.memory_space<vmem_shared>>
      %dma_wait3A_70 = arith.constant 0 : i32
      %dma_wait3A_71 = tpu.memref_slice %arg12[%add3A_8, %dma_wait3A_70] : memref<10240x128xf32, #tpu.memory_space<vmem_shared>> -> memref<64x128xf32, #tpu.memory_space<vmem_shared>>
      tpu.wait_dma2 semaphore(%run_scoped3A : memref<!tpu.dma_semaphore, #tpu.memory_space<semaphore_mem>>) src(%arg8 : memref<64x128xf32, #tpu.memory_space<vmem>>) dst(%dma_wait3A_71 : memref<64x128xf32, #tpu.memory_space<vmem_shared>>)
      tpu.yield
    }) : () -> ()
    %mul3A_9 = arith.constant 640 : i32
    %mul3A_10 = arith.muli %arg1, %mul3A_9 : i32
    %add3A_11 = arith.constant 128 : i32
    %add3A_12 = arith.addi %mul3A_10, %add3A_11 : i32
    "tpu.region"() ({
      %run_scoped3A = tpu.sem_alloc : memref<!tpu.dma_semaphore, #tpu.memory_space<semaphore_mem>>
      %dma_start3A = arith.constant 0 : i32
      %dma_start3A_66 = tpu.memref_slice %arg12[%add3A_12, %dma_start3A] : memref<10240x128xf32, #tpu.memory_space<vmem_shared>> -> memref<64x128xf32, #tpu.memory_space<vmem_shared>>
      %dma_start3A_67 = arith.constant 0 : i32
      %dma_start3A_68 = tpu.memref_slice %arg12[%add3A_12, %dma_start3A_67] : memref<10240x128xf32, #tpu.memory_space<vmem_shared>> -> memref<64x128xf32, #tpu.memory_space<vmem_shared>>
      tpu.enqueue_dma source(%arg8 : memref<64x128xf32, #tpu.memory_space<vmem>>) target(%dma_start3A_68 : memref<64x128xf32, #tpu.memory_space<vmem_shared>>) target_semaphore(%run_scoped3A : memref<!tpu.dma_semaphore, #tpu.memory_space<semaphore_mem>>)
      %dma_wait3A = arith.constant 0 : i32
      %dma_wait3A_69 = tpu.memref_slice %arg12[%add3A_12, %dma_wait3A] : memref<10240x128xf32, #tpu.memory_space<vmem_shared>> -> memref<64x128xf32, #tpu.memory_space<vmem_shared>>
      %dma_wait3A_70 = arith.constant 0 : i32
      %dma_wait3A_71 = tpu.memref_slice %arg12[%add3A_12, %dma_wait3A_70] : memref<10240x128xf32, #tpu.memory_space<vmem_shared>> -> memref<64x128xf32, #tpu.memory_space<vmem_shared>>
      tpu.wait_dma2 semaphore(%run_scoped3A : memref<!tpu.dma_semaphore, #tpu.memory_space<semaphore_mem>>) src(%arg8 : memref<64x128xf32, #tpu.memory_space<vmem>>) dst(%dma_wait3A_71 : memref<64x128xf32, #tpu.memory_space<vmem_shared>>)
      tpu.yield
    }) : () -> ()
    %mul3A_13 = arith.constant 640 : i32
    %mul3A_14 = arith.muli %arg1, %mul3A_13 : i32
    %add3A_15 = arith.constant 192 : i32
    %add3A_16 = arith.addi %mul3A_14, %add3A_15 : i32
    "tpu.region"() ({
      %run_scoped3A = tpu.sem_alloc : memref<!tpu.dma_semaphore, #tpu.memory_space<semaphore_mem>>
      %dma_start3A = arith.constant 0 : i32
      %dma_start3A_66 = tpu.memref_slice %arg12[%add3A_16, %dma_start3A] : memref<10240x128xf32, #tpu.memory_space<vmem_shared>> -> memref<64x128xf32, #tpu.memory_space<vmem_shared>>
      %dma_start3A_67 = arith.constant 0 : i32
      %dma_start3A_68 = tpu.memref_slice %arg12[%add3A_16, %dma_start3A_67] : memref<10240x128xf32, #tpu.memory_space<vmem_shared>> -> memref<64x128xf32, #tpu.memory_space<vmem_shared>>
      tpu.enqueue_dma source(%arg8 : memref<64x128xf32, #tpu.memory_space<vmem>>) target(%dma_start3A_68 : memref<64x128xf32, #tpu.memory_space<vmem_shared>>) target_semaphore(%run_scoped3A : memref<!tpu.dma_semaphore, #tpu.memory_space<semaphore_mem>>)
      %dma_wait3A = arith.constant 0 : i32
      %dma_wait3A_69 = tpu.memref_slice %arg12[%add3A_16, %dma_wait3A] : memref<10240x128xf32, #tpu.memory_space<vmem_shared>> -> memref<64x128xf32, #tpu.memory_space<vmem_shared>>
      %dma_wait3A_70 = arith.constant 0 : i32
      %dma_wait3A_71 = tpu.memref_slice %arg12[%add3A_16, %dma_wait3A_70] : memref<10240x128xf32, #tpu.memory_space<vmem_shared>> -> memref<64x128xf32, #tpu.memory_space<vmem_shared>>
      tpu.wait_dma2 semaphore(%run_scoped3A : memref<!tpu.dma_semaphore, #tpu.memory_space<semaphore_mem>>) src(%arg8 : memref<64x128xf32, #tpu.memory_space<vmem>>) dst(%dma_wait3A_71 : memref<64x128xf32, #tpu.memory_space<vmem_shared>>)
      tpu.yield
    }) : () -> ()
    %mul3A_17 = arith.constant 640 : i32
    %mul3A_18 = arith.muli %arg1, %mul3A_17 : i32
    %add3A_19 = arith.constant 256 : i32
    %add3A_20 = arith.addi %mul3A_18, %add3A_19 : i32
    "tpu.region"() ({
      %run_scoped3A = tpu.sem_alloc : memref<!tpu.dma_semaphore, #tpu.memory_space<semaphore_mem>>
      %dma_start3A = arith.constant 0 : i32
      %dma_start3A_66 = tpu.memref_slice %arg12[%add3A_20, %dma_start3A] : memref<10240x128xf32, #tpu.memory_space<vmem_shared>> -> memref<64x128xf32, #tpu.memory_space<vmem_shared>>
      %dma_start3A_67 = arith.constant 0 : i32
      %dma_start3A_68 = tpu.memref_slice %arg12[%add3A_20, %dma_start3A_67] : memref<10240x128xf32, #tpu.memory_space<vmem_shared>> -> memref<64x128xf32, #tpu.memory_space<vmem_shared>>
      tpu.enqueue_dma source(%arg8 : memref<64x128xf32, #tpu.memory_space<vmem>>) target(%dma_start3A_68 : memref<64x128xf32, #tpu.memory_space<vmem_shared>>) target_semaphore(%run_scoped3A : memref<!tpu.dma_semaphore, #tpu.memory_space<semaphore_mem>>)
      %dma_wait3A = arith.constant 0 : i32
      %dma_wait3A_69 = tpu.memref_slice %arg12[%add3A_20, %dma_wait3A] : memref<10240x128xf32, #tpu.memory_space<vmem_shared>> -> memref<64x128xf32, #tpu.memory_space<vmem_shared>>
      %dma_wait3A_70 = arith.constant 0 : i32
      %dma_wait3A_71 = tpu.memref_slice %arg12[%add3A_20, %dma_wait3A_70] : memref<10240x128xf32, #tpu.memory_space<vmem_shared>> -> memref<64x128xf32, #tpu.memory_space<vmem_shared>>
      tpu.wait_dma2 semaphore(%run_scoped3A : memref<!tpu.dma_semaphore, #tpu.memory_space<semaphore_mem>>) src(%arg8 : memref<64x128xf32, #tpu.memory_space<vmem>>) dst(%dma_wait3A_71 : memref<64x128xf32, #tpu.memory_space<vmem_shared>>)
      tpu.yield
    }) : () -> ()
    %mul3A_21 = arith.constant 640 : i32
    %mul3A_22 = arith.muli %arg1, %mul3A_21 : i32
    %add3A_23 = arith.constant 320 : i32
    %add3A_24 = arith.addi %mul3A_22, %add3A_23 : i32
    "tpu.region"() ({
      %run_scoped3A = tpu.sem_alloc : memref<!tpu.dma_semaphore, #tpu.memory_space<semaphore_mem>>
      %dma_start3A = arith.constant 0 : i32
      %dma_start3A_66 = tpu.memref_slice %arg12[%add3A_24, %dma_start3A] : memref<10240x128xf32, #tpu.memory_space<vmem_shared>> -> memref<64x128xf32, #tpu.memory_space<vmem_shared>>
      %dma_start3A_67 = arith.constant 0 : i32
      %dma_start3A_68 = tpu.memref_slice %arg12[%add3A_24, %dma_start3A_67] : memref<10240x128xf32, #tpu.memory_space<vmem_shared>> -> memref<64x128xf32, #tpu.memory_space<vmem_shared>>
      tpu.enqueue_dma source(%arg8 : memref<64x128xf32, #tpu.memory_space<vmem>>) target(%dma_start3A_68 : memref<64x128xf32, #tpu.memory_space<vmem_shared>>) target_semaphore(%run_scoped3A : memref<!tpu.dma_semaphore, #tpu.memory_space<semaphore_mem>>)
      %dma_wait3A = arith.constant 0 : i32
      %dma_wait3A_69 = tpu.memref_slice %arg12[%add3A_24, %dma_wait3A] : memref<10240x128xf32, #tpu.memory_space<vmem_shared>> -> memref<64x128xf32, #tpu.memory_space<vmem_shared>>
      %dma_wait3A_70 = arith.constant 0 : i32
      %dma_wait3A_71 = tpu.memref_slice %arg12[%add3A_24, %dma_wait3A_70] : memref<10240x128xf32, #tpu.memory_space<vmem_shared>> -> memref<64x128xf32, #tpu.memory_space<vmem_shared>>
      tpu.wait_dma2 semaphore(%run_scoped3A : memref<!tpu.dma_semaphore, #tpu.memory_space<semaphore_mem>>) src(%arg8 : memref<64x128xf32, #tpu.memory_space<vmem>>) dst(%dma_wait3A_71 : memref<64x128xf32, #tpu.memory_space<vmem_shared>>)
      tpu.yield
    }) : () -> ()
    %mul3A_25 = arith.constant 640 : i32
    %mul3A_26 = arith.muli %arg1, %mul3A_25 : i32
    %add3A_27 = arith.constant 384 : i32
    %add3A_28 = arith.addi %mul3A_26, %add3A_27 : i32
    "tpu.region"() ({
      %run_scoped3A = tpu.sem_alloc : memref<!tpu.dma_semaphore, #tpu.memory_space<semaphore_mem>>
      %dma_start3A = arith.constant 0 : i32
      %dma_start3A_66 = tpu.memref_slice %arg12[%add3A_28, %dma_start3A] : memref<10240x128xf32, #tpu.memory_space<vmem_shared>> -> memref<64x128xf32, #tpu.memory_space<vmem_shared>>
      %dma_start3A_67 = arith.constant 0 : i32
      %dma_start3A_68 = tpu.memref_slice %arg12[%add3A_28, %dma_start3A_67] : memref<10240x128xf32, #tpu.memory_space<vmem_shared>> -> memref<64x128xf32, #tpu.memory_space<vmem_shared>>
      tpu.enqueue_dma source(%arg8 : memref<64x128xf32, #tpu.memory_space<vmem>>) target(%dma_start3A_68 : memref<64x128xf32, #tpu.memory_space<vmem_shared>>) target_semaphore(%run_scoped3A : memref<!tpu.dma_semaphore, #tpu.memory_space<semaphore_mem>>)
      %dma_wait3A = arith.constant 0 : i32
      %dma_wait3A_69 = tpu.memref_slice %arg12[%add3A_28, %dma_wait3A] : memref<10240x128xf32, #tpu.memory_space<vmem_shared>> -> memref<64x128xf32, #tpu.memory_space<vmem_shared>>
      %dma_wait3A_70 = arith.constant 0 : i32
      %dma_wait3A_71 = tpu.memref_slice %arg12[%add3A_28, %dma_wait3A_70] : memref<10240x128xf32, #tpu.memory_space<vmem_shared>> -> memref<64x128xf32, #tpu.memory_space<vmem_shared>>
      tpu.wait_dma2 semaphore(%run_scoped3A : memref<!tpu.dma_semaphore, #tpu.memory_space<semaphore_mem>>) src(%arg8 : memref<64x128xf32, #tpu.memory_space<vmem>>) dst(%dma_wait3A_71 : memref<64x128xf32, #tpu.memory_space<vmem_shared>>)
      tpu.yield
    }) : () -> ()
    %mul3A_29 = arith.constant 640 : i32
    %mul3A_30 = arith.muli %arg1, %mul3A_29 : i32
    %add3A_31 = arith.constant 448 : i32
    %add3A_32 = arith.addi %mul3A_30, %add3A_31 : i32
    "tpu.region"() ({
      %run_scoped3A = tpu.sem_alloc : memref<!tpu.dma_semaphore, #tpu.memory_space<semaphore_mem>>
      %dma_start3A = arith.constant 0 : i32
      %dma_start3A_66 = tpu.memref_slice %arg12[%add3A_32, %dma_start3A] : memref<10240x128xf32, #tpu.memory_space<vmem_shared>> -> memref<64x128xf32, #tpu.memory_space<vmem_shared>>
      %dma_start3A_67 = arith.constant 0 : i32
      %dma_start3A_68 = tpu.memref_slice %arg12[%add3A_32, %dma_start3A_67] : memref<10240x128xf32, #tpu.memory_space<vmem_shared>> -> memref<64x128xf32, #tpu.memory_space<vmem_shared>>
      tpu.enqueue_dma source(%arg8 : memref<64x128xf32, #tpu.memory_space<vmem>>) target(%dma_start3A_68 : memref<64x128xf32, #tpu.memory_space<vmem_shared>>) target_semaphore(%run_scoped3A : memref<!tpu.dma_semaphore, #tpu.memory_space<semaphore_mem>>)
      %dma_wait3A = arith.constant 0 : i32
      %dma_wait3A_69 = tpu.memref_slice %arg12[%add3A_32, %dma_wait3A] : memref<10240x128xf32, #tpu.memory_space<vmem_shared>> -> memref<64x128xf32, #tpu.memory_space<vmem_shared>>
      %dma_wait3A_70 = arith.constant 0 : i32
      %dma_wait3A_71 = tpu.memref_slice %arg12[%add3A_32, %dma_wait3A_70] : memref<10240x128xf32, #tpu.memory_space<vmem_shared>> -> memref<64x128xf32, #tpu.memory_space<vmem_shared>>
      tpu.wait_dma2 semaphore(%run_scoped3A : memref<!tpu.dma_semaphore, #tpu.memory_space<semaphore_mem>>) src(%arg8 : memref<64x128xf32, #tpu.memory_space<vmem>>) dst(%dma_wait3A_71 : memref<64x128xf32, #tpu.memory_space<vmem_shared>>)
      tpu.yield
    }) : () -> ()
    %mul3A_33 = arith.constant 640 : i32
    %mul3A_34 = arith.muli %arg1, %mul3A_33 : i32
    %add3A_35 = arith.constant 512 : i32
    %add3A_36 = arith.addi %mul3A_34, %add3A_35 : i32
    "tpu.region"() ({
      %run_scoped3A = tpu.sem_alloc : memref<!tpu.dma_semaphore, #tpu.memory_space<semaphore_mem>>
      %dma_start3A = arith.constant 0 : i32
      %dma_start3A_66 = tpu.memref_slice %arg12[%add3A_36, %dma_start3A] : memref<10240x128xf32, #tpu.memory_space<vmem_shared>> -> memref<64x128xf32, #tpu.memory_space<vmem_shared>>
      %dma_start3A_67 = arith.constant 0 : i32
      %dma_start3A_68 = tpu.memref_slice %arg12[%add3A_36, %dma_start3A_67] : memref<10240x128xf32, #tpu.memory_space<vmem_shared>> -> memref<64x128xf32, #tpu.memory_space<vmem_shared>>
      tpu.enqueue_dma source(%arg8 : memref<64x128xf32, #tpu.memory_space<vmem>>) target(%dma_start3A_68 : memref<64x128xf32, #tpu.memory_space<vmem_shared>>) target_semaphore(%run_scoped3A : memref<!tpu.dma_semaphore, #tpu.memory_space<semaphore_mem>>)
      %dma_wait3A = arith.constant 0 : i32
      %dma_wait3A_69 = tpu.memref_slice %arg12[%add3A_36, %dma_wait3A] : memref<10240x128xf32, #tpu.memory_space<vmem_shared>> -> memref<64x128xf32, #tpu.memory_space<vmem_shared>>
      %dma_wait3A_70 = arith.constant 0 : i32
      %dma_wait3A_71 = tpu.memref_slice %arg12[%add3A_36, %dma_wait3A_70] : memref<10240x128xf32, #tpu.memory_space<vmem_shared>> -> memref<64x128xf32, #tpu.memory_space<vmem_shared>>
      tpu.wait_dma2 semaphore(%run_scoped3A : memref<!tpu.dma_semaphore, #tpu.memory_space<semaphore_mem>>) src(%arg8 : memref<64x128xf32, #tpu.memory_space<vmem>>) dst(%dma_wait3A_71 : memref<64x128xf32, #tpu.memory_space<vmem_shared>>)
      tpu.yield
    }) : () -> ()
    %mul3A_37 = arith.constant 640 : i32
    %mul3A_38 = arith.muli %arg1, %mul3A_37 : i32
    %add3A_39 = arith.constant 576 : i32
    %add3A_40 = arith.addi %mul3A_38, %add3A_39 : i32
    "tpu.region"() ({
      %run_scoped3A = tpu.sem_alloc : memref<!tpu.dma_semaphore, #tpu.memory_space<semaphore_mem>>
      %dma_start3A = arith.constant 0 : i32
      %dma_start3A_66 = tpu.memref_slice %arg12[%add3A_40, %dma_start3A] : memref<10240x128xf32, #tpu.memory_space<vmem_shared>> -> memref<64x128xf32, #tpu.memory_space<vmem_shared>>
      %dma_start3A_67 = arith.constant 0 : i32
      %dma_start3A_68 = tpu.memref_slice %arg12[%add3A_40, %dma_start3A_67] : memref<10240x128xf32, #tpu.memory_space<vmem_shared>> -> memref<64x128xf32, #tpu.memory_space<vmem_shared>>
      tpu.enqueue_dma source(%arg8 : memref<64x128xf32, #tpu.memory_space<vmem>>) target(%dma_start3A_68 : memref<64x128xf32, #tpu.memory_space<vmem_shared>>) target_semaphore(%run_scoped3A : memref<!tpu.dma_semaphore, #tpu.memory_space<semaphore_mem>>)
      %dma_wait3A = arith.constant 0 : i32
      %dma_wait3A_69 = tpu.memref_slice %arg12[%add3A_40, %dma_wait3A] : memref<10240x128xf32, #tpu.memory_space<vmem_shared>> -> memref<64x128xf32, #tpu.memory_space<vmem_shared>>
      %dma_wait3A_70 = arith.constant 0 : i32
      %dma_wait3A_71 = tpu.memref_slice %arg12[%add3A_40, %dma_wait3A_70] : memref<10240x128xf32, #tpu.memory_space<vmem_shared>> -> memref<64x128xf32, #tpu.memory_space<vmem_shared>>
      tpu.wait_dma2 semaphore(%run_scoped3A : memref<!tpu.dma_semaphore, #tpu.memory_space<semaphore_mem>>) src(%arg8 : memref<64x128xf32, #tpu.memory_space<vmem>>) dst(%dma_wait3A_71 : memref<64x128xf32, #tpu.memory_space<vmem_shared>>)
      tpu.yield
    }) : () -> ()
    %barrier3A = arith.constant 0 : index
    tpu.barrier barrier_id(%barrier3A)
    %eq3A = arith.constant 0 : i32
    %eq3A_41 = arith.cmpi eq, %arg0, %eq3A : i32
    %mul3A_42 = arith.constant 280 : i32
    %mul3A_43 = arith.muli %arg1, %mul3A_42 : i32
    %mul3A_44 = arith.constant 40 : i32
    %mul3A_45 = arith.muli %arg1, %mul3A_44 : i32
    %add3A_46 = arith.constant 4480 : i32
    %add3A_47 = arith.addi %add3A_46, %mul3A_45 : i32
    %select_n3A = arith.select %eq3A_41, %mul3A_43, %add3A_47 : i32
    %eq3A_48 = arith.constant 0 : i32
    %eq3A_49 = arith.cmpi eq, %arg0, %eq3A_48 : i32
    %jit3A = arith.constant 7 : i32
    %jit3A_50 = arith.constant 1 : i32
    %select_n3A_51 = arith.select %eq3A_49, %jit3A, %jit3A_50 : i32
    %while3A = arith.constant 0 : i32
    %while3A_52 = arith.constant 0 : i32
    %while3A_53 = arith.subi %select_n3A_51, %while3A_52 : i32
    %while3A_54 = arith.addi %while3A_52, %while3A_53 : i32
    %while3A_55 = arith.constant 1 : i32
    %while3A_56 = arith.divsi %while3A_53, %while3A_55 : i32
    %while3A_57 = arith.muli %while3A_56, %while3A_55 : i32
    %while3A_58 = arith.addi %while3A_52, %while3A_57 : i32
    %while3A_59 = arith.constant 1 : i32
    scf.for %while3A_66 = %while3A_52 to %while3A_58 step %while3A_59  : i32 {
      %mul3A_67 = arith.constant 40 : i32
      %mul3A_68 = arith.muli %while3A_66, %mul3A_67 : i32
      %add3A_69 = arith.addi %select_n3A, %mul3A_68 : i32
      "tpu.region"() ({
        %run_scoped3A = tpu.sem_alloc : memref<!tpu.dma_semaphore, #tpu.memory_space<semaphore_mem>>
        %dma_start3A_185 = arith.constant 0 : i32
        %dma_start3A_186 = tpu.memref_slice %arg3[%add3A_69, %dma_start3A_185] : memref<5120x64xi32, #tpu.memory_space<hbm>> -> memref<40x64xi32, #tpu.memory_space<hbm>>
        %dma_start3A_187 = arith.constant 0 : i32
        %dma_start3A_188 = tpu.memref_slice %arg3[%add3A_69, %dma_start3A_187] : memref<5120x64xi32, #tpu.memory_space<hbm>> -> memref<40x64xi32, #tpu.memory_space<hbm>>
        tpu.enqueue_dma source(%dma_start3A_188 : memref<40x64xi32, #tpu.memory_space<hbm>>) target(%arg6 : memref<40x64xi32, #tpu.memory_space<vmem>>) target_semaphore(%run_scoped3A : memref<!tpu.dma_semaphore, #tpu.memory_space<semaphore_mem>>)
        %dma_wait3A_189 = arith.constant 0 : i32
        %dma_wait3A_190 = tpu.memref_slice %arg3[%add3A_69, %dma_wait3A_189] : memref<5120x64xi32, #tpu.memory_space<hbm>> -> memref<40x64xi32, #tpu.memory_space<hbm>>
        %dma_wait3A_191 = arith.constant 0 : i32
        %dma_wait3A_192 = tpu.memref_slice %arg3[%add3A_69, %dma_wait3A_191] : memref<5120x64xi32, #tpu.memory_space<hbm>> -> memref<40x64xi32, #tpu.memory_space<hbm>>
        tpu.wait_dma2 semaphore(%run_scoped3A : memref<!tpu.dma_semaphore, #tpu.memory_space<semaphore_mem>>) src(%dma_wait3A_192 : memref<40x64xi32, #tpu.memory_space<hbm>>) dst(%arg6 : memref<40x64xi32, #tpu.memory_space<vmem>>)
        tpu.yield
      }) : () -> ()
      "tpu.region"() ({
        %run_scoped3A = tpu.sem_alloc : memref<!tpu.dma_semaphore, #tpu.memory_space<semaphore_mem>>
        %dma_start3A_185 = arith.constant 0 : i32
        %dma_start3A_186 = tpu.memref_slice %arg4[%add3A_69, %dma_start3A_185] : memref<5120x64xi32, #tpu.memory_space<hbm>> -> memref<40x64xi32, #tpu.memory_space<hbm>>
        %dma_start3A_187 = arith.constant 0 : i32
        %dma_start3A_188 = tpu.memref_slice %arg4[%add3A_69, %dma_start3A_187] : memref<5120x64xi32, #tpu.memory_space<hbm>> -> memref<40x64xi32, #tpu.memory_space<hbm>>
        tpu.enqueue_dma source(%dma_start3A_188 : memref<40x64xi32, #tpu.memory_space<hbm>>) target(%arg7 : memref<40x64xi32, #tpu.memory_space<vmem>>) target_semaphore(%run_scoped3A : memref<!tpu.dma_semaphore, #tpu.memory_space<semaphore_mem>>)
        %dma_wait3A_189 = arith.constant 0 : i32
        %dma_wait3A_190 = tpu.memref_slice %arg4[%add3A_69, %dma_wait3A_189] : memref<5120x64xi32, #tpu.memory_space<hbm>> -> memref<40x64xi32, #tpu.memory_space<hbm>>
        %dma_wait3A_191 = arith.constant 0 : i32
        %dma_wait3A_192 = tpu.memref_slice %arg4[%add3A_69, %dma_wait3A_191] : memref<5120x64xi32, #tpu.memory_space<hbm>> -> memref<40x64xi32, #tpu.memory_space<hbm>>
        tpu.wait_dma2 semaphore(%run_scoped3A : memref<!tpu.dma_semaphore, #tpu.memory_space<semaphore_mem>>) src(%dma_wait3A_192 : memref<40x64xi32, #tpu.memory_space<hbm>>) dst(%arg7 : memref<40x64xi32, #tpu.memory_space<vmem>>)
        tpu.yield
      }) : () -> ()
      %dma_start3A = arith.constant 0 : i32
      %dma_start3A_70 = arith.constant 0 : i32
      %dma_start3A_71 = tpu.memref_slice %arg6[%dma_start3A, %dma_start3A_70] : memref<40x64xi32, #tpu.memory_space<vmem>> -> memref<1x64xi32, #tpu.memory_space<vmem>>
      %dma_start3A_72 = tpu.memref_squeeze %dma_start3A_71 : memref<1x64xi32, #tpu.memory_space<vmem>> -> memref<64xi32, #tpu.memory_space<vmem>>
      %dma_start3A_73 = arith.constant 0 : i32
      %dma_start3A_74 = arith.constant 0 : i32
      %dma_start3A_75 = tpu.memref_slice %arg2[%dma_start3A_73, %dma_start3A_74] : memref<10240x128xf32, #tpu.memory_space<hbm>> -> memref<10240x128xf32, #tpu.memory_space<hbm>>
      tpu.enqueue_indirect_dma source(%dma_start3A_75 : memref<10240x128xf32, #tpu.memory_space<hbm>>) target(%arg8 : memref<64x128xf32, #tpu.memory_space<vmem>>) offsets(%dma_start3A_72 : memref<64xi32, #tpu.memory_space<vmem>>) semaphore(%arg13 : memref<!tpu.dma_semaphore, #tpu.memory_space<semaphore_mem>>)
      %dma_start3A_76 = arith.constant 1 : i32
      %dma_start3A_77 = arith.constant 0 : i32
      %dma_start3A_78 = tpu.memref_slice %arg6[%dma_start3A_76, %dma_start3A_77] : memref<40x64xi32, #tpu.memory_space<vmem>> -> memref<1x64xi32, #tpu.memory_space<vmem>>
      %dma_start3A_79 = tpu.memref_squeeze %dma_start3A_78 : memref<1x64xi32, #tpu.memory_space<vmem>> -> memref<64xi32, #tpu.memory_space<vmem>>
      %dma_start3A_80 = arith.constant 0 : i32
      %dma_start3A_81 = arith.constant 0 : i32
      %dma_start3A_82 = tpu.memref_slice %arg2[%dma_start3A_80, %dma_start3A_81] : memref<10240x128xf32, #tpu.memory_space<hbm>> -> memref<10240x128xf32, #tpu.memory_space<hbm>>
      tpu.enqueue_indirect_dma source(%dma_start3A_82 : memref<10240x128xf32, #tpu.memory_space<hbm>>) target(%arg9 : memref<64x128xf32, #tpu.memory_space<vmem>>) offsets(%dma_start3A_79 : memref<64xi32, #tpu.memory_space<vmem>>) semaphore(%arg14 : memref<!tpu.dma_semaphore, #tpu.memory_space<semaphore_mem>>)
      %dma_start3A_83 = arith.constant 2 : i32
      %dma_start3A_84 = arith.constant 0 : i32
      %dma_start3A_85 = tpu.memref_slice %arg6[%dma_start3A_83, %dma_start3A_84] : memref<40x64xi32, #tpu.memory_space<vmem>> -> memref<1x64xi32, #tpu.memory_space<vmem>>
      %dma_start3A_86 = tpu.memref_squeeze %dma_start3A_85 : memref<1x64xi32, #tpu.memory_space<vmem>> -> memref<64xi32, #tpu.memory_space<vmem>>
      %dma_start3A_87 = arith.constant 0 : i32
      %dma_start3A_88 = arith.constant 0 : i32
      %dma_start3A_89 = tpu.memref_slice %arg2[%dma_start3A_87, %dma_start3A_88] : memref<10240x128xf32, #tpu.memory_space<hbm>> -> memref<10240x128xf32, #tpu.memory_space<hbm>>
      tpu.enqueue_indirect_dma source(%dma_start3A_89 : memref<10240x128xf32, #tpu.memory_space<hbm>>) target(%arg10 : memref<64x128xf32, #tpu.memory_space<vmem>>) offsets(%dma_start3A_86 : memref<64xi32, #tpu.memory_space<vmem>>) semaphore(%arg15 : memref<!tpu.dma_semaphore, #tpu.memory_space<semaphore_mem>>)
      %dma_start3A_90 = arith.constant 3 : i32
      %dma_start3A_91 = arith.constant 0 : i32
      %dma_start3A_92 = tpu.memref_slice %arg6[%dma_start3A_90, %dma_start3A_91] : memref<40x64xi32, #tpu.memory_space<vmem>> -> memref<1x64xi32, #tpu.memory_space<vmem>>
      %dma_start3A_93 = tpu.memref_squeeze %dma_start3A_92 : memref<1x64xi32, #tpu.memory_space<vmem>> -> memref<64xi32, #tpu.memory_space<vmem>>
      %dma_start3A_94 = arith.constant 0 : i32
      %dma_start3A_95 = arith.constant 0 : i32
      %dma_start3A_96 = tpu.memref_slice %arg2[%dma_start3A_94, %dma_start3A_95] : memref<10240x128xf32, #tpu.memory_space<hbm>> -> memref<10240x128xf32, #tpu.memory_space<hbm>>
      tpu.enqueue_indirect_dma source(%dma_start3A_96 : memref<10240x128xf32, #tpu.memory_space<hbm>>) target(%arg11 : memref<64x128xf32, #tpu.memory_space<vmem>>) offsets(%dma_start3A_93 : memref<64xi32, #tpu.memory_space<vmem>>) semaphore(%arg16 : memref<!tpu.dma_semaphore, #tpu.memory_space<semaphore_mem>>)
      %scan3A = arith.constant 0 : i32
      %scan3A_97 = arith.constant 0 : i32
      %scan3A_98 = arith.constant 9 : i32
      %scan3A_99 = arith.addi %scan3A_97, %scan3A_98 : i32
      %scan3A_100 = arith.constant 1 : i32
      scf.for %scan3A_185 = %scan3A_97 to %scan3A_99 step %scan3A_100  : i32 {
        %mul3A_186 = arith.constant 4 : i32
        %mul3A_187 = arith.muli %mul3A_186, %scan3A_185 : i32
        %add3A_188 = arith.constant 0 : i32
        %add3A_189 = arith.addi %mul3A_187, %add3A_188 : i32
        %dma_wait3A_190 = arith.constant 0 : i32
        %dma_wait3A_191 = tpu.memref_slice %arg6[%add3A_189, %dma_wait3A_190] : memref<40x64xi32, #tpu.memory_space<vmem>> -> memref<1x64xi32, #tpu.memory_space<vmem>>
        %dma_wait3A_192 = tpu.memref_squeeze %dma_wait3A_191 : memref<1x64xi32, #tpu.memory_space<vmem>> -> memref<64xi32, #tpu.memory_space<vmem>>
        %dma_wait3A_193 = arith.constant 0 : i32
        %dma_wait3A_194 = arith.constant 0 : i32
        %dma_wait3A_195 = tpu.memref_slice %arg2[%dma_wait3A_193, %dma_wait3A_194] : memref<10240x128xf32, #tpu.memory_space<hbm>> -> memref<10240x128xf32, #tpu.memory_space<hbm>>
        tpu.wait_indirect_dma semaphore(%arg13 : memref<!tpu.dma_semaphore, #tpu.memory_space<semaphore_mem>>) src(%dma_wait3A_195 : memref<10240x128xf32, #tpu.memory_space<hbm>>) dst(%arg8 : memref<64x128xf32, #tpu.memory_space<vmem>>)
        %add3A_196 = arith.constant 0 : i32
        %add3A_197 = arith.addi %mul3A_187, %add3A_196 : i32
        %dma_start3A_198 = arith.constant 0 : i32
        %dma_start3A_199 = tpu.memref_slice %arg7[%add3A_197, %dma_start3A_198] : memref<40x64xi32, #tpu.memory_space<vmem>> -> memref<1x64xi32, #tpu.memory_space<vmem>>
        %dma_start3A_200 = tpu.memref_squeeze %dma_start3A_199 : memref<1x64xi32, #tpu.memory_space<vmem>> -> memref<64xi32, #tpu.memory_space<vmem>>
        %dma_start3A_201 = arith.constant 0 : i32
        %dma_start3A_202 = arith.constant 0 : i32
        %dma_start3A_203 = tpu.memref_slice %arg12[%dma_start3A_201, %dma_start3A_202] : memref<10240x128xf32, #tpu.memory_space<vmem_shared>> -> memref<10240x128xf32, #tpu.memory_space<vmem_shared>>
        tpu.enqueue_indirect_dma source(%arg8 : memref<64x128xf32, #tpu.memory_space<vmem>>) target(%dma_start3A_203 : memref<10240x128xf32, #tpu.memory_space<vmem_shared>>) offsets(%dma_start3A_200 : memref<64xi32, #tpu.memory_space<vmem>>) semaphore(%arg17 : memref<!tpu.dma_semaphore, #tpu.memory_space<semaphore_mem>>) {add = true}
        %add3A_204 = arith.constant 1 : i32
        %add3A_205 = arith.addi %mul3A_187, %add3A_204 : i32
        %dma_wait3A_206 = arith.constant 0 : i32
        %dma_wait3A_207 = tpu.memref_slice %arg6[%add3A_205, %dma_wait3A_206] : memref<40x64xi32, #tpu.memory_space<vmem>> -> memref<1x64xi32, #tpu.memory_space<vmem>>
        %dma_wait3A_208 = tpu.memref_squeeze %dma_wait3A_207 : memref<1x64xi32, #tpu.memory_space<vmem>> -> memref<64xi32, #tpu.memory_space<vmem>>
        %dma_wait3A_209 = arith.constant 0 : i32
        %dma_wait3A_210 = arith.constant 0 : i32
        %dma_wait3A_211 = tpu.memref_slice %arg2[%dma_wait3A_209, %dma_wait3A_210] : memref<10240x128xf32, #tpu.memory_space<hbm>> -> memref<10240x128xf32, #tpu.memory_space<hbm>>
        tpu.wait_indirect_dma semaphore(%arg14 : memref<!tpu.dma_semaphore, #tpu.memory_space<semaphore_mem>>) src(%dma_wait3A_211 : memref<10240x128xf32, #tpu.memory_space<hbm>>) dst(%arg9 : memref<64x128xf32, #tpu.memory_space<vmem>>)
        %add3A_212 = arith.constant 1 : i32
        %add3A_213 = arith.addi %mul3A_187, %add3A_212 : i32
        %dma_start3A_214 = arith.constant 0 : i32
        %dma_start3A_215 = tpu.memref_slice %arg7[%add3A_213, %dma_start3A_214] : memref<40x64xi32, #tpu.memory_space<vmem>> -> memref<1x64xi32, #tpu.memory_space<vmem>>
        %dma_start3A_216 = tpu.memref_squeeze %dma_start3A_215 : memref<1x64xi32, #tpu.memory_space<vmem>> -> memref<64xi32, #tpu.memory_space<vmem>>
        %dma_start3A_217 = arith.constant 0 : i32
        %dma_start3A_218 = arith.constant 0 : i32
        %dma_start3A_219 = tpu.memref_slice %arg12[%dma_start3A_217, %dma_start3A_218] : memref<10240x128xf32, #tpu.memory_space<vmem_shared>> -> memref<10240x128xf32, #tpu.memory_space<vmem_shared>>
        tpu.enqueue_indirect_dma source(%arg9 : memref<64x128xf32, #tpu.memory_space<vmem>>) target(%dma_start3A_219 : memref<10240x128xf32, #tpu.memory_space<vmem_shared>>) offsets(%dma_start3A_216 : memref<64xi32, #tpu.memory_space<vmem>>) semaphore(%arg18 : memref<!tpu.dma_semaphore, #tpu.memory_space<semaphore_mem>>) {add = true}
        %add3A_220 = arith.constant 2 : i32
        %add3A_221 = arith.addi %mul3A_187, %add3A_220 : i32
        %dma_wait3A_222 = arith.constant 0 : i32
        %dma_wait3A_223 = tpu.memref_slice %arg6[%add3A_221, %dma_wait3A_222] : memref<40x64xi32, #tpu.memory_space<vmem>> -> memref<1x64xi32, #tpu.memory_space<vmem>>
        %dma_wait3A_224 = tpu.memref_squeeze %dma_wait3A_223 : memref<1x64xi32, #tpu.memory_space<vmem>> -> memref<64xi32, #tpu.memory_space<vmem>>
        %dma_wait3A_225 = arith.constant 0 : i32
        %dma_wait3A_226 = arith.constant 0 : i32
        %dma_wait3A_227 = tpu.memref_slice %arg2[%dma_wait3A_225, %dma_wait3A_226] : memref<10240x128xf32, #tpu.memory_space<hbm>> -> memref<10240x128xf32, #tpu.memory_space<hbm>>
        tpu.wait_indirect_dma semaphore(%arg15 : memref<!tpu.dma_semaphore, #tpu.memory_space<semaphore_mem>>) src(%dma_wait3A_227 : memref<10240x128xf32, #tpu.memory_space<hbm>>) dst(%arg10 : memref<64x128xf32, #tpu.memory_space<vmem>>)
        %add3A_228 = arith.constant 2 : i32
        %add3A_229 = arith.addi %mul3A_187, %add3A_228 : i32
        %dma_start3A_230 = arith.constant 0 : i32
        %dma_start3A_231 = tpu.memref_slice %arg7[%add3A_229, %dma_start3A_230] : memref<40x64xi32, #tpu.memory_space<vmem>> -> memref<1x64xi32, #tpu.memory_space<vmem>>
        %dma_start3A_232 = tpu.memref_squeeze %dma_start3A_231 : memref<1x64xi32, #tpu.memory_space<vmem>> -> memref<64xi32, #tpu.memory_space<vmem>>
        %dma_start3A_233 = arith.constant 0 : i32
        %dma_start3A_234 = arith.constant 0 : i32
        %dma_start3A_235 = tpu.memref_slice %arg12[%dma_start3A_233, %dma_start3A_234] : memref<10240x128xf32, #tpu.memory_space<vmem_shared>> -> memref<10240x128xf32, #tpu.memory_space<vmem_shared>>
        tpu.enqueue_indirect_dma source(%arg10 : memref<64x128xf32, #tpu.memory_space<vmem>>) target(%dma_start3A_235 : memref<10240x128xf32, #tpu.memory_space<vmem_shared>>) offsets(%dma_start3A_232 : memref<64xi32, #tpu.memory_space<vmem>>) semaphore(%arg19 : memref<!tpu.dma_semaphore, #tpu.memory_space<semaphore_mem>>) {add = true}
        %add3A_236 = arith.constant 3 : i32
        %add3A_237 = arith.addi %mul3A_187, %add3A_236 : i32
        %dma_wait3A_238 = arith.constant 0 : i32
        %dma_wait3A_239 = tpu.memref_slice %arg6[%add3A_237, %dma_wait3A_238] : memref<40x64xi32, #tpu.memory_space<vmem>> -> memref<1x64xi32, #tpu.memory_space<vmem>>
        %dma_wait3A_240 = tpu.memref_squeeze %dma_wait3A_239 : memref<1x64xi32, #tpu.memory_space<vmem>> -> memref<64xi32, #tpu.memory_space<vmem>>
        %dma_wait3A_241 = arith.constant 0 : i32
        %dma_wait3A_242 = arith.constant 0 : i32
        %dma_wait3A_243 = tpu.memref_slice %arg2[%dma_wait3A_241, %dma_wait3A_242] : memref<10240x128xf32, #tpu.memory_space<hbm>> -> memref<10240x128xf32, #tpu.memory_space<hbm>>
        tpu.wait_indirect_dma semaphore(%arg16 : memref<!tpu.dma_semaphore, #tpu.memory_space<semaphore_mem>>) src(%dma_wait3A_243 : memref<10240x128xf32, #tpu.memory_space<hbm>>) dst(%arg11 : memref<64x128xf32, #tpu.memory_space<vmem>>)
        %add3A_244 = arith.constant 3 : i32
        %add3A_245 = arith.addi %mul3A_187, %add3A_244 : i32
        %dma_start3A_246 = arith.constant 0 : i32
        %dma_start3A_247 = tpu.memref_slice %arg7[%add3A_245, %dma_start3A_246] : memref<40x64xi32, #tpu.memory_space<vmem>> -> memref<1x64xi32, #tpu.memory_space<vmem>>
        %dma_start3A_248 = tpu.memref_squeeze %dma_start3A_247 : memref<1x64xi32, #tpu.memory_space<vmem>> -> memref<64xi32, #tpu.memory_space<vmem>>
        %dma_start3A_249 = arith.constant 0 : i32
        %dma_start3A_250 = arith.constant 0 : i32
        %dma_start3A_251 = tpu.memref_slice %arg12[%dma_start3A_249, %dma_start3A_250] : memref<10240x128xf32, #tpu.memory_space<vmem_shared>> -> memref<10240x128xf32, #tpu.memory_space<vmem_shared>>
        tpu.enqueue_indirect_dma source(%arg11 : memref<64x128xf32, #tpu.memory_space<vmem>>) target(%dma_start3A_251 : memref<10240x128xf32, #tpu.memory_space<vmem_shared>>) offsets(%dma_start3A_248 : memref<64xi32, #tpu.memory_space<vmem>>) semaphore(%arg20 : memref<!tpu.dma_semaphore, #tpu.memory_space<semaphore_mem>>) {add = true}
        %add3A_252 = arith.constant 0 : i32
        %add3A_253 = arith.addi %mul3A_187, %add3A_252 : i32
        %dma_wait3A_254 = arith.constant 0 : i32
        %dma_wait3A_255 = tpu.memref_slice %arg7[%add3A_253, %dma_wait3A_254] : memref<40x64xi32, #tpu.memory_space<vmem>> -> memref<1x64xi32, #tpu.memory_space<vmem>>
        %dma_wait3A_256 = tpu.memref_squeeze %dma_wait3A_255 : memref<1x64xi32, #tpu.memory_space<vmem>> -> memref<64xi32, #tpu.memory_space<vmem>>
        %dma_wait3A_257 = arith.constant 0 : i32
        %dma_wait3A_258 = arith.constant 0 : i32
        %dma_wait3A_259 = tpu.memref_slice %arg12[%dma_wait3A_257, %dma_wait3A_258] : memref<10240x128xf32, #tpu.memory_space<vmem_shared>> -> memref<10240x128xf32, #tpu.memory_space<vmem_shared>>
        tpu.wait_indirect_dma semaphore(%arg17 : memref<!tpu.dma_semaphore, #tpu.memory_space<semaphore_mem>>) src(%arg8 : memref<64x128xf32, #tpu.memory_space<vmem>>) dst(%dma_wait3A_259 : memref<10240x128xf32, #tpu.memory_space<vmem_shared>>)
        %add3A_260 = arith.constant 4 : i32
        %add3A_261 = arith.addi %mul3A_187, %add3A_260 : i32
        %add3A_262 = arith.constant 0 : i32
        %add3A_263 = arith.addi %add3A_261, %add3A_262 : i32
        %dma_start3A_264 = arith.constant 0 : i32
        %dma_start3A_265 = tpu.memref_slice %arg6[%add3A_263, %dma_start3A_264] : memref<40x64xi32, #tpu.memory_space<vmem>> -> memref<1x64xi32, #tpu.memory_space<vmem>>
        %dma_start3A_266 = tpu.memref_squeeze %dma_start3A_265 : memref<1x64xi32, #tpu.memory_space<vmem>> -> memref<64xi32, #tpu.memory_space<vmem>>
        %dma_start3A_267 = arith.constant 0 : i32
        %dma_start3A_268 = arith.constant 0 : i32
        %dma_start3A_269 = tpu.memref_slice %arg2[%dma_start3A_267, %dma_start3A_268] : memref<10240x128xf32, #tpu.memory_space<hbm>> -> memref<10240x128xf32, #tpu.memory_space<hbm>>
        tpu.enqueue_indirect_dma source(%dma_start3A_269 : memref<10240x128xf32, #tpu.memory_space<hbm>>) target(%arg8 : memref<64x128xf32, #tpu.memory_space<vmem>>) offsets(%dma_start3A_266 : memref<64xi32, #tpu.memory_space<vmem>>) semaphore(%arg13 : memref<!tpu.dma_semaphore, #tpu.memory_space<semaphore_mem>>)
        %add3A_270 = arith.constant 1 : i32
        %add3A_271 = arith.addi %mul3A_187, %add3A_270 : i32
        %dma_wait3A_272 = arith.constant 0 : i32
        %dma_wait3A_273 = tpu.memref_slice %arg7[%add3A_271, %dma_wait3A_272] : memref<40x64xi32, #tpu.memory_space<vmem>> -> memref<1x64xi32, #tpu.memory_space<vmem>>
        %dma_wait3A_274 = tpu.memref_squeeze %dma_wait3A_273 : memref<1x64xi32, #tpu.memory_space<vmem>> -> memref<64xi32, #tpu.memory_space<vmem>>
        %dma_wait3A_275 = arith.constant 0 : i32
        %dma_wait3A_276 = arith.constant 0 : i32
        %dma_wait3A_277 = tpu.memref_slice %arg12[%dma_wait3A_275, %dma_wait3A_276] : memref<10240x128xf32, #tpu.memory_space<vmem_shared>> -> memref<10240x128xf32, #tpu.memory_space<vmem_shared>>
        tpu.wait_indirect_dma semaphore(%arg18 : memref<!tpu.dma_semaphore, #tpu.memory_space<semaphore_mem>>) src(%arg9 : memref<64x128xf32, #tpu.memory_space<vmem>>) dst(%dma_wait3A_277 : memref<10240x128xf32, #tpu.memory_space<vmem_shared>>)
        %add3A_278 = arith.constant 4 : i32
        %add3A_279 = arith.addi %mul3A_187, %add3A_278 : i32
        %add3A_280 = arith.constant 1 : i32
        %add3A_281 = arith.addi %add3A_279, %add3A_280 : i32
        %dma_start3A_282 = arith.constant 0 : i32
        %dma_start3A_283 = tpu.memref_slice %arg6[%add3A_281, %dma_start3A_282] : memref<40x64xi32, #tpu.memory_space<vmem>> -> memref<1x64xi32, #tpu.memory_space<vmem>>
        %dma_start3A_284 = tpu.memref_squeeze %dma_start3A_283 : memref<1x64xi32, #tpu.memory_space<vmem>> -> memref<64xi32, #tpu.memory_space<vmem>>
        %dma_start3A_285 = arith.constant 0 : i32
        %dma_start3A_286 = arith.constant 0 : i32
        %dma_start3A_287 = tpu.memref_slice %arg2[%dma_start3A_285, %dma_start3A_286] : memref<10240x128xf32, #tpu.memory_space<hbm>> -> memref<10240x128xf32, #tpu.memory_space<hbm>>
        tpu.enqueue_indirect_dma source(%dma_start3A_287 : memref<10240x128xf32, #tpu.memory_space<hbm>>) target(%arg9 : memref<64x128xf32, #tpu.memory_space<vmem>>) offsets(%dma_start3A_284 : memref<64xi32, #tpu.memory_space<vmem>>) semaphore(%arg14 : memref<!tpu.dma_semaphore, #tpu.memory_space<semaphore_mem>>)
        %add3A_288 = arith.constant 2 : i32
        %add3A_289 = arith.addi %mul3A_187, %add3A_288 : i32
        %dma_wait3A_290 = arith.constant 0 : i32
        %dma_wait3A_291 = tpu.memref_slice %arg7[%add3A_289, %dma_wait3A_290] : memref<40x64xi32, #tpu.memory_space<vmem>> -> memref<1x64xi32, #tpu.memory_space<vmem>>
        %dma_wait3A_292 = tpu.memref_squeeze %dma_wait3A_291 : memref<1x64xi32, #tpu.memory_space<vmem>> -> memref<64xi32, #tpu.memory_space<vmem>>
        %dma_wait3A_293 = arith.constant 0 : i32
        %dma_wait3A_294 = arith.constant 0 : i32
        %dma_wait3A_295 = tpu.memref_slice %arg12[%dma_wait3A_293, %dma_wait3A_294] : memref<10240x128xf32, #tpu.memory_space<vmem_shared>> -> memref<10240x128xf32, #tpu.memory_space<vmem_shared>>
        tpu.wait_indirect_dma semaphore(%arg19 : memref<!tpu.dma_semaphore, #tpu.memory_space<semaphore_mem>>) src(%arg10 : memref<64x128xf32, #tpu.memory_space<vmem>>) dst(%dma_wait3A_295 : memref<10240x128xf32, #tpu.memory_space<vmem_shared>>)
        %add3A_296 = arith.constant 4 : i32
        %add3A_297 = arith.addi %mul3A_187, %add3A_296 : i32
        %add3A_298 = arith.constant 2 : i32
        %add3A_299 = arith.addi %add3A_297, %add3A_298 : i32
        %dma_start3A_300 = arith.constant 0 : i32
        %dma_start3A_301 = tpu.memref_slice %arg6[%add3A_299, %dma_start3A_300] : memref<40x64xi32, #tpu.memory_space<vmem>> -> memref<1x64xi32, #tpu.memory_space<vmem>>
        %dma_start3A_302 = tpu.memref_squeeze %dma_start3A_301 : memref<1x64xi32, #tpu.memory_space<vmem>> -> memref<64xi32, #tpu.memory_space<vmem>>
        %dma_start3A_303 = arith.constant 0 : i32
        %dma_start3A_304 = arith.constant 0 : i32
        %dma_start3A_305 = tpu.memref_slice %arg2[%dma_start3A_303, %dma_start3A_304] : memref<10240x128xf32, #tpu.memory_space<hbm>> -> memref<10240x128xf32, #tpu.memory_space<hbm>>
        tpu.enqueue_indirect_dma source(%dma_start3A_305 : memref<10240x128xf32, #tpu.memory_space<hbm>>) target(%arg10 : memref<64x128xf32, #tpu.memory_space<vmem>>) offsets(%dma_start3A_302 : memref<64xi32, #tpu.memory_space<vmem>>) semaphore(%arg15 : memref<!tpu.dma_semaphore, #tpu.memory_space<semaphore_mem>>)
        %add3A_306 = arith.constant 3 : i32
        %add3A_307 = arith.addi %mul3A_187, %add3A_306 : i32
        %dma_wait3A_308 = arith.constant 0 : i32
        %dma_wait3A_309 = tpu.memref_slice %arg7[%add3A_307, %dma_wait3A_308] : memref<40x64xi32, #tpu.memory_space<vmem>> -> memref<1x64xi32, #tpu.memory_space<vmem>>
        %dma_wait3A_310 = tpu.memref_squeeze %dma_wait3A_309 : memref<1x64xi32, #tpu.memory_space<vmem>> -> memref<64xi32, #tpu.memory_space<vmem>>
        %dma_wait3A_311 = arith.constant 0 : i32
        %dma_wait3A_312 = arith.constant 0 : i32
        %dma_wait3A_313 = tpu.memref_slice %arg12[%dma_wait3A_311, %dma_wait3A_312] : memref<10240x128xf32, #tpu.memory_space<vmem_shared>> -> memref<10240x128xf32, #tpu.memory_space<vmem_shared>>
        tpu.wait_indirect_dma semaphore(%arg20 : memref<!tpu.dma_semaphore, #tpu.memory_space<semaphore_mem>>) src(%arg11 : memref<64x128xf32, #tpu.memory_space<vmem>>) dst(%dma_wait3A_313 : memref<10240x128xf32, #tpu.memory_space<vmem_shared>>)
        %add3A_314 = arith.constant 4 : i32
        %add3A_315 = arith.addi %mul3A_187, %add3A_314 : i32
        %add3A_316 = arith.constant 3 : i32
        %add3A_317 = arith.addi %add3A_315, %add3A_316 : i32
        %dma_start3A_318 = arith.constant 0 : i32
        %dma_start3A_319 = tpu.memref_slice %arg6[%add3A_317, %dma_start3A_318] : memref<40x64xi32, #tpu.memory_space<vmem>> -> memref<1x64xi32, #tpu.memory_space<vmem>>
        %dma_start3A_320 = tpu.memref_squeeze %dma_start3A_319 : memref<1x64xi32, #tpu.memory_space<vmem>> -> memref<64xi32, #tpu.memory_space<vmem>>
        %dma_start3A_321 = arith.constant 0 : i32
        %dma_start3A_322 = arith.constant 0 : i32
        %dma_start3A_323 = tpu.memref_slice %arg2[%dma_start3A_321, %dma_start3A_322] : memref<10240x128xf32, #tpu.memory_space<hbm>> -> memref<10240x128xf32, #tpu.memory_space<hbm>>
        tpu.enqueue_indirect_dma source(%dma_start3A_323 : memref<10240x128xf32, #tpu.memory_space<hbm>>) target(%arg11 : memref<64x128xf32, #tpu.memory_space<vmem>>) offsets(%dma_start3A_320 : memref<64xi32, #tpu.memory_space<vmem>>) semaphore(%arg16 : memref<!tpu.dma_semaphore, #tpu.memory_space<semaphore_mem>>)
      }
      %scan3A_101 = arith.constant 9 : i32
      %dma_wait3A = arith.constant 36 : i32
      %dma_wait3A_102 = arith.constant 0 : i32
      %dma_wait3A_103 = tpu.memref_slice %arg6[%dma_wait3A, %dma_wait3A_102] : memref<40x64xi32, #tpu.memory_space<vmem>> -> memref<1x64xi32, #tpu.memory_space<vmem>>
      %dma_wait3A_104 = tpu.memref_squeeze %dma_wait3A_103 : memref<1x64xi32, #tpu.memory_space<vmem>> -> memref<64xi32, #tpu.memory_space<vmem>>
      %dma_wait3A_105 = arith.constant 0 : i32
      %dma_wait3A_106 = arith.constant 0 : i32
      %dma_wait3A_107 = tpu.memref_slice %arg2[%dma_wait3A_105, %dma_wait3A_106] : memref<10240x128xf32, #tpu.memory_space<hbm>> -> memref<10240x128xf32, #tpu.memory_space<hbm>>
      tpu.wait_indirect_dma semaphore(%arg13 : memref<!tpu.dma_semaphore, #tpu.memory_space<semaphore_mem>>) src(%dma_wait3A_107 : memref<10240x128xf32, #tpu.memory_space<hbm>>) dst(%arg8 : memref<64x128xf32, #tpu.memory_space<vmem>>)
      %dma_start3A_108 = arith.constant 36 : i32
      %dma_start3A_109 = arith.constant 0 : i32
      %dma_start3A_110 = tpu.memref_slice %arg7[%dma_start3A_108, %dma_start3A_109] : memref<40x64xi32, #tpu.memory_space<vmem>> -> memref<1x64xi32, #tpu.memory_space<vmem>>
      %dma_start3A_111 = tpu.memref_squeeze %dma_start3A_110 : memref<1x64xi32, #tpu.memory_space<vmem>> -> memref<64xi32, #tpu.memory_space<vmem>>
      %dma_start3A_112 = arith.constant 0 : i32
      %dma_start3A_113 = arith.constant 0 : i32
      %dma_start3A_114 = tpu.memref_slice %arg12[%dma_start3A_112, %dma_start3A_113] : memref<10240x128xf32, #tpu.memory_space<vmem_shared>> -> memref<10240x128xf32, #tpu.memory_space<vmem_shared>>
      tpu.enqueue_indirect_dma source(%arg8 : memref<64x128xf32, #tpu.memory_space<vmem>>) target(%dma_start3A_114 : memref<10240x128xf32, #tpu.memory_space<vmem_shared>>) offsets(%dma_start3A_111 : memref<64xi32, #tpu.memory_space<vmem>>) semaphore(%arg17 : memref<!tpu.dma_semaphore, #tpu.memory_space<semaphore_mem>>) {add = true}
      %dma_wait3A_115 = arith.constant 37 : i32
      %dma_wait3A_116 = arith.constant 0 : i32
      %dma_wait3A_117 = tpu.memref_slice %arg6[%dma_wait3A_115, %dma_wait3A_116] : memref<40x64xi32, #tpu.memory_space<vmem>> -> memref<1x64xi32, #tpu.memory_space<vmem>>
      %dma_wait3A_118 = tpu.memref_squeeze %dma_wait3A_117 : memref<1x64xi32, #tpu.memory_space<vmem>> -> memref<64xi32, #tpu.memory_space<vmem>>
      %dma_wait3A_119 = arith.constant 0 : i32
      %dma_wait3A_120 = arith.constant 0 : i32
      %dma_wait3A_121 = tpu.memref_slice %arg2[%dma_wait3A_119, %dma_wait3A_120] : memref<10240x128xf32, #tpu.memory_space<hbm>> -> memref<10240x128xf32, #tpu.memory_space<hbm>>
      tpu.wait_indirect_dma semaphore(%arg14 : memref<!tpu.dma_semaphore, #tpu.memory_space<semaphore_mem>>) src(%dma_wait3A_121 : memref<10240x128xf32, #tpu.memory_space<hbm>>) dst(%arg9 : memref<64x128xf32, #tpu.memory_space<vmem>>)
      %dma_start3A_122 = arith.constant 37 : i32
      %dma_start3A_123 = arith.constant 0 : i32
      %dma_start3A_124 = tpu.memref_slice %arg7[%dma_start3A_122, %dma_start3A_123] : memref<40x64xi32, #tpu.memory_space<vmem>> -> memref<1x64xi32, #tpu.memory_space<vmem>>
      %dma_start3A_125 = tpu.memref_squeeze %dma_start3A_124 : memref<1x64xi32, #tpu.memory_space<vmem>> -> memref<64xi32, #tpu.memory_space<vmem>>
      %dma_start3A_126 = arith.constant 0 : i32
      %dma_start3A_127 = arith.constant 0 : i32
      %dma_start3A_128 = tpu.memref_slice %arg12[%dma_start3A_126, %dma_start3A_127] : memref<10240x128xf32, #tpu.memory_space<vmem_shared>> -> memref<10240x128xf32, #tpu.memory_space<vmem_shared>>
      tpu.enqueue_indirect_dma source(%arg9 : memref<64x128xf32, #tpu.memory_space<vmem>>) target(%dma_start3A_128 : memref<10240x128xf32, #tpu.memory_space<vmem_shared>>) offsets(%dma_start3A_125 : memref<64xi32, #tpu.memory_space<vmem>>) semaphore(%arg18 : memref<!tpu.dma_semaphore, #tpu.memory_space<semaphore_mem>>) {add = true}
      %dma_wait3A_129 = arith.constant 38 : i32
      %dma_wait3A_130 = arith.constant 0 : i32
      %dma_wait3A_131 = tpu.memref_slice %arg6[%dma_wait3A_129, %dma_wait3A_130] : memref<40x64xi32, #tpu.memory_space<vmem>> -> memref<1x64xi32, #tpu.memory_space<vmem>>
      %dma_wait3A_132 = tpu.memref_squeeze %dma_wait3A_131 : memref<1x64xi32, #tpu.memory_space<vmem>> -> memref<64xi32, #tpu.memory_space<vmem>>
      %dma_wait3A_133 = arith.constant 0 : i32
      %dma_wait3A_134 = arith.constant 0 : i32
      %dma_wait3A_135 = tpu.memref_slice %arg2[%dma_wait3A_133, %dma_wait3A_134] : memref<10240x128xf32, #tpu.memory_space<hbm>> -> memref<10240x128xf32, #tpu.memory_space<hbm>>
      tpu.wait_indirect_dma semaphore(%arg15 : memref<!tpu.dma_semaphore, #tpu.memory_space<semaphore_mem>>) src(%dma_wait3A_135 : memref<10240x128xf32, #tpu.memory_space<hbm>>) dst(%arg10 : memref<64x128xf32, #tpu.memory_space<vmem>>)
      %dma_start3A_136 = arith.constant 38 : i32
      %dma_start3A_137 = arith.constant 0 : i32
      %dma_start3A_138 = tpu.memref_slice %arg7[%dma_start3A_136, %dma_start3A_137] : memref<40x64xi32, #tpu.memory_space<vmem>> -> memref<1x64xi32, #tpu.memory_space<vmem>>
      %dma_start3A_139 = tpu.memref_squeeze %dma_start3A_138 : memref<1x64xi32, #tpu.memory_space<vmem>> -> memref<64xi32, #tpu.memory_space<vmem>>
      %dma_start3A_140 = arith.constant 0 : i32
      %dma_start3A_141 = arith.constant 0 : i32
      %dma_start3A_142 = tpu.memref_slice %arg12[%dma_start3A_140, %dma_start3A_141] : memref<10240x128xf32, #tpu.memory_space<vmem_shared>> -> memref<10240x128xf32, #tpu.memory_space<vmem_shared>>
      tpu.enqueue_indirect_dma source(%arg10 : memref<64x128xf32, #tpu.memory_space<vmem>>) target(%dma_start3A_142 : memref<10240x128xf32, #tpu.memory_space<vmem_shared>>) offsets(%dma_start3A_139 : memref<64xi32, #tpu.memory_space<vmem>>) semaphore(%arg19 : memref<!tpu.dma_semaphore, #tpu.memory_space<semaphore_mem>>) {add = true}
      %dma_wait3A_143 = arith.constant 39 : i32
      %dma_wait3A_144 = arith.constant 0 : i32
      %dma_wait3A_145 = tpu.memref_slice %arg6[%dma_wait3A_143, %dma_wait3A_144] : memref<40x64xi32, #tpu.memory_space<vmem>> -> memref<1x64xi32, #tpu.memory_space<vmem>>
      %dma_wait3A_146 = tpu.memref_squeeze %dma_wait3A_145 : memref<1x64xi32, #tpu.memory_space<vmem>> -> memref<64xi32, #tpu.memory_space<vmem>>
      %dma_wait3A_147 = arith.constant 0 : i32
      %dma_wait3A_148 = arith.constant 0 : i32
      %dma_wait3A_149 = tpu.memref_slice %arg2[%dma_wait3A_147, %dma_wait3A_148] : memref<10240x128xf32, #tpu.memory_space<hbm>> -> memref<10240x128xf32, #tpu.memory_space<hbm>>
      tpu.wait_indirect_dma semaphore(%arg16 : memref<!tpu.dma_semaphore, #tpu.memory_space<semaphore_mem>>) src(%dma_wait3A_149 : memref<10240x128xf32, #tpu.memory_space<hbm>>) dst(%arg11 : memref<64x128xf32, #tpu.memory_space<vmem>>)
      %dma_start3A_150 = arith.constant 39 : i32
      %dma_start3A_151 = arith.constant 0 : i32
      %dma_start3A_152 = tpu.memref_slice %arg7[%dma_start3A_150, %dma_start3A_151] : memref<40x64xi32, #tpu.memory_space<vmem>> -> memref<1x64xi32, #tpu.memory_space<vmem>>
      %dma_start3A_153 = tpu.memref_squeeze %dma_start3A_152 : memref<1x64xi32, #tpu.memory_space<vmem>> -> memref<64xi32, #tpu.memory_space<vmem>>
      %dma_start3A_154 = arith.constant 0 : i32
      %dma_start3A_155 = arith.constant 0 : i32
      %dma_start3A_156 = tpu.memref_slice %arg12[%dma_start3A_154, %dma_start3A_155] : memref<10240x128xf32, #tpu.memory_space<vmem_shared>> -> memref<10240x128xf32, #tpu.memory_space<vmem_shared>>
      tpu.enqueue_indirect_dma source(%arg11 : memref<64x128xf32, #tpu.memory_space<vmem>>) target(%dma_start3A_156 : memref<10240x128xf32, #tpu.memory_space<vmem_shared>>) offsets(%dma_start3A_153 : memref<64xi32, #tpu.memory_space<vmem>>) semaphore(%arg20 : memref<!tpu.dma_semaphore, #tpu.memory_space<semaphore_mem>>) {add = true}
      %dma_wait3A_157 = arith.constant 36 : i32
      %dma_wait3A_158 = arith.constant 0 : i32
      %dma_wait3A_159 = tpu.memref_slice %arg7[%dma_wait3A_157, %dma_wait3A_158] : memref<40x64xi32, #tpu.memory_space<vmem>> -> memref<1x64xi32, #tpu.memory_space<vmem>>
      %dma_wait3A_160 = tpu.memref_squeeze %dma_wait3A_159 : memref<1x64xi32, #tpu.memory_space<vmem>> -> memref<64xi32, #tpu.memory_space<vmem>>
      %dma_wait3A_161 = arith.constant 0 : i32
      %dma_wait3A_162 = arith.constant 0 : i32
      %dma_wait3A_163 = tpu.memref_slice %arg12[%dma_wait3A_161, %dma_wait3A_162] : memref<10240x128xf32, #tpu.memory_space<vmem_shared>> -> memref<10240x128xf32, #tpu.memory_space<vmem_shared>>
      tpu.wait_indirect_dma semaphore(%arg17 : memref<!tpu.dma_semaphore, #tpu.memory_space<semaphore_mem>>) src(%arg8 : memref<64x128xf32, #tpu.memory_space<vmem>>) dst(%dma_wait3A_163 : memref<10240x128xf32, #tpu.memory_space<vmem_shared>>)
      %dma_wait3A_164 = arith.constant 37 : i32
      %dma_wait3A_165 = arith.constant 0 : i32
      %dma_wait3A_166 = tpu.memref_slice %arg7[%dma_wait3A_164, %dma_wait3A_165] : memref<40x64xi32, #tpu.memory_space<vmem>> -> memref<1x64xi32, #tpu.memory_space<vmem>>
      %dma_wait3A_167 = tpu.memref_squeeze %dma_wait3A_166 : memref<1x64xi32, #tpu.memory_space<vmem>> -> memref<64xi32, #tpu.memory_space<vmem>>
      %dma_wait3A_168 = arith.constant 0 : i32
      %dma_wait3A_169 = arith.constant 0 : i32
      %dma_wait3A_170 = tpu.memref_slice %arg12[%dma_wait3A_168, %dma_wait3A_169] : memref<10240x128xf32, #tpu.memory_space<vmem_shared>> -> memref<10240x128xf32, #tpu.memory_space<vmem_shared>>
      tpu.wait_indirect_dma semaphore(%arg18 : memref<!tpu.dma_semaphore, #tpu.memory_space<semaphore_mem>>) src(%arg9 : memref<64x128xf32, #tpu.memory_space<vmem>>) dst(%dma_wait3A_170 : memref<10240x128xf32, #tpu.memory_space<vmem_shared>>)
      %dma_wait3A_171 = arith.constant 38 : i32
      %dma_wait3A_172 = arith.constant 0 : i32
      %dma_wait3A_173 = tpu.memref_slice %arg7[%dma_wait3A_171, %dma_wait3A_172] : memref<40x64xi32, #tpu.memory_space<vmem>> -> memref<1x64xi32, #tpu.memory_space<vmem>>
      %dma_wait3A_174 = tpu.memref_squeeze %dma_wait3A_173 : memref<1x64xi32, #tpu.memory_space<vmem>> -> memref<64xi32, #tpu.memory_space<vmem>>
      %dma_wait3A_175 = arith.constant 0 : i32
      %dma_wait3A_176 = arith.constant 0 : i32
      %dma_wait3A_177 = tpu.memref_slice %arg12[%dma_wait3A_175, %dma_wait3A_176] : memref<10240x128xf32, #tpu.memory_space<vmem_shared>> -> memref<10240x128xf32, #tpu.memory_space<vmem_shared>>
      tpu.wait_indirect_dma semaphore(%arg19 : memref<!tpu.dma_semaphore, #tpu.memory_space<semaphore_mem>>) src(%arg10 : memref<64x128xf32, #tpu.memory_space<vmem>>) dst(%dma_wait3A_177 : memref<10240x128xf32, #tpu.memory_space<vmem_shared>>)
      %dma_wait3A_178 = arith.constant 39 : i32
      %dma_wait3A_179 = arith.constant 0 : i32
      %dma_wait3A_180 = tpu.memref_slice %arg7[%dma_wait3A_178, %dma_wait3A_179] : memref<40x64xi32, #tpu.memory_space<vmem>> -> memref<1x64xi32, #tpu.memory_space<vmem>>
      %dma_wait3A_181 = tpu.memref_squeeze %dma_wait3A_180 : memref<1x64xi32, #tpu.memory_space<vmem>> -> memref<64xi32, #tpu.memory_space<vmem>>
      %dma_wait3A_182 = arith.constant 0 : i32
      %dma_wait3A_183 = arith.constant 0 : i32
      %dma_wait3A_184 = tpu.memref_slice %arg12[%dma_wait3A_182, %dma_wait3A_183] : memref<10240x128xf32, #tpu.memory_space<vmem_shared>> -> memref<10240x128xf32, #tpu.memory_space<vmem_shared>>
      tpu.wait_indirect_dma semaphore(%arg20 : memref<!tpu.dma_semaphore, #tpu.memory_space<semaphore_mem>>) src(%arg11 : memref<64x128xf32, #tpu.memory_space<vmem>>) dst(%dma_wait3A_184 : memref<10240x128xf32, #tpu.memory_space<vmem_shared>>)
    }
    %while3A_60 = arith.constant 1 : i32
    scf.for %while3A_66 = %while3A_58 to %while3A_54 step %while3A_60  : i32 {
      %mul3A_67 = arith.constant 40 : i32
      %mul3A_68 = arith.muli %while3A_66, %mul3A_67 : i32
      %add3A_69 = arith.addi %select_n3A, %mul3A_68 : i32
      "tpu.region"() ({
        %run_scoped3A = tpu.sem_alloc : memref<!tpu.dma_semaphore, #tpu.memory_space<semaphore_mem>>
        %dma_start3A_185 = arith.constant 0 : i32
        %dma_start3A_186 = tpu.memref_slice %arg3[%add3A_69, %dma_start3A_185] : memref<5120x64xi32, #tpu.memory_space<hbm>> -> memref<40x64xi32, #tpu.memory_space<hbm>>
        %dma_start3A_187 = arith.constant 0 : i32
        %dma_start3A_188 = tpu.memref_slice %arg3[%add3A_69, %dma_start3A_187] : memref<5120x64xi32, #tpu.memory_space<hbm>> -> memref<40x64xi32, #tpu.memory_space<hbm>>
        tpu.enqueue_dma source(%dma_start3A_188 : memref<40x64xi32, #tpu.memory_space<hbm>>) target(%arg6 : memref<40x64xi32, #tpu.memory_space<vmem>>) target_semaphore(%run_scoped3A : memref<!tpu.dma_semaphore, #tpu.memory_space<semaphore_mem>>)
        %dma_wait3A_189 = arith.constant 0 : i32
        %dma_wait3A_190 = tpu.memref_slice %arg3[%add3A_69, %dma_wait3A_189] : memref<5120x64xi32, #tpu.memory_space<hbm>> -> memref<40x64xi32, #tpu.memory_space<hbm>>
        %dma_wait3A_191 = arith.constant 0 : i32
        %dma_wait3A_192 = tpu.memref_slice %arg3[%add3A_69, %dma_wait3A_191] : memref<5120x64xi32, #tpu.memory_space<hbm>> -> memref<40x64xi32, #tpu.memory_space<hbm>>
        tpu.wait_dma2 semaphore(%run_scoped3A : memref<!tpu.dma_semaphore, #tpu.memory_space<semaphore_mem>>) src(%dma_wait3A_192 : memref<40x64xi32, #tpu.memory_space<hbm>>) dst(%arg6 : memref<40x64xi32, #tpu.memory_space<vmem>>)
        tpu.yield
      }) : () -> ()
      "tpu.region"() ({
        %run_scoped3A = tpu.sem_alloc : memref<!tpu.dma_semaphore, #tpu.memory_space<semaphore_mem>>
        %dma_start3A_185 = arith.constant 0 : i32
        %dma_start3A_186 = tpu.memref_slice %arg4[%add3A_69, %dma_start3A_185] : memref<5120x64xi32, #tpu.memory_space<hbm>> -> memref<40x64xi32, #tpu.memory_space<hbm>>
        %dma_start3A_187 = arith.constant 0 : i32
        %dma_start3A_188 = tpu.memref_slice %arg4[%add3A_69, %dma_start3A_187] : memref<5120x64xi32, #tpu.memory_space<hbm>> -> memref<40x64xi32, #tpu.memory_space<hbm>>
        tpu.enqueue_dma source(%dma_start3A_188 : memref<40x64xi32, #tpu.memory_space<hbm>>) target(%arg7 : memref<40x64xi32, #tpu.memory_space<vmem>>) target_semaphore(%run_scoped3A : memref<!tpu.dma_semaphore, #tpu.memory_space<semaphore_mem>>)
        %dma_wait3A_189 = arith.constant 0 : i32
        %dma_wait3A_190 = tpu.memref_slice %arg4[%add3A_69, %dma_wait3A_189] : memref<5120x64xi32, #tpu.memory_space<hbm>> -> memref<40x64xi32, #tpu.memory_space<hbm>>
        %dma_wait3A_191 = arith.constant 0 : i32
        %dma_wait3A_192 = tpu.memref_slice %arg4[%add3A_69, %dma_wait3A_191] : memref<5120x64xi32, #tpu.memory_space<hbm>> -> memref<40x64xi32, #tpu.memory_space<hbm>>
        tpu.wait_dma2 semaphore(%run_scoped3A : memref<!tpu.dma_semaphore, #tpu.memory_space<semaphore_mem>>) src(%dma_wait3A_192 : memref<40x64xi32, #tpu.memory_space<hbm>>) dst(%arg7 : memref<40x64xi32, #tpu.memory_space<vmem>>)
        tpu.yield
      }) : () -> ()
      %dma_start3A = arith.constant 0 : i32
      %dma_start3A_70 = arith.constant 0 : i32
      %dma_start3A_71 = tpu.memref_slice %arg6[%dma_start3A, %dma_start3A_70] : memref<40x64xi32, #tpu.memory_space<vmem>> -> memref<1x64xi32, #tpu.memory_space<vmem>>
      %dma_start3A_72 = tpu.memref_squeeze %dma_start3A_71 : memref<1x64xi32, #tpu.memory_space<vmem>> -> memref<64xi32, #tpu.memory_space<vmem>>
      %dma_start3A_73 = arith.constant 0 : i32
      %dma_start3A_74 = arith.constant 0 : i32
      %dma_start3A_75 = tpu.memref_slice %arg2[%dma_start3A_73, %dma_start3A_74] : memref<10240x128xf32, #tpu.memory_space<hbm>> -> memref<10240x128xf32, #tpu.memory_space<hbm>>
      tpu.enqueue_indirect_dma source(%dma_start3A_75 : memref<10240x128xf32, #tpu.memory_space<hbm>>) target(%arg8 : memref<64x128xf32, #tpu.memory_space<vmem>>) offsets(%dma_start3A_72 : memref<64xi32, #tpu.memory_space<vmem>>) semaphore(%arg13 : memref<!tpu.dma_semaphore, #tpu.memory_space<semaphore_mem>>)
      %dma_start3A_76 = arith.constant 1 : i32
      %dma_start3A_77 = arith.constant 0 : i32
      %dma_start3A_78 = tpu.memref_slice %arg6[%dma_start3A_76, %dma_start3A_77] : memref<40x64xi32, #tpu.memory_space<vmem>> -> memref<1x64xi32, #tpu.memory_space<vmem>>
      %dma_start3A_79 = tpu.memref_squeeze %dma_start3A_78 : memref<1x64xi32, #tpu.memory_space<vmem>> -> memref<64xi32, #tpu.memory_space<vmem>>
      %dma_start3A_80 = arith.constant 0 : i32
      %dma_start3A_81 = arith.constant 0 : i32
      %dma_start3A_82 = tpu.memref_slice %arg2[%dma_start3A_80, %dma_start3A_81] : memref<10240x128xf32, #tpu.memory_space<hbm>> -> memref<10240x128xf32, #tpu.memory_space<hbm>>
      tpu.enqueue_indirect_dma source(%dma_start3A_82 : memref<10240x128xf32, #tpu.memory_space<hbm>>) target(%arg9 : memref<64x128xf32, #tpu.memory_space<vmem>>) offsets(%dma_start3A_79 : memref<64xi32, #tpu.memory_space<vmem>>) semaphore(%arg14 : memref<!tpu.dma_semaphore, #tpu.memory_space<semaphore_mem>>)
      %dma_start3A_83 = arith.constant 2 : i32
      %dma_start3A_84 = arith.constant 0 : i32
      %dma_start3A_85 = tpu.memref_slice %arg6[%dma_start3A_83, %dma_start3A_84] : memref<40x64xi32, #tpu.memory_space<vmem>> -> memref<1x64xi32, #tpu.memory_space<vmem>>
      %dma_start3A_86 = tpu.memref_squeeze %dma_start3A_85 : memref<1x64xi32, #tpu.memory_space<vmem>> -> memref<64xi32, #tpu.memory_space<vmem>>
      %dma_start3A_87 = arith.constant 0 : i32
      %dma_start3A_88 = arith.constant 0 : i32
      %dma_start3A_89 = tpu.memref_slice %arg2[%dma_start3A_87, %dma_start3A_88] : memref<10240x128xf32, #tpu.memory_space<hbm>> -> memref<10240x128xf32, #tpu.memory_space<hbm>>
      tpu.enqueue_indirect_dma source(%dma_start3A_89 : memref<10240x128xf32, #tpu.memory_space<hbm>>) target(%arg10 : memref<64x128xf32, #tpu.memory_space<vmem>>) offsets(%dma_start3A_86 : memref<64xi32, #tpu.memory_space<vmem>>) semaphore(%arg15 : memref<!tpu.dma_semaphore, #tpu.memory_space<semaphore_mem>>)
      %dma_start3A_90 = arith.constant 3 : i32
      %dma_start3A_91 = arith.constant 0 : i32
      %dma_start3A_92 = tpu.memref_slice %arg6[%dma_start3A_90, %dma_start3A_91] : memref<40x64xi32, #tpu.memory_space<vmem>> -> memref<1x64xi32, #tpu.memory_space<vmem>>
      %dma_start3A_93 = tpu.memref_squeeze %dma_start3A_92 : memref<1x64xi32, #tpu.memory_space<vmem>> -> memref<64xi32, #tpu.memory_space<vmem>>
      %dma_start3A_94 = arith.constant 0 : i32
      %dma_start3A_95 = arith.constant 0 : i32
      %dma_start3A_96 = tpu.memref_slice %arg2[%dma_start3A_94, %dma_start3A_95] : memref<10240x128xf32, #tpu.memory_space<hbm>> -> memref<10240x128xf32, #tpu.memory_space<hbm>>
      tpu.enqueue_indirect_dma source(%dma_start3A_96 : memref<10240x128xf32, #tpu.memory_space<hbm>>) target(%arg11 : memref<64x128xf32, #tpu.memory_space<vmem>>) offsets(%dma_start3A_93 : memref<64xi32, #tpu.memory_space<vmem>>) semaphore(%arg16 : memref<!tpu.dma_semaphore, #tpu.memory_space<semaphore_mem>>)
      %scan3A = arith.constant 0 : i32
      %scan3A_97 = arith.constant 0 : i32
      %scan3A_98 = arith.constant 9 : i32
      %scan3A_99 = arith.addi %scan3A_97, %scan3A_98 : i32
      %scan3A_100 = arith.constant 1 : i32
      scf.for %scan3A_185 = %scan3A_97 to %scan3A_99 step %scan3A_100  : i32 {
        %mul3A_186 = arith.constant 4 : i32
        %mul3A_187 = arith.muli %mul3A_186, %scan3A_185 : i32
        %add3A_188 = arith.constant 0 : i32
        %add3A_189 = arith.addi %mul3A_187, %add3A_188 : i32
        %dma_wait3A_190 = arith.constant 0 : i32
        %dma_wait3A_191 = tpu.memref_slice %arg6[%add3A_189, %dma_wait3A_190] : memref<40x64xi32, #tpu.memory_space<vmem>> -> memref<1x64xi32, #tpu.memory_space<vmem>>
        %dma_wait3A_192 = tpu.memref_squeeze %dma_wait3A_191 : memref<1x64xi32, #tpu.memory_space<vmem>> -> memref<64xi32, #tpu.memory_space<vmem>>
        %dma_wait3A_193 = arith.constant 0 : i32
        %dma_wait3A_194 = arith.constant 0 : i32
        %dma_wait3A_195 = tpu.memref_slice %arg2[%dma_wait3A_193, %dma_wait3A_194] : memref<10240x128xf32, #tpu.memory_space<hbm>> -> memref<10240x128xf32, #tpu.memory_space<hbm>>
        tpu.wait_indirect_dma semaphore(%arg13 : memref<!tpu.dma_semaphore, #tpu.memory_space<semaphore_mem>>) src(%dma_wait3A_195 : memref<10240x128xf32, #tpu.memory_space<hbm>>) dst(%arg8 : memref<64x128xf32, #tpu.memory_space<vmem>>)
        %add3A_196 = arith.constant 0 : i32
        %add3A_197 = arith.addi %mul3A_187, %add3A_196 : i32
        %dma_start3A_198 = arith.constant 0 : i32
        %dma_start3A_199 = tpu.memref_slice %arg7[%add3A_197, %dma_start3A_198] : memref<40x64xi32, #tpu.memory_space<vmem>> -> memref<1x64xi32, #tpu.memory_space<vmem>>
        %dma_start3A_200 = tpu.memref_squeeze %dma_start3A_199 : memref<1x64xi32, #tpu.memory_space<vmem>> -> memref<64xi32, #tpu.memory_space<vmem>>
        %dma_start3A_201 = arith.constant 0 : i32
        %dma_start3A_202 = arith.constant 0 : i32
        %dma_start3A_203 = tpu.memref_slice %arg12[%dma_start3A_201, %dma_start3A_202] : memref<10240x128xf32, #tpu.memory_space<vmem_shared>> -> memref<10240x128xf32, #tpu.memory_space<vmem_shared>>
        tpu.enqueue_indirect_dma source(%arg8 : memref<64x128xf32, #tpu.memory_space<vmem>>) target(%dma_start3A_203 : memref<10240x128xf32, #tpu.memory_space<vmem_shared>>) offsets(%dma_start3A_200 : memref<64xi32, #tpu.memory_space<vmem>>) semaphore(%arg17 : memref<!tpu.dma_semaphore, #tpu.memory_space<semaphore_mem>>) {add = true}
        %add3A_204 = arith.constant 1 : i32
        %add3A_205 = arith.addi %mul3A_187, %add3A_204 : i32
        %dma_wait3A_206 = arith.constant 0 : i32
        %dma_wait3A_207 = tpu.memref_slice %arg6[%add3A_205, %dma_wait3A_206] : memref<40x64xi32, #tpu.memory_space<vmem>> -> memref<1x64xi32, #tpu.memory_space<vmem>>
        %dma_wait3A_208 = tpu.memref_squeeze %dma_wait3A_207 : memref<1x64xi32, #tpu.memory_space<vmem>> -> memref<64xi32, #tpu.memory_space<vmem>>
        %dma_wait3A_209 = arith.constant 0 : i32
        %dma_wait3A_210 = arith.constant 0 : i32
        %dma_wait3A_211 = tpu.memref_slice %arg2[%dma_wait3A_209, %dma_wait3A_210] : memref<10240x128xf32, #tpu.memory_space<hbm>> -> memref<10240x128xf32, #tpu.memory_space<hbm>>
        tpu.wait_indirect_dma semaphore(%arg14 : memref<!tpu.dma_semaphore, #tpu.memory_space<semaphore_mem>>) src(%dma_wait3A_211 : memref<10240x128xf32, #tpu.memory_space<hbm>>) dst(%arg9 : memref<64x128xf32, #tpu.memory_space<vmem>>)
        %add3A_212 = arith.constant 1 : i32
        %add3A_213 = arith.addi %mul3A_187, %add3A_212 : i32
        %dma_start3A_214 = arith.constant 0 : i32
        %dma_start3A_215 = tpu.memref_slice %arg7[%add3A_213, %dma_start3A_214] : memref<40x64xi32, #tpu.memory_space<vmem>> -> memref<1x64xi32, #tpu.memory_space<vmem>>
        %dma_start3A_216 = tpu.memref_squeeze %dma_start3A_215 : memref<1x64xi32, #tpu.memory_space<vmem>> -> memref<64xi32, #tpu.memory_space<vmem>>
        %dma_start3A_217 = arith.constant 0 : i32
        %dma_start3A_218 = arith.constant 0 : i32
        %dma_start3A_219 = tpu.memref_slice %arg12[%dma_start3A_217, %dma_start3A_218] : memref<10240x128xf32, #tpu.memory_space<vmem_shared>> -> memref<10240x128xf32, #tpu.memory_space<vmem_shared>>
        tpu.enqueue_indirect_dma source(%arg9 : memref<64x128xf32, #tpu.memory_space<vmem>>) target(%dma_start3A_219 : memref<10240x128xf32, #tpu.memory_space<vmem_shared>>) offsets(%dma_start3A_216 : memref<64xi32, #tpu.memory_space<vmem>>) semaphore(%arg18 : memref<!tpu.dma_semaphore, #tpu.memory_space<semaphore_mem>>) {add = true}
        %add3A_220 = arith.constant 2 : i32
        %add3A_221 = arith.addi %mul3A_187, %add3A_220 : i32
        %dma_wait3A_222 = arith.constant 0 : i32
        %dma_wait3A_223 = tpu.memref_slice %arg6[%add3A_221, %dma_wait3A_222] : memref<40x64xi32, #tpu.memory_space<vmem>> -> memref<1x64xi32, #tpu.memory_space<vmem>>
        %dma_wait3A_224 = tpu.memref_squeeze %dma_wait3A_223 : memref<1x64xi32, #tpu.memory_space<vmem>> -> memref<64xi32, #tpu.memory_space<vmem>>
        %dma_wait3A_225 = arith.constant 0 : i32
        %dma_wait3A_226 = arith.constant 0 : i32
        %dma_wait3A_227 = tpu.memref_slice %arg2[%dma_wait3A_225, %dma_wait3A_226] : memref<10240x128xf32, #tpu.memory_space<hbm>> -> memref<10240x128xf32, #tpu.memory_space<hbm>>
        tpu.wait_indirect_dma semaphore(%arg15 : memref<!tpu.dma_semaphore, #tpu.memory_space<semaphore_mem>>) src(%dma_wait3A_227 : memref<10240x128xf32, #tpu.memory_space<hbm>>) dst(%arg10 : memref<64x128xf32, #tpu.memory_space<vmem>>)
        %add3A_228 = arith.constant 2 : i32
        %add3A_229 = arith.addi %mul3A_187, %add3A_228 : i32
        %dma_start3A_230 = arith.constant 0 : i32
        %dma_start3A_231 = tpu.memref_slice %arg7[%add3A_229, %dma_start3A_230] : memref<40x64xi32, #tpu.memory_space<vmem>> -> memref<1x64xi32, #tpu.memory_space<vmem>>
        %dma_start3A_232 = tpu.memref_squeeze %dma_start3A_231 : memref<1x64xi32, #tpu.memory_space<vmem>> -> memref<64xi32, #tpu.memory_space<vmem>>
        %dma_start3A_233 = arith.constant 0 : i32
        %dma_start3A_234 = arith.constant 0 : i32
        %dma_start3A_235 = tpu.memref_slice %arg12[%dma_start3A_233, %dma_start3A_234] : memref<10240x128xf32, #tpu.memory_space<vmem_shared>> -> memref<10240x128xf32, #tpu.memory_space<vmem_shared>>
        tpu.enqueue_indirect_dma source(%arg10 : memref<64x128xf32, #tpu.memory_space<vmem>>) target(%dma_start3A_235 : memref<10240x128xf32, #tpu.memory_space<vmem_shared>>) offsets(%dma_start3A_232 : memref<64xi32, #tpu.memory_space<vmem>>) semaphore(%arg19 : memref<!tpu.dma_semaphore, #tpu.memory_space<semaphore_mem>>) {add = true}
        %add3A_236 = arith.constant 3 : i32
        %add3A_237 = arith.addi %mul3A_187, %add3A_236 : i32
        %dma_wait3A_238 = arith.constant 0 : i32
        %dma_wait3A_239 = tpu.memref_slice %arg6[%add3A_237, %dma_wait3A_238] : memref<40x64xi32, #tpu.memory_space<vmem>> -> memref<1x64xi32, #tpu.memory_space<vmem>>
        %dma_wait3A_240 = tpu.memref_squeeze %dma_wait3A_239 : memref<1x64xi32, #tpu.memory_space<vmem>> -> memref<64xi32, #tpu.memory_space<vmem>>
        %dma_wait3A_241 = arith.constant 0 : i32
        %dma_wait3A_242 = arith.constant 0 : i32
        %dma_wait3A_243 = tpu.memref_slice %arg2[%dma_wait3A_241, %dma_wait3A_242] : memref<10240x128xf32, #tpu.memory_space<hbm>> -> memref<10240x128xf32, #tpu.memory_space<hbm>>
        tpu.wait_indirect_dma semaphore(%arg16 : memref<!tpu.dma_semaphore, #tpu.memory_space<semaphore_mem>>) src(%dma_wait3A_243 : memref<10240x128xf32, #tpu.memory_space<hbm>>) dst(%arg11 : memref<64x128xf32, #tpu.memory_space<vmem>>)
        %add3A_244 = arith.constant 3 : i32
        %add3A_245 = arith.addi %mul3A_187, %add3A_244 : i32
        %dma_start3A_246 = arith.constant 0 : i32
        %dma_start3A_247 = tpu.memref_slice %arg7[%add3A_245, %dma_start3A_246] : memref<40x64xi32, #tpu.memory_space<vmem>> -> memref<1x64xi32, #tpu.memory_space<vmem>>
        %dma_start3A_248 = tpu.memref_squeeze %dma_start3A_247 : memref<1x64xi32, #tpu.memory_space<vmem>> -> memref<64xi32, #tpu.memory_space<vmem>>
        %dma_start3A_249 = arith.constant 0 : i32
        %dma_start3A_250 = arith.constant 0 : i32
        %dma_start3A_251 = tpu.memref_slice %arg12[%dma_start3A_249, %dma_start3A_250] : memref<10240x128xf32, #tpu.memory_space<vmem_shared>> -> memref<10240x128xf32, #tpu.memory_space<vmem_shared>>
        tpu.enqueue_indirect_dma source(%arg11 : memref<64x128xf32, #tpu.memory_space<vmem>>) target(%dma_start3A_251 : memref<10240x128xf32, #tpu.memory_space<vmem_shared>>) offsets(%dma_start3A_248 : memref<64xi32, #tpu.memory_space<vmem>>) semaphore(%arg20 : memref<!tpu.dma_semaphore, #tpu.memory_space<semaphore_mem>>) {add = true}
        %add3A_252 = arith.constant 0 : i32
        %add3A_253 = arith.addi %mul3A_187, %add3A_252 : i32
        %dma_wait3A_254 = arith.constant 0 : i32
        %dma_wait3A_255 = tpu.memref_slice %arg7[%add3A_253, %dma_wait3A_254] : memref<40x64xi32, #tpu.memory_space<vmem>> -> memref<1x64xi32, #tpu.memory_space<vmem>>
        %dma_wait3A_256 = tpu.memref_squeeze %dma_wait3A_255 : memref<1x64xi32, #tpu.memory_space<vmem>> -> memref<64xi32, #tpu.memory_space<vmem>>
        %dma_wait3A_257 = arith.constant 0 : i32
        %dma_wait3A_258 = arith.constant 0 : i32
        %dma_wait3A_259 = tpu.memref_slice %arg12[%dma_wait3A_257, %dma_wait3A_258] : memref<10240x128xf32, #tpu.memory_space<vmem_shared>> -> memref<10240x128xf32, #tpu.memory_space<vmem_shared>>
        tpu.wait_indirect_dma semaphore(%arg17 : memref<!tpu.dma_semaphore, #tpu.memory_space<semaphore_mem>>) src(%arg8 : memref<64x128xf32, #tpu.memory_space<vmem>>) dst(%dma_wait3A_259 : memref<10240x128xf32, #tpu.memory_space<vmem_shared>>)
        %add3A_260 = arith.constant 4 : i32
        %add3A_261 = arith.addi %mul3A_187, %add3A_260 : i32
        %add3A_262 = arith.constant 0 : i32
        %add3A_263 = arith.addi %add3A_261, %add3A_262 : i32
        %dma_start3A_264 = arith.constant 0 : i32
        %dma_start3A_265 = tpu.memref_slice %arg6[%add3A_263, %dma_start3A_264] : memref<40x64xi32, #tpu.memory_space<vmem>> -> memref<1x64xi32, #tpu.memory_space<vmem>>
        %dma_start3A_266 = tpu.memref_squeeze %dma_start3A_265 : memref<1x64xi32, #tpu.memory_space<vmem>> -> memref<64xi32, #tpu.memory_space<vmem>>
        %dma_start3A_267 = arith.constant 0 : i32
        %dma_start3A_268 = arith.constant 0 : i32
        %dma_start3A_269 = tpu.memref_slice %arg2[%dma_start3A_267, %dma_start3A_268] : memref<10240x128xf32, #tpu.memory_space<hbm>> -> memref<10240x128xf32, #tpu.memory_space<hbm>>
        tpu.enqueue_indirect_dma source(%dma_start3A_269 : memref<10240x128xf32, #tpu.memory_space<hbm>>) target(%arg8 : memref<64x128xf32, #tpu.memory_space<vmem>>) offsets(%dma_start3A_266 : memref<64xi32, #tpu.memory_space<vmem>>) semaphore(%arg13 : memref<!tpu.dma_semaphore, #tpu.memory_space<semaphore_mem>>)
        %add3A_270 = arith.constant 1 : i32
        %add3A_271 = arith.addi %mul3A_187, %add3A_270 : i32
        %dma_wait3A_272 = arith.constant 0 : i32
        %dma_wait3A_273 = tpu.memref_slice %arg7[%add3A_271, %dma_wait3A_272] : memref<40x64xi32, #tpu.memory_space<vmem>> -> memref<1x64xi32, #tpu.memory_space<vmem>>
        %dma_wait3A_274 = tpu.memref_squeeze %dma_wait3A_273 : memref<1x64xi32, #tpu.memory_space<vmem>> -> memref<64xi32, #tpu.memory_space<vmem>>
        %dma_wait3A_275 = arith.constant 0 : i32
        %dma_wait3A_276 = arith.constant 0 : i32
        %dma_wait3A_277 = tpu.memref_slice %arg12[%dma_wait3A_275, %dma_wait3A_276] : memref<10240x128xf32, #tpu.memory_space<vmem_shared>> -> memref<10240x128xf32, #tpu.memory_space<vmem_shared>>
        tpu.wait_indirect_dma semaphore(%arg18 : memref<!tpu.dma_semaphore, #tpu.memory_space<semaphore_mem>>) src(%arg9 : memref<64x128xf32, #tpu.memory_space<vmem>>) dst(%dma_wait3A_277 : memref<10240x128xf32, #tpu.memory_space<vmem_shared>>)
        %add3A_278 = arith.constant 4 : i32
        %add3A_279 = arith.addi %mul3A_187, %add3A_278 : i32
        %add3A_280 = arith.constant 1 : i32
        %add3A_281 = arith.addi %add3A_279, %add3A_280 : i32
        %dma_start3A_282 = arith.constant 0 : i32
        %dma_start3A_283 = tpu.memref_slice %arg6[%add3A_281, %dma_start3A_282] : memref<40x64xi32, #tpu.memory_space<vmem>> -> memref<1x64xi32, #tpu.memory_space<vmem>>
        %dma_start3A_284 = tpu.memref_squeeze %dma_start3A_283 : memref<1x64xi32, #tpu.memory_space<vmem>> -> memref<64xi32, #tpu.memory_space<vmem>>
        %dma_start3A_285 = arith.constant 0 : i32
        %dma_start3A_286 = arith.constant 0 : i32
        %dma_start3A_287 = tpu.memref_slice %arg2[%dma_start3A_285, %dma_start3A_286] : memref<10240x128xf32, #tpu.memory_space<hbm>> -> memref<10240x128xf32, #tpu.memory_space<hbm>>
        tpu.enqueue_indirect_dma source(%dma_start3A_287 : memref<10240x128xf32, #tpu.memory_space<hbm>>) target(%arg9 : memref<64x128xf32, #tpu.memory_space<vmem>>) offsets(%dma_start3A_284 : memref<64xi32, #tpu.memory_space<vmem>>) semaphore(%arg14 : memref<!tpu.dma_semaphore, #tpu.memory_space<semaphore_mem>>)
        %add3A_288 = arith.constant 2 : i32
        %add3A_289 = arith.addi %mul3A_187, %add3A_288 : i32
        %dma_wait3A_290 = arith.constant 0 : i32
        %dma_wait3A_291 = tpu.memref_slice %arg7[%add3A_289, %dma_wait3A_290] : memref<40x64xi32, #tpu.memory_space<vmem>> -> memref<1x64xi32, #tpu.memory_space<vmem>>
        %dma_wait3A_292 = tpu.memref_squeeze %dma_wait3A_291 : memref<1x64xi32, #tpu.memory_space<vmem>> -> memref<64xi32, #tpu.memory_space<vmem>>
        %dma_wait3A_293 = arith.constant 0 : i32
        %dma_wait3A_294 = arith.constant 0 : i32
        %dma_wait3A_295 = tpu.memref_slice %arg12[%dma_wait3A_293, %dma_wait3A_294] : memref<10240x128xf32, #tpu.memory_space<vmem_shared>> -> memref<10240x128xf32, #tpu.memory_space<vmem_shared>>
        tpu.wait_indirect_dma semaphore(%arg19 : memref<!tpu.dma_semaphore, #tpu.memory_space<semaphore_mem>>) src(%arg10 : memref<64x128xf32, #tpu.memory_space<vmem>>) dst(%dma_wait3A_295 : memref<10240x128xf32, #tpu.memory_space<vmem_shared>>)
        %add3A_296 = arith.constant 4 : i32
        %add3A_297 = arith.addi %mul3A_187, %add3A_296 : i32
        %add3A_298 = arith.constant 2 : i32
        %add3A_299 = arith.addi %add3A_297, %add3A_298 : i32
        %dma_start3A_300 = arith.constant 0 : i32
        %dma_start3A_301 = tpu.memref_slice %arg6[%add3A_299, %dma_start3A_300] : memref<40x64xi32, #tpu.memory_space<vmem>> -> memref<1x64xi32, #tpu.memory_space<vmem>>
        %dma_start3A_302 = tpu.memref_squeeze %dma_start3A_301 : memref<1x64xi32, #tpu.memory_space<vmem>> -> memref<64xi32, #tpu.memory_space<vmem>>
        %dma_start3A_303 = arith.constant 0 : i32
        %dma_start3A_304 = arith.constant 0 : i32
        %dma_start3A_305 = tpu.memref_slice %arg2[%dma_start3A_303, %dma_start3A_304] : memref<10240x128xf32, #tpu.memory_space<hbm>> -> memref<10240x128xf32, #tpu.memory_space<hbm>>
        tpu.enqueue_indirect_dma source(%dma_start3A_305 : memref<10240x128xf32, #tpu.memory_space<hbm>>) target(%arg10 : memref<64x128xf32, #tpu.memory_space<vmem>>) offsets(%dma_start3A_302 : memref<64xi32, #tpu.memory_space<vmem>>) semaphore(%arg15 : memref<!tpu.dma_semaphore, #tpu.memory_space<semaphore_mem>>)
        %add3A_306 = arith.constant 3 : i32
        %add3A_307 = arith.addi %mul3A_187, %add3A_306 : i32
        %dma_wait3A_308 = arith.constant 0 : i32
        %dma_wait3A_309 = tpu.memref_slice %arg7[%add3A_307, %dma_wait3A_308] : memref<40x64xi32, #tpu.memory_space<vmem>> -> memref<1x64xi32, #tpu.memory_space<vmem>>
        %dma_wait3A_310 = tpu.memref_squeeze %dma_wait3A_309 : memref<1x64xi32, #tpu.memory_space<vmem>> -> memref<64xi32, #tpu.memory_space<vmem>>
        %dma_wait3A_311 = arith.constant 0 : i32
        %dma_wait3A_312 = arith.constant 0 : i32
        %dma_wait3A_313 = tpu.memref_slice %arg12[%dma_wait3A_311, %dma_wait3A_312] : memref<10240x128xf32, #tpu.memory_space<vmem_shared>> -> memref<10240x128xf32, #tpu.memory_space<vmem_shared>>
        tpu.wait_indirect_dma semaphore(%arg20 : memref<!tpu.dma_semaphore, #tpu.memory_space<semaphore_mem>>) src(%arg11 : memref<64x128xf32, #tpu.memory_space<vmem>>) dst(%dma_wait3A_313 : memref<10240x128xf32, #tpu.memory_space<vmem_shared>>)
        %add3A_314 = arith.constant 4 : i32
        %add3A_315 = arith.addi %mul3A_187, %add3A_314 : i32
        %add3A_316 = arith.constant 3 : i32
        %add3A_317 = arith.addi %add3A_315, %add3A_316 : i32
        %dma_start3A_318 = arith.constant 0 : i32
        %dma_start3A_319 = tpu.memref_slice %arg6[%add3A_317, %dma_start3A_318] : memref<40x64xi32, #tpu.memory_space<vmem>> -> memref<1x64xi32, #tpu.memory_space<vmem>>
        %dma_start3A_320 = tpu.memref_squeeze %dma_start3A_319 : memref<1x64xi32, #tpu.memory_space<vmem>> -> memref<64xi32, #tpu.memory_space<vmem>>
        %dma_start3A_321 = arith.constant 0 : i32
        %dma_start3A_322 = arith.constant 0 : i32
        %dma_start3A_323 = tpu.memref_slice %arg2[%dma_start3A_321, %dma_start3A_322] : memref<10240x128xf32, #tpu.memory_space<hbm>> -> memref<10240x128xf32, #tpu.memory_space<hbm>>
        tpu.enqueue_indirect_dma source(%dma_start3A_323 : memref<10240x128xf32, #tpu.memory_space<hbm>>) target(%arg11 : memref<64x128xf32, #tpu.memory_space<vmem>>) offsets(%dma_start3A_320 : memref<64xi32, #tpu.memory_space<vmem>>) semaphore(%arg16 : memref<!tpu.dma_semaphore, #tpu.memory_space<semaphore_mem>>)
      }
      %scan3A_101 = arith.constant 9 : i32
      %dma_wait3A = arith.constant 36 : i32
      %dma_wait3A_102 = arith.constant 0 : i32
      %dma_wait3A_103 = tpu.memref_slice %arg6[%dma_wait3A, %dma_wait3A_102] : memref<40x64xi32, #tpu.memory_space<vmem>> -> memref<1x64xi32, #tpu.memory_space<vmem>>
      %dma_wait3A_104 = tpu.memref_squeeze %dma_wait3A_103 : memref<1x64xi32, #tpu.memory_space<vmem>> -> memref<64xi32, #tpu.memory_space<vmem>>
      %dma_wait3A_105 = arith.constant 0 : i32
      %dma_wait3A_106 = arith.constant 0 : i32
      %dma_wait3A_107 = tpu.memref_slice %arg2[%dma_wait3A_105, %dma_wait3A_106] : memref<10240x128xf32, #tpu.memory_space<hbm>> -> memref<10240x128xf32, #tpu.memory_space<hbm>>
      tpu.wait_indirect_dma semaphore(%arg13 : memref<!tpu.dma_semaphore, #tpu.memory_space<semaphore_mem>>) src(%dma_wait3A_107 : memref<10240x128xf32, #tpu.memory_space<hbm>>) dst(%arg8 : memref<64x128xf32, #tpu.memory_space<vmem>>)
      %dma_start3A_108 = arith.constant 36 : i32
      %dma_start3A_109 = arith.constant 0 : i32
      %dma_start3A_110 = tpu.memref_slice %arg7[%dma_start3A_108, %dma_start3A_109] : memref<40x64xi32, #tpu.memory_space<vmem>> -> memref<1x64xi32, #tpu.memory_space<vmem>>
      %dma_start3A_111 = tpu.memref_squeeze %dma_start3A_110 : memref<1x64xi32, #tpu.memory_space<vmem>> -> memref<64xi32, #tpu.memory_space<vmem>>
      %dma_start3A_112 = arith.constant 0 : i32
      %dma_start3A_113 = arith.constant 0 : i32
      %dma_start3A_114 = tpu.memref_slice %arg12[%dma_start3A_112, %dma_start3A_113] : memref<10240x128xf32, #tpu.memory_space<vmem_shared>> -> memref<10240x128xf32, #tpu.memory_space<vmem_shared>>
      tpu.enqueue_indirect_dma source(%arg8 : memref<64x128xf32, #tpu.memory_space<vmem>>) target(%dma_start3A_114 : memref<10240x128xf32, #tpu.memory_space<vmem_shared>>) offsets(%dma_start3A_111 : memref<64xi32, #tpu.memory_space<vmem>>) semaphore(%arg17 : memref<!tpu.dma_semaphore, #tpu.memory_space<semaphore_mem>>) {add = true}
      %dma_wait3A_115 = arith.constant 37 : i32
      %dma_wait3A_116 = arith.constant 0 : i32
      %dma_wait3A_117 = tpu.memref_slice %arg6[%dma_wait3A_115, %dma_wait3A_116] : memref<40x64xi32, #tpu.memory_space<vmem>> -> memref<1x64xi32, #tpu.memory_space<vmem>>
      %dma_wait3A_118 = tpu.memref_squeeze %dma_wait3A_117 : memref<1x64xi32, #tpu.memory_space<vmem>> -> memref<64xi32, #tpu.memory_space<vmem>>
      %dma_wait3A_119 = arith.constant 0 : i32
      %dma_wait3A_120 = arith.constant 0 : i32
      %dma_wait3A_121 = tpu.memref_slice %arg2[%dma_wait3A_119, %dma_wait3A_120] : memref<10240x128xf32, #tpu.memory_space<hbm>> -> memref<10240x128xf32, #tpu.memory_space<hbm>>
      tpu.wait_indirect_dma semaphore(%arg14 : memref<!tpu.dma_semaphore, #tpu.memory_space<semaphore_mem>>) src(%dma_wait3A_121 : memref<10240x128xf32, #tpu.memory_space<hbm>>) dst(%arg9 : memref<64x128xf32, #tpu.memory_space<vmem>>)
      %dma_start3A_122 = arith.constant 37 : i32
      %dma_start3A_123 = arith.constant 0 : i32
      %dma_start3A_124 = tpu.memref_slice %arg7[%dma_start3A_122, %dma_start3A_123] : memref<40x64xi32, #tpu.memory_space<vmem>> -> memref<1x64xi32, #tpu.memory_space<vmem>>
      %dma_start3A_125 = tpu.memref_squeeze %dma_start3A_124 : memref<1x64xi32, #tpu.memory_space<vmem>> -> memref<64xi32, #tpu.memory_space<vmem>>
      %dma_start3A_126 = arith.constant 0 : i32
      %dma_start3A_127 = arith.constant 0 : i32
      %dma_start3A_128 = tpu.memref_slice %arg12[%dma_start3A_126, %dma_start3A_127] : memref<10240x128xf32, #tpu.memory_space<vmem_shared>> -> memref<10240x128xf32, #tpu.memory_space<vmem_shared>>
      tpu.enqueue_indirect_dma source(%arg9 : memref<64x128xf32, #tpu.memory_space<vmem>>) target(%dma_start3A_128 : memref<10240x128xf32, #tpu.memory_space<vmem_shared>>) offsets(%dma_start3A_125 : memref<64xi32, #tpu.memory_space<vmem>>) semaphore(%arg18 : memref<!tpu.dma_semaphore, #tpu.memory_space<semaphore_mem>>) {add = true}
      %dma_wait3A_129 = arith.constant 38 : i32
      %dma_wait3A_130 = arith.constant 0 : i32
      %dma_wait3A_131 = tpu.memref_slice %arg6[%dma_wait3A_129, %dma_wait3A_130] : memref<40x64xi32, #tpu.memory_space<vmem>> -> memref<1x64xi32, #tpu.memory_space<vmem>>
      %dma_wait3A_132 = tpu.memref_squeeze %dma_wait3A_131 : memref<1x64xi32, #tpu.memory_space<vmem>> -> memref<64xi32, #tpu.memory_space<vmem>>
      %dma_wait3A_133 = arith.constant 0 : i32
      %dma_wait3A_134 = arith.constant 0 : i32
      %dma_wait3A_135 = tpu.memref_slice %arg2[%dma_wait3A_133, %dma_wait3A_134] : memref<10240x128xf32, #tpu.memory_space<hbm>> -> memref<10240x128xf32, #tpu.memory_space<hbm>>
      tpu.wait_indirect_dma semaphore(%arg15 : memref<!tpu.dma_semaphore, #tpu.memory_space<semaphore_mem>>) src(%dma_wait3A_135 : memref<10240x128xf32, #tpu.memory_space<hbm>>) dst(%arg10 : memref<64x128xf32, #tpu.memory_space<vmem>>)
      %dma_start3A_136 = arith.constant 38 : i32
      %dma_start3A_137 = arith.constant 0 : i32
      %dma_start3A_138 = tpu.memref_slice %arg7[%dma_start3A_136, %dma_start3A_137] : memref<40x64xi32, #tpu.memory_space<vmem>> -> memref<1x64xi32, #tpu.memory_space<vmem>>
      %dma_start3A_139 = tpu.memref_squeeze %dma_start3A_138 : memref<1x64xi32, #tpu.memory_space<vmem>> -> memref<64xi32, #tpu.memory_space<vmem>>
      %dma_start3A_140 = arith.constant 0 : i32
      %dma_start3A_141 = arith.constant 0 : i32
      %dma_start3A_142 = tpu.memref_slice %arg12[%dma_start3A_140, %dma_start3A_141] : memref<10240x128xf32, #tpu.memory_space<vmem_shared>> -> memref<10240x128xf32, #tpu.memory_space<vmem_shared>>
      tpu.enqueue_indirect_dma source(%arg10 : memref<64x128xf32, #tpu.memory_space<vmem>>) target(%dma_start3A_142 : memref<10240x128xf32, #tpu.memory_space<vmem_shared>>) offsets(%dma_start3A_139 : memref<64xi32, #tpu.memory_space<vmem>>) semaphore(%arg19 : memref<!tpu.dma_semaphore, #tpu.memory_space<semaphore_mem>>) {add = true}
      %dma_wait3A_143 = arith.constant 39 : i32
      %dma_wait3A_144 = arith.constant 0 : i32
      %dma_wait3A_145 = tpu.memref_slice %arg6[%dma_wait3A_143, %dma_wait3A_144] : memref<40x64xi32, #tpu.memory_space<vmem>> -> memref<1x64xi32, #tpu.memory_space<vmem>>
      %dma_wait3A_146 = tpu.memref_squeeze %dma_wait3A_145 : memref<1x64xi32, #tpu.memory_space<vmem>> -> memref<64xi32, #tpu.memory_space<vmem>>
      %dma_wait3A_147 = arith.constant 0 : i32
      %dma_wait3A_148 = arith.constant 0 : i32
      %dma_wait3A_149 = tpu.memref_slice %arg2[%dma_wait3A_147, %dma_wait3A_148] : memref<10240x128xf32, #tpu.memory_space<hbm>> -> memref<10240x128xf32, #tpu.memory_space<hbm>>
      tpu.wait_indirect_dma semaphore(%arg16 : memref<!tpu.dma_semaphore, #tpu.memory_space<semaphore_mem>>) src(%dma_wait3A_149 : memref<10240x128xf32, #tpu.memory_space<hbm>>) dst(%arg11 : memref<64x128xf32, #tpu.memory_space<vmem>>)
      %dma_start3A_150 = arith.constant 39 : i32
      %dma_start3A_151 = arith.constant 0 : i32
      %dma_start3A_152 = tpu.memref_slice %arg7[%dma_start3A_150, %dma_start3A_151] : memref<40x64xi32, #tpu.memory_space<vmem>> -> memref<1x64xi32, #tpu.memory_space<vmem>>
      %dma_start3A_153 = tpu.memref_squeeze %dma_start3A_152 : memref<1x64xi32, #tpu.memory_space<vmem>> -> memref<64xi32, #tpu.memory_space<vmem>>
      %dma_start3A_154 = arith.constant 0 : i32
      %dma_start3A_155 = arith.constant 0 : i32
      %dma_start3A_156 = tpu.memref_slice %arg12[%dma_start3A_154, %dma_start3A_155] : memref<10240x128xf32, #tpu.memory_space<vmem_shared>> -> memref<10240x128xf32, #tpu.memory_space<vmem_shared>>
      tpu.enqueue_indirect_dma source(%arg11 : memref<64x128xf32, #tpu.memory_space<vmem>>) target(%dma_start3A_156 : memref<10240x128xf32, #tpu.memory_space<vmem_shared>>) offsets(%dma_start3A_153 : memref<64xi32, #tpu.memory_space<vmem>>) semaphore(%arg20 : memref<!tpu.dma_semaphore, #tpu.memory_space<semaphore_mem>>) {add = true}
      %dma_wait3A_157 = arith.constant 36 : i32
      %dma_wait3A_158 = arith.constant 0 : i32
      %dma_wait3A_159 = tpu.memref_slice %arg7[%dma_wait3A_157, %dma_wait3A_158] : memref<40x64xi32, #tpu.memory_space<vmem>> -> memref<1x64xi32, #tpu.memory_space<vmem>>
      %dma_wait3A_160 = tpu.memref_squeeze %dma_wait3A_159 : memref<1x64xi32, #tpu.memory_space<vmem>> -> memref<64xi32, #tpu.memory_space<vmem>>
      %dma_wait3A_161 = arith.constant 0 : i32
      %dma_wait3A_162 = arith.constant 0 : i32
      %dma_wait3A_163 = tpu.memref_slice %arg12[%dma_wait3A_161, %dma_wait3A_162] : memref<10240x128xf32, #tpu.memory_space<vmem_shared>> -> memref<10240x128xf32, #tpu.memory_space<vmem_shared>>
      tpu.wait_indirect_dma semaphore(%arg17 : memref<!tpu.dma_semaphore, #tpu.memory_space<semaphore_mem>>) src(%arg8 : memref<64x128xf32, #tpu.memory_space<vmem>>) dst(%dma_wait3A_163 : memref<10240x128xf32, #tpu.memory_space<vmem_shared>>)
      %dma_wait3A_164 = arith.constant 37 : i32
      %dma_wait3A_165 = arith.constant 0 : i32
      %dma_wait3A_166 = tpu.memref_slice %arg7[%dma_wait3A_164, %dma_wait3A_165] : memref<40x64xi32, #tpu.memory_space<vmem>> -> memref<1x64xi32, #tpu.memory_space<vmem>>
      %dma_wait3A_167 = tpu.memref_squeeze %dma_wait3A_166 : memref<1x64xi32, #tpu.memory_space<vmem>> -> memref<64xi32, #tpu.memory_space<vmem>>
      %dma_wait3A_168 = arith.constant 0 : i32
      %dma_wait3A_169 = arith.constant 0 : i32
      %dma_wait3A_170 = tpu.memref_slice %arg12[%dma_wait3A_168, %dma_wait3A_169] : memref<10240x128xf32, #tpu.memory_space<vmem_shared>> -> memref<10240x128xf32, #tpu.memory_space<vmem_shared>>
      tpu.wait_indirect_dma semaphore(%arg18 : memref<!tpu.dma_semaphore, #tpu.memory_space<semaphore_mem>>) src(%arg9 : memref<64x128xf32, #tpu.memory_space<vmem>>) dst(%dma_wait3A_170 : memref<10240x128xf32, #tpu.memory_space<vmem_shared>>)
      %dma_wait3A_171 = arith.constant 38 : i32
      %dma_wait3A_172 = arith.constant 0 : i32
      %dma_wait3A_173 = tpu.memref_slice %arg7[%dma_wait3A_171, %dma_wait3A_172] : memref<40x64xi32, #tpu.memory_space<vmem>> -> memref<1x64xi32, #tpu.memory_space<vmem>>
      %dma_wait3A_174 = tpu.memref_squeeze %dma_wait3A_173 : memref<1x64xi32, #tpu.memory_space<vmem>> -> memref<64xi32, #tpu.memory_space<vmem>>
      %dma_wait3A_175 = arith.constant 0 : i32
      %dma_wait3A_176 = arith.constant 0 : i32
      %dma_wait3A_177 = tpu.memref_slice %arg12[%dma_wait3A_175, %dma_wait3A_176] : memref<10240x128xf32, #tpu.memory_space<vmem_shared>> -> memref<10240x128xf32, #tpu.memory_space<vmem_shared>>
      tpu.wait_indirect_dma semaphore(%arg19 : memref<!tpu.dma_semaphore, #tpu.memory_space<semaphore_mem>>) src(%arg10 : memref<64x128xf32, #tpu.memory_space<vmem>>) dst(%dma_wait3A_177 : memref<10240x128xf32, #tpu.memory_space<vmem_shared>>)
      %dma_wait3A_178 = arith.constant 39 : i32
      %dma_wait3A_179 = arith.constant 0 : i32
      %dma_wait3A_180 = tpu.memref_slice %arg7[%dma_wait3A_178, %dma_wait3A_179] : memref<40x64xi32, #tpu.memory_space<vmem>> -> memref<1x64xi32, #tpu.memory_space<vmem>>
      %dma_wait3A_181 = tpu.memref_squeeze %dma_wait3A_180 : memref<1x64xi32, #tpu.memory_space<vmem>> -> memref<64xi32, #tpu.memory_space<vmem>>
      %dma_wait3A_182 = arith.constant 0 : i32
      %dma_wait3A_183 = arith.constant 0 : i32
      %dma_wait3A_184 = tpu.memref_slice %arg12[%dma_wait3A_182, %dma_wait3A_183] : memref<10240x128xf32, #tpu.memory_space<vmem_shared>> -> memref<10240x128xf32, #tpu.memory_space<vmem_shared>>
      tpu.wait_indirect_dma semaphore(%arg20 : memref<!tpu.dma_semaphore, #tpu.memory_space<semaphore_mem>>) src(%arg11 : memref<64x128xf32, #tpu.memory_space<vmem>>) dst(%dma_wait3A_184 : memref<10240x128xf32, #tpu.memory_space<vmem_shared>>)
    }
    %barrier3A_61 = arith.constant 0 : index
    tpu.barrier barrier_id(%barrier3A_61)
    %mul3A_62 = arith.constant 640 : i32
    %mul3A_63 = arith.muli %arg1, %mul3A_62 : i32
    %mul3A_64 = arith.constant 640 : i32
    %mul3A_65 = arith.muli %arg1, %mul3A_64 : i32
    "tpu.region"() ({
      %run_scoped3A = tpu.sem_alloc : memref<!tpu.dma_semaphore, #tpu.memory_space<semaphore_mem>>
      %dma_start3A = arith.constant 0 : i32
      %dma_start3A_66 = tpu.memref_slice %arg5[%arg0, %mul3A_65, %dma_start3A] : memref<2x10240x128xf32, #tpu.memory_space<hbm>> -> memref<1x640x128xf32, #tpu.memory_space<hbm>>
      %dma_start3A_67 = tpu.memref_squeeze %dma_start3A_66 : memref<1x640x128xf32, #tpu.memory_space<hbm>> -> memref<640x128xf32, #tpu.memory_space<hbm>>
      %dma_start3A_68 = arith.constant 0 : i32
      %dma_start3A_69 = tpu.memref_slice %arg12[%mul3A_63, %dma_start3A_68] : memref<10240x128xf32, #tpu.memory_space<vmem_shared>> -> memref<640x128xf32, #tpu.memory_space<vmem_shared>>
      tpu.enqueue_dma source(%dma_start3A_69 : memref<640x128xf32, #tpu.memory_space<vmem_shared>>) target(%dma_start3A_67 : memref<640x128xf32, #tpu.memory_space<hbm>>) target_semaphore(%run_scoped3A : memref<!tpu.dma_semaphore, #tpu.memory_space<semaphore_mem>>)
      %dma_wait3A = arith.constant 0 : i32
      %dma_wait3A_70 = tpu.memref_slice %arg5[%arg0, %mul3A_65, %dma_wait3A] : memref<2x10240x128xf32, #tpu.memory_space<hbm>> -> memref<1x640x128xf32, #tpu.memory_space<hbm>>
      %dma_wait3A_71 = tpu.memref_squeeze %dma_wait3A_70 : memref<1x640x128xf32, #tpu.memory_space<hbm>> -> memref<640x128xf32, #tpu.memory_space<hbm>>
      %dma_wait3A_72 = arith.constant 0 : i32
      %dma_wait3A_73 = tpu.memref_slice %arg12[%mul3A_63, %dma_wait3A_72] : memref<10240x128xf32, #tpu.memory_space<vmem_shared>> -> memref<640x128xf32, #tpu.memory_space<vmem_shared>>
      tpu.wait_dma2 semaphore(%run_scoped3A : memref<!tpu.dma_semaphore, #tpu.memory_space<semaphore_mem>>) src(%dma_wait3A_73 : memref<640x128xf32, #tpu.memory_space<vmem_shared>>) dst(%dma_wait3A_71 : memref<640x128xf32, #tpu.memory_space<hbm>>)
      tpu.yield
    }) : () -> ()
    return
  }
}

#map = affine_map<(d0, d1) -> (0, 0)>
#map1 = affine_map<(d0, d1) -> (0, 0, 0)>
module attributes {stable_mosaic.version = 14 : i64} {
  func.func @_agg_sc(%arg0: i32, %arg1: i32, %arg2: memref<10240x128xf32, #tpu.memory_space<hbm>>, %arg3: memref<5120x64xi32, #tpu.memory_space<hbm>>, %arg4: memref<5120x64xi32, #tpu.memory_space<hbm>>, %arg5: memref<2x10240x128xf32, #tpu.memory_space<hbm>>, %arg6: memref<40x64xi32, #tpu.memory_space<vmem>>, %arg7: memref<40x64xi32, #tpu.memory_space<vmem>>, %arg8: memref<64x128xf32, #tpu.memory_space<vmem>>, %arg9: memref<64x128xf32, #tpu.memory_space<vmem>>, %arg10: memref<64x128xf32, #tpu.memory_space<vmem>>, %arg11: memref<64x128xf32, #tpu.memory_space<vmem>>, %arg12: memref<10240x128xf32, #tpu.memory_space<vmem_shared>>, %arg13: memref<!tpu.dma_semaphore, #tpu.memory_space<semaphore_mem>>, %arg14: memref<!tpu.dma_semaphore, #tpu.memory_space<semaphore_mem>>, %arg15: memref<!tpu.dma_semaphore, #tpu.memory_space<semaphore_mem>>, %arg16: memref<!tpu.dma_semaphore, #tpu.memory_space<semaphore_mem>>, %arg17: memref<!tpu.dma_semaphore, #tpu.memory_space<semaphore_mem>>, %arg18: memref<!tpu.dma_semaphore, #tpu.memory_space<semaphore_mem>>, %arg19: memref<!tpu.dma_semaphore, #tpu.memory_space<semaphore_mem>>, %arg20: memref<!tpu.dma_semaphore, #tpu.memory_space<semaphore_mem>>) attributes {dimension_semantics = [#tpu.dimension_semantics<core_parallel>, #tpu.dimension_semantics<subcore_parallel>], iteration_bounds = array<i64: 2, 16>, scalar_prefetch = 0 : i64, scratch_operands = 15 : i64, tpu.core_type = #tpu.core_type<sc_vector_subcore>, window_params = [{transform_indices = #map}, {transform_indices = #map}, {transform_indices = #map}, {transform_indices = #map1}]} {
    %mul3A = arith.constant 16 : i32
    %mul3A_0 = arith.muli %arg0, %mul3A : i32
    %add3A = arith.addi %mul3A_0, %arg1 : i32
    "tpu.region"() ({
      %run_scoped3A = tpu.sem_alloc : memref<!tpu.dma_semaphore, #tpu.memory_space<semaphore_mem>>
      %dma_start3A = arith.constant 10176 : i32
      %dma_start3A_66 = arith.constant 0 : i32
      %dma_start3A_67 = tpu.memref_slice %arg2[%dma_start3A, %dma_start3A_66] : memref<10240x128xf32, #tpu.memory_space<hbm>> -> memref<64x128xf32, #tpu.memory_space<hbm>>
      %dma_start3A_68 = arith.constant 10176 : i32
      %dma_start3A_69 = arith.constant 0 : i32
      %dma_start3A_70 = tpu.memref_slice %arg2[%dma_start3A_68, %dma_start3A_69] : memref<10240x128xf32, #tpu.memory_space<hbm>> -> memref<64x128xf32, #tpu.memory_space<hbm>>
      tpu.enqueue_dma source(%dma_start3A_70 : memref<64x128xf32, #tpu.memory_space<hbm>>) target(%arg8 : memref<64x128xf32, #tpu.memory_space<vmem>>) target_semaphore(%run_scoped3A : memref<!tpu.dma_semaphore, #tpu.memory_space<semaphore_mem>>)
      %dma_wait3A = arith.constant 10176 : i32
      %dma_wait3A_71 = arith.constant 0 : i32
      %dma_wait3A_72 = tpu.memref_slice %arg2[%dma_wait3A, %dma_wait3A_71] : memref<10240x128xf32, #tpu.memory_space<hbm>> -> memref<64x128xf32, #tpu.memory_space<hbm>>
      %dma_wait3A_73 = arith.constant 10176 : i32
      %dma_wait3A_74 = arith.constant 0 : i32
      %dma_wait3A_75 = tpu.memref_slice %arg2[%dma_wait3A_73, %dma_wait3A_74] : memref<10240x128xf32, #tpu.memory_space<hbm>> -> memref<64x128xf32, #tpu.memory_space<hbm>>
      tpu.wait_dma2 semaphore(%run_scoped3A : memref<!tpu.dma_semaphore, #tpu.memory_space<semaphore_mem>>) src(%dma_wait3A_75 : memref<64x128xf32, #tpu.memory_space<hbm>>) dst(%arg8 : memref<64x128xf32, #tpu.memory_space<vmem>>)
      tpu.yield
    }) : () -> ()
    %mul3A_1 = arith.constant 640 : i32
    %mul3A_2 = arith.muli %arg1, %mul3A_1 : i32
    %add3A_3 = arith.constant 0 : i32
    %add3A_4 = arith.addi %mul3A_2, %add3A_3 : i32
    "tpu.region"() ({
      %run_scoped3A = tpu.sem_alloc : memref<!tpu.dma_semaphore, #tpu.memory_space<semaphore_mem>>
      %dma_start3A = arith.constant 0 : i32
      %dma_start3A_66 = tpu.memref_slice %arg12[%add3A_4, %dma_start3A] : memref<10240x128xf32, #tpu.memory_space<vmem_shared>> -> memref<64x128xf32, #tpu.memory_space<vmem_shared>>
      %dma_start3A_67 = arith.constant 0 : i32
      %dma_start3A_68 = tpu.memref_slice %arg12[%add3A_4, %dma_start3A_67] : memref<10240x128xf32, #tpu.memory_space<vmem_shared>> -> memref<64x128xf32, #tpu.memory_space<vmem_shared>>
      tpu.enqueue_dma source(%arg8 : memref<64x128xf32, #tpu.memory_space<vmem>>) target(%dma_start3A_68 : memref<64x128xf32, #tpu.memory_space<vmem_shared>>) target_semaphore(%run_scoped3A : memref<!tpu.dma_semaphore, #tpu.memory_space<semaphore_mem>>)
      %dma_wait3A = arith.constant 0 : i32
      %dma_wait3A_69 = tpu.memref_slice %arg12[%add3A_4, %dma_wait3A] : memref<10240x128xf32, #tpu.memory_space<vmem_shared>> -> memref<64x128xf32, #tpu.memory_space<vmem_shared>>
      %dma_wait3A_70 = arith.constant 0 : i32
      %dma_wait3A_71 = tpu.memref_slice %arg12[%add3A_4, %dma_wait3A_70] : memref<10240x128xf32, #tpu.memory_space<vmem_shared>> -> memref<64x128xf32, #tpu.memory_space<vmem_shared>>
      tpu.wait_dma2 semaphore(%run_scoped3A : memref<!tpu.dma_semaphore, #tpu.memory_space<semaphore_mem>>) src(%arg8 : memref<64x128xf32, #tpu.memory_space<vmem>>) dst(%dma_wait3A_71 : memref<64x128xf32, #tpu.memory_space<vmem_shared>>)
      tpu.yield
    }) : () -> ()
    %mul3A_5 = arith.constant 640 : i32
    %mul3A_6 = arith.muli %arg1, %mul3A_5 : i32
    %add3A_7 = arith.constant 64 : i32
    %add3A_8 = arith.addi %mul3A_6, %add3A_7 : i32
    "tpu.region"() ({
      %run_scoped3A = tpu.sem_alloc : memref<!tpu.dma_semaphore, #tpu.memory_space<semaphore_mem>>
      %dma_start3A = arith.constant 0 : i32
      %dma_start3A_66 = tpu.memref_slice %arg12[%add3A_8, %dma_start3A] : memref<10240x128xf32, #tpu.memory_space<vmem_shared>> -> memref<64x128xf32, #tpu.memory_space<vmem_shared>>
      %dma_start3A_67 = arith.constant 0 : i32
      %dma_start3A_68 = tpu.memref_slice %arg12[%add3A_8, %dma_start3A_67] : memref<10240x128xf32, #tpu.memory_space<vmem_shared>> -> memref<64x128xf32, #tpu.memory_space<vmem_shared>>
      tpu.enqueue_dma source(%arg8 : memref<64x128xf32, #tpu.memory_space<vmem>>) target(%dma_start3A_68 : memref<64x128xf32, #tpu.memory_space<vmem_shared>>) target_semaphore(%run_scoped3A : memref<!tpu.dma_semaphore, #tpu.memory_space<semaphore_mem>>)
      %dma_wait3A = arith.constant 0 : i32
      %dma_wait3A_69 = tpu.memref_slice %arg12[%add3A_8, %dma_wait3A] : memref<10240x128xf32, #tpu.memory_space<vmem_shared>> -> memref<64x128xf32, #tpu.memory_space<vmem_shared>>
      %dma_wait3A_70 = arith.constant 0 : i32
      %dma_wait3A_71 = tpu.memref_slice %arg12[%add3A_8, %dma_wait3A_70] : memref<10240x128xf32, #tpu.memory_space<vmem_shared>> -> memref<64x128xf32, #tpu.memory_space<vmem_shared>>
      tpu.wait_dma2 semaphore(%run_scoped3A : memref<!tpu.dma_semaphore, #tpu.memory_space<semaphore_mem>>) src(%arg8 : memref<64x128xf32, #tpu.memory_space<vmem>>) dst(%dma_wait3A_71 : memref<64x128xf32, #tpu.memory_space<vmem_shared>>)
      tpu.yield
    }) : () -> ()
    %mul3A_9 = arith.constant 640 : i32
    %mul3A_10 = arith.muli %arg1, %mul3A_9 : i32
    %add3A_11 = arith.constant 128 : i32
    %add3A_12 = arith.addi %mul3A_10, %add3A_11 : i32
    "tpu.region"() ({
      %run_scoped3A = tpu.sem_alloc : memref<!tpu.dma_semaphore, #tpu.memory_space<semaphore_mem>>
      %dma_start3A = arith.constant 0 : i32
      %dma_start3A_66 = tpu.memref_slice %arg12[%add3A_12, %dma_start3A] : memref<10240x128xf32, #tpu.memory_space<vmem_shared>> -> memref<64x128xf32, #tpu.memory_space<vmem_shared>>
      %dma_start3A_67 = arith.constant 0 : i32
      %dma_start3A_68 = tpu.memref_slice %arg12[%add3A_12, %dma_start3A_67] : memref<10240x128xf32, #tpu.memory_space<vmem_shared>> -> memref<64x128xf32, #tpu.memory_space<vmem_shared>>
      tpu.enqueue_dma source(%arg8 : memref<64x128xf32, #tpu.memory_space<vmem>>) target(%dma_start3A_68 : memref<64x128xf32, #tpu.memory_space<vmem_shared>>) target_semaphore(%run_scoped3A : memref<!tpu.dma_semaphore, #tpu.memory_space<semaphore_mem>>)
      %dma_wait3A = arith.constant 0 : i32
      %dma_wait3A_69 = tpu.memref_slice %arg12[%add3A_12, %dma_wait3A] : memref<10240x128xf32, #tpu.memory_space<vmem_shared>> -> memref<64x128xf32, #tpu.memory_space<vmem_shared>>
      %dma_wait3A_70 = arith.constant 0 : i32
      %dma_wait3A_71 = tpu.memref_slice %arg12[%add3A_12, %dma_wait3A_70] : memref<10240x128xf32, #tpu.memory_space<vmem_shared>> -> memref<64x128xf32, #tpu.memory_space<vmem_shared>>
      tpu.wait_dma2 semaphore(%run_scoped3A : memref<!tpu.dma_semaphore, #tpu.memory_space<semaphore_mem>>) src(%arg8 : memref<64x128xf32, #tpu.memory_space<vmem>>) dst(%dma_wait3A_71 : memref<64x128xf32, #tpu.memory_space<vmem_shared>>)
      tpu.yield
    }) : () -> ()
    %mul3A_13 = arith.constant 640 : i32
    %mul3A_14 = arith.muli %arg1, %mul3A_13 : i32
    %add3A_15 = arith.constant 192 : i32
    %add3A_16 = arith.addi %mul3A_14, %add3A_15 : i32
    "tpu.region"() ({
      %run_scoped3A = tpu.sem_alloc : memref<!tpu.dma_semaphore, #tpu.memory_space<semaphore_mem>>
      %dma_start3A = arith.constant 0 : i32
      %dma_start3A_66 = tpu.memref_slice %arg12[%add3A_16, %dma_start3A] : memref<10240x128xf32, #tpu.memory_space<vmem_shared>> -> memref<64x128xf32, #tpu.memory_space<vmem_shared>>
      %dma_start3A_67 = arith.constant 0 : i32
      %dma_start3A_68 = tpu.memref_slice %arg12[%add3A_16, %dma_start3A_67] : memref<10240x128xf32, #tpu.memory_space<vmem_shared>> -> memref<64x128xf32, #tpu.memory_space<vmem_shared>>
      tpu.enqueue_dma source(%arg8 : memref<64x128xf32, #tpu.memory_space<vmem>>) target(%dma_start3A_68 : memref<64x128xf32, #tpu.memory_space<vmem_shared>>) target_semaphore(%run_scoped3A : memref<!tpu.dma_semaphore, #tpu.memory_space<semaphore_mem>>)
      %dma_wait3A = arith.constant 0 : i32
      %dma_wait3A_69 = tpu.memref_slice %arg12[%add3A_16, %dma_wait3A] : memref<10240x128xf32, #tpu.memory_space<vmem_shared>> -> memref<64x128xf32, #tpu.memory_space<vmem_shared>>
      %dma_wait3A_70 = arith.constant 0 : i32
      %dma_wait3A_71 = tpu.memref_slice %arg12[%add3A_16, %dma_wait3A_70] : memref<10240x128xf32, #tpu.memory_space<vmem_shared>> -> memref<64x128xf32, #tpu.memory_space<vmem_shared>>
      tpu.wait_dma2 semaphore(%run_scoped3A : memref<!tpu.dma_semaphore, #tpu.memory_space<semaphore_mem>>) src(%arg8 : memref<64x128xf32, #tpu.memory_space<vmem>>) dst(%dma_wait3A_71 : memref<64x128xf32, #tpu.memory_space<vmem_shared>>)
      tpu.yield
    }) : () -> ()
    %mul3A_17 = arith.constant 640 : i32
    %mul3A_18 = arith.muli %arg1, %mul3A_17 : i32
    %add3A_19 = arith.constant 256 : i32
    %add3A_20 = arith.addi %mul3A_18, %add3A_19 : i32
    "tpu.region"() ({
      %run_scoped3A = tpu.sem_alloc : memref<!tpu.dma_semaphore, #tpu.memory_space<semaphore_mem>>
      %dma_start3A = arith.constant 0 : i32
      %dma_start3A_66 = tpu.memref_slice %arg12[%add3A_20, %dma_start3A] : memref<10240x128xf32, #tpu.memory_space<vmem_shared>> -> memref<64x128xf32, #tpu.memory_space<vmem_shared>>
      %dma_start3A_67 = arith.constant 0 : i32
      %dma_start3A_68 = tpu.memref_slice %arg12[%add3A_20, %dma_start3A_67] : memref<10240x128xf32, #tpu.memory_space<vmem_shared>> -> memref<64x128xf32, #tpu.memory_space<vmem_shared>>
      tpu.enqueue_dma source(%arg8 : memref<64x128xf32, #tpu.memory_space<vmem>>) target(%dma_start3A_68 : memref<64x128xf32, #tpu.memory_space<vmem_shared>>) target_semaphore(%run_scoped3A : memref<!tpu.dma_semaphore, #tpu.memory_space<semaphore_mem>>)
      %dma_wait3A = arith.constant 0 : i32
      %dma_wait3A_69 = tpu.memref_slice %arg12[%add3A_20, %dma_wait3A] : memref<10240x128xf32, #tpu.memory_space<vmem_shared>> -> memref<64x128xf32, #tpu.memory_space<vmem_shared>>
      %dma_wait3A_70 = arith.constant 0 : i32
      %dma_wait3A_71 = tpu.memref_slice %arg12[%add3A_20, %dma_wait3A_70] : memref<10240x128xf32, #tpu.memory_space<vmem_shared>> -> memref<64x128xf32, #tpu.memory_space<vmem_shared>>
      tpu.wait_dma2 semaphore(%run_scoped3A : memref<!tpu.dma_semaphore, #tpu.memory_space<semaphore_mem>>) src(%arg8 : memref<64x128xf32, #tpu.memory_space<vmem>>) dst(%dma_wait3A_71 : memref<64x128xf32, #tpu.memory_space<vmem_shared>>)
      tpu.yield
    }) : () -> ()
    %mul3A_21 = arith.constant 640 : i32
    %mul3A_22 = arith.muli %arg1, %mul3A_21 : i32
    %add3A_23 = arith.constant 320 : i32
    %add3A_24 = arith.addi %mul3A_22, %add3A_23 : i32
    "tpu.region"() ({
      %run_scoped3A = tpu.sem_alloc : memref<!tpu.dma_semaphore, #tpu.memory_space<semaphore_mem>>
      %dma_start3A = arith.constant 0 : i32
      %dma_start3A_66 = tpu.memref_slice %arg12[%add3A_24, %dma_start3A] : memref<10240x128xf32, #tpu.memory_space<vmem_shared>> -> memref<64x128xf32, #tpu.memory_space<vmem_shared>>
      %dma_start3A_67 = arith.constant 0 : i32
      %dma_start3A_68 = tpu.memref_slice %arg12[%add3A_24, %dma_start3A_67] : memref<10240x128xf32, #tpu.memory_space<vmem_shared>> -> memref<64x128xf32, #tpu.memory_space<vmem_shared>>
      tpu.enqueue_dma source(%arg8 : memref<64x128xf32, #tpu.memory_space<vmem>>) target(%dma_start3A_68 : memref<64x128xf32, #tpu.memory_space<vmem_shared>>) target_semaphore(%run_scoped3A : memref<!tpu.dma_semaphore, #tpu.memory_space<semaphore_mem>>)
      %dma_wait3A = arith.constant 0 : i32
      %dma_wait3A_69 = tpu.memref_slice %arg12[%add3A_24, %dma_wait3A] : memref<10240x128xf32, #tpu.memory_space<vmem_shared>> -> memref<64x128xf32, #tpu.memory_space<vmem_shared>>
      %dma_wait3A_70 = arith.constant 0 : i32
      %dma_wait3A_71 = tpu.memref_slice %arg12[%add3A_24, %dma_wait3A_70] : memref<10240x128xf32, #tpu.memory_space<vmem_shared>> -> memref<64x128xf32, #tpu.memory_space<vmem_shared>>
      tpu.wait_dma2 semaphore(%run_scoped3A : memref<!tpu.dma_semaphore, #tpu.memory_space<semaphore_mem>>) src(%arg8 : memref<64x128xf32, #tpu.memory_space<vmem>>) dst(%dma_wait3A_71 : memref<64x128xf32, #tpu.memory_space<vmem_shared>>)
      tpu.yield
    }) : () -> ()
    %mul3A_25 = arith.constant 640 : i32
    %mul3A_26 = arith.muli %arg1, %mul3A_25 : i32
    %add3A_27 = arith.constant 384 : i32
    %add3A_28 = arith.addi %mul3A_26, %add3A_27 : i32
    "tpu.region"() ({
      %run_scoped3A = tpu.sem_alloc : memref<!tpu.dma_semaphore, #tpu.memory_space<semaphore_mem>>
      %dma_start3A = arith.constant 0 : i32
      %dma_start3A_66 = tpu.memref_slice %arg12[%add3A_28, %dma_start3A] : memref<10240x128xf32, #tpu.memory_space<vmem_shared>> -> memref<64x128xf32, #tpu.memory_space<vmem_shared>>
      %dma_start3A_67 = arith.constant 0 : i32
      %dma_start3A_68 = tpu.memref_slice %arg12[%add3A_28, %dma_start3A_67] : memref<10240x128xf32, #tpu.memory_space<vmem_shared>> -> memref<64x128xf32, #tpu.memory_space<vmem_shared>>
      tpu.enqueue_dma source(%arg8 : memref<64x128xf32, #tpu.memory_space<vmem>>) target(%dma_start3A_68 : memref<64x128xf32, #tpu.memory_space<vmem_shared>>) target_semaphore(%run_scoped3A : memref<!tpu.dma_semaphore, #tpu.memory_space<semaphore_mem>>)
      %dma_wait3A = arith.constant 0 : i32
      %dma_wait3A_69 = tpu.memref_slice %arg12[%add3A_28, %dma_wait3A] : memref<10240x128xf32, #tpu.memory_space<vmem_shared>> -> memref<64x128xf32, #tpu.memory_space<vmem_shared>>
      %dma_wait3A_70 = arith.constant 0 : i32
      %dma_wait3A_71 = tpu.memref_slice %arg12[%add3A_28, %dma_wait3A_70] : memref<10240x128xf32, #tpu.memory_space<vmem_shared>> -> memref<64x128xf32, #tpu.memory_space<vmem_shared>>
      tpu.wait_dma2 semaphore(%run_scoped3A : memref<!tpu.dma_semaphore, #tpu.memory_space<semaphore_mem>>) src(%arg8 : memref<64x128xf32, #tpu.memory_space<vmem>>) dst(%dma_wait3A_71 : memref<64x128xf32, #tpu.memory_space<vmem_shared>>)
      tpu.yield
    }) : () -> ()
    %mul3A_29 = arith.constant 640 : i32
    %mul3A_30 = arith.muli %arg1, %mul3A_29 : i32
    %add3A_31 = arith.constant 448 : i32
    %add3A_32 = arith.addi %mul3A_30, %add3A_31 : i32
    "tpu.region"() ({
      %run_scoped3A = tpu.sem_alloc : memref<!tpu.dma_semaphore, #tpu.memory_space<semaphore_mem>>
      %dma_start3A = arith.constant 0 : i32
      %dma_start3A_66 = tpu.memref_slice %arg12[%add3A_32, %dma_start3A] : memref<10240x128xf32, #tpu.memory_space<vmem_shared>> -> memref<64x128xf32, #tpu.memory_space<vmem_shared>>
      %dma_start3A_67 = arith.constant 0 : i32
      %dma_start3A_68 = tpu.memref_slice %arg12[%add3A_32, %dma_start3A_67] : memref<10240x128xf32, #tpu.memory_space<vmem_shared>> -> memref<64x128xf32, #tpu.memory_space<vmem_shared>>
      tpu.enqueue_dma source(%arg8 : memref<64x128xf32, #tpu.memory_space<vmem>>) target(%dma_start3A_68 : memref<64x128xf32, #tpu.memory_space<vmem_shared>>) target_semaphore(%run_scoped3A : memref<!tpu.dma_semaphore, #tpu.memory_space<semaphore_mem>>)
      %dma_wait3A = arith.constant 0 : i32
      %dma_wait3A_69 = tpu.memref_slice %arg12[%add3A_32, %dma_wait3A] : memref<10240x128xf32, #tpu.memory_space<vmem_shared>> -> memref<64x128xf32, #tpu.memory_space<vmem_shared>>
      %dma_wait3A_70 = arith.constant 0 : i32
      %dma_wait3A_71 = tpu.memref_slice %arg12[%add3A_32, %dma_wait3A_70] : memref<10240x128xf32, #tpu.memory_space<vmem_shared>> -> memref<64x128xf32, #tpu.memory_space<vmem_shared>>
      tpu.wait_dma2 semaphore(%run_scoped3A : memref<!tpu.dma_semaphore, #tpu.memory_space<semaphore_mem>>) src(%arg8 : memref<64x128xf32, #tpu.memory_space<vmem>>) dst(%dma_wait3A_71 : memref<64x128xf32, #tpu.memory_space<vmem_shared>>)
      tpu.yield
    }) : () -> ()
    %mul3A_33 = arith.constant 640 : i32
    %mul3A_34 = arith.muli %arg1, %mul3A_33 : i32
    %add3A_35 = arith.constant 512 : i32
    %add3A_36 = arith.addi %mul3A_34, %add3A_35 : i32
    "tpu.region"() ({
      %run_scoped3A = tpu.sem_alloc : memref<!tpu.dma_semaphore, #tpu.memory_space<semaphore_mem>>
      %dma_start3A = arith.constant 0 : i32
      %dma_start3A_66 = tpu.memref_slice %arg12[%add3A_36, %dma_start3A] : memref<10240x128xf32, #tpu.memory_space<vmem_shared>> -> memref<64x128xf32, #tpu.memory_space<vmem_shared>>
      %dma_start3A_67 = arith.constant 0 : i32
      %dma_start3A_68 = tpu.memref_slice %arg12[%add3A_36, %dma_start3A_67] : memref<10240x128xf32, #tpu.memory_space<vmem_shared>> -> memref<64x128xf32, #tpu.memory_space<vmem_shared>>
      tpu.enqueue_dma source(%arg8 : memref<64x128xf32, #tpu.memory_space<vmem>>) target(%dma_start3A_68 : memref<64x128xf32, #tpu.memory_space<vmem_shared>>) target_semaphore(%run_scoped3A : memref<!tpu.dma_semaphore, #tpu.memory_space<semaphore_mem>>)
      %dma_wait3A = arith.constant 0 : i32
      %dma_wait3A_69 = tpu.memref_slice %arg12[%add3A_36, %dma_wait3A] : memref<10240x128xf32, #tpu.memory_space<vmem_shared>> -> memref<64x128xf32, #tpu.memory_space<vmem_shared>>
      %dma_wait3A_70 = arith.constant 0 : i32
      %dma_wait3A_71 = tpu.memref_slice %arg12[%add3A_36, %dma_wait3A_70] : memref<10240x128xf32, #tpu.memory_space<vmem_shared>> -> memref<64x128xf32, #tpu.memory_space<vmem_shared>>
      tpu.wait_dma2 semaphore(%run_scoped3A : memref<!tpu.dma_semaphore, #tpu.memory_space<semaphore_mem>>) src(%arg8 : memref<64x128xf32, #tpu.memory_space<vmem>>) dst(%dma_wait3A_71 : memref<64x128xf32, #tpu.memory_space<vmem_shared>>)
      tpu.yield
    }) : () -> ()
    %mul3A_37 = arith.constant 640 : i32
    %mul3A_38 = arith.muli %arg1, %mul3A_37 : i32
    %add3A_39 = arith.constant 576 : i32
    %add3A_40 = arith.addi %mul3A_38, %add3A_39 : i32
    "tpu.region"() ({
      %run_scoped3A = tpu.sem_alloc : memref<!tpu.dma_semaphore, #tpu.memory_space<semaphore_mem>>
      %dma_start3A = arith.constant 0 : i32
      %dma_start3A_66 = tpu.memref_slice %arg12[%add3A_40, %dma_start3A] : memref<10240x128xf32, #tpu.memory_space<vmem_shared>> -> memref<64x128xf32, #tpu.memory_space<vmem_shared>>
      %dma_start3A_67 = arith.constant 0 : i32
      %dma_start3A_68 = tpu.memref_slice %arg12[%add3A_40, %dma_start3A_67] : memref<10240x128xf32, #tpu.memory_space<vmem_shared>> -> memref<64x128xf32, #tpu.memory_space<vmem_shared>>
      tpu.enqueue_dma source(%arg8 : memref<64x128xf32, #tpu.memory_space<vmem>>) target(%dma_start3A_68 : memref<64x128xf32, #tpu.memory_space<vmem_shared>>) target_semaphore(%run_scoped3A : memref<!tpu.dma_semaphore, #tpu.memory_space<semaphore_mem>>)
      %dma_wait3A = arith.constant 0 : i32
      %dma_wait3A_69 = tpu.memref_slice %arg12[%add3A_40, %dma_wait3A] : memref<10240x128xf32, #tpu.memory_space<vmem_shared>> -> memref<64x128xf32, #tpu.memory_space<vmem_shared>>
      %dma_wait3A_70 = arith.constant 0 : i32
      %dma_wait3A_71 = tpu.memref_slice %arg12[%add3A_40, %dma_wait3A_70] : memref<10240x128xf32, #tpu.memory_space<vmem_shared>> -> memref<64x128xf32, #tpu.memory_space<vmem_shared>>
      tpu.wait_dma2 semaphore(%run_scoped3A : memref<!tpu.dma_semaphore, #tpu.memory_space<semaphore_mem>>) src(%arg8 : memref<64x128xf32, #tpu.memory_space<vmem>>) dst(%dma_wait3A_71 : memref<64x128xf32, #tpu.memory_space<vmem_shared>>)
      tpu.yield
    }) : () -> ()
    %barrier3A = arith.constant 0 : index
    tpu.barrier barrier_id(%barrier3A)
    %eq3A = arith.constant 0 : i32
    %eq3A_41 = arith.cmpi eq, %arg0, %eq3A : i32
    %mul3A_42 = arith.constant 280 : i32
    %mul3A_43 = arith.muli %arg1, %mul3A_42 : i32
    %mul3A_44 = arith.constant 40 : i32
    %mul3A_45 = arith.muli %arg1, %mul3A_44 : i32
    %add3A_46 = arith.constant 4480 : i32
    %add3A_47 = arith.addi %add3A_46, %mul3A_45 : i32
    %select_n3A = arith.select %eq3A_41, %mul3A_43, %add3A_47 : i32
    %eq3A_48 = arith.constant 0 : i32
    %eq3A_49 = arith.cmpi eq, %arg0, %eq3A_48 : i32
    %jit3A = arith.constant 7 : i32
    %jit3A_50 = arith.constant 1 : i32
    %select_n3A_51 = arith.select %eq3A_49, %jit3A, %jit3A_50 : i32
    %while3A = arith.constant 0 : i32
    %while3A_52 = arith.constant 0 : i32
    %while3A_53 = arith.subi %select_n3A_51, %while3A_52 : i32
    %while3A_54 = arith.addi %while3A_52, %while3A_53 : i32
    %while3A_55 = arith.constant 1 : i32
    %while3A_56 = arith.divsi %while3A_53, %while3A_55 : i32
    %while3A_57 = arith.muli %while3A_56, %while3A_55 : i32
    %while3A_58 = arith.addi %while3A_52, %while3A_57 : i32
    %while3A_59 = arith.constant 1 : i32
    scf.for %while3A_66 = %while3A_52 to %while3A_58 step %while3A_59  : i32 {
      %mul3A_67 = arith.constant 40 : i32
      %mul3A_68 = arith.muli %while3A_66, %mul3A_67 : i32
      %add3A_69 = arith.addi %select_n3A, %mul3A_68 : i32
      "tpu.region"() ({
        %run_scoped3A = tpu.sem_alloc : memref<!tpu.dma_semaphore, #tpu.memory_space<semaphore_mem>>
        %dma_start3A_185 = arith.constant 0 : i32
        %dma_start3A_186 = tpu.memref_slice %arg3[%add3A_69, %dma_start3A_185] : memref<5120x64xi32, #tpu.memory_space<hbm>> -> memref<40x64xi32, #tpu.memory_space<hbm>>
        %dma_start3A_187 = arith.constant 0 : i32
        %dma_start3A_188 = tpu.memref_slice %arg3[%add3A_69, %dma_start3A_187] : memref<5120x64xi32, #tpu.memory_space<hbm>> -> memref<40x64xi32, #tpu.memory_space<hbm>>
        tpu.enqueue_dma source(%dma_start3A_188 : memref<40x64xi32, #tpu.memory_space<hbm>>) target(%arg6 : memref<40x64xi32, #tpu.memory_space<vmem>>) target_semaphore(%run_scoped3A : memref<!tpu.dma_semaphore, #tpu.memory_space<semaphore_mem>>)
        %dma_wait3A_189 = arith.constant 0 : i32
        %dma_wait3A_190 = tpu.memref_slice %arg3[%add3A_69, %dma_wait3A_189] : memref<5120x64xi32, #tpu.memory_space<hbm>> -> memref<40x64xi32, #tpu.memory_space<hbm>>
        %dma_wait3A_191 = arith.constant 0 : i32
        %dma_wait3A_192 = tpu.memref_slice %arg3[%add3A_69, %dma_wait3A_191] : memref<5120x64xi32, #tpu.memory_space<hbm>> -> memref<40x64xi32, #tpu.memory_space<hbm>>
        tpu.wait_dma2 semaphore(%run_scoped3A : memref<!tpu.dma_semaphore, #tpu.memory_space<semaphore_mem>>) src(%dma_wait3A_192 : memref<40x64xi32, #tpu.memory_space<hbm>>) dst(%arg6 : memref<40x64xi32, #tpu.memory_space<vmem>>)
        tpu.yield
      }) : () -> ()
      "tpu.region"() ({
        %run_scoped3A = tpu.sem_alloc : memref<!tpu.dma_semaphore, #tpu.memory_space<semaphore_mem>>
        %dma_start3A_185 = arith.constant 0 : i32
        %dma_start3A_186 = tpu.memref_slice %arg4[%add3A_69, %dma_start3A_185] : memref<5120x64xi32, #tpu.memory_space<hbm>> -> memref<40x64xi32, #tpu.memory_space<hbm>>
        %dma_start3A_187 = arith.constant 0 : i32
        %dma_start3A_188 = tpu.memref_slice %arg4[%add3A_69, %dma_start3A_187] : memref<5120x64xi32, #tpu.memory_space<hbm>> -> memref<40x64xi32, #tpu.memory_space<hbm>>
        tpu.enqueue_dma source(%dma_start3A_188 : memref<40x64xi32, #tpu.memory_space<hbm>>) target(%arg7 : memref<40x64xi32, #tpu.memory_space<vmem>>) target_semaphore(%run_scoped3A : memref<!tpu.dma_semaphore, #tpu.memory_space<semaphore_mem>>)
        %dma_wait3A_189 = arith.constant 0 : i32
        %dma_wait3A_190 = tpu.memref_slice %arg4[%add3A_69, %dma_wait3A_189] : memref<5120x64xi32, #tpu.memory_space<hbm>> -> memref<40x64xi32, #tpu.memory_space<hbm>>
        %dma_wait3A_191 = arith.constant 0 : i32
        %dma_wait3A_192 = tpu.memref_slice %arg4[%add3A_69, %dma_wait3A_191] : memref<5120x64xi32, #tpu.memory_space<hbm>> -> memref<40x64xi32, #tpu.memory_space<hbm>>
        tpu.wait_dma2 semaphore(%run_scoped3A : memref<!tpu.dma_semaphore, #tpu.memory_space<semaphore_mem>>) src(%dma_wait3A_192 : memref<40x64xi32, #tpu.memory_space<hbm>>) dst(%arg7 : memref<40x64xi32, #tpu.memory_space<vmem>>)
        tpu.yield
      }) : () -> ()
      %dma_start3A = arith.constant 0 : i32
      %dma_start3A_70 = arith.constant 0 : i32
      %dma_start3A_71 = tpu.memref_slice %arg6[%dma_start3A, %dma_start3A_70] : memref<40x64xi32, #tpu.memory_space<vmem>> -> memref<1x64xi32, #tpu.memory_space<vmem>>
      %dma_start3A_72 = tpu.memref_squeeze %dma_start3A_71 : memref<1x64xi32, #tpu.memory_space<vmem>> -> memref<64xi32, #tpu.memory_space<vmem>>
      %dma_start3A_73 = arith.constant 0 : i32
      %dma_start3A_74 = arith.constant 0 : i32
      %dma_start3A_75 = tpu.memref_slice %arg2[%dma_start3A_73, %dma_start3A_74] : memref<10240x128xf32, #tpu.memory_space<hbm>> -> memref<10240x128xf32, #tpu.memory_space<hbm>>
      tpu.enqueue_indirect_dma source(%dma_start3A_75 : memref<10240x128xf32, #tpu.memory_space<hbm>>) target(%arg8 : memref<64x128xf32, #tpu.memory_space<vmem>>) offsets(%dma_start3A_72 : memref<64xi32, #tpu.memory_space<vmem>>) semaphore(%arg13 : memref<!tpu.dma_semaphore, #tpu.memory_space<semaphore_mem>>)
      %dma_start3A_76 = arith.constant 1 : i32
      %dma_start3A_77 = arith.constant 0 : i32
      %dma_start3A_78 = tpu.memref_slice %arg6[%dma_start3A_76, %dma_start3A_77] : memref<40x64xi32, #tpu.memory_space<vmem>> -> memref<1x64xi32, #tpu.memory_space<vmem>>
      %dma_start3A_79 = tpu.memref_squeeze %dma_start3A_78 : memref<1x64xi32, #tpu.memory_space<vmem>> -> memref<64xi32, #tpu.memory_space<vmem>>
      %dma_start3A_80 = arith.constant 0 : i32
      %dma_start3A_81 = arith.constant 0 : i32
      %dma_start3A_82 = tpu.memref_slice %arg2[%dma_start3A_80, %dma_start3A_81] : memref<10240x128xf32, #tpu.memory_space<hbm>> -> memref<10240x128xf32, #tpu.memory_space<hbm>>
      tpu.enqueue_indirect_dma source(%dma_start3A_82 : memref<10240x128xf32, #tpu.memory_space<hbm>>) target(%arg9 : memref<64x128xf32, #tpu.memory_space<vmem>>) offsets(%dma_start3A_79 : memref<64xi32, #tpu.memory_space<vmem>>) semaphore(%arg14 : memref<!tpu.dma_semaphore, #tpu.memory_space<semaphore_mem>>)
      %dma_start3A_83 = arith.constant 2 : i32
      %dma_start3A_84 = arith.constant 0 : i32
      %dma_start3A_85 = tpu.memref_slice %arg6[%dma_start3A_83, %dma_start3A_84] : memref<40x64xi32, #tpu.memory_space<vmem>> -> memref<1x64xi32, #tpu.memory_space<vmem>>
      %dma_start3A_86 = tpu.memref_squeeze %dma_start3A_85 : memref<1x64xi32, #tpu.memory_space<vmem>> -> memref<64xi32, #tpu.memory_space<vmem>>
      %dma_start3A_87 = arith.constant 0 : i32
      %dma_start3A_88 = arith.constant 0 : i32
      %dma_start3A_89 = tpu.memref_slice %arg2[%dma_start3A_87, %dma_start3A_88] : memref<10240x128xf32, #tpu.memory_space<hbm>> -> memref<10240x128xf32, #tpu.memory_space<hbm>>
      tpu.enqueue_indirect_dma source(%dma_start3A_89 : memref<10240x128xf32, #tpu.memory_space<hbm>>) target(%arg10 : memref<64x128xf32, #tpu.memory_space<vmem>>) offsets(%dma_start3A_86 : memref<64xi32, #tpu.memory_space<vmem>>) semaphore(%arg15 : memref<!tpu.dma_semaphore, #tpu.memory_space<semaphore_mem>>)
      %dma_start3A_90 = arith.constant 3 : i32
      %dma_start3A_91 = arith.constant 0 : i32
      %dma_start3A_92 = tpu.memref_slice %arg6[%dma_start3A_90, %dma_start3A_91] : memref<40x64xi32, #tpu.memory_space<vmem>> -> memref<1x64xi32, #tpu.memory_space<vmem>>
      %dma_start3A_93 = tpu.memref_squeeze %dma_start3A_92 : memref<1x64xi32, #tpu.memory_space<vmem>> -> memref<64xi32, #tpu.memory_space<vmem>>
      %dma_start3A_94 = arith.constant 0 : i32
      %dma_start3A_95 = arith.constant 0 : i32
      %dma_start3A_96 = tpu.memref_slice %arg2[%dma_start3A_94, %dma_start3A_95] : memref<10240x128xf32, #tpu.memory_space<hbm>> -> memref<10240x128xf32, #tpu.memory_space<hbm>>
      tpu.enqueue_indirect_dma source(%dma_start3A_96 : memref<10240x128xf32, #tpu.memory_space<hbm>>) target(%arg11 : memref<64x128xf32, #tpu.memory_space<vmem>>) offsets(%dma_start3A_93 : memref<64xi32, #tpu.memory_space<vmem>>) semaphore(%arg16 : memref<!tpu.dma_semaphore, #tpu.memory_space<semaphore_mem>>)
      %scan3A = arith.constant 0 : i32
      %scan3A_97 = arith.constant 0 : i32
      %scan3A_98 = arith.constant 9 : i32
      %scan3A_99 = arith.addi %scan3A_97, %scan3A_98 : i32
      %scan3A_100 = arith.constant 1 : i32
      scf.for %scan3A_185 = %scan3A_97 to %scan3A_99 step %scan3A_100  : i32 {
        %mul3A_186 = arith.constant 4 : i32
        %mul3A_187 = arith.muli %mul3A_186, %scan3A_185 : i32
        %add3A_188 = arith.constant 0 : i32
        %add3A_189 = arith.addi %mul3A_187, %add3A_188 : i32
        %dma_wait3A_190 = arith.constant 0 : i32
        %dma_wait3A_191 = tpu.memref_slice %arg6[%add3A_189, %dma_wait3A_190] : memref<40x64xi32, #tpu.memory_space<vmem>> -> memref<1x64xi32, #tpu.memory_space<vmem>>
        %dma_wait3A_192 = tpu.memref_squeeze %dma_wait3A_191 : memref<1x64xi32, #tpu.memory_space<vmem>> -> memref<64xi32, #tpu.memory_space<vmem>>
        %dma_wait3A_193 = arith.constant 0 : i32
        %dma_wait3A_194 = arith.constant 0 : i32
        %dma_wait3A_195 = tpu.memref_slice %arg2[%dma_wait3A_193, %dma_wait3A_194] : memref<10240x128xf32, #tpu.memory_space<hbm>> -> memref<10240x128xf32, #tpu.memory_space<hbm>>
        tpu.wait_indirect_dma semaphore(%arg13 : memref<!tpu.dma_semaphore, #tpu.memory_space<semaphore_mem>>) src(%dma_wait3A_195 : memref<10240x128xf32, #tpu.memory_space<hbm>>) dst(%arg8 : memref<64x128xf32, #tpu.memory_space<vmem>>)
        %add3A_196 = arith.constant 0 : i32
        %add3A_197 = arith.addi %mul3A_187, %add3A_196 : i32
        %dma_start3A_198 = arith.constant 0 : i32
        %dma_start3A_199 = tpu.memref_slice %arg7[%add3A_197, %dma_start3A_198] : memref<40x64xi32, #tpu.memory_space<vmem>> -> memref<1x64xi32, #tpu.memory_space<vmem>>
        %dma_start3A_200 = tpu.memref_squeeze %dma_start3A_199 : memref<1x64xi32, #tpu.memory_space<vmem>> -> memref<64xi32, #tpu.memory_space<vmem>>
        %dma_start3A_201 = arith.constant 0 : i32
        %dma_start3A_202 = arith.constant 0 : i32
        %dma_start3A_203 = tpu.memref_slice %arg12[%dma_start3A_201, %dma_start3A_202] : memref<10240x128xf32, #tpu.memory_space<vmem_shared>> -> memref<10240x128xf32, #tpu.memory_space<vmem_shared>>
        tpu.enqueue_indirect_dma source(%arg8 : memref<64x128xf32, #tpu.memory_space<vmem>>) target(%dma_start3A_203 : memref<10240x128xf32, #tpu.memory_space<vmem_shared>>) offsets(%dma_start3A_200 : memref<64xi32, #tpu.memory_space<vmem>>) semaphore(%arg17 : memref<!tpu.dma_semaphore, #tpu.memory_space<semaphore_mem>>) {add = true}
        %add3A_204 = arith.constant 1 : i32
        %add3A_205 = arith.addi %mul3A_187, %add3A_204 : i32
        %dma_wait3A_206 = arith.constant 0 : i32
        %dma_wait3A_207 = tpu.memref_slice %arg6[%add3A_205, %dma_wait3A_206] : memref<40x64xi32, #tpu.memory_space<vmem>> -> memref<1x64xi32, #tpu.memory_space<vmem>>
        %dma_wait3A_208 = tpu.memref_squeeze %dma_wait3A_207 : memref<1x64xi32, #tpu.memory_space<vmem>> -> memref<64xi32, #tpu.memory_space<vmem>>
        %dma_wait3A_209 = arith.constant 0 : i32
        %dma_wait3A_210 = arith.constant 0 : i32
        %dma_wait3A_211 = tpu.memref_slice %arg2[%dma_wait3A_209, %dma_wait3A_210] : memref<10240x128xf32, #tpu.memory_space<hbm>> -> memref<10240x128xf32, #tpu.memory_space<hbm>>
        tpu.wait_indirect_dma semaphore(%arg14 : memref<!tpu.dma_semaphore, #tpu.memory_space<semaphore_mem>>) src(%dma_wait3A_211 : memref<10240x128xf32, #tpu.memory_space<hbm>>) dst(%arg9 : memref<64x128xf32, #tpu.memory_space<vmem>>)
        %add3A_212 = arith.constant 1 : i32
        %add3A_213 = arith.addi %mul3A_187, %add3A_212 : i32
        %dma_start3A_214 = arith.constant 0 : i32
        %dma_start3A_215 = tpu.memref_slice %arg7[%add3A_213, %dma_start3A_214] : memref<40x64xi32, #tpu.memory_space<vmem>> -> memref<1x64xi32, #tpu.memory_space<vmem>>
        %dma_start3A_216 = tpu.memref_squeeze %dma_start3A_215 : memref<1x64xi32, #tpu.memory_space<vmem>> -> memref<64xi32, #tpu.memory_space<vmem>>
        %dma_start3A_217 = arith.constant 0 : i32
        %dma_start3A_218 = arith.constant 0 : i32
        %dma_start3A_219 = tpu.memref_slice %arg12[%dma_start3A_217, %dma_start3A_218] : memref<10240x128xf32, #tpu.memory_space<vmem_shared>> -> memref<10240x128xf32, #tpu.memory_space<vmem_shared>>
        tpu.enqueue_indirect_dma source(%arg9 : memref<64x128xf32, #tpu.memory_space<vmem>>) target(%dma_start3A_219 : memref<10240x128xf32, #tpu.memory_space<vmem_shared>>) offsets(%dma_start3A_216 : memref<64xi32, #tpu.memory_space<vmem>>) semaphore(%arg18 : memref<!tpu.dma_semaphore, #tpu.memory_space<semaphore_mem>>) {add = true}
        %add3A_220 = arith.constant 2 : i32
        %add3A_221 = arith.addi %mul3A_187, %add3A_220 : i32
        %dma_wait3A_222 = arith.constant 0 : i32
        %dma_wait3A_223 = tpu.memref_slice %arg6[%add3A_221, %dma_wait3A_222] : memref<40x64xi32, #tpu.memory_space<vmem>> -> memref<1x64xi32, #tpu.memory_space<vmem>>
        %dma_wait3A_224 = tpu.memref_squeeze %dma_wait3A_223 : memref<1x64xi32, #tpu.memory_space<vmem>> -> memref<64xi32, #tpu.memory_space<vmem>>
        %dma_wait3A_225 = arith.constant 0 : i32
        %dma_wait3A_226 = arith.constant 0 : i32
        %dma_wait3A_227 = tpu.memref_slice %arg2[%dma_wait3A_225, %dma_wait3A_226] : memref<10240x128xf32, #tpu.memory_space<hbm>> -> memref<10240x128xf32, #tpu.memory_space<hbm>>
        tpu.wait_indirect_dma semaphore(%arg15 : memref<!tpu.dma_semaphore, #tpu.memory_space<semaphore_mem>>) src(%dma_wait3A_227 : memref<10240x128xf32, #tpu.memory_space<hbm>>) dst(%arg10 : memref<64x128xf32, #tpu.memory_space<vmem>>)
        %add3A_228 = arith.constant 2 : i32
        %add3A_229 = arith.addi %mul3A_187, %add3A_228 : i32
        %dma_start3A_230 = arith.constant 0 : i32
        %dma_start3A_231 = tpu.memref_slice %arg7[%add3A_229, %dma_start3A_230] : memref<40x64xi32, #tpu.memory_space<vmem>> -> memref<1x64xi32, #tpu.memory_space<vmem>>
        %dma_start3A_232 = tpu.memref_squeeze %dma_start3A_231 : memref<1x64xi32, #tpu.memory_space<vmem>> -> memref<64xi32, #tpu.memory_space<vmem>>
        %dma_start3A_233 = arith.constant 0 : i32
        %dma_start3A_234 = arith.constant 0 : i32
        %dma_start3A_235 = tpu.memref_slice %arg12[%dma_start3A_233, %dma_start3A_234] : memref<10240x128xf32, #tpu.memory_space<vmem_shared>> -> memref<10240x128xf32, #tpu.memory_space<vmem_shared>>
        tpu.enqueue_indirect_dma source(%arg10 : memref<64x128xf32, #tpu.memory_space<vmem>>) target(%dma_start3A_235 : memref<10240x128xf32, #tpu.memory_space<vmem_shared>>) offsets(%dma_start3A_232 : memref<64xi32, #tpu.memory_space<vmem>>) semaphore(%arg19 : memref<!tpu.dma_semaphore, #tpu.memory_space<semaphore_mem>>) {add = true}
        %add3A_236 = arith.constant 3 : i32
        %add3A_237 = arith.addi %mul3A_187, %add3A_236 : i32
        %dma_wait3A_238 = arith.constant 0 : i32
        %dma_wait3A_239 = tpu.memref_slice %arg6[%add3A_237, %dma_wait3A_238] : memref<40x64xi32, #tpu.memory_space<vmem>> -> memref<1x64xi32, #tpu.memory_space<vmem>>
        %dma_wait3A_240 = tpu.memref_squeeze %dma_wait3A_239 : memref<1x64xi32, #tpu.memory_space<vmem>> -> memref<64xi32, #tpu.memory_space<vmem>>
        %dma_wait3A_241 = arith.constant 0 : i32
        %dma_wait3A_242 = arith.constant 0 : i32
        %dma_wait3A_243 = tpu.memref_slice %arg2[%dma_wait3A_241, %dma_wait3A_242] : memref<10240x128xf32, #tpu.memory_space<hbm>> -> memref<10240x128xf32, #tpu.memory_space<hbm>>
        tpu.wait_indirect_dma semaphore(%arg16 : memref<!tpu.dma_semaphore, #tpu.memory_space<semaphore_mem>>) src(%dma_wait3A_243 : memref<10240x128xf32, #tpu.memory_space<hbm>>) dst(%arg11 : memref<64x128xf32, #tpu.memory_space<vmem>>)
        %add3A_244 = arith.constant 3 : i32
        %add3A_245 = arith.addi %mul3A_187, %add3A_244 : i32
        %dma_start3A_246 = arith.constant 0 : i32
        %dma_start3A_247 = tpu.memref_slice %arg7[%add3A_245, %dma_start3A_246] : memref<40x64xi32, #tpu.memory_space<vmem>> -> memref<1x64xi32, #tpu.memory_space<vmem>>
        %dma_start3A_248 = tpu.memref_squeeze %dma_start3A_247 : memref<1x64xi32, #tpu.memory_space<vmem>> -> memref<64xi32, #tpu.memory_space<vmem>>
        %dma_start3A_249 = arith.constant 0 : i32
        %dma_start3A_250 = arith.constant 0 : i32
        %dma_start3A_251 = tpu.memref_slice %arg12[%dma_start3A_249, %dma_start3A_250] : memref<10240x128xf32, #tpu.memory_space<vmem_shared>> -> memref<10240x128xf32, #tpu.memory_space<vmem_shared>>
        tpu.enqueue_indirect_dma source(%arg11 : memref<64x128xf32, #tpu.memory_space<vmem>>) target(%dma_start3A_251 : memref<10240x128xf32, #tpu.memory_space<vmem_shared>>) offsets(%dma_start3A_248 : memref<64xi32, #tpu.memory_space<vmem>>) semaphore(%arg20 : memref<!tpu.dma_semaphore, #tpu.memory_space<semaphore_mem>>) {add = true}
        %add3A_252 = arith.constant 0 : i32
        %add3A_253 = arith.addi %mul3A_187, %add3A_252 : i32
        %dma_wait3A_254 = arith.constant 0 : i32
        %dma_wait3A_255 = tpu.memref_slice %arg7[%add3A_253, %dma_wait3A_254] : memref<40x64xi32, #tpu.memory_space<vmem>> -> memref<1x64xi32, #tpu.memory_space<vmem>>
        %dma_wait3A_256 = tpu.memref_squeeze %dma_wait3A_255 : memref<1x64xi32, #tpu.memory_space<vmem>> -> memref<64xi32, #tpu.memory_space<vmem>>
        %dma_wait3A_257 = arith.constant 0 : i32
        %dma_wait3A_258 = arith.constant 0 : i32
        %dma_wait3A_259 = tpu.memref_slice %arg12[%dma_wait3A_257, %dma_wait3A_258] : memref<10240x128xf32, #tpu.memory_space<vmem_shared>> -> memref<10240x128xf32, #tpu.memory_space<vmem_shared>>
        tpu.wait_indirect_dma semaphore(%arg17 : memref<!tpu.dma_semaphore, #tpu.memory_space<semaphore_mem>>) src(%arg8 : memref<64x128xf32, #tpu.memory_space<vmem>>) dst(%dma_wait3A_259 : memref<10240x128xf32, #tpu.memory_space<vmem_shared>>)
        %add3A_260 = arith.constant 4 : i32
        %add3A_261 = arith.addi %mul3A_187, %add3A_260 : i32
        %add3A_262 = arith.constant 0 : i32
        %add3A_263 = arith.addi %add3A_261, %add3A_262 : i32
        %dma_start3A_264 = arith.constant 0 : i32
        %dma_start3A_265 = tpu.memref_slice %arg6[%add3A_263, %dma_start3A_264] : memref<40x64xi32, #tpu.memory_space<vmem>> -> memref<1x64xi32, #tpu.memory_space<vmem>>
        %dma_start3A_266 = tpu.memref_squeeze %dma_start3A_265 : memref<1x64xi32, #tpu.memory_space<vmem>> -> memref<64xi32, #tpu.memory_space<vmem>>
        %dma_start3A_267 = arith.constant 0 : i32
        %dma_start3A_268 = arith.constant 0 : i32
        %dma_start3A_269 = tpu.memref_slice %arg2[%dma_start3A_267, %dma_start3A_268] : memref<10240x128xf32, #tpu.memory_space<hbm>> -> memref<10240x128xf32, #tpu.memory_space<hbm>>
        tpu.enqueue_indirect_dma source(%dma_start3A_269 : memref<10240x128xf32, #tpu.memory_space<hbm>>) target(%arg8 : memref<64x128xf32, #tpu.memory_space<vmem>>) offsets(%dma_start3A_266 : memref<64xi32, #tpu.memory_space<vmem>>) semaphore(%arg13 : memref<!tpu.dma_semaphore, #tpu.memory_space<semaphore_mem>>)
        %add3A_270 = arith.constant 1 : i32
        %add3A_271 = arith.addi %mul3A_187, %add3A_270 : i32
        %dma_wait3A_272 = arith.constant 0 : i32
        %dma_wait3A_273 = tpu.memref_slice %arg7[%add3A_271, %dma_wait3A_272] : memref<40x64xi32, #tpu.memory_space<vmem>> -> memref<1x64xi32, #tpu.memory_space<vmem>>
        %dma_wait3A_274 = tpu.memref_squeeze %dma_wait3A_273 : memref<1x64xi32, #tpu.memory_space<vmem>> -> memref<64xi32, #tpu.memory_space<vmem>>
        %dma_wait3A_275 = arith.constant 0 : i32
        %dma_wait3A_276 = arith.constant 0 : i32
        %dma_wait3A_277 = tpu.memref_slice %arg12[%dma_wait3A_275, %dma_wait3A_276] : memref<10240x128xf32, #tpu.memory_space<vmem_shared>> -> memref<10240x128xf32, #tpu.memory_space<vmem_shared>>
        tpu.wait_indirect_dma semaphore(%arg18 : memref<!tpu.dma_semaphore, #tpu.memory_space<semaphore_mem>>) src(%arg9 : memref<64x128xf32, #tpu.memory_space<vmem>>) dst(%dma_wait3A_277 : memref<10240x128xf32, #tpu.memory_space<vmem_shared>>)
        %add3A_278 = arith.constant 4 : i32
        %add3A_279 = arith.addi %mul3A_187, %add3A_278 : i32
        %add3A_280 = arith.constant 1 : i32
        %add3A_281 = arith.addi %add3A_279, %add3A_280 : i32
        %dma_start3A_282 = arith.constant 0 : i32
        %dma_start3A_283 = tpu.memref_slice %arg6[%add3A_281, %dma_start3A_282] : memref<40x64xi32, #tpu.memory_space<vmem>> -> memref<1x64xi32, #tpu.memory_space<vmem>>
        %dma_start3A_284 = tpu.memref_squeeze %dma_start3A_283 : memref<1x64xi32, #tpu.memory_space<vmem>> -> memref<64xi32, #tpu.memory_space<vmem>>
        %dma_start3A_285 = arith.constant 0 : i32
        %dma_start3A_286 = arith.constant 0 : i32
        %dma_start3A_287 = tpu.memref_slice %arg2[%dma_start3A_285, %dma_start3A_286] : memref<10240x128xf32, #tpu.memory_space<hbm>> -> memref<10240x128xf32, #tpu.memory_space<hbm>>
        tpu.enqueue_indirect_dma source(%dma_start3A_287 : memref<10240x128xf32, #tpu.memory_space<hbm>>) target(%arg9 : memref<64x128xf32, #tpu.memory_space<vmem>>) offsets(%dma_start3A_284 : memref<64xi32, #tpu.memory_space<vmem>>) semaphore(%arg14 : memref<!tpu.dma_semaphore, #tpu.memory_space<semaphore_mem>>)
        %add3A_288 = arith.constant 2 : i32
        %add3A_289 = arith.addi %mul3A_187, %add3A_288 : i32
        %dma_wait3A_290 = arith.constant 0 : i32
        %dma_wait3A_291 = tpu.memref_slice %arg7[%add3A_289, %dma_wait3A_290] : memref<40x64xi32, #tpu.memory_space<vmem>> -> memref<1x64xi32, #tpu.memory_space<vmem>>
        %dma_wait3A_292 = tpu.memref_squeeze %dma_wait3A_291 : memref<1x64xi32, #tpu.memory_space<vmem>> -> memref<64xi32, #tpu.memory_space<vmem>>
        %dma_wait3A_293 = arith.constant 0 : i32
        %dma_wait3A_294 = arith.constant 0 : i32
        %dma_wait3A_295 = tpu.memref_slice %arg12[%dma_wait3A_293, %dma_wait3A_294] : memref<10240x128xf32, #tpu.memory_space<vmem_shared>> -> memref<10240x128xf32, #tpu.memory_space<vmem_shared>>
        tpu.wait_indirect_dma semaphore(%arg19 : memref<!tpu.dma_semaphore, #tpu.memory_space<semaphore_mem>>) src(%arg10 : memref<64x128xf32, #tpu.memory_space<vmem>>) dst(%dma_wait3A_295 : memref<10240x128xf32, #tpu.memory_space<vmem_shared>>)
        %add3A_296 = arith.constant 4 : i32
        %add3A_297 = arith.addi %mul3A_187, %add3A_296 : i32
        %add3A_298 = arith.constant 2 : i32
        %add3A_299 = arith.addi %add3A_297, %add3A_298 : i32
        %dma_start3A_300 = arith.constant 0 : i32
        %dma_start3A_301 = tpu.memref_slice %arg6[%add3A_299, %dma_start3A_300] : memref<40x64xi32, #tpu.memory_space<vmem>> -> memref<1x64xi32, #tpu.memory_space<vmem>>
        %dma_start3A_302 = tpu.memref_squeeze %dma_start3A_301 : memref<1x64xi32, #tpu.memory_space<vmem>> -> memref<64xi32, #tpu.memory_space<vmem>>
        %dma_start3A_303 = arith.constant 0 : i32
        %dma_start3A_304 = arith.constant 0 : i32
        %dma_start3A_305 = tpu.memref_slice %arg2[%dma_start3A_303, %dma_start3A_304] : memref<10240x128xf32, #tpu.memory_space<hbm>> -> memref<10240x128xf32, #tpu.memory_space<hbm>>
        tpu.enqueue_indirect_dma source(%dma_start3A_305 : memref<10240x128xf32, #tpu.memory_space<hbm>>) target(%arg10 : memref<64x128xf32, #tpu.memory_space<vmem>>) offsets(%dma_start3A_302 : memref<64xi32, #tpu.memory_space<vmem>>) semaphore(%arg15 : memref<!tpu.dma_semaphore, #tpu.memory_space<semaphore_mem>>)
        %add3A_306 = arith.constant 3 : i32
        %add3A_307 = arith.addi %mul3A_187, %add3A_306 : i32
        %dma_wait3A_308 = arith.constant 0 : i32
        %dma_wait3A_309 = tpu.memref_slice %arg7[%add3A_307, %dma_wait3A_308] : memref<40x64xi32, #tpu.memory_space<vmem>> -> memref<1x64xi32, #tpu.memory_space<vmem>>
        %dma_wait3A_310 = tpu.memref_squeeze %dma_wait3A_309 : memref<1x64xi32, #tpu.memory_space<vmem>> -> memref<64xi32, #tpu.memory_space<vmem>>
        %dma_wait3A_311 = arith.constant 0 : i32
        %dma_wait3A_312 = arith.constant 0 : i32
        %dma_wait3A_313 = tpu.memref_slice %arg12[%dma_wait3A_311, %dma_wait3A_312] : memref<10240x128xf32, #tpu.memory_space<vmem_shared>> -> memref<10240x128xf32, #tpu.memory_space<vmem_shared>>
        tpu.wait_indirect_dma semaphore(%arg20 : memref<!tpu.dma_semaphore, #tpu.memory_space<semaphore_mem>>) src(%arg11 : memref<64x128xf32, #tpu.memory_space<vmem>>) dst(%dma_wait3A_313 : memref<10240x128xf32, #tpu.memory_space<vmem_shared>>)
        %add3A_314 = arith.constant 4 : i32
        %add3A_315 = arith.addi %mul3A_187, %add3A_314 : i32
        %add3A_316 = arith.constant 3 : i32
        %add3A_317 = arith.addi %add3A_315, %add3A_316 : i32
        %dma_start3A_318 = arith.constant 0 : i32
        %dma_start3A_319 = tpu.memref_slice %arg6[%add3A_317, %dma_start3A_318] : memref<40x64xi32, #tpu.memory_space<vmem>> -> memref<1x64xi32, #tpu.memory_space<vmem>>
        %dma_start3A_320 = tpu.memref_squeeze %dma_start3A_319 : memref<1x64xi32, #tpu.memory_space<vmem>> -> memref<64xi32, #tpu.memory_space<vmem>>
        %dma_start3A_321 = arith.constant 0 : i32
        %dma_start3A_322 = arith.constant 0 : i32
        %dma_start3A_323 = tpu.memref_slice %arg2[%dma_start3A_321, %dma_start3A_322] : memref<10240x128xf32, #tpu.memory_space<hbm>> -> memref<10240x128xf32, #tpu.memory_space<hbm>>
        tpu.enqueue_indirect_dma source(%dma_start3A_323 : memref<10240x128xf32, #tpu.memory_space<hbm>>) target(%arg11 : memref<64x128xf32, #tpu.memory_space<vmem>>) offsets(%dma_start3A_320 : memref<64xi32, #tpu.memory_space<vmem>>) semaphore(%arg16 : memref<!tpu.dma_semaphore, #tpu.memory_space<semaphore_mem>>)
      }
      %scan3A_101 = arith.constant 9 : i32
      %dma_wait3A = arith.constant 36 : i32
      %dma_wait3A_102 = arith.constant 0 : i32
      %dma_wait3A_103 = tpu.memref_slice %arg6[%dma_wait3A, %dma_wait3A_102] : memref<40x64xi32, #tpu.memory_space<vmem>> -> memref<1x64xi32, #tpu.memory_space<vmem>>
      %dma_wait3A_104 = tpu.memref_squeeze %dma_wait3A_103 : memref<1x64xi32, #tpu.memory_space<vmem>> -> memref<64xi32, #tpu.memory_space<vmem>>
      %dma_wait3A_105 = arith.constant 0 : i32
      %dma_wait3A_106 = arith.constant 0 : i32
      %dma_wait3A_107 = tpu.memref_slice %arg2[%dma_wait3A_105, %dma_wait3A_106] : memref<10240x128xf32, #tpu.memory_space<hbm>> -> memref<10240x128xf32, #tpu.memory_space<hbm>>
      tpu.wait_indirect_dma semaphore(%arg13 : memref<!tpu.dma_semaphore, #tpu.memory_space<semaphore_mem>>) src(%dma_wait3A_107 : memref<10240x128xf32, #tpu.memory_space<hbm>>) dst(%arg8 : memref<64x128xf32, #tpu.memory_space<vmem>>)
      %dma_start3A_108 = arith.constant 36 : i32
      %dma_start3A_109 = arith.constant 0 : i32
      %dma_start3A_110 = tpu.memref_slice %arg7[%dma_start3A_108, %dma_start3A_109] : memref<40x64xi32, #tpu.memory_space<vmem>> -> memref<1x64xi32, #tpu.memory_space<vmem>>
      %dma_start3A_111 = tpu.memref_squeeze %dma_start3A_110 : memref<1x64xi32, #tpu.memory_space<vmem>> -> memref<64xi32, #tpu.memory_space<vmem>>
      %dma_start3A_112 = arith.constant 0 : i32
      %dma_start3A_113 = arith.constant 0 : i32
      %dma_start3A_114 = tpu.memref_slice %arg12[%dma_start3A_112, %dma_start3A_113] : memref<10240x128xf32, #tpu.memory_space<vmem_shared>> -> memref<10240x128xf32, #tpu.memory_space<vmem_shared>>
      tpu.enqueue_indirect_dma source(%arg8 : memref<64x128xf32, #tpu.memory_space<vmem>>) target(%dma_start3A_114 : memref<10240x128xf32, #tpu.memory_space<vmem_shared>>) offsets(%dma_start3A_111 : memref<64xi32, #tpu.memory_space<vmem>>) semaphore(%arg17 : memref<!tpu.dma_semaphore, #tpu.memory_space<semaphore_mem>>) {add = true}
      %dma_wait3A_115 = arith.constant 37 : i32
      %dma_wait3A_116 = arith.constant 0 : i32
      %dma_wait3A_117 = tpu.memref_slice %arg6[%dma_wait3A_115, %dma_wait3A_116] : memref<40x64xi32, #tpu.memory_space<vmem>> -> memref<1x64xi32, #tpu.memory_space<vmem>>
      %dma_wait3A_118 = tpu.memref_squeeze %dma_wait3A_117 : memref<1x64xi32, #tpu.memory_space<vmem>> -> memref<64xi32, #tpu.memory_space<vmem>>
      %dma_wait3A_119 = arith.constant 0 : i32
      %dma_wait3A_120 = arith.constant 0 : i32
      %dma_wait3A_121 = tpu.memref_slice %arg2[%dma_wait3A_119, %dma_wait3A_120] : memref<10240x128xf32, #tpu.memory_space<hbm>> -> memref<10240x128xf32, #tpu.memory_space<hbm>>
      tpu.wait_indirect_dma semaphore(%arg14 : memref<!tpu.dma_semaphore, #tpu.memory_space<semaphore_mem>>) src(%dma_wait3A_121 : memref<10240x128xf32, #tpu.memory_space<hbm>>) dst(%arg9 : memref<64x128xf32, #tpu.memory_space<vmem>>)
      %dma_start3A_122 = arith.constant 37 : i32
      %dma_start3A_123 = arith.constant 0 : i32
      %dma_start3A_124 = tpu.memref_slice %arg7[%dma_start3A_122, %dma_start3A_123] : memref<40x64xi32, #tpu.memory_space<vmem>> -> memref<1x64xi32, #tpu.memory_space<vmem>>
      %dma_start3A_125 = tpu.memref_squeeze %dma_start3A_124 : memref<1x64xi32, #tpu.memory_space<vmem>> -> memref<64xi32, #tpu.memory_space<vmem>>
      %dma_start3A_126 = arith.constant 0 : i32
      %dma_start3A_127 = arith.constant 0 : i32
      %dma_start3A_128 = tpu.memref_slice %arg12[%dma_start3A_126, %dma_start3A_127] : memref<10240x128xf32, #tpu.memory_space<vmem_shared>> -> memref<10240x128xf32, #tpu.memory_space<vmem_shared>>
      tpu.enqueue_indirect_dma source(%arg9 : memref<64x128xf32, #tpu.memory_space<vmem>>) target(%dma_start3A_128 : memref<10240x128xf32, #tpu.memory_space<vmem_shared>>) offsets(%dma_start3A_125 : memref<64xi32, #tpu.memory_space<vmem>>) semaphore(%arg18 : memref<!tpu.dma_semaphore, #tpu.memory_space<semaphore_mem>>) {add = true}
      %dma_wait3A_129 = arith.constant 38 : i32
      %dma_wait3A_130 = arith.constant 0 : i32
      %dma_wait3A_131 = tpu.memref_slice %arg6[%dma_wait3A_129, %dma_wait3A_130] : memref<40x64xi32, #tpu.memory_space<vmem>> -> memref<1x64xi32, #tpu.memory_space<vmem>>
      %dma_wait3A_132 = tpu.memref_squeeze %dma_wait3A_131 : memref<1x64xi32, #tpu.memory_space<vmem>> -> memref<64xi32, #tpu.memory_space<vmem>>
      %dma_wait3A_133 = arith.constant 0 : i32
      %dma_wait3A_134 = arith.constant 0 : i32
      %dma_wait3A_135 = tpu.memref_slice %arg2[%dma_wait3A_133, %dma_wait3A_134] : memref<10240x128xf32, #tpu.memory_space<hbm>> -> memref<10240x128xf32, #tpu.memory_space<hbm>>
      tpu.wait_indirect_dma semaphore(%arg15 : memref<!tpu.dma_semaphore, #tpu.memory_space<semaphore_mem>>) src(%dma_wait3A_135 : memref<10240x128xf32, #tpu.memory_space<hbm>>) dst(%arg10 : memref<64x128xf32, #tpu.memory_space<vmem>>)
      %dma_start3A_136 = arith.constant 38 : i32
      %dma_start3A_137 = arith.constant 0 : i32
      %dma_start3A_138 = tpu.memref_slice %arg7[%dma_start3A_136, %dma_start3A_137] : memref<40x64xi32, #tpu.memory_space<vmem>> -> memref<1x64xi32, #tpu.memory_space<vmem>>
      %dma_start3A_139 = tpu.memref_squeeze %dma_start3A_138 : memref<1x64xi32, #tpu.memory_space<vmem>> -> memref<64xi32, #tpu.memory_space<vmem>>
      %dma_start3A_140 = arith.constant 0 : i32
      %dma_start3A_141 = arith.constant 0 : i32
      %dma_start3A_142 = tpu.memref_slice %arg12[%dma_start3A_140, %dma_start3A_141] : memref<10240x128xf32, #tpu.memory_space<vmem_shared>> -> memref<10240x128xf32, #tpu.memory_space<vmem_shared>>
      tpu.enqueue_indirect_dma source(%arg10 : memref<64x128xf32, #tpu.memory_space<vmem>>) target(%dma_start3A_142 : memref<10240x128xf32, #tpu.memory_space<vmem_shared>>) offsets(%dma_start3A_139 : memref<64xi32, #tpu.memory_space<vmem>>) semaphore(%arg19 : memref<!tpu.dma_semaphore, #tpu.memory_space<semaphore_mem>>) {add = true}
      %dma_wait3A_143 = arith.constant 39 : i32
      %dma_wait3A_144 = arith.constant 0 : i32
      %dma_wait3A_145 = tpu.memref_slice %arg6[%dma_wait3A_143, %dma_wait3A_144] : memref<40x64xi32, #tpu.memory_space<vmem>> -> memref<1x64xi32, #tpu.memory_space<vmem>>
      %dma_wait3A_146 = tpu.memref_squeeze %dma_wait3A_145 : memref<1x64xi32, #tpu.memory_space<vmem>> -> memref<64xi32, #tpu.memory_space<vmem>>
      %dma_wait3A_147 = arith.constant 0 : i32
      %dma_wait3A_148 = arith.constant 0 : i32
      %dma_wait3A_149 = tpu.memref_slice %arg2[%dma_wait3A_147, %dma_wait3A_148] : memref<10240x128xf32, #tpu.memory_space<hbm>> -> memref<10240x128xf32, #tpu.memory_space<hbm>>
      tpu.wait_indirect_dma semaphore(%arg16 : memref<!tpu.dma_semaphore, #tpu.memory_space<semaphore_mem>>) src(%dma_wait3A_149 : memref<10240x128xf32, #tpu.memory_space<hbm>>) dst(%arg11 : memref<64x128xf32, #tpu.memory_space<vmem>>)
      %dma_start3A_150 = arith.constant 39 : i32
      %dma_start3A_151 = arith.constant 0 : i32
      %dma_start3A_152 = tpu.memref_slice %arg7[%dma_start3A_150, %dma_start3A_151] : memref<40x64xi32, #tpu.memory_space<vmem>> -> memref<1x64xi32, #tpu.memory_space<vmem>>
      %dma_start3A_153 = tpu.memref_squeeze %dma_start3A_152 : memref<1x64xi32, #tpu.memory_space<vmem>> -> memref<64xi32, #tpu.memory_space<vmem>>
      %dma_start3A_154 = arith.constant 0 : i32
      %dma_start3A_155 = arith.constant 0 : i32
      %dma_start3A_156 = tpu.memref_slice %arg12[%dma_start3A_154, %dma_start3A_155] : memref<10240x128xf32, #tpu.memory_space<vmem_shared>> -> memref<10240x128xf32, #tpu.memory_space<vmem_shared>>
      tpu.enqueue_indirect_dma source(%arg11 : memref<64x128xf32, #tpu.memory_space<vmem>>) target(%dma_start3A_156 : memref<10240x128xf32, #tpu.memory_space<vmem_shared>>) offsets(%dma_start3A_153 : memref<64xi32, #tpu.memory_space<vmem>>) semaphore(%arg20 : memref<!tpu.dma_semaphore, #tpu.memory_space<semaphore_mem>>) {add = true}
      %dma_wait3A_157 = arith.constant 36 : i32
      %dma_wait3A_158 = arith.constant 0 : i32
      %dma_wait3A_159 = tpu.memref_slice %arg7[%dma_wait3A_157, %dma_wait3A_158] : memref<40x64xi32, #tpu.memory_space<vmem>> -> memref<1x64xi32, #tpu.memory_space<vmem>>
      %dma_wait3A_160 = tpu.memref_squeeze %dma_wait3A_159 : memref<1x64xi32, #tpu.memory_space<vmem>> -> memref<64xi32, #tpu.memory_space<vmem>>
      %dma_wait3A_161 = arith.constant 0 : i32
      %dma_wait3A_162 = arith.constant 0 : i32
      %dma_wait3A_163 = tpu.memref_slice %arg12[%dma_wait3A_161, %dma_wait3A_162] : memref<10240x128xf32, #tpu.memory_space<vmem_shared>> -> memref<10240x128xf32, #tpu.memory_space<vmem_shared>>
      tpu.wait_indirect_dma semaphore(%arg17 : memref<!tpu.dma_semaphore, #tpu.memory_space<semaphore_mem>>) src(%arg8 : memref<64x128xf32, #tpu.memory_space<vmem>>) dst(%dma_wait3A_163 : memref<10240x128xf32, #tpu.memory_space<vmem_shared>>)
      %dma_wait3A_164 = arith.constant 37 : i32
      %dma_wait3A_165 = arith.constant 0 : i32
      %dma_wait3A_166 = tpu.memref_slice %arg7[%dma_wait3A_164, %dma_wait3A_165] : memref<40x64xi32, #tpu.memory_space<vmem>> -> memref<1x64xi32, #tpu.memory_space<vmem>>
      %dma_wait3A_167 = tpu.memref_squeeze %dma_wait3A_166 : memref<1x64xi32, #tpu.memory_space<vmem>> -> memref<64xi32, #tpu.memory_space<vmem>>
      %dma_wait3A_168 = arith.constant 0 : i32
      %dma_wait3A_169 = arith.constant 0 : i32
      %dma_wait3A_170 = tpu.memref_slice %arg12[%dma_wait3A_168, %dma_wait3A_169] : memref<10240x128xf32, #tpu.memory_space<vmem_shared>> -> memref<10240x128xf32, #tpu.memory_space<vmem_shared>>
      tpu.wait_indirect_dma semaphore(%arg18 : memref<!tpu.dma_semaphore, #tpu.memory_space<semaphore_mem>>) src(%arg9 : memref<64x128xf32, #tpu.memory_space<vmem>>) dst(%dma_wait3A_170 : memref<10240x128xf32, #tpu.memory_space<vmem_shared>>)
      %dma_wait3A_171 = arith.constant 38 : i32
      %dma_wait3A_172 = arith.constant 0 : i32
      %dma_wait3A_173 = tpu.memref_slice %arg7[%dma_wait3A_171, %dma_wait3A_172] : memref<40x64xi32, #tpu.memory_space<vmem>> -> memref<1x64xi32, #tpu.memory_space<vmem>>
      %dma_wait3A_174 = tpu.memref_squeeze %dma_wait3A_173 : memref<1x64xi32, #tpu.memory_space<vmem>> -> memref<64xi32, #tpu.memory_space<vmem>>
      %dma_wait3A_175 = arith.constant 0 : i32
      %dma_wait3A_176 = arith.constant 0 : i32
      %dma_wait3A_177 = tpu.memref_slice %arg12[%dma_wait3A_175, %dma_wait3A_176] : memref<10240x128xf32, #tpu.memory_space<vmem_shared>> -> memref<10240x128xf32, #tpu.memory_space<vmem_shared>>
      tpu.wait_indirect_dma semaphore(%arg19 : memref<!tpu.dma_semaphore, #tpu.memory_space<semaphore_mem>>) src(%arg10 : memref<64x128xf32, #tpu.memory_space<vmem>>) dst(%dma_wait3A_177 : memref<10240x128xf32, #tpu.memory_space<vmem_shared>>)
      %dma_wait3A_178 = arith.constant 39 : i32
      %dma_wait3A_179 = arith.constant 0 : i32
      %dma_wait3A_180 = tpu.memref_slice %arg7[%dma_wait3A_178, %dma_wait3A_179] : memref<40x64xi32, #tpu.memory_space<vmem>> -> memref<1x64xi32, #tpu.memory_space<vmem>>
      %dma_wait3A_181 = tpu.memref_squeeze %dma_wait3A_180 : memref<1x64xi32, #tpu.memory_space<vmem>> -> memref<64xi32, #tpu.memory_space<vmem>>
      %dma_wait3A_182 = arith.constant 0 : i32
      %dma_wait3A_183 = arith.constant 0 : i32
      %dma_wait3A_184 = tpu.memref_slice %arg12[%dma_wait3A_182, %dma_wait3A_183] : memref<10240x128xf32, #tpu.memory_space<vmem_shared>> -> memref<10240x128xf32, #tpu.memory_space<vmem_shared>>
      tpu.wait_indirect_dma semaphore(%arg20 : memref<!tpu.dma_semaphore, #tpu.memory_space<semaphore_mem>>) src(%arg11 : memref<64x128xf32, #tpu.memory_space<vmem>>) dst(%dma_wait3A_184 : memref<10240x128xf32, #tpu.memory_space<vmem_shared>>)
    }
    %while3A_60 = arith.constant 1 : i32
    scf.for %while3A_66 = %while3A_58 to %while3A_54 step %while3A_60  : i32 {
      %mul3A_67 = arith.constant 40 : i32
      %mul3A_68 = arith.muli %while3A_66, %mul3A_67 : i32
      %add3A_69 = arith.addi %select_n3A, %mul3A_68 : i32
      "tpu.region"() ({
        %run_scoped3A = tpu.sem_alloc : memref<!tpu.dma_semaphore, #tpu.memory_space<semaphore_mem>>
        %dma_start3A_185 = arith.constant 0 : i32
        %dma_start3A_186 = tpu.memref_slice %arg3[%add3A_69, %dma_start3A_185] : memref<5120x64xi32, #tpu.memory_space<hbm>> -> memref<40x64xi32, #tpu.memory_space<hbm>>
        %dma_start3A_187 = arith.constant 0 : i32
        %dma_start3A_188 = tpu.memref_slice %arg3[%add3A_69, %dma_start3A_187] : memref<5120x64xi32, #tpu.memory_space<hbm>> -> memref<40x64xi32, #tpu.memory_space<hbm>>
        tpu.enqueue_dma source(%dma_start3A_188 : memref<40x64xi32, #tpu.memory_space<hbm>>) target(%arg6 : memref<40x64xi32, #tpu.memory_space<vmem>>) target_semaphore(%run_scoped3A : memref<!tpu.dma_semaphore, #tpu.memory_space<semaphore_mem>>)
        %dma_wait3A_189 = arith.constant 0 : i32
        %dma_wait3A_190 = tpu.memref_slice %arg3[%add3A_69, %dma_wait3A_189] : memref<5120x64xi32, #tpu.memory_space<hbm>> -> memref<40x64xi32, #tpu.memory_space<hbm>>
        %dma_wait3A_191 = arith.constant 0 : i32
        %dma_wait3A_192 = tpu.memref_slice %arg3[%add3A_69, %dma_wait3A_191] : memref<5120x64xi32, #tpu.memory_space<hbm>> -> memref<40x64xi32, #tpu.memory_space<hbm>>
        tpu.wait_dma2 semaphore(%run_scoped3A : memref<!tpu.dma_semaphore, #tpu.memory_space<semaphore_mem>>) src(%dma_wait3A_192 : memref<40x64xi32, #tpu.memory_space<hbm>>) dst(%arg6 : memref<40x64xi32, #tpu.memory_space<vmem>>)
        tpu.yield
      }) : () -> ()
      "tpu.region"() ({
        %run_scoped3A = tpu.sem_alloc : memref<!tpu.dma_semaphore, #tpu.memory_space<semaphore_mem>>
        %dma_start3A_185 = arith.constant 0 : i32
        %dma_start3A_186 = tpu.memref_slice %arg4[%add3A_69, %dma_start3A_185] : memref<5120x64xi32, #tpu.memory_space<hbm>> -> memref<40x64xi32, #tpu.memory_space<hbm>>
        %dma_start3A_187 = arith.constant 0 : i32
        %dma_start3A_188 = tpu.memref_slice %arg4[%add3A_69, %dma_start3A_187] : memref<5120x64xi32, #tpu.memory_space<hbm>> -> memref<40x64xi32, #tpu.memory_space<hbm>>
        tpu.enqueue_dma source(%dma_start3A_188 : memref<40x64xi32, #tpu.memory_space<hbm>>) target(%arg7 : memref<40x64xi32, #tpu.memory_space<vmem>>) target_semaphore(%run_scoped3A : memref<!tpu.dma_semaphore, #tpu.memory_space<semaphore_mem>>)
        %dma_wait3A_189 = arith.constant 0 : i32
        %dma_wait3A_190 = tpu.memref_slice %arg4[%add3A_69, %dma_wait3A_189] : memref<5120x64xi32, #tpu.memory_space<hbm>> -> memref<40x64xi32, #tpu.memory_space<hbm>>
        %dma_wait3A_191 = arith.constant 0 : i32
        %dma_wait3A_192 = tpu.memref_slice %arg4[%add3A_69, %dma_wait3A_191] : memref<5120x64xi32, #tpu.memory_space<hbm>> -> memref<40x64xi32, #tpu.memory_space<hbm>>
        tpu.wait_dma2 semaphore(%run_scoped3A : memref<!tpu.dma_semaphore, #tpu.memory_space<semaphore_mem>>) src(%dma_wait3A_192 : memref<40x64xi32, #tpu.memory_space<hbm>>) dst(%arg7 : memref<40x64xi32, #tpu.memory_space<vmem>>)
        tpu.yield
      }) : () -> ()
      %dma_start3A = arith.constant 0 : i32
      %dma_start3A_70 = arith.constant 0 : i32
      %dma_start3A_71 = tpu.memref_slice %arg6[%dma_start3A, %dma_start3A_70] : memref<40x64xi32, #tpu.memory_space<vmem>> -> memref<1x64xi32, #tpu.memory_space<vmem>>
      %dma_start3A_72 = tpu.memref_squeeze %dma_start3A_71 : memref<1x64xi32, #tpu.memory_space<vmem>> -> memref<64xi32, #tpu.memory_space<vmem>>
      %dma_start3A_73 = arith.constant 0 : i32
      %dma_start3A_74 = arith.constant 0 : i32
      %dma_start3A_75 = tpu.memref_slice %arg2[%dma_start3A_73, %dma_start3A_74] : memref<10240x128xf32, #tpu.memory_space<hbm>> -> memref<10240x128xf32, #tpu.memory_space<hbm>>
      tpu.enqueue_indirect_dma source(%dma_start3A_75 : memref<10240x128xf32, #tpu.memory_space<hbm>>) target(%arg8 : memref<64x128xf32, #tpu.memory_space<vmem>>) offsets(%dma_start3A_72 : memref<64xi32, #tpu.memory_space<vmem>>) semaphore(%arg13 : memref<!tpu.dma_semaphore, #tpu.memory_space<semaphore_mem>>)
      %dma_start3A_76 = arith.constant 1 : i32
      %dma_start3A_77 = arith.constant 0 : i32
      %dma_start3A_78 = tpu.memref_slice %arg6[%dma_start3A_76, %dma_start3A_77] : memref<40x64xi32, #tpu.memory_space<vmem>> -> memref<1x64xi32, #tpu.memory_space<vmem>>
      %dma_start3A_79 = tpu.memref_squeeze %dma_start3A_78 : memref<1x64xi32, #tpu.memory_space<vmem>> -> memref<64xi32, #tpu.memory_space<vmem>>
      %dma_start3A_80 = arith.constant 0 : i32
      %dma_start3A_81 = arith.constant 0 : i32
      %dma_start3A_82 = tpu.memref_slice %arg2[%dma_start3A_80, %dma_start3A_81] : memref<10240x128xf32, #tpu.memory_space<hbm>> -> memref<10240x128xf32, #tpu.memory_space<hbm>>
      tpu.enqueue_indirect_dma source(%dma_start3A_82 : memref<10240x128xf32, #tpu.memory_space<hbm>>) target(%arg9 : memref<64x128xf32, #tpu.memory_space<vmem>>) offsets(%dma_start3A_79 : memref<64xi32, #tpu.memory_space<vmem>>) semaphore(%arg14 : memref<!tpu.dma_semaphore, #tpu.memory_space<semaphore_mem>>)
      %dma_start3A_83 = arith.constant 2 : i32
      %dma_start3A_84 = arith.constant 0 : i32
      %dma_start3A_85 = tpu.memref_slice %arg6[%dma_start3A_83, %dma_start3A_84] : memref<40x64xi32, #tpu.memory_space<vmem>> -> memref<1x64xi32, #tpu.memory_space<vmem>>
      %dma_start3A_86 = tpu.memref_squeeze %dma_start3A_85 : memref<1x64xi32, #tpu.memory_space<vmem>> -> memref<64xi32, #tpu.memory_space<vmem>>
      %dma_start3A_87 = arith.constant 0 : i32
      %dma_start3A_88 = arith.constant 0 : i32
      %dma_start3A_89 = tpu.memref_slice %arg2[%dma_start3A_87, %dma_start3A_88] : memref<10240x128xf32, #tpu.memory_space<hbm>> -> memref<10240x128xf32, #tpu.memory_space<hbm>>
      tpu.enqueue_indirect_dma source(%dma_start3A_89 : memref<10240x128xf32, #tpu.memory_space<hbm>>) target(%arg10 : memref<64x128xf32, #tpu.memory_space<vmem>>) offsets(%dma_start3A_86 : memref<64xi32, #tpu.memory_space<vmem>>) semaphore(%arg15 : memref<!tpu.dma_semaphore, #tpu.memory_space<semaphore_mem>>)
      %dma_start3A_90 = arith.constant 3 : i32
      %dma_start3A_91 = arith.constant 0 : i32
      %dma_start3A_92 = tpu.memref_slice %arg6[%dma_start3A_90, %dma_start3A_91] : memref<40x64xi32, #tpu.memory_space<vmem>> -> memref<1x64xi32, #tpu.memory_space<vmem>>
      %dma_start3A_93 = tpu.memref_squeeze %dma_start3A_92 : memref<1x64xi32, #tpu.memory_space<vmem>> -> memref<64xi32, #tpu.memory_space<vmem>>
      %dma_start3A_94 = arith.constant 0 : i32
      %dma_start3A_95 = arith.constant 0 : i32
      %dma_start3A_96 = tpu.memref_slice %arg2[%dma_start3A_94, %dma_start3A_95] : memref<10240x128xf32, #tpu.memory_space<hbm>> -> memref<10240x128xf32, #tpu.memory_space<hbm>>
      tpu.enqueue_indirect_dma source(%dma_start3A_96 : memref<10240x128xf32, #tpu.memory_space<hbm>>) target(%arg11 : memref<64x128xf32, #tpu.memory_space<vmem>>) offsets(%dma_start3A_93 : memref<64xi32, #tpu.memory_space<vmem>>) semaphore(%arg16 : memref<!tpu.dma_semaphore, #tpu.memory_space<semaphore_mem>>)
      %scan3A = arith.constant 0 : i32
      %scan3A_97 = arith.constant 0 : i32
      %scan3A_98 = arith.constant 9 : i32
      %scan3A_99 = arith.addi %scan3A_97, %scan3A_98 : i32
      %scan3A_100 = arith.constant 1 : i32
      scf.for %scan3A_185 = %scan3A_97 to %scan3A_99 step %scan3A_100  : i32 {
        %mul3A_186 = arith.constant 4 : i32
        %mul3A_187 = arith.muli %mul3A_186, %scan3A_185 : i32
        %add3A_188 = arith.constant 0 : i32
        %add3A_189 = arith.addi %mul3A_187, %add3A_188 : i32
        %dma_wait3A_190 = arith.constant 0 : i32
        %dma_wait3A_191 = tpu.memref_slice %arg6[%add3A_189, %dma_wait3A_190] : memref<40x64xi32, #tpu.memory_space<vmem>> -> memref<1x64xi32, #tpu.memory_space<vmem>>
        %dma_wait3A_192 = tpu.memref_squeeze %dma_wait3A_191 : memref<1x64xi32, #tpu.memory_space<vmem>> -> memref<64xi32, #tpu.memory_space<vmem>>
        %dma_wait3A_193 = arith.constant 0 : i32
        %dma_wait3A_194 = arith.constant 0 : i32
        %dma_wait3A_195 = tpu.memref_slice %arg2[%dma_wait3A_193, %dma_wait3A_194] : memref<10240x128xf32, #tpu.memory_space<hbm>> -> memref<10240x128xf32, #tpu.memory_space<hbm>>
        tpu.wait_indirect_dma semaphore(%arg13 : memref<!tpu.dma_semaphore, #tpu.memory_space<semaphore_mem>>) src(%dma_wait3A_195 : memref<10240x128xf32, #tpu.memory_space<hbm>>) dst(%arg8 : memref<64x128xf32, #tpu.memory_space<vmem>>)
        %add3A_196 = arith.constant 0 : i32
        %add3A_197 = arith.addi %mul3A_187, %add3A_196 : i32
        %dma_start3A_198 = arith.constant 0 : i32
        %dma_start3A_199 = tpu.memref_slice %arg7[%add3A_197, %dma_start3A_198] : memref<40x64xi32, #tpu.memory_space<vmem>> -> memref<1x64xi32, #tpu.memory_space<vmem>>
        %dma_start3A_200 = tpu.memref_squeeze %dma_start3A_199 : memref<1x64xi32, #tpu.memory_space<vmem>> -> memref<64xi32, #tpu.memory_space<vmem>>
        %dma_start3A_201 = arith.constant 0 : i32
        %dma_start3A_202 = arith.constant 0 : i32
        %dma_start3A_203 = tpu.memref_slice %arg12[%dma_start3A_201, %dma_start3A_202] : memref<10240x128xf32, #tpu.memory_space<vmem_shared>> -> memref<10240x128xf32, #tpu.memory_space<vmem_shared>>
        tpu.enqueue_indirect_dma source(%arg8 : memref<64x128xf32, #tpu.memory_space<vmem>>) target(%dma_start3A_203 : memref<10240x128xf32, #tpu.memory_space<vmem_shared>>) offsets(%dma_start3A_200 : memref<64xi32, #tpu.memory_space<vmem>>) semaphore(%arg17 : memref<!tpu.dma_semaphore, #tpu.memory_space<semaphore_mem>>) {add = true}
        %add3A_204 = arith.constant 1 : i32
        %add3A_205 = arith.addi %mul3A_187, %add3A_204 : i32
        %dma_wait3A_206 = arith.constant 0 : i32
        %dma_wait3A_207 = tpu.memref_slice %arg6[%add3A_205, %dma_wait3A_206] : memref<40x64xi32, #tpu.memory_space<vmem>> -> memref<1x64xi32, #tpu.memory_space<vmem>>
        %dma_wait3A_208 = tpu.memref_squeeze %dma_wait3A_207 : memref<1x64xi32, #tpu.memory_space<vmem>> -> memref<64xi32, #tpu.memory_space<vmem>>
        %dma_wait3A_209 = arith.constant 0 : i32
        %dma_wait3A_210 = arith.constant 0 : i32
        %dma_wait3A_211 = tpu.memref_slice %arg2[%dma_wait3A_209, %dma_wait3A_210] : memref<10240x128xf32, #tpu.memory_space<hbm>> -> memref<10240x128xf32, #tpu.memory_space<hbm>>
        tpu.wait_indirect_dma semaphore(%arg14 : memref<!tpu.dma_semaphore, #tpu.memory_space<semaphore_mem>>) src(%dma_wait3A_211 : memref<10240x128xf32, #tpu.memory_space<hbm>>) dst(%arg9 : memref<64x128xf32, #tpu.memory_space<vmem>>)
        %add3A_212 = arith.constant 1 : i32
        %add3A_213 = arith.addi %mul3A_187, %add3A_212 : i32
        %dma_start3A_214 = arith.constant 0 : i32
        %dma_start3A_215 = tpu.memref_slice %arg7[%add3A_213, %dma_start3A_214] : memref<40x64xi32, #tpu.memory_space<vmem>> -> memref<1x64xi32, #tpu.memory_space<vmem>>
        %dma_start3A_216 = tpu.memref_squeeze %dma_start3A_215 : memref<1x64xi32, #tpu.memory_space<vmem>> -> memref<64xi32, #tpu.memory_space<vmem>>
        %dma_start3A_217 = arith.constant 0 : i32
        %dma_start3A_218 = arith.constant 0 : i32
        %dma_start3A_219 = tpu.memref_slice %arg12[%dma_start3A_217, %dma_start3A_218] : memref<10240x128xf32, #tpu.memory_space<vmem_shared>> -> memref<10240x128xf32, #tpu.memory_space<vmem_shared>>
        tpu.enqueue_indirect_dma source(%arg9 : memref<64x128xf32, #tpu.memory_space<vmem>>) target(%dma_start3A_219 : memref<10240x128xf32, #tpu.memory_space<vmem_shared>>) offsets(%dma_start3A_216 : memref<64xi32, #tpu.memory_space<vmem>>) semaphore(%arg18 : memref<!tpu.dma_semaphore, #tpu.memory_space<semaphore_mem>>) {add = true}
        %add3A_220 = arith.constant 2 : i32
        %add3A_221 = arith.addi %mul3A_187, %add3A_220 : i32
        %dma_wait3A_222 = arith.constant 0 : i32
        %dma_wait3A_223 = tpu.memref_slice %arg6[%add3A_221, %dma_wait3A_222] : memref<40x64xi32, #tpu.memory_space<vmem>> -> memref<1x64xi32, #tpu.memory_space<vmem>>
        %dma_wait3A_224 = tpu.memref_squeeze %dma_wait3A_223 : memref<1x64xi32, #tpu.memory_space<vmem>> -> memref<64xi32, #tpu.memory_space<vmem>>
        %dma_wait3A_225 = arith.constant 0 : i32
        %dma_wait3A_226 = arith.constant 0 : i32
        %dma_wait3A_227 = tpu.memref_slice %arg2[%dma_wait3A_225, %dma_wait3A_226] : memref<10240x128xf32, #tpu.memory_space<hbm>> -> memref<10240x128xf32, #tpu.memory_space<hbm>>
        tpu.wait_indirect_dma semaphore(%arg15 : memref<!tpu.dma_semaphore, #tpu.memory_space<semaphore_mem>>) src(%dma_wait3A_227 : memref<10240x128xf32, #tpu.memory_space<hbm>>) dst(%arg10 : memref<64x128xf32, #tpu.memory_space<vmem>>)
        %add3A_228 = arith.constant 2 : i32
        %add3A_229 = arith.addi %mul3A_187, %add3A_228 : i32
        %dma_start3A_230 = arith.constant 0 : i32
        %dma_start3A_231 = tpu.memref_slice %arg7[%add3A_229, %dma_start3A_230] : memref<40x64xi32, #tpu.memory_space<vmem>> -> memref<1x64xi32, #tpu.memory_space<vmem>>
        %dma_start3A_232 = tpu.memref_squeeze %dma_start3A_231 : memref<1x64xi32, #tpu.memory_space<vmem>> -> memref<64xi32, #tpu.memory_space<vmem>>
        %dma_start3A_233 = arith.constant 0 : i32
        %dma_start3A_234 = arith.constant 0 : i32
        %dma_start3A_235 = tpu.memref_slice %arg12[%dma_start3A_233, %dma_start3A_234] : memref<10240x128xf32, #tpu.memory_space<vmem_shared>> -> memref<10240x128xf32, #tpu.memory_space<vmem_shared>>
        tpu.enqueue_indirect_dma source(%arg10 : memref<64x128xf32, #tpu.memory_space<vmem>>) target(%dma_start3A_235 : memref<10240x128xf32, #tpu.memory_space<vmem_shared>>) offsets(%dma_start3A_232 : memref<64xi32, #tpu.memory_space<vmem>>) semaphore(%arg19 : memref<!tpu.dma_semaphore, #tpu.memory_space<semaphore_mem>>) {add = true}
        %add3A_236 = arith.constant 3 : i32
        %add3A_237 = arith.addi %mul3A_187, %add3A_236 : i32
        %dma_wait3A_238 = arith.constant 0 : i32
        %dma_wait3A_239 = tpu.memref_slice %arg6[%add3A_237, %dma_wait3A_238] : memref<40x64xi32, #tpu.memory_space<vmem>> -> memref<1x64xi32, #tpu.memory_space<vmem>>
        %dma_wait3A_240 = tpu.memref_squeeze %dma_wait3A_239 : memref<1x64xi32, #tpu.memory_space<vmem>> -> memref<64xi32, #tpu.memory_space<vmem>>
        %dma_wait3A_241 = arith.constant 0 : i32
        %dma_wait3A_242 = arith.constant 0 : i32
        %dma_wait3A_243 = tpu.memref_slice %arg2[%dma_wait3A_241, %dma_wait3A_242] : memref<10240x128xf32, #tpu.memory_space<hbm>> -> memref<10240x128xf32, #tpu.memory_space<hbm>>
        tpu.wait_indirect_dma semaphore(%arg16 : memref<!tpu.dma_semaphore, #tpu.memory_space<semaphore_mem>>) src(%dma_wait3A_243 : memref<10240x128xf32, #tpu.memory_space<hbm>>) dst(%arg11 : memref<64x128xf32, #tpu.memory_space<vmem>>)
        %add3A_244 = arith.constant 3 : i32
        %add3A_245 = arith.addi %mul3A_187, %add3A_244 : i32
        %dma_start3A_246 = arith.constant 0 : i32
        %dma_start3A_247 = tpu.memref_slice %arg7[%add3A_245, %dma_start3A_246] : memref<40x64xi32, #tpu.memory_space<vmem>> -> memref<1x64xi32, #tpu.memory_space<vmem>>
        %dma_start3A_248 = tpu.memref_squeeze %dma_start3A_247 : memref<1x64xi32, #tpu.memory_space<vmem>> -> memref<64xi32, #tpu.memory_space<vmem>>
        %dma_start3A_249 = arith.constant 0 : i32
        %dma_start3A_250 = arith.constant 0 : i32
        %dma_start3A_251 = tpu.memref_slice %arg12[%dma_start3A_249, %dma_start3A_250] : memref<10240x128xf32, #tpu.memory_space<vmem_shared>> -> memref<10240x128xf32, #tpu.memory_space<vmem_shared>>
        tpu.enqueue_indirect_dma source(%arg11 : memref<64x128xf32, #tpu.memory_space<vmem>>) target(%dma_start3A_251 : memref<10240x128xf32, #tpu.memory_space<vmem_shared>>) offsets(%dma_start3A_248 : memref<64xi32, #tpu.memory_space<vmem>>) semaphore(%arg20 : memref<!tpu.dma_semaphore, #tpu.memory_space<semaphore_mem>>) {add = true}
        %add3A_252 = arith.constant 0 : i32
        %add3A_253 = arith.addi %mul3A_187, %add3A_252 : i32
        %dma_wait3A_254 = arith.constant 0 : i32
        %dma_wait3A_255 = tpu.memref_slice %arg7[%add3A_253, %dma_wait3A_254] : memref<40x64xi32, #tpu.memory_space<vmem>> -> memref<1x64xi32, #tpu.memory_space<vmem>>
        %dma_wait3A_256 = tpu.memref_squeeze %dma_wait3A_255 : memref<1x64xi32, #tpu.memory_space<vmem>> -> memref<64xi32, #tpu.memory_space<vmem>>
        %dma_wait3A_257 = arith.constant 0 : i32
        %dma_wait3A_258 = arith.constant 0 : i32
        %dma_wait3A_259 = tpu.memref_slice %arg12[%dma_wait3A_257, %dma_wait3A_258] : memref<10240x128xf32, #tpu.memory_space<vmem_shared>> -> memref<10240x128xf32, #tpu.memory_space<vmem_shared>>
        tpu.wait_indirect_dma semaphore(%arg17 : memref<!tpu.dma_semaphore, #tpu.memory_space<semaphore_mem>>) src(%arg8 : memref<64x128xf32, #tpu.memory_space<vmem>>) dst(%dma_wait3A_259 : memref<10240x128xf32, #tpu.memory_space<vmem_shared>>)
        %add3A_260 = arith.constant 4 : i32
        %add3A_261 = arith.addi %mul3A_187, %add3A_260 : i32
        %add3A_262 = arith.constant 0 : i32
        %add3A_263 = arith.addi %add3A_261, %add3A_262 : i32
        %dma_start3A_264 = arith.constant 0 : i32
        %dma_start3A_265 = tpu.memref_slice %arg6[%add3A_263, %dma_start3A_264] : memref<40x64xi32, #tpu.memory_space<vmem>> -> memref<1x64xi32, #tpu.memory_space<vmem>>
        %dma_start3A_266 = tpu.memref_squeeze %dma_start3A_265 : memref<1x64xi32, #tpu.memory_space<vmem>> -> memref<64xi32, #tpu.memory_space<vmem>>
        %dma_start3A_267 = arith.constant 0 : i32
        %dma_start3A_268 = arith.constant 0 : i32
        %dma_start3A_269 = tpu.memref_slice %arg2[%dma_start3A_267, %dma_start3A_268] : memref<10240x128xf32, #tpu.memory_space<hbm>> -> memref<10240x128xf32, #tpu.memory_space<hbm>>
        tpu.enqueue_indirect_dma source(%dma_start3A_269 : memref<10240x128xf32, #tpu.memory_space<hbm>>) target(%arg8 : memref<64x128xf32, #tpu.memory_space<vmem>>) offsets(%dma_start3A_266 : memref<64xi32, #tpu.memory_space<vmem>>) semaphore(%arg13 : memref<!tpu.dma_semaphore, #tpu.memory_space<semaphore_mem>>)
        %add3A_270 = arith.constant 1 : i32
        %add3A_271 = arith.addi %mul3A_187, %add3A_270 : i32
        %dma_wait3A_272 = arith.constant 0 : i32
        %dma_wait3A_273 = tpu.memref_slice %arg7[%add3A_271, %dma_wait3A_272] : memref<40x64xi32, #tpu.memory_space<vmem>> -> memref<1x64xi32, #tpu.memory_space<vmem>>
        %dma_wait3A_274 = tpu.memref_squeeze %dma_wait3A_273 : memref<1x64xi32, #tpu.memory_space<vmem>> -> memref<64xi32, #tpu.memory_space<vmem>>
        %dma_wait3A_275 = arith.constant 0 : i32
        %dma_wait3A_276 = arith.constant 0 : i32
        %dma_wait3A_277 = tpu.memref_slice %arg12[%dma_wait3A_275, %dma_wait3A_276] : memref<10240x128xf32, #tpu.memory_space<vmem_shared>> -> memref<10240x128xf32, #tpu.memory_space<vmem_shared>>
        tpu.wait_indirect_dma semaphore(%arg18 : memref<!tpu.dma_semaphore, #tpu.memory_space<semaphore_mem>>) src(%arg9 : memref<64x128xf32, #tpu.memory_space<vmem>>) dst(%dma_wait3A_277 : memref<10240x128xf32, #tpu.memory_space<vmem_shared>>)
        %add3A_278 = arith.constant 4 : i32
        %add3A_279 = arith.addi %mul3A_187, %add3A_278 : i32
        %add3A_280 = arith.constant 1 : i32
        %add3A_281 = arith.addi %add3A_279, %add3A_280 : i32
        %dma_start3A_282 = arith.constant 0 : i32
        %dma_start3A_283 = tpu.memref_slice %arg6[%add3A_281, %dma_start3A_282] : memref<40x64xi32, #tpu.memory_space<vmem>> -> memref<1x64xi32, #tpu.memory_space<vmem>>
        %dma_start3A_284 = tpu.memref_squeeze %dma_start3A_283 : memref<1x64xi32, #tpu.memory_space<vmem>> -> memref<64xi32, #tpu.memory_space<vmem>>
        %dma_start3A_285 = arith.constant 0 : i32
        %dma_start3A_286 = arith.constant 0 : i32
        %dma_start3A_287 = tpu.memref_slice %arg2[%dma_start3A_285, %dma_start3A_286] : memref<10240x128xf32, #tpu.memory_space<hbm>> -> memref<10240x128xf32, #tpu.memory_space<hbm>>
        tpu.enqueue_indirect_dma source(%dma_start3A_287 : memref<10240x128xf32, #tpu.memory_space<hbm>>) target(%arg9 : memref<64x128xf32, #tpu.memory_space<vmem>>) offsets(%dma_start3A_284 : memref<64xi32, #tpu.memory_space<vmem>>) semaphore(%arg14 : memref<!tpu.dma_semaphore, #tpu.memory_space<semaphore_mem>>)
        %add3A_288 = arith.constant 2 : i32
        %add3A_289 = arith.addi %mul3A_187, %add3A_288 : i32
        %dma_wait3A_290 = arith.constant 0 : i32
        %dma_wait3A_291 = tpu.memref_slice %arg7[%add3A_289, %dma_wait3A_290] : memref<40x64xi32, #tpu.memory_space<vmem>> -> memref<1x64xi32, #tpu.memory_space<vmem>>
        %dma_wait3A_292 = tpu.memref_squeeze %dma_wait3A_291 : memref<1x64xi32, #tpu.memory_space<vmem>> -> memref<64xi32, #tpu.memory_space<vmem>>
        %dma_wait3A_293 = arith.constant 0 : i32
        %dma_wait3A_294 = arith.constant 0 : i32
        %dma_wait3A_295 = tpu.memref_slice %arg12[%dma_wait3A_293, %dma_wait3A_294] : memref<10240x128xf32, #tpu.memory_space<vmem_shared>> -> memref<10240x128xf32, #tpu.memory_space<vmem_shared>>
        tpu.wait_indirect_dma semaphore(%arg19 : memref<!tpu.dma_semaphore, #tpu.memory_space<semaphore_mem>>) src(%arg10 : memref<64x128xf32, #tpu.memory_space<vmem>>) dst(%dma_wait3A_295 : memref<10240x128xf32, #tpu.memory_space<vmem_shared>>)
        %add3A_296 = arith.constant 4 : i32
        %add3A_297 = arith.addi %mul3A_187, %add3A_296 : i32
        %add3A_298 = arith.constant 2 : i32
        %add3A_299 = arith.addi %add3A_297, %add3A_298 : i32
        %dma_start3A_300 = arith.constant 0 : i32
        %dma_start3A_301 = tpu.memref_slice %arg6[%add3A_299, %dma_start3A_300] : memref<40x64xi32, #tpu.memory_space<vmem>> -> memref<1x64xi32, #tpu.memory_space<vmem>>
        %dma_start3A_302 = tpu.memref_squeeze %dma_start3A_301 : memref<1x64xi32, #tpu.memory_space<vmem>> -> memref<64xi32, #tpu.memory_space<vmem>>
        %dma_start3A_303 = arith.constant 0 : i32
        %dma_start3A_304 = arith.constant 0 : i32
        %dma_start3A_305 = tpu.memref_slice %arg2[%dma_start3A_303, %dma_start3A_304] : memref<10240x128xf32, #tpu.memory_space<hbm>> -> memref<10240x128xf32, #tpu.memory_space<hbm>>
        tpu.enqueue_indirect_dma source(%dma_start3A_305 : memref<10240x128xf32, #tpu.memory_space<hbm>>) target(%arg10 : memref<64x128xf32, #tpu.memory_space<vmem>>) offsets(%dma_start3A_302 : memref<64xi32, #tpu.memory_space<vmem>>) semaphore(%arg15 : memref<!tpu.dma_semaphore, #tpu.memory_space<semaphore_mem>>)
        %add3A_306 = arith.constant 3 : i32
        %add3A_307 = arith.addi %mul3A_187, %add3A_306 : i32
        %dma_wait3A_308 = arith.constant 0 : i32
        %dma_wait3A_309 = tpu.memref_slice %arg7[%add3A_307, %dma_wait3A_308] : memref<40x64xi32, #tpu.memory_space<vmem>> -> memref<1x64xi32, #tpu.memory_space<vmem>>
        %dma_wait3A_310 = tpu.memref_squeeze %dma_wait3A_309 : memref<1x64xi32, #tpu.memory_space<vmem>> -> memref<64xi32, #tpu.memory_space<vmem>>
        %dma_wait3A_311 = arith.constant 0 : i32
        %dma_wait3A_312 = arith.constant 0 : i32
        %dma_wait3A_313 = tpu.memref_slice %arg12[%dma_wait3A_311, %dma_wait3A_312] : memref<10240x128xf32, #tpu.memory_space<vmem_shared>> -> memref<10240x128xf32, #tpu.memory_space<vmem_shared>>
        tpu.wait_indirect_dma semaphore(%arg20 : memref<!tpu.dma_semaphore, #tpu.memory_space<semaphore_mem>>) src(%arg11 : memref<64x128xf32, #tpu.memory_space<vmem>>) dst(%dma_wait3A_313 : memref<10240x128xf32, #tpu.memory_space<vmem_shared>>)
        %add3A_314 = arith.constant 4 : i32
        %add3A_315 = arith.addi %mul3A_187, %add3A_314 : i32
        %add3A_316 = arith.constant 3 : i32
        %add3A_317 = arith.addi %add3A_315, %add3A_316 : i32
        %dma_start3A_318 = arith.constant 0 : i32
        %dma_start3A_319 = tpu.memref_slice %arg6[%add3A_317, %dma_start3A_318] : memref<40x64xi32, #tpu.memory_space<vmem>> -> memref<1x64xi32, #tpu.memory_space<vmem>>
        %dma_start3A_320 = tpu.memref_squeeze %dma_start3A_319 : memref<1x64xi32, #tpu.memory_space<vmem>> -> memref<64xi32, #tpu.memory_space<vmem>>
        %dma_start3A_321 = arith.constant 0 : i32
        %dma_start3A_322 = arith.constant 0 : i32
        %dma_start3A_323 = tpu.memref_slice %arg2[%dma_start3A_321, %dma_start3A_322] : memref<10240x128xf32, #tpu.memory_space<hbm>> -> memref<10240x128xf32, #tpu.memory_space<hbm>>
        tpu.enqueue_indirect_dma source(%dma_start3A_323 : memref<10240x128xf32, #tpu.memory_space<hbm>>) target(%arg11 : memref<64x128xf32, #tpu.memory_space<vmem>>) offsets(%dma_start3A_320 : memref<64xi32, #tpu.memory_space<vmem>>) semaphore(%arg16 : memref<!tpu.dma_semaphore, #tpu.memory_space<semaphore_mem>>)
      }
      %scan3A_101 = arith.constant 9 : i32
      %dma_wait3A = arith.constant 36 : i32
      %dma_wait3A_102 = arith.constant 0 : i32
      %dma_wait3A_103 = tpu.memref_slice %arg6[%dma_wait3A, %dma_wait3A_102] : memref<40x64xi32, #tpu.memory_space<vmem>> -> memref<1x64xi32, #tpu.memory_space<vmem>>
      %dma_wait3A_104 = tpu.memref_squeeze %dma_wait3A_103 : memref<1x64xi32, #tpu.memory_space<vmem>> -> memref<64xi32, #tpu.memory_space<vmem>>
      %dma_wait3A_105 = arith.constant 0 : i32
      %dma_wait3A_106 = arith.constant 0 : i32
      %dma_wait3A_107 = tpu.memref_slice %arg2[%dma_wait3A_105, %dma_wait3A_106] : memref<10240x128xf32, #tpu.memory_space<hbm>> -> memref<10240x128xf32, #tpu.memory_space<hbm>>
      tpu.wait_indirect_dma semaphore(%arg13 : memref<!tpu.dma_semaphore, #tpu.memory_space<semaphore_mem>>) src(%dma_wait3A_107 : memref<10240x128xf32, #tpu.memory_space<hbm>>) dst(%arg8 : memref<64x128xf32, #tpu.memory_space<vmem>>)
      %dma_start3A_108 = arith.constant 36 : i32
      %dma_start3A_109 = arith.constant 0 : i32
      %dma_start3A_110 = tpu.memref_slice %arg7[%dma_start3A_108, %dma_start3A_109] : memref<40x64xi32, #tpu.memory_space<vmem>> -> memref<1x64xi32, #tpu.memory_space<vmem>>
      %dma_start3A_111 = tpu.memref_squeeze %dma_start3A_110 : memref<1x64xi32, #tpu.memory_space<vmem>> -> memref<64xi32, #tpu.memory_space<vmem>>
      %dma_start3A_112 = arith.constant 0 : i32
      %dma_start3A_113 = arith.constant 0 : i32
      %dma_start3A_114 = tpu.memref_slice %arg12[%dma_start3A_112, %dma_start3A_113] : memref<10240x128xf32, #tpu.memory_space<vmem_shared>> -> memref<10240x128xf32, #tpu.memory_space<vmem_shared>>
      tpu.enqueue_indirect_dma source(%arg8 : memref<64x128xf32, #tpu.memory_space<vmem>>) target(%dma_start3A_114 : memref<10240x128xf32, #tpu.memory_space<vmem_shared>>) offsets(%dma_start3A_111 : memref<64xi32, #tpu.memory_space<vmem>>) semaphore(%arg17 : memref<!tpu.dma_semaphore, #tpu.memory_space<semaphore_mem>>) {add = true}
      %dma_wait3A_115 = arith.constant 37 : i32
      %dma_wait3A_116 = arith.constant 0 : i32
      %dma_wait3A_117 = tpu.memref_slice %arg6[%dma_wait3A_115, %dma_wait3A_116] : memref<40x64xi32, #tpu.memory_space<vmem>> -> memref<1x64xi32, #tpu.memory_space<vmem>>
      %dma_wait3A_118 = tpu.memref_squeeze %dma_wait3A_117 : memref<1x64xi32, #tpu.memory_space<vmem>> -> memref<64xi32, #tpu.memory_space<vmem>>
      %dma_wait3A_119 = arith.constant 0 : i32
      %dma_wait3A_120 = arith.constant 0 : i32
      %dma_wait3A_121 = tpu.memref_slice %arg2[%dma_wait3A_119, %dma_wait3A_120] : memref<10240x128xf32, #tpu.memory_space<hbm>> -> memref<10240x128xf32, #tpu.memory_space<hbm>>
      tpu.wait_indirect_dma semaphore(%arg14 : memref<!tpu.dma_semaphore, #tpu.memory_space<semaphore_mem>>) src(%dma_wait3A_121 : memref<10240x128xf32, #tpu.memory_space<hbm>>) dst(%arg9 : memref<64x128xf32, #tpu.memory_space<vmem>>)
      %dma_start3A_122 = arith.constant 37 : i32
      %dma_start3A_123 = arith.constant 0 : i32
      %dma_start3A_124 = tpu.memref_slice %arg7[%dma_start3A_122, %dma_start3A_123] : memref<40x64xi32, #tpu.memory_space<vmem>> -> memref<1x64xi32, #tpu.memory_space<vmem>>
      %dma_start3A_125 = tpu.memref_squeeze %dma_start3A_124 : memref<1x64xi32, #tpu.memory_space<vmem>> -> memref<64xi32, #tpu.memory_space<vmem>>
      %dma_start3A_126 = arith.constant 0 : i32
      %dma_start3A_127 = arith.constant 0 : i32
      %dma_start3A_128 = tpu.memref_slice %arg12[%dma_start3A_126, %dma_start3A_127] : memref<10240x128xf32, #tpu.memory_space<vmem_shared>> -> memref<10240x128xf32, #tpu.memory_space<vmem_shared>>
      tpu.enqueue_indirect_dma source(%arg9 : memref<64x128xf32, #tpu.memory_space<vmem>>) target(%dma_start3A_128 : memref<10240x128xf32, #tpu.memory_space<vmem_shared>>) offsets(%dma_start3A_125 : memref<64xi32, #tpu.memory_space<vmem>>) semaphore(%arg18 : memref<!tpu.dma_semaphore, #tpu.memory_space<semaphore_mem>>) {add = true}
      %dma_wait3A_129 = arith.constant 38 : i32
      %dma_wait3A_130 = arith.constant 0 : i32
      %dma_wait3A_131 = tpu.memref_slice %arg6[%dma_wait3A_129, %dma_wait3A_130] : memref<40x64xi32, #tpu.memory_space<vmem>> -> memref<1x64xi32, #tpu.memory_space<vmem>>
      %dma_wait3A_132 = tpu.memref_squeeze %dma_wait3A_131 : memref<1x64xi32, #tpu.memory_space<vmem>> -> memref<64xi32, #tpu.memory_space<vmem>>
      %dma_wait3A_133 = arith.constant 0 : i32
      %dma_wait3A_134 = arith.constant 0 : i32
      %dma_wait3A_135 = tpu.memref_slice %arg2[%dma_wait3A_133, %dma_wait3A_134] : memref<10240x128xf32, #tpu.memory_space<hbm>> -> memref<10240x128xf32, #tpu.memory_space<hbm>>
      tpu.wait_indirect_dma semaphore(%arg15 : memref<!tpu.dma_semaphore, #tpu.memory_space<semaphore_mem>>) src(%dma_wait3A_135 : memref<10240x128xf32, #tpu.memory_space<hbm>>) dst(%arg10 : memref<64x128xf32, #tpu.memory_space<vmem>>)
      %dma_start3A_136 = arith.constant 38 : i32
      %dma_start3A_137 = arith.constant 0 : i32
      %dma_start3A_138 = tpu.memref_slice %arg7[%dma_start3A_136, %dma_start3A_137] : memref<40x64xi32, #tpu.memory_space<vmem>> -> memref<1x64xi32, #tpu.memory_space<vmem>>
      %dma_start3A_139 = tpu.memref_squeeze %dma_start3A_138 : memref<1x64xi32, #tpu.memory_space<vmem>> -> memref<64xi32, #tpu.memory_space<vmem>>
      %dma_start3A_140 = arith.constant 0 : i32
      %dma_start3A_141 = arith.constant 0 : i32
      %dma_start3A_142 = tpu.memref_slice %arg12[%dma_start3A_140, %dma_start3A_141] : memref<10240x128xf32, #tpu.memory_space<vmem_shared>> -> memref<10240x128xf32, #tpu.memory_space<vmem_shared>>
      tpu.enqueue_indirect_dma source(%arg10 : memref<64x128xf32, #tpu.memory_space<vmem>>) target(%dma_start3A_142 : memref<10240x128xf32, #tpu.memory_space<vmem_shared>>) offsets(%dma_start3A_139 : memref<64xi32, #tpu.memory_space<vmem>>) semaphore(%arg19 : memref<!tpu.dma_semaphore, #tpu.memory_space<semaphore_mem>>) {add = true}
      %dma_wait3A_143 = arith.constant 39 : i32
      %dma_wait3A_144 = arith.constant 0 : i32
      %dma_wait3A_145 = tpu.memref_slice %arg6[%dma_wait3A_143, %dma_wait3A_144] : memref<40x64xi32, #tpu.memory_space<vmem>> -> memref<1x64xi32, #tpu.memory_space<vmem>>
      %dma_wait3A_146 = tpu.memref_squeeze %dma_wait3A_145 : memref<1x64xi32, #tpu.memory_space<vmem>> -> memref<64xi32, #tpu.memory_space<vmem>>
      %dma_wait3A_147 = arith.constant 0 : i32
      %dma_wait3A_148 = arith.constant 0 : i32
      %dma_wait3A_149 = tpu.memref_slice %arg2[%dma_wait3A_147, %dma_wait3A_148] : memref<10240x128xf32, #tpu.memory_space<hbm>> -> memref<10240x128xf32, #tpu.memory_space<hbm>>
      tpu.wait_indirect_dma semaphore(%arg16 : memref<!tpu.dma_semaphore, #tpu.memory_space<semaphore_mem>>) src(%dma_wait3A_149 : memref<10240x128xf32, #tpu.memory_space<hbm>>) dst(%arg11 : memref<64x128xf32, #tpu.memory_space<vmem>>)
      %dma_start3A_150 = arith.constant 39 : i32
      %dma_start3A_151 = arith.constant 0 : i32
      %dma_start3A_152 = tpu.memref_slice %arg7[%dma_start3A_150, %dma_start3A_151] : memref<40x64xi32, #tpu.memory_space<vmem>> -> memref<1x64xi32, #tpu.memory_space<vmem>>
      %dma_start3A_153 = tpu.memref_squeeze %dma_start3A_152 : memref<1x64xi32, #tpu.memory_space<vmem>> -> memref<64xi32, #tpu.memory_space<vmem>>
      %dma_start3A_154 = arith.constant 0 : i32
      %dma_start3A_155 = arith.constant 0 : i32
      %dma_start3A_156 = tpu.memref_slice %arg12[%dma_start3A_154, %dma_start3A_155] : memref<10240x128xf32, #tpu.memory_space<vmem_shared>> -> memref<10240x128xf32, #tpu.memory_space<vmem_shared>>
      tpu.enqueue_indirect_dma source(%arg11 : memref<64x128xf32, #tpu.memory_space<vmem>>) target(%dma_start3A_156 : memref<10240x128xf32, #tpu.memory_space<vmem_shared>>) offsets(%dma_start3A_153 : memref<64xi32, #tpu.memory_space<vmem>>) semaphore(%arg20 : memref<!tpu.dma_semaphore, #tpu.memory_space<semaphore_mem>>) {add = true}
      %dma_wait3A_157 = arith.constant 36 : i32
      %dma_wait3A_158 = arith.constant 0 : i32
      %dma_wait3A_159 = tpu.memref_slice %arg7[%dma_wait3A_157, %dma_wait3A_158] : memref<40x64xi32, #tpu.memory_space<vmem>> -> memref<1x64xi32, #tpu.memory_space<vmem>>
      %dma_wait3A_160 = tpu.memref_squeeze %dma_wait3A_159 : memref<1x64xi32, #tpu.memory_space<vmem>> -> memref<64xi32, #tpu.memory_space<vmem>>
      %dma_wait3A_161 = arith.constant 0 : i32
      %dma_wait3A_162 = arith.constant 0 : i32
      %dma_wait3A_163 = tpu.memref_slice %arg12[%dma_wait3A_161, %dma_wait3A_162] : memref<10240x128xf32, #tpu.memory_space<vmem_shared>> -> memref<10240x128xf32, #tpu.memory_space<vmem_shared>>
      tpu.wait_indirect_dma semaphore(%arg17 : memref<!tpu.dma_semaphore, #tpu.memory_space<semaphore_mem>>) src(%arg8 : memref<64x128xf32, #tpu.memory_space<vmem>>) dst(%dma_wait3A_163 : memref<10240x128xf32, #tpu.memory_space<vmem_shared>>)
      %dma_wait3A_164 = arith.constant 37 : i32
      %dma_wait3A_165 = arith.constant 0 : i32
      %dma_wait3A_166 = tpu.memref_slice %arg7[%dma_wait3A_164, %dma_wait3A_165] : memref<40x64xi32, #tpu.memory_space<vmem>> -> memref<1x64xi32, #tpu.memory_space<vmem>>
      %dma_wait3A_167 = tpu.memref_squeeze %dma_wait3A_166 : memref<1x64xi32, #tpu.memory_space<vmem>> -> memref<64xi32, #tpu.memory_space<vmem>>
      %dma_wait3A_168 = arith.constant 0 : i32
      %dma_wait3A_169 = arith.constant 0 : i32
      %dma_wait3A_170 = tpu.memref_slice %arg12[%dma_wait3A_168, %dma_wait3A_169] : memref<10240x128xf32, #tpu.memory_space<vmem_shared>> -> memref<10240x128xf32, #tpu.memory_space<vmem_shared>>
      tpu.wait_indirect_dma semaphore(%arg18 : memref<!tpu.dma_semaphore, #tpu.memory_space<semaphore_mem>>) src(%arg9 : memref<64x128xf32, #tpu.memory_space<vmem>>) dst(%dma_wait3A_170 : memref<10240x128xf32, #tpu.memory_space<vmem_shared>>)
      %dma_wait3A_171 = arith.constant 38 : i32
      %dma_wait3A_172 = arith.constant 0 : i32
      %dma_wait3A_173 = tpu.memref_slice %arg7[%dma_wait3A_171, %dma_wait3A_172] : memref<40x64xi32, #tpu.memory_space<vmem>> -> memref<1x64xi32, #tpu.memory_space<vmem>>
      %dma_wait3A_174 = tpu.memref_squeeze %dma_wait3A_173 : memref<1x64xi32, #tpu.memory_space<vmem>> -> memref<64xi32, #tpu.memory_space<vmem>>
      %dma_wait3A_175 = arith.constant 0 : i32
      %dma_wait3A_176 = arith.constant 0 : i32
      %dma_wait3A_177 = tpu.memref_slice %arg12[%dma_wait3A_175, %dma_wait3A_176] : memref<10240x128xf32, #tpu.memory_space<vmem_shared>> -> memref<10240x128xf32, #tpu.memory_space<vmem_shared>>
      tpu.wait_indirect_dma semaphore(%arg19 : memref<!tpu.dma_semaphore, #tpu.memory_space<semaphore_mem>>) src(%arg10 : memref<64x128xf32, #tpu.memory_space<vmem>>) dst(%dma_wait3A_177 : memref<10240x128xf32, #tpu.memory_space<vmem_shared>>)
      %dma_wait3A_178 = arith.constant 39 : i32
      %dma_wait3A_179 = arith.constant 0 : i32
      %dma_wait3A_180 = tpu.memref_slice %arg7[%dma_wait3A_178, %dma_wait3A_179] : memref<40x64xi32, #tpu.memory_space<vmem>> -> memref<1x64xi32, #tpu.memory_space<vmem>>
      %dma_wait3A_181 = tpu.memref_squeeze %dma_wait3A_180 : memref<1x64xi32, #tpu.memory_space<vmem>> -> memref<64xi32, #tpu.memory_space<vmem>>
      %dma_wait3A_182 = arith.constant 0 : i32
      %dma_wait3A_183 = arith.constant 0 : i32
      %dma_wait3A_184 = tpu.memref_slice %arg12[%dma_wait3A_182, %dma_wait3A_183] : memref<10240x128xf32, #tpu.memory_space<vmem_shared>> -> memref<10240x128xf32, #tpu.memory_space<vmem_shared>>
      tpu.wait_indirect_dma semaphore(%arg20 : memref<!tpu.dma_semaphore, #tpu.memory_space<semaphore_mem>>) src(%arg11 : memref<64x128xf32, #tpu.memory_space<vmem>>) dst(%dma_wait3A_184 : memref<10240x128xf32, #tpu.memory_space<vmem_shared>>)
    }
    %barrier3A_61 = arith.constant 0 : index
    tpu.barrier barrier_id(%barrier3A_61)
    %mul3A_62 = arith.constant 640 : i32
    %mul3A_63 = arith.muli %arg1, %mul3A_62 : i32
    %mul3A_64 = arith.constant 640 : i32
    %mul3A_65 = arith.muli %arg1, %mul3A_64 : i32
    "tpu.region"() ({
      %run_scoped3A = tpu.sem_alloc : memref<!tpu.dma_semaphore, #tpu.memory_space<semaphore_mem>>
      %dma_start3A = arith.constant 0 : i32
      %dma_start3A_66 = tpu.memref_slice %arg5[%arg0, %mul3A_65, %dma_start3A] : memref<2x10240x128xf32, #tpu.memory_space<hbm>> -> memref<1x640x128xf32, #tpu.memory_space<hbm>>
      %dma_start3A_67 = tpu.memref_squeeze %dma_start3A_66 : memref<1x640x128xf32, #tpu.memory_space<hbm>> -> memref<640x128xf32, #tpu.memory_space<hbm>>
      %dma_start3A_68 = arith.constant 0 : i32
      %dma_start3A_69 = tpu.memref_slice %arg12[%mul3A_63, %dma_start3A_68] : memref<10240x128xf32, #tpu.memory_space<vmem_shared>> -> memref<640x128xf32, #tpu.memory_space<vmem_shared>>
      tpu.enqueue_dma source(%dma_start3A_69 : memref<640x128xf32, #tpu.memory_space<vmem_shared>>) target(%dma_start3A_67 : memref<640x128xf32, #tpu.memory_space<hbm>>) target_semaphore(%run_scoped3A : memref<!tpu.dma_semaphore, #tpu.memory_space<semaphore_mem>>)
      %dma_wait3A = arith.constant 0 : i32
      %dma_wait3A_70 = tpu.memref_slice %arg5[%arg0, %mul3A_65, %dma_wait3A] : memref<2x10240x128xf32, #tpu.memory_space<hbm>> -> memref<1x640x128xf32, #tpu.memory_space<hbm>>
      %dma_wait3A_71 = tpu.memref_squeeze %dma_wait3A_70 : memref<1x640x128xf32, #tpu.memory_space<hbm>> -> memref<640x128xf32, #tpu.memory_space<hbm>>
      %dma_wait3A_72 = arith.constant 0 : i32
      %dma_wait3A_73 = tpu.memref_slice %arg12[%mul3A_63, %dma_wait3A_72] : memref<10240x128xf32, #tpu.memory_space<vmem_shared>> -> memref<640x128xf32, #tpu.memory_space<vmem_shared>>
      tpu.wait_dma2 semaphore(%run_scoped3A : memref<!tpu.dma_semaphore, #tpu.memory_space<semaphore_mem>>) src(%dma_wait3A_73 : memref<640x128xf32, #tpu.memory_space<vmem_shared>>) dst(%dma_wait3A_71 : memref<640x128xf32, #tpu.memory_space<hbm>>)
      tpu.yield
    }) : () -> ()
    return
  }
}

module attributes {stable_mosaic.version = 14 : i64} {
  func.func @_pre_tc(%arg0: i32, %arg1: memref<1024x128xf32, #tpu.memory_space<vmem>>, %arg2: memref<128x128xf32, #tpu.memory_space<vmem>>, %arg3: memref<2x1024x16xf32, #tpu.memory_space<vmem>>, %arg4: memref<1024x128xf32, #tpu.memory_space<vmem>>) attributes {dimension_semantics = [#tpu.dimension_semantics<arbitrary>], iteration_bounds = array<i64: 10>, scalar_prefetch = 0 : i64, scratch_operands = 0 : i64, tpu.core_type = #tpu.core_type<tc>, window_params = [{transform_indices = @transform_0, window_bounds = array<i64: 1024, 128>}, {pipeline_mode = #tpu.pipeline_mode<synchronous>, transform_indices = @transform_1, window_bounds = array<i64: 128, 128>}, {transform_indices = @transform_2, window_bounds = array<i64: 2, 1024, 16>}, {transform_indices = @transform_3, window_bounds = array<i64: 1024, 128>}]} {
    %get3A = arith.constant 0 : index
    %get3A_0 = arith.constant 0 : index
    %get3A_1 = arith.constant 0 : index
    %get3A_2 = vector.load %arg3[%get3A, %get3A_0, %get3A_1] : memref<2x1024x16xf32, #tpu.memory_space<vmem>>, vector<1x1024x1xf32>
    %get3A_3 = vector.shape_cast %get3A_2 : vector<1x1024x1xf32> to vector<1024x1xf32>
    %get3A_4 = arith.constant 1 : index
    %get3A_5 = arith.constant 0 : index
    %get3A_6 = arith.constant 0 : index
    %get3A_7 = vector.load %arg3[%get3A_4, %get3A_5, %get3A_6] : memref<2x1024x16xf32, #tpu.memory_space<vmem>>, vector<1x1024x1xf32>
    %get3A_8 = vector.shape_cast %get3A_7 : vector<1x1024x1xf32> to vector<1024x1xf32>
    %add3A = arith.addf %get3A_3, %get3A_8 : vector<1024x1xf32>
    %add3A_9 = arith.constant 1.000000e+00 : f32
    %add3A_10 = vector.broadcast %add3A_9 : f32 to vector<1024x1xf32>
    %add3A_11 = arith.addf %add3A, %add3A_10 : vector<1024x1xf32>
    %rsqrt3A = math.rsqrt %add3A_11 : vector<1024x1xf32>
    %get3A_12 = arith.constant 0 : index
    %get3A_13 = arith.constant 0 : index
    %get3A_14 = vector.load %arg1[%get3A_12, %get3A_13] : memref<1024x128xf32, #tpu.memory_space<vmem>>, vector<1024x128xf32>
    %mul3A = vector.broadcast %rsqrt3A : vector<1024x1xf32> to vector<1024x128xf32>
    %mul3A_15 = arith.mulf %get3A_14, %mul3A : vector<1024x128xf32>
    %get3A_16 = arith.constant 0 : index
    %get3A_17 = arith.constant 0 : index
    %get3A_18 = vector.load %arg2[%get3A_16, %get3A_17] : memref<128x128xf32, #tpu.memory_space<vmem>>, vector<128x128xf32>
    %dot_general3A = arith.constant dense<0.000000e+00> : vector<1024x128xf32>
    %dot_general3A_19 = tpu.matmul %mul3A_15, %get3A_18, %dot_general3A {dimension_numbers = #tpu.dot_dimension_numbers<[1], [0], [0], [1], [0, 0, 1, 1], [], []>, transpose_lhs_hint = false} : vector<1024x128xf32>, vector<128x128xf32>, vector<1024x128xf32> -> vector<1024x128xf32>
    %swap3A = arith.constant 0 : index
    %swap3A_20 = arith.constant 0 : index
    %swap3A_21 = vector.load %arg4[%swap3A, %swap3A_20] : memref<1024x128xf32, #tpu.memory_space<vmem>>, vector<1024x128xf32>
    tpu.vector_store %arg4[%swap3A, %swap3A_20], %dot_general3A_19 {strides = array<i32>} : memref<1024x128xf32, #tpu.memory_space<vmem>>, vector<1024x128xf32>,
    return
  }
  func.func @transform_0(%arg0: i32) -> (i32, i32) {
    %c0_i32 = arith.constant 0 : i32
    %c0_i32_0 = arith.constant 0 : i32
    return %arg0, %c0_i32 : i32, i32
  }
  func.func @transform_1(%arg0: i32) -> (i32, i32) {
    %c0_i32 = arith.constant 0 : i32
    %c0_i32_0 = arith.constant 0 : i32
    %c0_i32_1 = arith.constant 0 : i32
    return %c0_i32, %c0_i32_0 : i32, i32
  }
  func.func @transform_2(%arg0: i32) -> (i32, i32, i32) {
    %c0_i32 = arith.constant 0 : i32
    %c0_i32_0 = arith.constant 0 : i32
    %c0_i32_1 = arith.constant 0 : i32
    return %c0_i32, %arg0, %c0_i32_0 : i32, i32, i32
  }
  func.func @transform_3(%arg0: i32) -> (i32, i32) {
    %c0_i32 = arith.constant 0 : i32
    %c0_i32_0 = arith.constant 0 : i32
    return %arg0, %c0_i32 : i32, i32
  }
}

module attributes {stable_mosaic.version = 14 : i64} {
  func.func @_mid_tc(%arg0: i32, %arg1: memref<2x1024x128xf32, #tpu.memory_space<vmem>>, %arg2: memref<1024x128xf32, #tpu.memory_space<vmem>>, %arg3: memref<2x1024x16xf32, #tpu.memory_space<vmem>>, %arg4: memref<1x128xf32, #tpu.memory_space<vmem>>, %arg5: memref<128x128xf32, #tpu.memory_space<vmem>>, %arg6: memref<1024x128xf32, #tpu.memory_space<vmem>>) attributes {dimension_semantics = [#tpu.dimension_semantics<arbitrary>], iteration_bounds = array<i64: 10>, scalar_prefetch = 0 : i64, scratch_operands = 0 : i64, tpu.core_type = #tpu.core_type<tc>, window_params = [{transform_indices = @transform_0, window_bounds = array<i64: 2, 1024, 128>}, {transform_indices = @transform_1, window_bounds = array<i64: 1024, 128>}, {transform_indices = @transform_2, window_bounds = array<i64: 2, 1024, 16>}, {pipeline_mode = #tpu.pipeline_mode<synchronous>, transform_indices = @transform_3, window_bounds = array<i64: 1, 128>}, {pipeline_mode = #tpu.pipeline_mode<synchronous>, transform_indices = @transform_4, window_bounds = array<i64: 128, 128>}, {transform_indices = @transform_5, window_bounds = array<i64: 1024, 128>}]} {
    %get3A = arith.constant 0 : index
    %get3A_0 = arith.constant 0 : index
    %get3A_1 = arith.constant 0 : index
    %get3A_2 = vector.load %arg3[%get3A, %get3A_0, %get3A_1] : memref<2x1024x16xf32, #tpu.memory_space<vmem>>, vector<1x1024x1xf32>
    %get3A_3 = vector.shape_cast %get3A_2 : vector<1x1024x1xf32> to vector<1024x1xf32>
    %get3A_4 = arith.constant 1 : index
    %get3A_5 = arith.constant 0 : index
    %get3A_6 = arith.constant 0 : index
    %get3A_7 = vector.load %arg3[%get3A_4, %get3A_5, %get3A_6] : memref<2x1024x16xf32, #tpu.memory_space<vmem>>, vector<1x1024x1xf32>
    %get3A_8 = vector.shape_cast %get3A_7 : vector<1x1024x1xf32> to vector<1024x1xf32>
    %add3A = arith.addf %get3A_3, %get3A_8 : vector<1024x1xf32>
    %add3A_9 = arith.constant 1.000000e+00 : f32
    %add3A_10 = vector.broadcast %add3A_9 : f32 to vector<1024x1xf32>
    %add3A_11 = arith.addf %add3A, %add3A_10 : vector<1024x1xf32>
    %rsqrt3A = math.rsqrt %add3A_11 : vector<1024x1xf32>
    %get3A_12 = arith.constant 0 : index
    %get3A_13 = arith.constant 0 : index
    %get3A_14 = arith.constant 0 : index
    %get3A_15 = vector.load %arg1[%get3A_12, %get3A_13, %get3A_14] : memref<2x1024x128xf32, #tpu.memory_space<vmem>>, vector<1x1024x128xf32>
    %get3A_16 = vector.shape_cast %get3A_15 : vector<1x1024x128xf32> to vector<1024x128xf32>
    %get3A_17 = arith.constant 1 : index
    %get3A_18 = arith.constant 0 : index
    %get3A_19 = arith.constant 0 : index
    %get3A_20 = vector.load %arg1[%get3A_17, %get3A_18, %get3A_19] : memref<2x1024x128xf32, #tpu.memory_space<vmem>>, vector<1x1024x128xf32>
    %get3A_21 = vector.shape_cast %get3A_20 : vector<1x1024x128xf32> to vector<1024x128xf32>
    %add3A_22 = arith.addf %get3A_16, %get3A_21 : vector<1024x128xf32>
    %get3A_23 = arith.constant 0 : index
    %get3A_24 = arith.constant 0 : index
    %get3A_25 = vector.load %arg2[%get3A_23, %get3A_24] : memref<1024x128xf32, #tpu.memory_space<vmem>>, vector<1024x128xf32>
    %add3A_26 = arith.addf %add3A_22, %get3A_25 : vector<1024x128xf32>
    %mul3A = vector.broadcast %rsqrt3A : vector<1024x1xf32> to vector<1024x128xf32>
    %mul3A_27 = arith.mulf %add3A_26, %mul3A : vector<1024x128xf32>
    %get3A_28 = arith.constant 0 : index
    %get3A_29 = arith.constant 0 : index
    %get3A_30 = vector.load %arg4[%get3A_28, %get3A_29] : memref<1x128xf32, #tpu.memory_space<vmem>>, vector<1x128xf32>
    %add3A_31 = vector.broadcast %get3A_30 : vector<1x128xf32> to vector<1024x128xf32>
    %add3A_32 = arith.addf %mul3A_27, %add3A_31 : vector<1024x128xf32>
    %max3A = arith.constant 0.000000e+00 : f32
    %max3A_33 = vector.broadcast %max3A : f32 to vector<1024x128xf32>
    %max3A_34 = arith.maximumf %add3A_32, %max3A_33 : vector<1024x128xf32>
    %mul3A_35 = vector.broadcast %rsqrt3A : vector<1024x1xf32> to vector<1024x128xf32>
    %mul3A_36 = arith.mulf %max3A_34, %mul3A_35 : vector<1024x128xf32>
    %get3A_37 = arith.constant 0 : index
    %get3A_38 = arith.constant 0 : index
    %get3A_39 = vector.load %arg5[%get3A_37, %get3A_38] : memref<128x128xf32, #tpu.memory_space<vmem>>, vector<128x128xf32>
    %dot_general3A = arith.constant dense<0.000000e+00> : vector<1024x128xf32>
    %dot_general3A_40 = tpu.matmul %mul3A_36, %get3A_39, %dot_general3A {dimension_numbers = #tpu.dot_dimension_numbers<[1], [0], [0], [1], [0, 0, 1, 1], [], []>, transpose_lhs_hint = false} : vector<1024x128xf32>, vector<128x128xf32>, vector<1024x128xf32> -> vector<1024x128xf32>
    %mul3A_41 = arith.constant 1024 : i32
    %mul3A_42 = arith.muli %arg0, %mul3A_41 : i32
    %iota3A = tpu.iota {dimensions = array<i32: 0>} : vector<1024x1xi32>
    %add3A_43 = vector.broadcast %mul3A_42 : i32 to vector<1024x1xi32>
    %add3A_44 = arith.addi %add3A_43, %iota3A : vector<1024x1xi32>
    %lt3A = arith.constant 10000 : i32
    %lt3A_45 = vector.broadcast %lt3A : i32 to vector<1024x1xi32>
    %lt3A_46 = arith.cmpi slt, %add3A_44, %lt3A_45 : vector<1024x1xi32>
    %jit3A = arith.constant 0.000000e+00 : f32
    %broadcast_in_dim3A = vector.shape_cast %lt3A_46 : vector<1024x1xi1> to vector<1024x1xi1>
    %broadcast_in_dim3A_47 = vector.broadcast %broadcast_in_dim3A : vector<1024x1xi1> to vector<1024x128xi1>
    %broadcast_in_dim3A_48 = vector.broadcast %jit3A : f32 to vector<1024x128xf32>
    %select_n3A = arith.select %broadcast_in_dim3A_47, %dot_general3A_40, %broadcast_in_dim3A_48 : vector<1024x128xi1>, vector<1024x128xf32>
    %swap3A = arith.constant 0 : index
    %swap3A_49 = arith.constant 0 : index
    %swap3A_50 = vector.load %arg6[%swap3A, %swap3A_49] : memref<1024x128xf32, #tpu.memory_space<vmem>>, vector<1024x128xf32>
    tpu.vector_store %arg6[%swap3A, %swap3A_49], %select_n3A {strides = array<i32>} : memref<1024x128xf32, #tpu.memory_space<vmem>>, vector<1024x128xf32>,
    return
  }
  func.func @transform_0(%arg0: i32) -> (i32, i32, i32) {
    %c0_i32 = arith.constant 0 : i32
    %c0_i32_0 = arith.constant 0 : i32
    %c0_i32_1 = arith.constant 0 : i32
    return %c0_i32, %arg0, %c0_i32_0 : i32, i32, i32
  }
  func.func @transform_1(%arg0: i32) -> (i32, i32) {
    %c0_i32 = arith.constant 0 : i32
    %c0_i32_0 = arith.constant 0 : i32
    return %arg0, %c0_i32 : i32, i32
  }
  func.func @transform_2(%arg0: i32) -> (i32, i32, i32) {
    %c0_i32 = arith.constant 0 : i32
    %c0_i32_0 = arith.constant 0 : i32
    %c0_i32_1 = arith.constant 0 : i32
    return %c0_i32, %arg0, %c0_i32_0 : i32, i32, i32
  }
  func.func @transform_3(%arg0: i32) -> (i32, i32) {
    %c0_i32 = arith.constant 0 : i32
    %c0_i32_0 = arith.constant 0 : i32
    %c0_i32_1 = arith.constant 0 : i32
    return %c0_i32, %c0_i32_0 : i32, i32
  }
  func.func @transform_4(%arg0: i32) -> (i32, i32) {
    %c0_i32 = arith.constant 0 : i32
    %c0_i32_0 = arith.constant 0 : i32
    %c0_i32_1 = arith.constant 0 : i32
    return %c0_i32, %c0_i32_0 : i32, i32
  }
  func.func @transform_5(%arg0: i32) -> (i32, i32) {
    %c0_i32 = arith.constant 0 : i32
    %c0_i32_0 = arith.constant 0 : i32
    return %arg0, %c0_i32 : i32, i32
  }
}

module attributes {stable_mosaic.version = 14 : i64} {
  func.func @_post_tc(%arg0: i32, %arg1: memref<2x1024x128xf32, #tpu.memory_space<vmem>>, %arg2: memref<1024x128xf32, #tpu.memory_space<vmem>>, %arg3: memref<2x1024x16xf32, #tpu.memory_space<vmem>>, %arg4: memref<1x128xf32, #tpu.memory_space<vmem>>, %arg5: memref<1024x128xf32, #tpu.memory_space<vmem>>, %arg6: memref<1024x128xf32, #tpu.memory_space<vmem>>) attributes {dimension_semantics = [#tpu.dimension_semantics<arbitrary>], iteration_bounds = array<i64: 10>, scalar_prefetch = 0 : i64, scratch_operands = 0 : i64, tpu.core_type = #tpu.core_type<tc>, window_params = [{transform_indices = @transform_0, window_bounds = array<i64: 2, 1024, 128>}, {transform_indices = @transform_1, window_bounds = array<i64: 1024, 128>}, {transform_indices = @transform_2, window_bounds = array<i64: 2, 1024, 16>}, {pipeline_mode = #tpu.pipeline_mode<synchronous>, transform_indices = @transform_3, window_bounds = array<i64: 1, 128>}, {transform_indices = @transform_4, window_bounds = array<i64: 1024, 128>}, {transform_indices = @transform_5, window_bounds = array<i64: 1024, 128>}]} {
    %get3A = arith.constant 0 : index
    %get3A_0 = arith.constant 0 : index
    %get3A_1 = arith.constant 0 : index
    %get3A_2 = vector.load %arg3[%get3A, %get3A_0, %get3A_1] : memref<2x1024x16xf32, #tpu.memory_space<vmem>>, vector<1x1024x1xf32>
    %get3A_3 = vector.shape_cast %get3A_2 : vector<1x1024x1xf32> to vector<1024x1xf32>
    %get3A_4 = arith.constant 1 : index
    %get3A_5 = arith.constant 0 : index
    %get3A_6 = arith.constant 0 : index
    %get3A_7 = vector.load %arg3[%get3A_4, %get3A_5, %get3A_6] : memref<2x1024x16xf32, #tpu.memory_space<vmem>>, vector<1x1024x1xf32>
    %get3A_8 = vector.shape_cast %get3A_7 : vector<1x1024x1xf32> to vector<1024x1xf32>
    %add3A = arith.addf %get3A_3, %get3A_8 : vector<1024x1xf32>
    %add3A_9 = arith.constant 1.000000e+00 : f32
    %add3A_10 = vector.broadcast %add3A_9 : f32 to vector<1024x1xf32>
    %add3A_11 = arith.addf %add3A, %add3A_10 : vector<1024x1xf32>
    %rsqrt3A = math.rsqrt %add3A_11 : vector<1024x1xf32>
    %get3A_12 = arith.constant 0 : index
    %get3A_13 = arith.constant 0 : index
    %get3A_14 = arith.constant 0 : index
    %get3A_15 = vector.load %arg1[%get3A_12, %get3A_13, %get3A_14] : memref<2x1024x128xf32, #tpu.memory_space<vmem>>, vector<1x1024x128xf32>
    %get3A_16 = vector.shape_cast %get3A_15 : vector<1x1024x128xf32> to vector<1024x128xf32>
    %get3A_17 = arith.constant 1 : index
    %get3A_18 = arith.constant 0 : index
    %get3A_19 = arith.constant 0 : index
    %get3A_20 = vector.load %arg1[%get3A_17, %get3A_18, %get3A_19] : memref<2x1024x128xf32, #tpu.memory_space<vmem>>, vector<1x1024x128xf32>
    %get3A_21 = vector.shape_cast %get3A_20 : vector<1x1024x128xf32> to vector<1024x128xf32>
    %add3A_22 = arith.addf %get3A_16, %get3A_21 : vector<1024x128xf32>
    %get3A_23 = arith.constant 0 : index
    %get3A_24 = arith.constant 0 : index
    %get3A_25 = vector.load %arg2[%get3A_23, %get3A_24] : memref<1024x128xf32, #tpu.memory_space<vmem>>, vector<1024x128xf32>
    %add3A_26 = arith.addf %add3A_22, %get3A_25 : vector<1024x128xf32>
    %mul3A = vector.broadcast %rsqrt3A : vector<1024x1xf32> to vector<1024x128xf32>
    %mul3A_27 = arith.mulf %add3A_26, %mul3A : vector<1024x128xf32>
    %get3A_28 = arith.constant 0 : index
    %get3A_29 = arith.constant 0 : index
    %get3A_30 = vector.load %arg4[%get3A_28, %get3A_29] : memref<1x128xf32, #tpu.memory_space<vmem>>, vector<1x128xf32>
    %add3A_31 = vector.broadcast %get3A_30 : vector<1x128xf32> to vector<1024x128xf32>
    %add3A_32 = arith.addf %mul3A_27, %add3A_31 : vector<1024x128xf32>
    %max3A = arith.constant 0.000000e+00 : f32
    %max3A_33 = vector.broadcast %max3A : f32 to vector<1024x128xf32>
    %max3A_34 = arith.maximumf %add3A_32, %max3A_33 : vector<1024x128xf32>
    %get3A_35 = arith.constant 0 : index
    %get3A_36 = arith.constant 0 : index
    %get3A_37 = vector.load %arg5[%get3A_35, %get3A_36] : memref<1024x128xf32, #tpu.memory_space<vmem>>, vector<1024x128xf32>
    %add3A_38 = arith.addf %get3A_37, %max3A_34 : vector<1024x128xf32>
    %mul3A_39 = arith.constant 5.000000e-01 : f32
    %mul3A_40 = vector.broadcast %mul3A_39 : f32 to vector<1024x128xf32>
    %mul3A_41 = arith.mulf %add3A_38, %mul3A_40 : vector<1024x128xf32>
    %swap3A = arith.constant 0 : index
    %swap3A_42 = arith.constant 0 : index
    %swap3A_43 = vector.load %arg6[%swap3A, %swap3A_42] : memref<1024x128xf32, #tpu.memory_space<vmem>>, vector<1024x128xf32>
    tpu.vector_store %arg6[%swap3A, %swap3A_42], %mul3A_41 {strides = array<i32>} : memref<1024x128xf32, #tpu.memory_space<vmem>>, vector<1024x128xf32>,
    return
  }
  func.func @transform_0(%arg0: i32) -> (i32, i32, i32) {
    %c0_i32 = arith.constant 0 : i32
    %c0_i32_0 = arith.constant 0 : i32
    %c0_i32_1 = arith.constant 0 : i32
    return %c0_i32, %arg0, %c0_i32_0 : i32, i32, i32
  }
  func.func @transform_1(%arg0: i32) -> (i32, i32) {
    %c0_i32 = arith.constant 0 : i32
    %c0_i32_0 = arith.constant 0 : i32
    return %arg0, %c0_i32 : i32, i32
  }
  func.func @transform_2(%arg0: i32) -> (i32, i32, i32) {
    %c0_i32 = arith.constant 0 : i32
    %c0_i32_0 = arith.constant 0 : i32
    %c0_i32_1 = arith.constant 0 : i32
    return %c0_i32, %arg0, %c0_i32_0 : i32, i32, i32
  }
  func.func @transform_3(%arg0: i32) -> (i32, i32) {
    %c0_i32 = arith.constant 0 : i32
    %c0_i32_0 = arith.constant 0 : i32
    %c0_i32_1 = arith.constant 0 : i32
    return %c0_i32, %c0_i32_0 : i32, i32
  }
  func.func @transform_4(%arg0: i32) -> (i32, i32) {
    %c0_i32 = arith.constant 0 : i32
    %c0_i32_0 = arith.constant 0 : i32
    return %arg0, %c0_i32 : i32, i32
  }
  func.func @transform_5(%arg0: i32) -> (i32, i32) {
    %c0_i32 = arith.constant 0 : i32
    %c0_i32_0 = arith.constant 0 : i32
    return %arg0, %c0_i32 : i32, i32
  }
}

</mosaic_0001>

<sc_bundles>
// kernel: kernel.11.cloned.1.call-start
scs
__scs_entry_jumppad:
0x0: {  	(pc) =	sbr.rel $0x88, $3  }
0x1: {  	(tag) =	ssettag $0x0;
	lr =	simm.s32 $0x1  }
0x2: {  	[smem:$0x3F9B] =	sst lr;
	_ =	strace $0xD0000000  }
0x3: {  	_ = 	snop  }
0x4: {  	_ = 	snop  }
0x5: {  	_ = 	snop  }
0x6: {  	_ = 	snop  }
0x7: {  	_ = 	snop  }
__scs_overlays_trampoline_lowered:
0x8: {  	[smem:$0x3FAA] =	sst s0  }
0x9: {  	[smem:$0x3FAB] =	sst s1  }
0xa: {  	[smem:$0x3FAC] =	sst s2  }
0xb: {  	[smem:$0x3FAD] =	sst s3  }
0xc: {  	[smem:$0x3FAE] =	sst s4  }
0xd: {  	[smem:$0x3FAF] =	sst s5  }
0xe: {  	[smem:$0x3FB0] =	sst s6  }
0xf: {  	[smem:$0x3FB1] =	sst s7  }
0x10: {  	[smem:$0x3FB2] =	sst s8  }
0x11: {  	[smem:$0x3FB3] =	sst s9;
	s0 =	simm.s32 @!p0 $0x0  }
0x12: {  	s1 =	sld [smem:$0x3F99];
	s0 =	simm.s32 @p0 $0x1  }
0x13: {  	[smem:$0x3FB4] =	sst s0;
	s0 =	simm.s32 @!p1 $0x0  }
0x14: {  	s2 =	sld [smem:$0x3F98];
	s0 =	simm.s32 @p1 $0x1  }
0x15: {  	[smem:$0x3FB5] =	sst s0;
	s0 =	simm.s32 @!p2 $0x0  }
0x16: {  	s3 =	sld [smem:$0x3FDB];
	s0 =	simm.s32 @p2 $0x1  }
0x17: {  	s4 =	simm.s32 $0x1BF5;
	[smem:$0x3FB7] =	sst s0  }
0x18: {  	s0 =	sld [smem:$0x3F9A];
	_ =	swait.ge [sflag:s4], $0x0  }
0x19: {  	s7 =	sld [smem:$0x3F9B]  }
0x1a: {  	s8 =	sadd.s32 $0xFFFFE003, lr  }
0x1b: {  	s9 =	sadd.s32 $0xFFFFFEF7, lr;
	s5 =	simm.s32 $0xFFFFFFFF;
	p2 =	slt.u32 s8, $0xFFFFF086  }
0x1c: {  	p1 =	slt.u32 s9, $0xF7A;
	s5 =	simm.s32 @!p2 $0x0  }
0x1d: {  	s5 =	simm.s32 @p1 $0x1;
	p0 =	seq.s32 s7, s2  }
0x1e: {  	s7 =	smul.u32 @!p0 $0xF7A, s2;
	p2 =	seq.s32 @!p0 s5, $0x0  }
0x1f: {  	s9 =	smul.u32 $0xF7A, s1;
	s8 =	simm.s32 @!p0 $0x1BF5;
	p2 =	por !p2, p0  }
0x20: {  	[sflag:s8] =	ssyncset.s32 @!p0 $0xFFFFF086;
	s6 =	sadd.s32 @!p0 s3, s7;
	s7 =	simm.s32 @!p0 $0x108  }
0x21: {  	s3 =	sadd.s32 s3, s9;
	s6 =	sadd.s32 @!p0 $0x88, s6;
	s7 =	simm.s32 @p2 $0x1082  }
0x22: {  	[simem:s7], [sflag:s8] =	dma.local @!p0 [hbm:s6], $0xF7A  }
0x23: {  	s9 =	sor.u32 $0xD0000000, s2;
	s6 =	simm.s32 $0x108;
	_ =	swait.ge @!p0 [sflag:s8], $0x0  }
0x24: {  	s3 =	sadd.s32 $0x88, s3;
	s6 =	simm.s32 @!p1 $0x1082;
	[sflag:s4] =	ssyncset.s32 $0xFFFFF086  }
0x25: {  	[simem:s6], [sflag:s4] =	dma.local [hbm:s3], $0xF7A  }
0x26: {  	[smem:$0x3F9B] =	sst s1;
	(tag) =	ssettag s2;
	_ =	strace s9  }
0x27: {  	s1 =	sld [smem:$0x3FAB]  }
0x28: {  	s2 =	sld [smem:$0x3FAC]  }
0x29: {  	s4 =	sld [smem:$0x3FAE]  }
0x2a: {  	p0 =	seq.s32 s5, $0x0;
	s5 =	sld [smem:$0x3FAF]  }
0x2b: {  	s6 =	sld [smem:$0x3FB0]  }
0x2c: {  	s7 =	sld [smem:$0x3FB1]  }
0x2d: {  	s3 =	simm.s32 $0x108;
	s8 =	sld [smem:$0x3FB2]  }
0x2e: {  	s3 =	simm.s32 @!p0 $0x1082;
	s9 =	sld [smem:$0x3FB3]  }
0x2f: {  	lr =	sadd.s32 s0, s3;
	s0 =	sld [smem:$0x3FAA]  }
0x30: {  	s3 =	sld [smem:$0x3FAD]  }
0x31: {  	[smem:$0x3FB6] =	sst s10  }
0x32: {  	s10 =	sld [smem:$0x3FB4];
	_ =	sdelay $0x3  }
0x33: {  	p0 =	seq.s32 s10, $0x1;
	s10 =	sld [smem:$0x3FB6];
	_ =	sdelay $0x3  }
0x34: {  	[smem:$0x3FB6] =	sst s10  }
0x35: {  	s10 =	sld [smem:$0x3FB5];
	_ =	sdelay $0x3  }
0x36: {  	p1 =	seq.s32 s10, $0x1;
	s10 =	sld [smem:$0x3FB6];
	_ =	sdelay $0x3  }
0x37: {  	[smem:$0x3FB6] =	sst s10  }
0x38: {  	s10 =	sld [smem:$0x3FB7]  }
0x39: {  	_ = 	snop;
	(pc) =	sbr.ind lr, $3  }
0x3a: {  	_ = 	snop  }
0x3b: {  	_ = 	snop  }
0x3c: {  	p2 =	seq.s32 s10, $0x1;
	s10 =	sld [smem:$0x3FB6]  }
0x3d: {  	_ =	shalt  }
0x3e: {  	_ =	shalt  }
0x3f: {  	_ =	shalt  }
0x40: {  	_ =	shalt  }
0x41: {  	_ =	shalt  }
0x42: {  	_ =	shalt  }
0x43: {  	_ =	shalt  }
0x44: {  	_ =	shalt  }
0x45: {  	_ =	shalt  }
0x46: {  	_ =	shalt  }
0x47: {  	_ =	shalt  }
0x48: {  	_ =	shalt  }
0x49: {  	_ =	shalt  }
0x4a: {  	_ =	shalt  }
0x4b: {  	_ =	shalt  }
0x4c: {  	_ =	shalt  }
0x4d: {  	_ =	shalt  }
0x4e: {  	_ =	shalt  }
0x4f: {  	_ =	shalt  }
0x50: {  	_ =	shalt  }
0x51: {  	_ =	shalt  }
0x52: {  	_ =	shalt  }
0x53: {  	_ =	shalt  }
0x54: {  	_ =	shalt  }
0x55: {  	_ =	shalt  }
0x56: {  	_ =	shalt  }
0x57: {  	_ =	shalt  }
0x58: {  	_ =	shalt  }
0x59: {  	_ =	shalt  }
0x5a: {  	_ =	shalt  }
0x5b: {  	_ =	shalt  }
0x5c: {  	_ =	shalt  }
0x5d: {  	_ =	shalt  }
0x5e: {  	_ =	shalt  }
0x5f: {  	_ =	shalt  }
0x60: {  	_ =	shalt  }
0x61: {  	_ =	shalt  }
0x62: {  	_ =	shalt  }
0x63: {  	_ =	shalt  }
0x64: {  	_ =	shalt  }
0x65: {  	_ =	shalt  }
0x66: {  	_ =	shalt  }
0x67: {  	_ =	shalt  }
0x68: {  	_ =	shalt  }
0x69: {  	_ =	shalt  }
0x6a: {  	_ =	shalt  }
0x6b: {  	_ =	shalt  }
0x6c: {  	_ =	shalt  }
0x6d: {  	_ =	shalt  }
0x6e: {  	_ =	shalt  }
0x6f: {  	_ =	shalt  }
0x70: {  	_ =	shalt  }
0x71: {  	_ =	shalt  }
0x72: {  	_ =	shalt  }
0x73: {  	_ =	shalt  }
0x74: {  	_ =	shalt  }
0x75: {  	_ =	shalt  }
0x76: {  	_ =	shalt  }
0x77: {  	_ =	shalt  }
0x78: {  	_ =	shalt  }
0x79: {  	_ =	shalt  }
0x7a: {  	_ =	shalt  }
0x7b: {  	_ =	shalt  }
0x7c: {  	_ =	shalt  }
0x7d: {  	_ =	shalt  }
0x7e: {  	_ =	shalt  }
0x7f: {  	_ =	shalt  }
0x80: {  	_ =	shalt  }
0x81: {  	_ =	shalt  }
0x82: {  	_ =	shalt  }
0x83: {  	_ =	shalt  }
0x84: {  	_ =	shalt  }
0x85: {  	_ =	shalt  }
0x86: {  	_ =	shalt  }
0x87: {  	_ =	shalt  }
.Lfunc_end0:
.L_simem_size_0:
called_computation.1_lowered:
.L_overlay_start_0:
0x88: {  	s2 =	sld [smem:$0x3FD9]  }
0x89: {  	s3 =	sld [smem:$0x3FFE];
	_ =	sdelay $0x1  }
0x8a: {  	s1 =	srdreg.scid  }
0x8b: {  	s0 =	sand.u32 $0x1, s1  }
0x8c: {  	s17 =	sshll.u32 s0, $0xA;
	s2 =	sadd.s32 s3, s2  }
0x8d: {  	s2 =	sadd.s32 s2, s17  }
0x8e: {  	[smem:$0x3FC2] =	sst s2  }
0x8f: {  	_ = 	snop  }
0x90: {  	s2 =	sld [smem:$0x3FD0];
	(tm) =	ssettm $0x1  }
0x91: {  	s18 =	sld [smem:$0x3FFB];
	_ =	sdelay $0x3  }
0x92: {  	_ =	strace s18  }
0x93: {  	s3 =	sld [smem:$0x3FFC];
	_ =	sdelay $0x3  }
0x94: {  	_ =	strace s3  }
0x95: {  	s3 =	sld [smem:$0x3FFD];
	_ =	sdelay $0x3  }
0x96: {  	_ =	strace s3  }
0x97: {  	_ =	strace $0x8FFFFFFF  }
0x98: {  	s19 =	sld [smem:$0x3FDB];
	_ =	sdelay $0x1  }
0x99: {  	s4 =	simm.s32 $_scs_section_size  }
0x9a: {  	s5 =	simm.s32 $_size__tile_overlayer_lowered;
	s6 =	simm.s32 $_tile_overlayer_lowered  }
0x9b: {  	s22 =	simm.s32 $0x1BFF;
	s21 =	sshll.u32 s6, $0x1;
	s3 =	sadd.s32 s4, s19  }
0x9c: {  	s7 =	simm.s32 $0x0;
	s20 =	sshll.u32 s5, $0x1;
	s5 =	sadd.s32 s21, s3  }
0x9d: {  	[timem:s7], [sflag:s22] =	dma.local [hbm:s5], s20  }
0x9e: {  	_ =	swait.ge [sflag:s22], s20  }
0x9f: {  	s4 =	ssub.s32 $0x0, s20;
	[sflag:s22] =	ssyncset.done $0x0  }
0xa0: {  	[sflag:s22] =	ssyncadd.s32 s4;
	_ =	sdelay $0x1  }
0xa1: {  	s23 =	simm.s32 $0x1B8B  }
0xa2: {  	_ =	swait.ge [sflag:s23], $0x1  }
0xa3: {  	[sflag:s23] =	ssyncset.done $0x0  }
0xa4: {  	s25 =	simm.s32 $0x1B8E;
	s24 =	sld [smem:$0x3FFE];
	[sflag:s23] =	ssyncadd.s32 $0xFFFFFFFF  }
0xa5: {  	s26 =	simm.s32 $execute0_lowered;
	[smem:$0x3FD2] =	sst s25  }
0xa6: {  	s5 =	sshll.u32 s26, $0x1;
	_ =	strace $0x80000049;
	[dreg:$0x1] =	wrdreg $0xFFFFFFFF  }
0xa7: {  	s28 =	simm.s32 $_size_execute0_lowered;
	s3 =	sadd.s32 s3, s5;
	[dreg:$0x0] =	wrdreg $0x0  }
0xa8: {  	s5 =	sshll.u32 s28, $0x1;
	[dreg:$0x2] =	wrdreg s3  }
0xa9: {  	[dreg:$0x3] =	wrdreg s5  }
0xaa: {  	[dreg:$0x4] =	wrdreg $0xC0  }
0xab: {  	_ =	task [dreg:s7], $0x5FFFF  }
0xac: {  	[dreg:$0x1] =	wrdreg $0xFFFFFFFF  }
0xad: {  	[dreg:$0x0] =	wrdreg $0x60  }
0xae: {  	[dreg:$0x2] =	wrdreg s24  }
0xaf: {  	[dreg:$0x3] =	wrdreg s2  }
0xb0: {  	[dreg:$0x4] =	wrdreg $0xA8000  }
0xb1: {  	[dreg:$0x5] =	wrdreg $0x9  }
0xb2: {  	_ =	task.clear_ibuf [dreg:s7], $0x6FFFF;
	_ =	strace $0x90000049  }
0xb3: {  	s29 =	simm.s32 $0x9;
	_ =	strace $0x8000004B  }
0xb4: {  	_ =	swait.ge [sflag:s29], $0x1  }
0xb5: {  	[sflag:s29] =	ssyncadd.s32 $0xFFFFFFFF  }
0xb6: {  	_ =	strace $0x9000004B  }
0xb7: {  	_ =	sfence  }
0xb8: {  	s30 =	sld [smem:$0x0];
	_ =	sdelay $0x2  }
0xb9: {  	s31 =	sshll.u32 s1, $0xD;
	s1 =	sshrl.u32 s1, $0x2  }
0xba: {  	s3 =	sand.u32 $0x4000, s31;
	s1 =	sadd.s32 s1, s30  }
0xbb: {  	s0 =	sor.u32 s3, s0;
	s1 =	sshll.u32 s1, $0x11  }
0xbc: {  	s0 =	sor.u32 s1, s0  }
0xbd: {  	s0 =	sadd.s32 $0x8F2B, s0  }
0xbe: {  	[sflag:s0] =	ssyncadd.remote.s32 $0x1  }
0xbf: {  	_ =	sfence.sel $0xFFFF  }
0xc0: {  	[dreg:$0x0] =	wrdreg $0xFFFFFFFF;
	(pc) =	sbr.abs _section_cstart, $3  }
0xc1: {  	[dreg:$0x1] =	wrdreg $0xFFFFFFFF  }
0xc2: {  	_ =	task.clear_ibuf [dreg:s7], $0x2FFFF;
	_ =	strace $0x9FFFFFFF  }
0xc3: {  	(tm) =	ssettm $0x7FFFFFFF  }
tec
execute0_lowered:
.L_overlay_start_1:
0x0: {  	(tag) =	ssettag $0x1  }
0x1: {  	s0 =	rddreg [dreg:$0x0]  }
0x2: {  	s1 =	rddreg [dreg:$0x1]  }
0x3: {  	s2 =	rddreg [dreg:$0x2];
	s3 =	srdreg.scid  }
0x4: {  	s5 =	simm.s32 $0x0;
	s10 =	stileid.u32;
	s28 =	simm.s32 $0x100  }
0x5: {  	s29 =	simm.s32 $0x6800;
	s30 =	simm.s32 $0x180;
	s31 =	simm.s32 $0x8800  }
0x6: {  	s11 =	simm.s32 $0x7;
	s12 =	simm.s32 $0x8;
	s7 =	smul.u32 $0x14000, s10  }
0x7: {  	s13 =	simm.s32 $0x2600;
	s3 =	sand.u32 $0x1, s3;
	s8 =	smul.u32 $0x50000, s10  }
0x8: {  	[smem:$0x7FF] =	sst s5;
	s5 =	sadd.s32 $0x66A00, s0;
	s22 =	smul.u32 $0x28, s10  }
0x9: {  	s6 =	sadd.s32 $0x52A00, s0;
	s4 =	smul.u32 $0x140000, s3;
	s8 =	sshrl.u32 s8, $0x2  }
0xa: {  	_ =	strace $0x8000004A;
	s14 =	ssub.s32 $0x2, s3;
	s19 =	sadd.s32 s8, s2  }
0xb: {  	p0 =	seq.s32 s3, $0x0;
	s15 =	sadd.s32 $0x2000, s19;
	[dreg:$0x4] =	wrdreg s19  }
0xc: {  	s9 =	sshrl.u32 s14, $0x1;
	s16 =	sadd.s32 $0x4000, s19;
	[dreg:$0x6] =	wrdreg s15  }
0xd: {  	s4 =	sadd.s32 s7, s4;
	s17 =	sadd.s32 $0x6000, s19;
	[dreg:$0x7] =	wrdreg s16  }
0xe: {  	s7 =	ssub.s32 s14, s9;
	s18 =	sadd.s32 $0x8000, s19;
	[dreg:$0x8] =	wrdreg s17  }
0xf: {  	s9 =	simm.s32 $0x5;
	s20 =	sadd.s32 $0xA000, s19;
	[dreg:$0x9] =	wrdreg s18  }
0x10: {  	s14 =	simm.s32 $0x2680;
	s21 =	sadd.s32 $0xC000, s19;
	[dreg:$0xa] =	wrdreg s20  }
0x11: {  	s4 =	sshrl.u32 s4, $0x3;
	s8 =	sadd.s32 $0xE000, s19;
	[dreg:$0xb] =	wrdreg s21  }
0x12: {  	s23 =	sadd.s32 $0x10000, s19;
	s24 =	sadd.s32 $0x12000, s19;
	[dreg:$0xc] =	wrdreg s8  }
0x13: {  	s26 =	smax.u32 s7, $0x1;
	s4 =	sadd.s32 s4, s0;
	[dreg:$0xd] =	wrdreg s23  }
0x14: {  	s0 =	sadd.s32 $0x8E600, s0;
	s8 =	smul.u32 $0x118, s10;
	[dreg:$0xe] =	wrdreg s24  }
0x15: {  	s18 =	sadd.s32 $0x1180, s22;
	[dreg:$0x10] =	wrdreg s26;
	s21 =	simm.s32 $0x2800  }
0x16: {  	s22 =	simm.s32 $0x9;
	s23 =	simm.s32 $0x1400;
	s24 =	simm.s32 $0x40  }
0x17: {  	s26 =	simm.s32 $0x4800;
	s10 =	simm.s32 $0x6;
	s15 =	simm.s32 $0x2700  }
0x18: {  	s16 =	simm.s32 $0x2780;
	s17 =	simm.s32 $0x0;
	[dreg:$0x5] =	wrdreg s0  }
0x19: {  	s25 =	sadd.s32 $0x8EA00, s4;
	s0 =	simm.s32 $0x1;
	s4 =	simm.s32 $0x2  }
0x1a: {  	s18 =	smov.u32 @p0 s8;
	[dreg:$0xf] =	wrdreg s25;
	p0 =	sne.s32 s3, $0x0  }
0x1b: {  	s25 =	simm.s32 $0x80;
	s3 =	simm.s32 $0x3;
	s8 =	simm.s32 $0x4  }
.LBB2_1:
0x1c: {  	[dreg:$0x11] =	wrdreg s17  }
0x1d: {  	s7 =	simm.s32 $0x0;
	s20 =	rddreg [dreg:$0x5]  }
0x1e: {  	[tilespmem:s21], [sflag:$0x9] =	stream.linear.gather [hbm4b:s20+s7], $0x2000, $0x38;
	[tilespmem:$0x1E800] =	vst v63  }
0x1f: {  	_ =	swait.ge [sflag:s22], $0x2000  }
0x20: {  	[sflag:s22] =	ssyncset.done $0x0  }
0x21: {  	[sflag:s22] =	ssyncadd.s32 $0xFFFFE000  }
0x22: {  	[spmem:s19] =	stream.linear.scatter [tilespmem:s21], [sflag:$0x9], $0x2000, $0x38;
	[tilespmem:$0x1E800] =	vst v63  }
0x23: {  	_ =	swait.ge [sflag:s22], $0x2000  }
0x24: {  	[sflag:s22] =	ssyncset.done $0x0  }
0x25: {  	s17 =	rddreg [dreg:$0x6];
	[sflag:s22] =	ssyncadd.s32 $0xFFFFE000  }
0x26: {  	[spmem:s17] =	stream.linear.scatter [tilespmem:s21], [sflag:$0x9], $0x2000, $0x38;
	[tilespmem:$0x1E800] =	vst v63  }
0x27: {  	_ =	swait.ge [sflag:s22], $0x2000  }
0x28: {  	[sflag:s22] =	ssyncset.done $0x0  }
0x29: {  	s19 =	rddreg [dreg:$0x7];
	[sflag:s22] =	ssyncadd.s32 $0xFFFFE000  }
0x2a: {  	[spmem:s19] =	stream.linear.scatter [tilespmem:s21], [sflag:$0x9], $0x2000, $0x38;
	[tilespmem:$0x1E800] =	vst v63  }
0x2b: {  	_ =	swait.ge [sflag:s22], $0x2000  }
0x2c: {  	[sflag:s22] =	ssyncset.done $0x0  }
0x2d: {  	s20 =	rddreg [dreg:$0x8];
	[sflag:s22] =	ssyncadd.s32 $0xFFFFE000  }
0x2e: {  	[spmem:s20] =	stream.linear.scatter [tilespmem:s21], [sflag:$0x9], $0x2000, $0x38;
	[tilespmem:$0x1E800] =	vst v63  }
0x2f: {  	_ =	swait.ge [sflag:s22], $0x2000  }
0x30: {  	[sflag:s22] =	ssyncset.done $0x0  }
0x31: {  	s17 =	rddreg [dreg:$0x9];
	[sflag:s22] =	ssyncadd.s32 $0xFFFFE000  }
0x32: {  	[spmem:s17] =	stream.linear.scatter [tilespmem:s21], [sflag:$0x9], $0x2000, $0x38;
	[tilespmem:$0x1E800] =	vst v63  }
0x33: {  	_ =	swait.ge [sflag:s22], $0x2000  }
0x34: {  	[sflag:s22] =	ssyncset.done $0x0  }
0x35: {  	s19 =	rddreg [dreg:$0xa];
	[sflag:s22] =	ssyncadd.s32 $0xFFFFE000  }
0x36: {  	[spmem:s19] =	stream.linear.scatter [tilespmem:s21], [sflag:$0x9], $0x2000, $0x38;
	[tilespmem:$0x1E800] =	vst v63  }
0x37: {  	_ =	swait.ge [sflag:s22], $0x2000  }
0x38: {  	[sflag:s22] =	ssyncset.done $0x0  }
0x39: {  	s20 =	rddreg [dreg:$0xb];
	[sflag:s22] =	ssyncadd.s32 $0xFFFFE000  }
0x3a: {  	[spmem:s20] =	stream.linear.scatter [tilespmem:s21], [sflag:$0x9], $0x2000, $0x38;
	[tilespmem:$0x1E800] =	vst v63  }
0x3b: {  	_ =	swait.ge [sflag:s22], $0x2000  }
0x3c: {  	[sflag:s22] =	ssyncset.done $0x0  }
0x3d: {  	s17 =	rddreg [dreg:$0xc];
	[sflag:s22] =	ssyncadd.s32 $0xFFFFE000  }
0x3e: {  	[spmem:s17] =	stream.linear.scatter [tilespmem:s21], [sflag:$0x9], $0x2000, $0x38;
	[tilespmem:$0x1E800] =	vst v63  }
0x3f: {  	_ =	swait.ge [sflag:s22], $0x2000  }
0x40: {  	[sflag:s22] =	ssyncset.done $0x0  }
0x41: {  	s19 =	rddreg [dreg:$0xd];
	[sflag:s22] =	ssyncadd.s32 $0xFFFFE000  }
0x42: {  	[spmem:s19] =	stream.linear.scatter [tilespmem:s21], [sflag:$0x9], $0x2000, $0x38;
	[tilespmem:$0x1E800] =	vst v63  }
0x43: {  	_ =	swait.ge [sflag:s22], $0x2000  }
0x44: {  	[sflag:s22] =	ssyncset.done $0x0  }
0x45: {  	s20 =	rddreg [dreg:$0xe];
	[sflag:s22] =	ssyncadd.s32 $0xFFFFE000  }
0x46: {  	[spmem:s20] =	stream.linear.scatter [tilespmem:s21], [sflag:$0x9], $0x2000, $0x38;
	[tilespmem:$0x1E800] =	vst v63  }
0x47: {  	_ =	swait.ge [sflag:s22], $0x2000  }
0x48: {  	[sflag:s22] =	ssyncset.done $0x0  }
0x49: {  	[sflag:s22] =	ssyncadd.s32 $0xFFFFE000  }
0x4a: {  	s19 =	simm.s32 $0x0;
	[bflag:$0x0] =	sbarrier.arrive $0xFFFF  }
.LBB2_2:
0x4b: {  	s7 =	smul.u32 $0x28, s19;
	_ =	sdelay $0x1  }
0x4c: {  	s7 =	sadd.s32 s18, s7  }
0x4d: {  	s7 =	sshll.u32 s7, $0x4  }
0x4e: {  	s17 =	simm.s32 $0x0;
	s20 =	sadd.s32 s6, s7  }
0x4f: {  	[tilespmem:s17], [sflag:$0x9] =	stream.linear.gather [hbm4b:s20+s17], $0x1400, $0x38;
	[tilespmem:$0x1E800] =	vst v63  }
0x50: {  	_ =	swait.ge [sflag:s22], $0x1400  }
0x51: {  	[sflag:s22] =	ssyncset.done $0x0  }
0x52: {  	s7 =	sadd.s32 s1, s7;
	[sflag:s22] =	ssyncadd.s32 $0xFFFFEC00  }
0x53: {  	[tilespmem:s23], [sflag:$0x9] =	stream.linear.gather [hbm4b:s7+s17], $0x1400, $0x38;
	[tilespmem:$0x1E800] =	vst v63  }
0x54: {  	_ =	swait.ge [sflag:s22], $0x1400  }
0x55: {  	[sflag:s22] =	ssyncset.done $0x0  }
0x56: {  	[sflag:s22] =	ssyncadd.s32 $0xFFFFEC00  }
0x57: {  	[tilespmem:s21], [sflag:$0x1] =	stream.indirect.gather [hbm4b:s5+s24], $0x80, s17, s24, $0xb8;
	[tilespmem:$0x1E800] =	vst v63  }
0x58: {  	_ = 	snop  }
0x59: {  	[tilespmem:s26], [sflag:$0x2] =	stream.indirect.gather [hbm4b:s5+s24], $0x80, s25, s24, $0xb8;
	[tilespmem:$0x1E800] =	vst v63  }
0x5a: {  	_ = 	snop  }
0x5b: {  	[tilespmem:s29], [sflag:$0x3] =	stream.indirect.gather [hbm4b:s5+s24], $0x80, s28, s24, $0xb8;
	[tilespmem:$0x1E800] =	vst v63  }
0x5c: {  	_ = 	snop  }
0x5d: {  	[tilespmem:s31], [sflag:$0x4] =	stream.indirect.gather [hbm4b:s5+s24], $0x80, s30, s24, $0xb8;
	[tilespmem:$0x1E800] =	vst v63  }
0x5e: {  	_ =	swait.ge [sflag:s0], $0x2000  }
0x5f: {  	[sflag:s0] =	ssyncset.done $0x0  }
0x60: {  	s20 =	simm.s32 $0x1400;
	[sflag:s0] =	ssyncadd.s32 $0xFFFFE000  }
0x61: {  	[spmem:s2] =	stream.indirect.scatter.add.f32 [tilespmem:s21], [sflag:$0x5], $0x80, s20, s24, $0xb8;
	[tilespmem:$0x1E800] =	vst v63  }
0x62: {  	_ =	swait.ge [sflag:s4], $0x2000  }
0x63: {  	[sflag:s4] =	ssyncset.done $0x0  }
0x64: {  	s17 =	simm.s32 $0x1480;
	[sflag:s4] =	ssyncadd.s32 $0xFFFFE000  }
0x65: {  	[spmem:s2] =	stream.indirect.scatter.add.f32 [tilespmem:s26], [sflag:$0x6], $0x80, s17, s24, $0xb8;
	[tilespmem:$0x1E800] =	vst v63  }
0x66: {  	_ =	swait.ge [sflag:s3], $0x2000  }
0x67: {  	[sflag:s3] =	ssyncset.done $0x0  }
0x68: {  	s20 =	simm.s32 $0x1500;
	[sflag:s3] =	ssyncadd.s32 $0xFFFFE000  }
0x69: {  	[spmem:s2] =	stream.indirect.scatter.add.f32 [tilespmem:s29], [sflag:$0x7], $0x80, s20, s24, $0xb8;
	[tilespmem:$0x1E800] =	vst v63  }
0x6a: {  	_ =	swait.ge [sflag:s8], $0x2000  }
0x6b: {  	[sflag:s8] =	ssyncset.done $0x0  }
0x6c: {  	s17 =	simm.s32 $0x1580;
	[sflag:s8] =	ssyncadd.s32 $0xFFFFE000  }
0x6d: {  	[spmem:s2] =	stream.indirect.scatter.add.f32 [tilespmem:s31], [sflag:$0x8], $0x80, s17, s24, $0xb8;
	[tilespmem:$0x1E800] =	vst v63  }
0x6e: {  	_ =	swait.ge [sflag:s9], $0x2000  }
0x6f: {  	[sflag:s9] =	ssyncset.done $0x0  }
0x70: {  	s20 =	simm.s32 $0x200;
	[sflag:s9] =	ssyncadd.s32 $0xFFFFE000  }
0x71: {  	[tilespmem:s21], [sflag:$0x1] =	stream.indirect.gather [hbm4b:s5+s24], $0x80, s20, s24, $0xb8;
	[tilespmem:$0x1E800] =	vst v63  }
0x72: {  	_ =	swait.ge [sflag:s10], $0x2000  }
0x73: {  	[sflag:s10] =	ssyncset.done $0x0  }
0x74: {  	s17 =	simm.s32 $0x280;
	[sflag:s10] =	ssyncadd.s32 $0xFFFFE000  }
0x75: {  	[tilespmem:s26], [sflag:$0x2] =	stream.indirect.gather [hbm4b:s5+s24], $0x80, s17, s24, $0xb8;
	[tilespmem:$0x1E800] =	vst v63  }
0x76: {  	_ =	swait.ge [sflag:s11], $0x2000  }
0x77: {  	[sflag:s11] =	ssyncset.done $0x0  }
0x78: {  	s20 =	simm.s32 $0x300;
	[sflag:s11] =	ssyncadd.s32 $0xFFFFE000  }
0x79: {  	[tilespmem:s29], [sflag:$0x3] =	stream.indirect.gather [hbm4b:s5+s24], $0x80, s20, s24, $0xb8;
	[tilespmem:$0x1E800] =	vst v63  }
0x7a: {  	_ =	swait.ge [sflag:s12], $0x2000  }
0x7b: {  	[sflag:s12] =	ssyncset.done $0x0  }
0x7c: {  	s7 =	simm.s32 $0x380;
	s20 =	simm.s32 $0x800;
	[sflag:s12] =	ssyncadd.s32 $0xFFFFE000  }
.LBB2_3:
0x7d: {  	[tilespmem:s31], [sflag:$0x4] =	stream.indirect.gather [hbm4b:s5+s24], $0x80, s7, s24, $0xb8;
	[tilespmem:$0x1E800] =	vst v63  }
0x7e: {  	s7 =	smov.u32 s20  }
0x7f: {  	p1 =	sne.s32 s20, $0x4000;
	s20 =	sadd.s32 $0x800, s20;
	_ =	swait.ge [sflag:s0], $0x2000  }
0x80: {  	s7 =	sshra.s32 s7, $0x2;
	[sflag:s0] =	ssyncset.done $0x0  }
0x81: {  	s17 =	sadd.s32 $0x1400, s7;
	[sflag:s0] =	ssyncadd.s32 $0xFFFFE000  }
0x82: {  	[spmem:s2] =	stream.indirect.scatter.add.f32 [tilespmem:s21], [sflag:$0x5], $0x80, s17, s24, $0xb8;
	[tilespmem:$0x1E800] =	vst v63  }
0x83: {  	_ =	swait.ge [sflag:s4], $0x2000  }
0x84: {  	[sflag:s4] =	ssyncset.done $0x0  }
0x85: {  	s17 =	sadd.s32 $0x1480, s7;
	[sflag:s4] =	ssyncadd.s32 $0xFFFFE000  }
0x86: {  	[spmem:s2] =	stream.indirect.scatter.add.f32 [tilespmem:s26], [sflag:$0x6], $0x80, s17, s24, $0xb8;
	[tilespmem:$0x1E800] =	vst v63  }
0x87: {  	_ =	swait.ge [sflag:s3], $0x2000  }
0x88: {  	[sflag:s3] =	ssyncset.done $0x0  }
0x89: {  	s17 =	sadd.s32 $0x1500, s7;
	[sflag:s3] =	ssyncadd.s32 $0xFFFFE000  }
0x8a: {  	[spmem:s2] =	stream.indirect.scatter.add.f32 [tilespmem:s29], [sflag:$0x7], $0x80, s17, s24, $0xb8;
	[tilespmem:$0x1E800] =	vst v63  }
0x8b: {  	_ =	swait.ge [sflag:s8], $0x2000  }
0x8c: {  	[sflag:s8] =	ssyncset.done $0x0  }
0x8d: {  	s17 =	sadd.s32 $0x1580, s7;
	[sflag:s8] =	ssyncadd.s32 $0xFFFFE000  }
0x8e: {  	[spmem:s2] =	stream.indirect.scatter.add.f32 [tilespmem:s31], [sflag:$0x8], $0x80, s17, s24, $0xb8;
	[tilespmem:$0x1E800] =	vst v63  }
0x8f: {  	_ =	swait.ge [sflag:s9], $0x2000  }
0x90: {  	[sflag:s9] =	ssyncset.done $0x0  }
0x91: {  	s17 =	sadd.s32 $0x200, s7;
	[sflag:s9] =	ssyncadd.s32 $0xFFFFE000  }
0x92: {  	[tilespmem:s21], [sflag:$0x1] =	stream.indirect.gather [hbm4b:s5+s24], $0x80, s17, s24, $0xb8;
	[tilespmem:$0x1E800] =	vst v63  }
0x93: {  	_ =	swait.ge [sflag:s10], $0x2000  }
0x94: {  	[sflag:s10] =	ssyncset.done $0x0  }
0x95: {  	s17 =	sadd.s32 $0x280, s7;
	[sflag:s10] =	ssyncadd.s32 $0xFFFFE000  }
0x96: {  	[tilespmem:s26], [sflag:$0x2] =	stream.indirect.gather [hbm4b:s5+s24], $0x80, s17, s24, $0xb8;
	[tilespmem:$0x1E800] =	vst v63  }
0x97: {  	_ =	swait.ge [sflag:s11], $0x2000  }
0x98: {  	[sflag:s11] =	ssyncset.done $0x0  }
.Ltmp0:
0x99: {  	s17 =	sadd.s32 $0x300, s7;
	[sflag:s11] =	ssyncadd.s32 $0xFFFFE000;
	(pc) =	sbr.rel @p1 .LBB2_3-.Ltmp0, $4  }
0x9a: {  	[tilespmem:s29], [sflag:$0x3] =	stream.indirect.gather [hbm4b:s5+s24], $0x80, s17, s24, $0xb8;
	[tilespmem:$0x1E800] =	vst v63  }
0x9b: {  	_ =	swait.ge [sflag:s12], $0x2000  }
0x9c: {  	[sflag:s12] =	ssyncset.done $0x0  }
0x9d: {  	s7 =	sadd.s32 $0x380, s7;
	[sflag:s12] =	ssyncadd.s32 $0xFFFFE000  }
0x9e: {  	[tilespmem:s31], [sflag:$0x4] =	stream.indirect.gather [hbm4b:s5+s24], $0x80, s7, s24, $0xb8;
	[tilespmem:$0x1E800] =	vst v63  }
0x9f: {  	_ =	swait.ge [sflag:s0], $0x2000  }
0xa0: {  	[sflag:s0] =	ssyncset.done $0x0  }
0xa1: {  	[sflag:s0] =	ssyncadd.s32 $0xFFFFE000  }
0xa2: {  	[spmem:s2] =	stream.indirect.scatter.add.f32 [tilespmem:s21], [sflag:$0x5], $0x80, s13, s24, $0xb8;
	[tilespmem:$0x1E800] =	vst v63  }
0xa3: {  	_ =	swait.ge [sflag:s4], $0x2000  }
0xa4: {  	[sflag:s4] =	ssyncset.done $0x0  }
0xa5: {  	[sflag:s4] =	ssyncadd.s32 $0xFFFFE000  }
0xa6: {  	[spmem:s2] =	stream.indirect.scatter.add.f32 [tilespmem:s26], [sflag:$0x6], $0x80, s14, s24, $0xb8;
	[tilespmem:$0x1E800] =	vst v63  }
0xa7: {  	_ =	swait.ge [sflag:s3], $0x2000  }
0xa8: {  	[sflag:s3] =	ssyncset.done $0x0  }
0xa9: {  	[sflag:s3] =	ssyncadd.s32 $0xFFFFE000  }
0xaa: {  	[spmem:s2] =	stream.indirect.scatter.add.f32 [tilespmem:s29], [sflag:$0x7], $0x80, s15, s24, $0xb8;
	[tilespmem:$0x1E800] =	vst v63  }
0xab: {  	_ =	swait.ge [sflag:s8], $0x2000  }
0xac: {  	[sflag:s8] =	ssyncset.done $0x0  }
0xad: {  	[sflag:s8] =	ssyncadd.s32 $0xFFFFE000  }
0xae: {  	[spmem:s2] =	stream.indirect.scatter.add.f32 [tilespmem:s31], [sflag:$0x8], $0x80, s16, s24, $0xb8;
	[tilespmem:$0x1E800] =	vst v63  }
0xaf: {  	_ =	swait.ge [sflag:s9], $0x2000  }
0xb0: {  	[sflag:s9] =	ssyncset.done $0x0  }
0xb1: {  	[sflag:s9] =	ssyncadd.s32 $0xFFFFE000  }
0xb2: {  	_ =	swait.ge [sflag:s10], $0x2000  }
0xb3: {  	[sflag:s10] =	ssyncset.done $0x0  }
0xb4: {  	p1 =	slt.u32 @!p0 s19, $0x6;
	[sflag:s10] =	ssyncadd.s32 $0xFFFFE000  }
0xb5: {  	p1 =	por p0, !p1;
	_ =	swait.ge [sflag:s11], $0x2000  }
.Ltmp1:
0xb6: {  	[sflag:s11] =	ssyncset.done $0x0;
	(pc) =	sbr.rel @!p1 .LBB2_2-.Ltmp1, $4  }
0xb7: {  	[sflag:s11] =	ssyncadd.s32 $0xFFFFE000  }
0xb8: {  	_ =	swait.ge [sflag:s12], $0x2000  }
0xb9: {  	[sflag:s12] =	ssyncset.done $0x0  }
0xba: {  	s19 =	sadd.s32 $0x1, s19;
	[sflag:s12] =	ssyncadd.s32 $0xFFFFE000  }
0xbb: {  	s7 =	stileid.u32;
	[bflag:$0x0] =	sbarrier.arrive $0xFFFF  }
0xbc: {  	s7 =	sshll.u32 s7, $0x6;
	s19 =	rddreg [dreg:$0x4]  }
0xbd: {  	s20 =	rddreg [dreg:$0xf];
	s7 =	sor.u32 $0x1C09, s7;
	s17 =	sshrl.u32 s19, $0x3  }
0xbe: {  	[hbm:s20], [sflag:s7] =	dma.local [spmem:s17], $0x2800  }
0xbf: {  	_ =	swait.ge [sflag:s22], $0x2800  }
0xc0: {  	s7 =	rddreg [dreg:$0x11]  }
0xc1: {  	s20 =	rddreg [dreg:$0x10];
	s17 =	sadd.s32 $0x1, s7  }
0xc2: {  	p1 =	sne.s32 s17, s20  }
.Ltmp2:
0xc3: {  	_ = 	snop;
	(pc) =	sbr.rel @p1 .LBB2_1-.Ltmp2, $3  }
0xc4: {  	_ =	sdelay $0x1  }
0xc5: {  	[sflag:s22] =	ssyncset.done $0x0  }
0xc6: {  	[sflag:s22] =	ssyncadd.s32 $0xFFFFD800  }
0xc7: {  	_ =	sfence.sel $0x180000  }
0xc8: {  	[bflag:$0x0] =	sbarrier.arrive $0xFFFF  }
0xc9: {  	_ =	strace $0x9000004A  }
0xca: {  	s0 =	stileid.u32;
	[bflag:$0x2] =	sbarrier.arrive $0xFFFF  }
0xcb: {  	p0 =	sne.s32 s0, $0x0;
	s0 =	rddreg [dreg:$0x3]  }
0xcc: {  	s0 =	sadd.s32 @!p0 $0x100000, s0  }
0xcd: {  	[sflag:s0] =	ssyncadd.tile.s32 @!p0 $0x1;
	_ =	shalt  }
.Lfunc_end2:
_tile_overlayer_lowered:
.L_overlay_start_2:
0xce: {  	(tag) =	ssettag $0x2  }
0xcf: {  	s0 =	rddreg [dreg:$0x0];
	s2 =	stileid.u32  }
0xd0: {  	s1 =	rddreg [dreg:$0x1];
	p0 =	sne.s32 s2, $0x0  }
0xd1: {  	s3 =	rddreg [dreg:$0x2];
	[bflag:$0x3] =	sbarrier.arrive $0xFFFF;
	s2 =	simm.s32 @!p0 $0x1C09  }
0xd2: {  	[timem:s3], [sflag:s2] =	dma.local @!p0 [hbm:s0], s1  }
0xd3: {  	s0 =	simm.s32 @!p0 $0x9  }
0xd4: {  	_ =	swait.ge @!p0 [sflag:s0], s1  }
0xd5: {  	s1 =	ssub.s32 @!p0 $0x0, s1;
	[sflag:s0] =	ssyncset.done @!p0 $0x0  }
0xd6: {  	[sflag:s0] =	ssyncadd.s32 @!p0 s1  }
0xd7: {  	[bflag:$0x3] =	sbarrier.arrive $0xFFFF  }
0xd8: {  	_ =	shalt  }

// kernel: kernel.14.cloned.1.call-start
scs
__scs_entry_jumppad:
0x0: {  	(pc) =	sbr.rel $0x88, $3  }
0x1: {  	(tag) =	ssettag $0x0;
	lr =	simm.s32 $0x1  }
0x2: {  	[smem:$0x3F9B] =	sst lr;
	_ =	strace $0xD0000000  }
0x3: {  	_ = 	snop  }
0x4: {  	_ = 	snop  }
0x5: {  	_ = 	snop  }
0x6: {  	_ = 	snop  }
0x7: {  	_ = 	snop  }
__scs_overlays_trampoline_lowered:
0x8: {  	[smem:$0x3FAA] =	sst s0  }
0x9: {  	[smem:$0x3FAB] =	sst s1  }
0xa: {  	[smem:$0x3FAC] =	sst s2  }
0xb: {  	[smem:$0x3FAD] =	sst s3  }
0xc: {  	[smem:$0x3FAE] =	sst s4  }
0xd: {  	[smem:$0x3FAF] =	sst s5  }
0xe: {  	[smem:$0x3FB0] =	sst s6  }
0xf: {  	[smem:$0x3FB1] =	sst s7  }
0x10: {  	[smem:$0x3FB2] =	sst s8  }
0x11: {  	[smem:$0x3FB3] =	sst s9;
	s0 =	simm.s32 @!p0 $0x0  }
0x12: {  	s1 =	sld [smem:$0x3F99];
	s0 =	simm.s32 @p0 $0x1  }
0x13: {  	[smem:$0x3FB4] =	sst s0;
	s0 =	simm.s32 @!p1 $0x0  }
0x14: {  	s2 =	sld [smem:$0x3F98];
	s0 =	simm.s32 @p1 $0x1  }
0x15: {  	[smem:$0x3FB5] =	sst s0;
	s0 =	simm.s32 @!p2 $0x0  }
0x16: {  	s3 =	sld [smem:$0x3FDB];
	s0 =	simm.s32 @p2 $0x1  }
0x17: {  	s4 =	simm.s32 $0x1BF5;
	[smem:$0x3FB7] =	sst s0  }
0x18: {  	s0 =	sld [smem:$0x3F9A];
	_ =	swait.ge [sflag:s4], $0x0  }
0x19: {  	s7 =	sld [smem:$0x3F9B]  }
0x1a: {  	s8 =	sadd.s32 $0xFFFFE003, lr  }
0x1b: {  	s9 =	sadd.s32 $0xFFFFFEF7, lr;
	s5 =	simm.s32 $0xFFFFFFFF;
	p2 =	slt.u32 s8, $0xFFFFF086  }
0x1c: {  	p1 =	slt.u32 s9, $0xF7A;
	s5 =	simm.s32 @!p2 $0x0  }
0x1d: {  	s5 =	simm.s32 @p1 $0x1;
	p0 =	seq.s32 s7, s2  }
0x1e: {  	s7 =	smul.u32 @!p0 $0xF7A, s2;
	p2 =	seq.s32 @!p0 s5, $0x0  }
0x1f: {  	s9 =	smul.u32 $0xF7A, s1;
	s8 =	simm.s32 @!p0 $0x1BF5;
	p2 =	por !p2, p0  }
0x20: {  	[sflag:s8] =	ssyncset.s32 @!p0 $0xFFFFF086;
	s6 =	sadd.s32 @!p0 s3, s7;
	s7 =	simm.s32 @!p0 $0x108  }
0x21: {  	s3 =	sadd.s32 s3, s9;
	s6 =	sadd.s32 @!p0 $0x88, s6;
	s7 =	simm.s32 @p2 $0x1082  }
0x22: {  	[simem:s7], [sflag:s8] =	dma.local @!p0 [hbm:s6], $0xF7A  }
0x23: {  	s9 =	sor.u32 $0xD0000000, s2;
	s6 =	simm.s32 $0x108;
	_ =	swait.ge @!p0 [sflag:s8], $0x0  }
0x24: {  	s3 =	sadd.s32 $0x88, s3;
	s6 =	simm.s32 @!p1 $0x1082;
	[sflag:s4] =	ssyncset.s32 $0xFFFFF086  }
0x25: {  	[simem:s6], [sflag:s4] =	dma.local [hbm:s3], $0xF7A  }
0x26: {  	[smem:$0x3F9B] =	sst s1;
	(tag) =	ssettag s2;
	_ =	strace s9  }
0x27: {  	s1 =	sld [smem:$0x3FAB]  }
0x28: {  	s2 =	sld [smem:$0x3FAC]  }
0x29: {  	s4 =	sld [smem:$0x3FAE]  }
0x2a: {  	p0 =	seq.s32 s5, $0x0;
	s5 =	sld [smem:$0x3FAF]  }
0x2b: {  	s6 =	sld [smem:$0x3FB0]  }
0x2c: {  	s7 =	sld [smem:$0x3FB1]  }
0x2d: {  	s3 =	simm.s32 $0x108;
	s8 =	sld [smem:$0x3FB2]  }
0x2e: {  	s3 =	simm.s32 @!p0 $0x1082;
	s9 =	sld [smem:$0x3FB3]  }
0x2f: {  	lr =	sadd.s32 s0, s3;
	s0 =	sld [smem:$0x3FAA]  }
0x30: {  	s3 =	sld [smem:$0x3FAD]  }
0x31: {  	[smem:$0x3FB6] =	sst s10  }
0x32: {  	s10 =	sld [smem:$0x3FB4];
	_ =	sdelay $0x3  }
0x33: {  	p0 =	seq.s32 s10, $0x1;
	s10 =	sld [smem:$0x3FB6];
	_ =	sdelay $0x3  }
0x34: {  	[smem:$0x3FB6] =	sst s10  }
0x35: {  	s10 =	sld [smem:$0x3FB5];
	_ =	sdelay $0x3  }
0x36: {  	p1 =	seq.s32 s10, $0x1;
	s10 =	sld [smem:$0x3FB6];
	_ =	sdelay $0x3  }
0x37: {  	[smem:$0x3FB6] =	sst s10  }
0x38: {  	s10 =	sld [smem:$0x3FB7]  }
0x39: {  	_ = 	snop;
	(pc) =	sbr.ind lr, $3  }
0x3a: {  	_ = 	snop  }
0x3b: {  	_ = 	snop  }
0x3c: {  	p2 =	seq.s32 s10, $0x1;
	s10 =	sld [smem:$0x3FB6]  }
0x3d: {  	_ =	shalt  }
0x3e: {  	_ =	shalt  }
0x3f: {  	_ =	shalt  }
0x40: {  	_ =	shalt  }
0x41: {  	_ =	shalt  }
0x42: {  	_ =	shalt  }
0x43: {  	_ =	shalt  }
0x44: {  	_ =	shalt  }
0x45: {  	_ =	shalt  }
0x46: {  	_ =	shalt  }
0x47: {  	_ =	shalt  }
0x48: {  	_ =	shalt  }
0x49: {  	_ =	shalt  }
0x4a: {  	_ =	shalt  }
0x4b: {  	_ =	shalt  }
0x4c: {  	_ =	shalt  }
0x4d: {  	_ =	shalt  }
0x4e: {  	_ =	shalt  }
0x4f: {  	_ =	shalt  }
0x50: {  	_ =	shalt  }
0x51: {  	_ =	shalt  }
0x52: {  	_ =	shalt  }
0x53: {  	_ =	shalt  }
0x54: {  	_ =	shalt  }
0x55: {  	_ =	shalt  }
0x56: {  	_ =	shalt  }
0x57: {  	_ =	shalt  }
0x58: {  	_ =	shalt  }
0x59: {  	_ =	shalt  }
0x5a: {  	_ =	shalt  }
0x5b: {  	_ =	shalt  }
0x5c: {  	_ =	shalt  }
0x5d: {  	_ =	shalt  }
0x5e: {  	_ =	shalt  }
0x5f: {  	_ =	shalt  }
0x60: {  	_ =	shalt  }
0x61: {  	_ =	shalt  }
0x62: {  	_ =	shalt  }
0x63: {  	_ =	shalt  }
0x64: {  	_ =	shalt  }
0x65: {  	_ =	shalt  }
0x66: {  	_ =	shalt  }
0x67: {  	_ =	shalt  }
0x68: {  	_ =	shalt  }
0x69: {  	_ =	shalt  }
0x6a: {  	_ =	shalt  }
0x6b: {  	_ =	shalt  }
0x6c: {  	_ =	shalt  }
0x6d: {  	_ =	shalt  }
0x6e: {  	_ =	shalt  }
0x6f: {  	_ =	shalt  }
0x70: {  	_ =	shalt  }
0x71: {  	_ =	shalt  }
0x72: {  	_ =	shalt  }
0x73: {  	_ =	shalt  }
0x74: {  	_ =	shalt  }
0x75: {  	_ =	shalt  }
0x76: {  	_ =	shalt  }
0x77: {  	_ =	shalt  }
0x78: {  	_ =	shalt  }
0x79: {  	_ =	shalt  }
0x7a: {  	_ =	shalt  }
0x7b: {  	_ =	shalt  }
0x7c: {  	_ =	shalt  }
0x7d: {  	_ =	shalt  }
0x7e: {  	_ =	shalt  }
0x7f: {  	_ =	shalt  }
0x80: {  	_ =	shalt  }
0x81: {  	_ =	shalt  }
0x82: {  	_ =	shalt  }
0x83: {  	_ =	shalt  }
0x84: {  	_ =	shalt  }
0x85: {  	_ =	shalt  }
0x86: {  	_ =	shalt  }
0x87: {  	_ =	shalt  }
.Lfunc_end0:
.L_simem_size_0:
called_computation.2_lowered:
.L_overlay_start_0:
0x88: {  	s2 =	sld [smem:$0x3FD9]  }
0x89: {  	s3 =	sld [smem:$0x3FFE];
	_ =	sdelay $0x1  }
0x8a: {  	s1 =	srdreg.scid  }
0x8b: {  	s0 =	sand.u32 $0x1, s1  }
0x8c: {  	s17 =	sshll.u32 s0, $0xA;
	s2 =	sadd.s32 s3, s2  }
0x8d: {  	s2 =	sadd.s32 s2, s17  }
0x8e: {  	[smem:$0x3FC2] =	sst s2  }
0x8f: {  	_ = 	snop  }
0x90: {  	s2 =	sld [smem:$0x3FD0];
	(tm) =	ssettm $0x1  }
0x91: {  	s18 =	sld [smem:$0x3FFB];
	_ =	sdelay $0x3  }
0x92: {  	_ =	strace s18  }
0x93: {  	s3 =	sld [smem:$0x3FFC];
	_ =	sdelay $0x3  }
0x94: {  	_ =	strace s3  }
0x95: {  	s3 =	sld [smem:$0x3FFD];
	_ =	sdelay $0x3  }
0x96: {  	_ =	strace s3  }
0x97: {  	_ =	strace $0x8FFFFFFF  }
0x98: {  	s19 =	sld [smem:$0x3FDB];
	_ =	sdelay $0x1  }
0x99: {  	s4 =	simm.s32 $_scs_section_size  }
0x9a: {  	s5 =	simm.s32 $_size__tile_overlayer_lowered;
	s6 =	simm.s32 $_tile_overlayer_lowered  }
0x9b: {  	s22 =	simm.s32 $0x1BFF;
	s21 =	sshll.u32 s6, $0x1;
	s3 =	sadd.s32 s4, s19  }
0x9c: {  	s7 =	simm.s32 $0x0;
	s20 =	sshll.u32 s5, $0x1;
	s5 =	sadd.s32 s21, s3  }
0x9d: {  	[timem:s7], [sflag:s22] =	dma.local [hbm:s5], s20  }
0x9e: {  	_ =	swait.ge [sflag:s22], s20  }
0x9f: {  	s4 =	ssub.s32 $0x0, s20;
	[sflag:s22] =	ssyncset.done $0x0  }
0xa0: {  	[sflag:s22] =	ssyncadd.s32 s4;
	_ =	sdelay $0x1  }
0xa1: {  	s23 =	simm.s32 $0x1B8B  }
0xa2: {  	_ =	swait.ge [sflag:s23], $0x1  }
0xa3: {  	[sflag:s23] =	ssyncset.done $0x0  }
0xa4: {  	s25 =	simm.s32 $0x1B8E;
	s24 =	sld [smem:$0x3FFE];
	[sflag:s23] =	ssyncadd.s32 $0xFFFFFFFF  }
0xa5: {  	s26 =	simm.s32 $execute0_lowered;
	[smem:$0x3FD2] =	sst s25  }
0xa6: {  	s5 =	sshll.u32 s26, $0x1;
	_ =	strace $0x8000004C;
	[dreg:$0x1] =	wrdreg $0xFFFFFFFF  }
0xa7: {  	s28 =	simm.s32 $_size_execute0_lowered;
	s3 =	sadd.s32 s3, s5;
	[dreg:$0x0] =	wrdreg $0x0  }
0xa8: {  	s5 =	sshll.u32 s28, $0x1;
	[dreg:$0x2] =	wrdreg s3  }
0xa9: {  	[dreg:$0x3] =	wrdreg s5  }
0xaa: {  	[dreg:$0x4] =	wrdreg $0xC0  }
0xab: {  	_ =	task [dreg:s7], $0x5FFFF  }
0xac: {  	[dreg:$0x1] =	wrdreg $0xFFFFFFFF  }
0xad: {  	[dreg:$0x0] =	wrdreg $0x60  }
0xae: {  	[dreg:$0x2] =	wrdreg s24  }
0xaf: {  	[dreg:$0x3] =	wrdreg s2  }
0xb0: {  	[dreg:$0x4] =	wrdreg $0xA8000  }
0xb1: {  	[dreg:$0x5] =	wrdreg $0x9  }
0xb2: {  	_ =	task.clear_ibuf [dreg:s7], $0x6FFFF;
	_ =	strace $0x9000004C  }
0xb3: {  	s29 =	simm.s32 $0x9;
	_ =	strace $0x8000004E  }
0xb4: {  	_ =	swait.ge [sflag:s29], $0x1  }
0xb5: {  	[sflag:s29] =	ssyncadd.s32 $0xFFFFFFFF  }
0xb6: {  	_ =	strace $0x9000004E  }
0xb7: {  	_ =	sfence  }
0xb8: {  	s30 =	sld [smem:$0x0];
	_ =	sdelay $0x2  }
0xb9: {  	s31 =	sshll.u32 s1, $0xD;
	s1 =	sshrl.u32 s1, $0x2  }
0xba: {  	s3 =	sand.u32 $0x4000, s31;
	s1 =	sadd.s32 s1, s30  }
0xbb: {  	s0 =	sor.u32 s3, s0;
	s1 =	sshll.u32 s1, $0x11  }
0xbc: {  	s0 =	sor.u32 s1, s0  }
0xbd: {  	s0 =	sadd.s32 $0x8F2B, s0  }
0xbe: {  	[sflag:s0] =	ssyncadd.remote.s32 $0x1  }
0xbf: {  	_ =	sfence.sel $0xFFFF  }
0xc0: {  	[dreg:$0x0] =	wrdreg $0xFFFFFFFF;
	(pc) =	sbr.abs _section_cstart, $3  }
0xc1: {  	[dreg:$0x1] =	wrdreg $0xFFFFFFFF  }
0xc2: {  	_ =	task.clear_ibuf [dreg:s7], $0x2FFFF;
	_ =	strace $0x9FFFFFFF  }
0xc3: {  	(tm) =	ssettm $0x7FFFFFFF  }
tec
execute0_lowered:
.L_overlay_start_1:
0x0: {  	(tag) =	ssettag $0x1  }
0x1: {  	s0 =	rddreg [dreg:$0x0]  }
0x2: {  	s1 =	rddreg [dreg:$0x1]  }
0x3: {  	s2 =	rddreg [dreg:$0x2];
	s3 =	srdreg.scid  }
0x4: {  	s5 =	simm.s32 $0x0;
	s10 =	stileid.u32;
	s28 =	simm.s32 $0x100  }
0x5: {  	s29 =	simm.s32 $0x6800;
	s30 =	simm.s32 $0x180;
	s31 =	simm.s32 $0x8800  }
0x6: {  	s11 =	simm.s32 $0x7;
	s12 =	simm.s32 $0x8;
	s7 =	smul.u32 $0x14000, s10  }
0x7: {  	s13 =	simm.s32 $0x2600;
	s3 =	sand.u32 $0x1, s3;
	s8 =	smul.u32 $0x50000, s10  }
0x8: {  	[smem:$0x7FF] =	sst s5;
	s5 =	sadd.s32 $0x66A00, s0;
	s22 =	smul.u32 $0x28, s10  }
0x9: {  	s6 =	sadd.s32 $0x52A00, s0;
	s4 =	smul.u32 $0x140000, s3;
	s8 =	sshrl.u32 s8, $0x2  }
0xa: {  	_ =	strace $0x8000004D;
	s14 =	ssub.s32 $0x2, s3;
	s19 =	sadd.s32 s8, s2  }
0xb: {  	p0 =	seq.s32 s3, $0x0;
	s15 =	sadd.s32 $0x2000, s19;
	[dreg:$0x4] =	wrdreg s19  }
0xc: {  	s9 =	sshrl.u32 s14, $0x1;
	s16 =	sadd.s32 $0x4000, s19;
	[dreg:$0x6] =	wrdreg s15  }
0xd: {  	s4 =	sadd.s32 s7, s4;
	s17 =	sadd.s32 $0x6000, s19;
	[dreg:$0x7] =	wrdreg s16  }
0xe: {  	s7 =	ssub.s32 s14, s9;
	s18 =	sadd.s32 $0x8000, s19;
	[dreg:$0x8] =	wrdreg s17  }
0xf: {  	s9 =	simm.s32 $0x5;
	s20 =	sadd.s32 $0xA000, s19;
	[dreg:$0x9] =	wrdreg s18  }
0x10: {  	s14 =	simm.s32 $0x2680;
	s21 =	sadd.s32 $0xC000, s19;
	[dreg:$0xa] =	wrdreg s20  }
0x11: {  	s4 =	sshrl.u32 s4, $0x3;
	s8 =	sadd.s32 $0xE000, s19;
	[dreg:$0xb] =	wrdreg s21  }
0x12: {  	s23 =	sadd.s32 $0x10000, s19;
	s24 =	sadd.s32 $0x12000, s19;
	[dreg:$0xc] =	wrdreg s8  }
0x13: {  	s26 =	smax.u32 s7, $0x1;
	s4 =	sadd.s32 s4, s0;
	[dreg:$0xd] =	wrdreg s23  }
0x14: {  	s0 =	sadd.s32 $0x8E600, s0;
	s8 =	smul.u32 $0x118, s10;
	[dreg:$0xe] =	wrdreg s24  }
0x15: {  	s18 =	sadd.s32 $0x1180, s22;
	[dreg:$0x10] =	wrdreg s26;
	s21 =	simm.s32 $0x2800  }
0x16: {  	s22 =	simm.s32 $0x9;
	s23 =	simm.s32 $0x1400;
	s24 =	simm.s32 $0x40  }
0x17: {  	s26 =	simm.s32 $0x4800;
	s10 =	simm.s32 $0x6;
	s15 =	simm.s32 $0x2700  }
0x18: {  	s16 =	simm.s32 $0x2780;
	s17 =	simm.s32 $0x0;
	[dreg:$0x5] =	wrdreg s0  }
0x19: {  	s25 =	sadd.s32 $0x8EA00, s4;
	s0 =	simm.s32 $0x1;
	s4 =	simm.s32 $0x2  }
0x1a: {  	s18 =	smov.u32 @p0 s8;
	[dreg:$0xf] =	wrdreg s25;
	p0 =	sne.s32 s3, $0x0  }
0x1b: {  	s25 =	simm.s32 $0x80;
	s3 =	simm.s32 $0x3;
	s8 =	simm.s32 $0x4  }
.LBB2_1:
0x1c: {  	[dreg:$0x11] =	wrdreg s17  }
0x1d: {  	s7 =	simm.s32 $0x0;
	s20 =	rddreg [dreg:$0x5]  }
0x1e: {  	[tilespmem:s21], [sflag:$0x9] =	stream.linear.gather [hbm4b:s20+s7], $0x2000, $0x38;
	[tilespmem:$0x1E800] =	vst v63  }
0x1f: {  	_ =	swait.ge [sflag:s22], $0x2000  }
0x20: {  	[sflag:s22] =	ssyncset.done $0x0  }
0x21: {  	[sflag:s22] =	ssyncadd.s32 $0xFFFFE000  }
0x22: {  	[spmem:s19] =	stream.linear.scatter [tilespmem:s21], [sflag:$0x9], $0x2000, $0x38;
	[tilespmem:$0x1E800] =	vst v63  }
0x23: {  	_ =	swait.ge [sflag:s22], $0x2000  }
0x24: {  	[sflag:s22] =	ssyncset.done $0x0  }
0x25: {  	s17 =	rddreg [dreg:$0x6];
	[sflag:s22] =	ssyncadd.s32 $0xFFFFE000  }
0x26: {  	[spmem:s17] =	stream.linear.scatter [tilespmem:s21], [sflag:$0x9], $0x2000, $0x38;
	[tilespmem:$0x1E800] =	vst v63  }
0x27: {  	_ =	swait.ge [sflag:s22], $0x2000  }
0x28: {  	[sflag:s22] =	ssyncset.done $0x0  }
0x29: {  	s19 =	rddreg [dreg:$0x7];
	[sflag:s22] =	ssyncadd.s32 $0xFFFFE000  }
0x2a: {  	[spmem:s19] =	stream.linear.scatter [tilespmem:s21], [sflag:$0x9], $0x2000, $0x38;
	[tilespmem:$0x1E800] =	vst v63  }
0x2b: {  	_ =	swait.ge [sflag:s22], $0x2000  }
0x2c: {  	[sflag:s22] =	ssyncset.done $0x0  }
0x2d: {  	s20 =	rddreg [dreg:$0x8];
	[sflag:s22] =	ssyncadd.s32 $0xFFFFE000  }
0x2e: {  	[spmem:s20] =	stream.linear.scatter [tilespmem:s21], [sflag:$0x9], $0x2000, $0x38;
	[tilespmem:$0x1E800] =	vst v63  }
0x2f: {  	_ =	swait.ge [sflag:s22], $0x2000  }
0x30: {  	[sflag:s22] =	ssyncset.done $0x0  }
0x31: {  	s17 =	rddreg [dreg:$0x9];
	[sflag:s22] =	ssyncadd.s32 $0xFFFFE000  }
0x32: {  	[spmem:s17] =	stream.linear.scatter [tilespmem:s21], [sflag:$0x9], $0x2000, $0x38;
	[tilespmem:$0x1E800] =	vst v63  }
0x33: {  	_ =	swait.ge [sflag:s22], $0x2000  }
0x34: {  	[sflag:s22] =	ssyncset.done $0x0  }
0x35: {  	s19 =	rddreg [dreg:$0xa];
	[sflag:s22] =	ssyncadd.s32 $0xFFFFE000  }
0x36: {  	[spmem:s19] =	stream.linear.scatter [tilespmem:s21], [sflag:$0x9], $0x2000, $0x38;
	[tilespmem:$0x1E800] =	vst v63  }
0x37: {  	_ =	swait.ge [sflag:s22], $0x2000  }
0x38: {  	[sflag:s22] =	ssyncset.done $0x0  }
0x39: {  	s20 =	rddreg [dreg:$0xb];
	[sflag:s22] =	ssyncadd.s32 $0xFFFFE000  }
0x3a: {  	[spmem:s20] =	stream.linear.scatter [tilespmem:s21], [sflag:$0x9], $0x2000, $0x38;
	[tilespmem:$0x1E800] =	vst v63  }
0x3b: {  	_ =	swait.ge [sflag:s22], $0x2000  }
0x3c: {  	[sflag:s22] =	ssyncset.done $0x0  }
0x3d: {  	s17 =	rddreg [dreg:$0xc];
	[sflag:s22] =	ssyncadd.s32 $0xFFFFE000  }
0x3e: {  	[spmem:s17] =	stream.linear.scatter [tilespmem:s21], [sflag:$0x9], $0x2000, $0x38;
	[tilespmem:$0x1E800] =	vst v63  }
0x3f: {  	_ =	swait.ge [sflag:s22], $0x2000  }
0x40: {  	[sflag:s22] =	ssyncset.done $0x0  }
0x41: {  	s19 =	rddreg [dreg:$0xd];
	[sflag:s22] =	ssyncadd.s32 $0xFFFFE000  }
0x42: {  	[spmem:s19] =	stream.linear.scatter [tilespmem:s21], [sflag:$0x9], $0x2000, $0x38;
	[tilespmem:$0x1E800] =	vst v63  }
0x43: {  	_ =	swait.ge [sflag:s22], $0x2000  }
0x44: {  	[sflag:s22] =	ssyncset.done $0x0  }
0x45: {  	s20 =	rddreg [dreg:$0xe];
	[sflag:s22] =	ssyncadd.s32 $0xFFFFE000  }
0x46: {  	[spmem:s20] =	stream.linear.scatter [tilespmem:s21], [sflag:$0x9], $0x2000, $0x38;
	[tilespmem:$0x1E800] =	vst v63  }
0x47: {  	_ =	swait.ge [sflag:s22], $0x2000  }
0x48: {  	[sflag:s22] =	ssyncset.done $0x0  }
0x49: {  	[sflag:s22] =	ssyncadd.s32 $0xFFFFE000  }
0x4a: {  	s19 =	simm.s32 $0x0;
	[bflag:$0x0] =	sbarrier.arrive $0xFFFF  }
.LBB2_2:
0x4b: {  	s7 =	smul.u32 $0x28, s19;
	_ =	sdelay $0x1  }
0x4c: {  	s7 =	sadd.s32 s18, s7  }
0x4d: {  	s7 =	sshll.u32 s7, $0x4  }
0x4e: {  	s17 =	simm.s32 $0x0;
	s20 =	sadd.s32 s6, s7  }
0x4f: {  	[tilespmem:s17], [sflag:$0x9] =	stream.linear.gather [hbm4b:s20+s17], $0x1400, $0x38;
	[tilespmem:$0x1E800] =	vst v63  }
0x50: {  	_ =	swait.ge [sflag:s22], $0x1400  }
0x51: {  	[sflag:s22] =	ssyncset.done $0x0  }
0x52: {  	s7 =	sadd.s32 s1, s7;
	[sflag:s22] =	ssyncadd.s32 $0xFFFFEC00  }
0x53: {  	[tilespmem:s23], [sflag:$0x9] =	stream.linear.gather [hbm4b:s7+s17], $0x1400, $0x38;
	[tilespmem:$0x1E800] =	vst v63  }
0x54: {  	_ =	swait.ge [sflag:s22], $0x1400  }
0x55: {  	[sflag:s22] =	ssyncset.done $0x0  }
0x56: {  	[sflag:s22] =	ssyncadd.s32 $0xFFFFEC00  }
0x57: {  	[tilespmem:s21], [sflag:$0x1] =	stream.indirect.gather [hbm4b:s5+s24], $0x80, s17, s24, $0xb8;
	[tilespmem:$0x1E800] =	vst v63  }
0x58: {  	_ = 	snop  }
0x59: {  	[tilespmem:s26], [sflag:$0x2] =	stream.indirect.gather [hbm4b:s5+s24], $0x80, s25, s24, $0xb8;
	[tilespmem:$0x1E800] =	vst v63  }
0x5a: {  	_ = 	snop  }
0x5b: {  	[tilespmem:s29], [sflag:$0x3] =	stream.indirect.gather [hbm4b:s5+s24], $0x80, s28, s24, $0xb8;
	[tilespmem:$0x1E800] =	vst v63  }
0x5c: {  	_ = 	snop  }
0x5d: {  	[tilespmem:s31], [sflag:$0x4] =	stream.indirect.gather [hbm4b:s5+s24], $0x80, s30, s24, $0xb8;
	[tilespmem:$0x1E800] =	vst v63  }
0x5e: {  	_ =	swait.ge [sflag:s0], $0x2000  }
0x5f: {  	[sflag:s0] =	ssyncset.done $0x0  }
0x60: {  	s20 =	simm.s32 $0x1400;
	[sflag:s0] =	ssyncadd.s32 $0xFFFFE000  }
0x61: {  	[spmem:s2] =	stream.indirect.scatter.add.f32 [tilespmem:s21], [sflag:$0x5], $0x80, s20, s24, $0xb8;
	[tilespmem:$0x1E800] =	vst v63  }
0x62: {  	_ =	swait.ge [sflag:s4], $0x2000  }
0x63: {  	[sflag:s4] =	ssyncset.done $0x0  }
0x64: {  	s17 =	simm.s32 $0x1480;
	[sflag:s4] =	ssyncadd.s32 $0xFFFFE000  }
0x65: {  	[spmem:s2] =	stream.indirect.scatter.add.f32 [tilespmem:s26], [sflag:$0x6], $0x80, s17, s24, $0xb8;
	[tilespmem:$0x1E800] =	vst v63  }
0x66: {  	_ =	swait.ge [sflag:s3], $0x2000  }
0x67: {  	[sflag:s3] =	ssyncset.done $0x0  }
0x68: {  	s20 =	simm.s32 $0x1500;
	[sflag:s3] =	ssyncadd.s32 $0xFFFFE000  }
0x69: {  	[spmem:s2] =	stream.indirect.scatter.add.f32 [tilespmem:s29], [sflag:$0x7], $0x80, s20, s24, $0xb8;
	[tilespmem:$0x1E800] =	vst v63  }
0x6a: {  	_ =	swait.ge [sflag:s8], $0x2000  }
0x6b: {  	[sflag:s8] =	ssyncset.done $0x0  }
0x6c: {  	s17 =	simm.s32 $0x1580;
	[sflag:s8] =	ssyncadd.s32 $0xFFFFE000  }
0x6d: {  	[spmem:s2] =	stream.indirect.scatter.add.f32 [tilespmem:s31], [sflag:$0x8], $0x80, s17, s24, $0xb8;
	[tilespmem:$0x1E800] =	vst v63  }
0x6e: {  	_ =	swait.ge [sflag:s9], $0x2000  }
0x6f: {  	[sflag:s9] =	ssyncset.done $0x0  }
0x70: {  	s20 =	simm.s32 $0x200;
	[sflag:s9] =	ssyncadd.s32 $0xFFFFE000  }
0x71: {  	[tilespmem:s21], [sflag:$0x1] =	stream.indirect.gather [hbm4b:s5+s24], $0x80, s20, s24, $0xb8;
	[tilespmem:$0x1E800] =	vst v63  }
0x72: {  	_ =	swait.ge [sflag:s10], $0x2000  }
0x73: {  	[sflag:s10] =	ssyncset.done $0x0  }
0x74: {  	s17 =	simm.s32 $0x280;
	[sflag:s10] =	ssyncadd.s32 $0xFFFFE000  }
0x75: {  	[tilespmem:s26], [sflag:$0x2] =	stream.indirect.gather [hbm4b:s5+s24], $0x80, s17, s24, $0xb8;
	[tilespmem:$0x1E800] =	vst v63  }
0x76: {  	_ =	swait.ge [sflag:s11], $0x2000  }
0x77: {  	[sflag:s11] =	ssyncset.done $0x0  }
0x78: {  	s20 =	simm.s32 $0x300;
	[sflag:s11] =	ssyncadd.s32 $0xFFFFE000  }
0x79: {  	[tilespmem:s29], [sflag:$0x3] =	stream.indirect.gather [hbm4b:s5+s24], $0x80, s20, s24, $0xb8;
	[tilespmem:$0x1E800] =	vst v63  }
0x7a: {  	_ =	swait.ge [sflag:s12], $0x2000  }
0x7b: {  	[sflag:s12] =	ssyncset.done $0x0  }
0x7c: {  	s7 =	simm.s32 $0x380;
	s20 =	simm.s32 $0x800;
	[sflag:s12] =	ssyncadd.s32 $0xFFFFE000  }
.LBB2_3:
0x7d: {  	[tilespmem:s31], [sflag:$0x4] =	stream.indirect.gather [hbm4b:s5+s24], $0x80, s7, s24, $0xb8;
	[tilespmem:$0x1E800] =	vst v63  }
0x7e: {  	s7 =	smov.u32 s20  }
0x7f: {  	p1 =	sne.s32 s20, $0x4000;
	s20 =	sadd.s32 $0x800, s20;
	_ =	swait.ge [sflag:s0], $0x2000  }
0x80: {  	s7 =	sshra.s32 s7, $0x2;
	[sflag:s0] =	ssyncset.done $0x0  }
0x81: {  	s17 =	sadd.s32 $0x1400, s7;
	[sflag:s0] =	ssyncadd.s32 $0xFFFFE000  }
0x82: {  	[spmem:s2] =	stream.indirect.scatter.add.f32 [tilespmem:s21], [sflag:$0x5], $0x80, s17, s24, $0xb8;
	[tilespmem:$0x1E800] =	vst v63  }
0x83: {  	_ =	swait.ge [sflag:s4], $0x2000  }
0x84: {  	[sflag:s4] =	ssyncset.done $0x0  }
0x85: {  	s17 =	sadd.s32 $0x1480, s7;
	[sflag:s4] =	ssyncadd.s32 $0xFFFFE000  }
0x86: {  	[spmem:s2] =	stream.indirect.scatter.add.f32 [tilespmem:s26], [sflag:$0x6], $0x80, s17, s24, $0xb8;
	[tilespmem:$0x1E800] =	vst v63  }
0x87: {  	_ =	swait.ge [sflag:s3], $0x2000  }
0x88: {  	[sflag:s3] =	ssyncset.done $0x0  }
0x89: {  	s17 =	sadd.s32 $0x1500, s7;
	[sflag:s3] =	ssyncadd.s32 $0xFFFFE000  }
0x8a: {  	[spmem:s2] =	stream.indirect.scatter.add.f32 [tilespmem:s29], [sflag:$0x7], $0x80, s17, s24, $0xb8;
	[tilespmem:$0x1E800] =	vst v63  }
0x8b: {  	_ =	swait.ge [sflag:s8], $0x2000  }
0x8c: {  	[sflag:s8] =	ssyncset.done $0x0  }
0x8d: {  	s17 =	sadd.s32 $0x1580, s7;
	[sflag:s8] =	ssyncadd.s32 $0xFFFFE000  }
0x8e: {  	[spmem:s2] =	stream.indirect.scatter.add.f32 [tilespmem:s31], [sflag:$0x8], $0x80, s17, s24, $0xb8;
	[tilespmem:$0x1E800] =	vst v63  }
0x8f: {  	_ =	swait.ge [sflag:s9], $0x2000  }
0x90: {  	[sflag:s9] =	ssyncset.done $0x0  }
0x91: {  	s17 =	sadd.s32 $0x200, s7;
	[sflag:s9] =	ssyncadd.s32 $0xFFFFE000  }
0x92: {  	[tilespmem:s21], [sflag:$0x1] =	stream.indirect.gather [hbm4b:s5+s24], $0x80, s17, s24, $0xb8;
	[tilespmem:$0x1E800] =	vst v63  }
0x93: {  	_ =	swait.ge [sflag:s10], $0x2000  }
0x94: {  	[sflag:s10] =	ssyncset.done $0x0  }
0x95: {  	s17 =	sadd.s32 $0x280, s7;
	[sflag:s10] =	ssyncadd.s32 $0xFFFFE000  }
0x96: {  	[tilespmem:s26], [sflag:$0x2] =	stream.indirect.gather [hbm4b:s5+s24], $0x80, s17, s24, $0xb8;
	[tilespmem:$0x1E800] =	vst v63  }
0x97: {  	_ =	swait.ge [sflag:s11], $0x2000  }
0x98: {  	[sflag:s11] =	ssyncset.done $0x0  }
.Ltmp0:
0x99: {  	s17 =	sadd.s32 $0x300, s7;
	[sflag:s11] =	ssyncadd.s32 $0xFFFFE000;
	(pc) =	sbr.rel @p1 .LBB2_3-.Ltmp0, $4  }
0x9a: {  	[tilespmem:s29], [sflag:$0x3] =	stream.indirect.gather [hbm4b:s5+s24], $0x80, s17, s24, $0xb8;
	[tilespmem:$0x1E800] =	vst v63  }
0x9b: {  	_ =	swait.ge [sflag:s12], $0x2000  }
0x9c: {  	[sflag:s12] =	ssyncset.done $0x0  }
0x9d: {  	s7 =	sadd.s32 $0x380, s7;
	[sflag:s12] =	ssyncadd.s32 $0xFFFFE000  }
0x9e: {  	[tilespmem:s31], [sflag:$0x4] =	stream.indirect.gather [hbm4b:s5+s24], $0x80, s7, s24, $0xb8;
	[tilespmem:$0x1E800] =	vst v63  }
0x9f: {  	_ =	swait.ge [sflag:s0], $0x2000  }
0xa0: {  	[sflag:s0] =	ssyncset.done $0x0  }
0xa1: {  	[sflag:s0] =	ssyncadd.s32 $0xFFFFE000  }
0xa2: {  	[spmem:s2] =	stream.indirect.scatter.add.f32 [tilespmem:s21], [sflag:$0x5], $0x80, s13, s24, $0xb8;
	[tilespmem:$0x1E800] =	vst v63  }
0xa3: {  	_ =	swait.ge [sflag:s4], $0x2000  }
0xa4: {  	[sflag:s4] =	ssyncset.done $0x0  }
0xa5: {  	[sflag:s4] =	ssyncadd.s32 $0xFFFFE000  }
0xa6: {  	[spmem:s2] =	stream.indirect.scatter.add.f32 [tilespmem:s26], [sflag:$0x6], $0x80, s14, s24, $0xb8;
	[tilespmem:$0x1E800] =	vst v63  }
0xa7: {  	_ =	swait.ge [sflag:s3], $0x2000  }
0xa8: {  	[sflag:s3] =	ssyncset.done $0x0  }
0xa9: {  	[sflag:s3] =	ssyncadd.s32 $0xFFFFE000  }
0xaa: {  	[spmem:s2] =	stream.indirect.scatter.add.f32 [tilespmem:s29], [sflag:$0x7], $0x80, s15, s24, $0xb8;
	[tilespmem:$0x1E800] =	vst v63  }
0xab: {  	_ =	swait.ge [sflag:s8], $0x2000  }
0xac: {  	[sflag:s8] =	ssyncset.done $0x0  }
0xad: {  	[sflag:s8] =	ssyncadd.s32 $0xFFFFE000  }
0xae: {  	[spmem:s2] =	stream.indirect.scatter.add.f32 [tilespmem:s31], [sflag:$0x8], $0x80, s16, s24, $0xb8;
	[tilespmem:$0x1E800] =	vst v63  }
0xaf: {  	_ =	swait.ge [sflag:s9], $0x2000  }
0xb0: {  	[sflag:s9] =	ssyncset.done $0x0  }
0xb1: {  	[sflag:s9] =	ssyncadd.s32 $0xFFFFE000  }
0xb2: {  	_ =	swait.ge [sflag:s10], $0x2000  }
0xb3: {  	[sflag:s10] =	ssyncset.done $0x0  }
0xb4: {  	p1 =	slt.u32 @!p0 s19, $0x6;
	[sflag:s10] =	ssyncadd.s32 $0xFFFFE000  }
0xb5: {  	p1 =	por p0, !p1;
	_ =	swait.ge [sflag:s11], $0x2000  }
.Ltmp1:
0xb6: {  	[sflag:s11] =	ssyncset.done $0x0;
	(pc) =	sbr.rel @!p1 .LBB2_2-.Ltmp1, $4  }
0xb7: {  	[sflag:s11] =	ssyncadd.s32 $0xFFFFE000  }
0xb8: {  	_ =	swait.ge [sflag:s12], $0x2000  }
0xb9: {  	[sflag:s12] =	ssyncset.done $0x0  }
0xba: {  	s19 =	sadd.s32 $0x1, s19;
	[sflag:s12] =	ssyncadd.s32 $0xFFFFE000  }
0xbb: {  	s7 =	stileid.u32;
	[bflag:$0x0] =	sbarrier.arrive $0xFFFF  }
0xbc: {  	s7 =	sshll.u32 s7, $0x6;
	s19 =	rddreg [dreg:$0x4]  }
0xbd: {  	s20 =	rddreg [dreg:$0xf];
	s7 =	sor.u32 $0x1C09, s7;
	s17 =	sshrl.u32 s19, $0x3  }
0xbe: {  	[hbm:s20], [sflag:s7] =	dma.local [spmem:s17], $0x2800  }
0xbf: {  	_ =	swait.ge [sflag:s22], $0x2800  }
0xc0: {  	s7 =	rddreg [dreg:$0x11]  }
0xc1: {  	s20 =	rddreg [dreg:$0x10];
	s17 =	sadd.s32 $0x1, s7  }
0xc2: {  	p1 =	sne.s32 s17, s20  }
.Ltmp2:
0xc3: {  	_ = 	snop;
	(pc) =	sbr.rel @p1 .LBB2_1-.Ltmp2, $3  }
0xc4: {  	_ =	sdelay $0x1  }
0xc5: {  	[sflag:s22] =	ssyncset.done $0x0  }
0xc6: {  	[sflag:s22] =	ssyncadd.s32 $0xFFFFD800  }
0xc7: {  	_ =	sfence.sel $0x180000  }
0xc8: {  	[bflag:$0x0] =	sbarrier.arrive $0xFFFF  }
0xc9: {  	_ =	strace $0x9000004D  }
0xca: {  	s0 =	stileid.u32;
	[bflag:$0x2] =	sbarrier.arrive $0xFFFF  }
0xcb: {  	p0 =	sne.s32 s0, $0x0;
	s0 =	rddreg [dreg:$0x3]  }
0xcc: {  	s0 =	sadd.s32 @!p0 $0x100000, s0  }
0xcd: {  	[sflag:s0] =	ssyncadd.tile.s32 @!p0 $0x1;
	_ =	shalt  }
.Lfunc_end2:
_tile_overlayer_lowered:
.L_overlay_start_2:
0xce: {  	(tag) =	ssettag $0x2  }
0xcf: {  	s0 =	rddreg [dreg:$0x0];
	s2 =	stileid.u32  }
0xd0: {  	s1 =	rddreg [dreg:$0x1];
	p0 =	sne.s32 s2, $0x0  }
0xd1: {  	s3 =	rddreg [dreg:$0x2];
	[bflag:$0x3] =	sbarrier.arrive $0xFFFF;
	s2 =	simm.s32 @!p0 $0x1C09  }
0xd2: {  	[timem:s3], [sflag:s2] =	dma.local @!p0 [hbm:s0], s1  }
0xd3: {  	s0 =	simm.s32 @!p0 $0x9  }
0xd4: {  	_ =	swait.ge @!p0 [sflag:s0], s1  }
0xd5: {  	s1 =	ssub.s32 @!p0 $0x0, s1;
	[sflag:s0] =	ssyncset.done @!p0 $0x0  }
0xd6: {  	[sflag:s0] =	ssyncadd.s32 @!p0 s1  }
0xd7: {  	[bflag:$0x3] =	sbarrier.arrive $0xFFFF  }
0xd8: {  	_ =	shalt  }

// kernel: kernel.8.cloned.1.call-start
scs
__scs_entry_jumppad:
0x0: {  	(pc) =	sbr.rel $0x88, $3  }
0x1: {  	(tag) =	ssettag $0x0;
	lr =	simm.s32 $0x1  }
0x2: {  	[smem:$0x3F9B] =	sst lr;
	_ =	strace $0xD0000000  }
0x3: {  	_ = 	snop  }
0x4: {  	_ = 	snop  }
0x5: {  	_ = 	snop  }
0x6: {  	_ = 	snop  }
0x7: {  	_ = 	snop  }
__scs_overlays_trampoline_lowered:
0x8: {  	[smem:$0x3FAA] =	sst s0  }
0x9: {  	[smem:$0x3FAB] =	sst s1  }
0xa: {  	[smem:$0x3FAC] =	sst s2  }
0xb: {  	[smem:$0x3FAD] =	sst s3  }
0xc: {  	[smem:$0x3FAE] =	sst s4  }
0xd: {  	[smem:$0x3FAF] =	sst s5  }
0xe: {  	[smem:$0x3FB0] =	sst s6  }
0xf: {  	[smem:$0x3FB1] =	sst s7  }
0x10: {  	[smem:$0x3FB2] =	sst s8  }
0x11: {  	[smem:$0x3FB3] =	sst s9;
	s0 =	simm.s32 @!p0 $0x0  }
0x12: {  	s1 =	sld [smem:$0x3F99];
	s0 =	simm.s32 @p0 $0x1  }
0x13: {  	[smem:$0x3FB4] =	sst s0;
	s0 =	simm.s32 @!p1 $0x0  }
0x14: {  	s2 =	sld [smem:$0x3F98];
	s0 =	simm.s32 @p1 $0x1  }
0x15: {  	[smem:$0x3FB5] =	sst s0;
	s0 =	simm.s32 @!p2 $0x0  }
0x16: {  	s3 =	sld [smem:$0x3FDB];
	s0 =	simm.s32 @p2 $0x1  }
0x17: {  	s4 =	simm.s32 $0x1BF5;
	[smem:$0x3FB7] =	sst s0  }
0x18: {  	s0 =	sld [smem:$0x3F9A];
	_ =	swait.ge [sflag:s4], $0x0  }
0x19: {  	s7 =	sld [smem:$0x3F9B]  }
0x1a: {  	s8 =	sadd.s32 $0xFFFFE003, lr  }
0x1b: {  	s9 =	sadd.s32 $0xFFFFFEF7, lr;
	s5 =	simm.s32 $0xFFFFFFFF;
	p2 =	slt.u32 s8, $0xFFFFF086  }
0x1c: {  	p1 =	slt.u32 s9, $0xF7A;
	s5 =	simm.s32 @!p2 $0x0  }
0x1d: {  	s5 =	simm.s32 @p1 $0x1;
	p0 =	seq.s32 s7, s2  }
0x1e: {  	s7 =	smul.u32 @!p0 $0xF7A, s2;
	p2 =	seq.s32 @!p0 s5, $0x0  }
0x1f: {  	s9 =	smul.u32 $0xF7A, s1;
	s8 =	simm.s32 @!p0 $0x1BF5;
	p2 =	por !p2, p0  }
0x20: {  	[sflag:s8] =	ssyncset.s32 @!p0 $0xFFFFF086;
	s6 =	sadd.s32 @!p0 s3, s7;
	s7 =	simm.s32 @!p0 $0x108  }
0x21: {  	s3 =	sadd.s32 s3, s9;
	s6 =	sadd.s32 @!p0 $0x88, s6;
	s7 =	simm.s32 @p2 $0x1082  }
0x22: {  	[simem:s7], [sflag:s8] =	dma.local @!p0 [hbm:s6], $0xF7A  }
0x23: {  	s9 =	sor.u32 $0xD0000000, s2;
	s6 =	simm.s32 $0x108;
	_ =	swait.ge @!p0 [sflag:s8], $0x0  }
0x24: {  	s3 =	sadd.s32 $0x88, s3;
	s6 =	simm.s32 @!p1 $0x1082;
	[sflag:s4] =	ssyncset.s32 $0xFFFFF086  }
0x25: {  	[simem:s6], [sflag:s4] =	dma.local [hbm:s3], $0xF7A  }
0x26: {  	[smem:$0x3F9B] =	sst s1;
	(tag) =	ssettag s2;
	_ =	strace s9  }
0x27: {  	s1 =	sld [smem:$0x3FAB]  }
0x28: {  	s2 =	sld [smem:$0x3FAC]  }
0x29: {  	s4 =	sld [smem:$0x3FAE]  }
0x2a: {  	p0 =	seq.s32 s5, $0x0;
	s5 =	sld [smem:$0x3FAF]  }
0x2b: {  	s6 =	sld [smem:$0x3FB0]  }
0x2c: {  	s7 =	sld [smem:$0x3FB1]  }
0x2d: {  	s3 =	simm.s32 $0x108;
	s8 =	sld [smem:$0x3FB2]  }
0x2e: {  	s3 =	simm.s32 @!p0 $0x1082;
	s9 =	sld [smem:$0x3FB3]  }
0x2f: {  	lr =	sadd.s32 s0, s3;
	s0 =	sld [smem:$0x3FAA]  }
0x30: {  	s3 =	sld [smem:$0x3FAD]  }
0x31: {  	[smem:$0x3FB6] =	sst s10  }
0x32: {  	s10 =	sld [smem:$0x3FB4];
	_ =	sdelay $0x3  }
0x33: {  	p0 =	seq.s32 s10, $0x1;
	s10 =	sld [smem:$0x3FB6];
	_ =	sdelay $0x3  }
0x34: {  	[smem:$0x3FB6] =	sst s10  }
0x35: {  	s10 =	sld [smem:$0x3FB5];
	_ =	sdelay $0x3  }
0x36: {  	p1 =	seq.s32 s10, $0x1;
	s10 =	sld [smem:$0x3FB6];
	_ =	sdelay $0x3  }
0x37: {  	[smem:$0x3FB6] =	sst s10  }
0x38: {  	s10 =	sld [smem:$0x3FB7]  }
0x39: {  	_ = 	snop;
	(pc) =	sbr.ind lr, $3  }
0x3a: {  	_ = 	snop  }
0x3b: {  	_ = 	snop  }
0x3c: {  	p2 =	seq.s32 s10, $0x1;
	s10 =	sld [smem:$0x3FB6]  }
0x3d: {  	_ =	shalt  }
0x3e: {  	_ =	shalt  }
0x3f: {  	_ =	shalt  }
0x40: {  	_ =	shalt  }
0x41: {  	_ =	shalt  }
0x42: {  	_ =	shalt  }
0x43: {  	_ =	shalt  }
0x44: {  	_ =	shalt  }
0x45: {  	_ =	shalt  }
0x46: {  	_ =	shalt  }
0x47: {  	_ =	shalt  }
0x48: {  	_ =	shalt  }
0x49: {  	_ =	shalt  }
0x4a: {  	_ =	shalt  }
0x4b: {  	_ =	shalt  }
0x4c: {  	_ =	shalt  }
0x4d: {  	_ =	shalt  }
0x4e: {  	_ =	shalt  }
0x4f: {  	_ =	shalt  }
0x50: {  	_ =	shalt  }
0x51: {  	_ =	shalt  }
0x52: {  	_ =	shalt  }
0x53: {  	_ =	shalt  }
0x54: {  	_ =	shalt  }
0x55: {  	_ =	shalt  }
0x56: {  	_ =	shalt  }
0x57: {  	_ =	shalt  }
0x58: {  	_ =	shalt  }
0x59: {  	_ =	shalt  }
0x5a: {  	_ =	shalt  }
0x5b: {  	_ =	shalt  }
0x5c: {  	_ =	shalt  }
0x5d: {  	_ =	shalt  }
0x5e: {  	_ =	shalt  }
0x5f: {  	_ =	shalt  }
0x60: {  	_ =	shalt  }
0x61: {  	_ =	shalt  }
0x62: {  	_ =	shalt  }
0x63: {  	_ =	shalt  }
0x64: {  	_ =	shalt  }
0x65: {  	_ =	shalt  }
0x66: {  	_ =	shalt  }
0x67: {  	_ =	shalt  }
0x68: {  	_ =	shalt  }
0x69: {  	_ =	shalt  }
0x6a: {  	_ =	shalt  }
0x6b: {  	_ =	shalt  }
0x6c: {  	_ =	shalt  }
0x6d: {  	_ =	shalt  }
0x6e: {  	_ =	shalt  }
0x6f: {  	_ =	shalt  }
0x70: {  	_ =	shalt  }
0x71: {  	_ =	shalt  }
0x72: {  	_ =	shalt  }
0x73: {  	_ =	shalt  }
0x74: {  	_ =	shalt  }
0x75: {  	_ =	shalt  }
0x76: {  	_ =	shalt  }
0x77: {  	_ =	shalt  }
0x78: {  	_ =	shalt  }
0x79: {  	_ =	shalt  }
0x7a: {  	_ =	shalt  }
0x7b: {  	_ =	shalt  }
0x7c: {  	_ =	shalt  }
0x7d: {  	_ =	shalt  }
0x7e: {  	_ =	shalt  }
0x7f: {  	_ =	shalt  }
0x80: {  	_ =	shalt  }
0x81: {  	_ =	shalt  }
0x82: {  	_ =	shalt  }
0x83: {  	_ =	shalt  }
0x84: {  	_ =	shalt  }
0x85: {  	_ =	shalt  }
0x86: {  	_ =	shalt  }
0x87: {  	_ =	shalt  }
.Lfunc_end0:
.L_simem_size_0:
called_computation_lowered:
.L_overlay_start_0:
0x88: {  	s2 =	sld [smem:$0x3FD9]  }
0x89: {  	s3 =	sld [smem:$0x3FFE];
	_ =	sdelay $0x1  }
0x8a: {  	s1 =	srdreg.scid  }
0x8b: {  	s0 =	sand.u32 $0x1, s1  }
0x8c: {  	s17 =	sshll.u32 s0, $0xA;
	s2 =	sadd.s32 s3, s2  }
0x8d: {  	s2 =	sadd.s32 s2, s17  }
0x8e: {  	[smem:$0x3FC2] =	sst s2  }
0x8f: {  	_ = 	snop  }
0x90: {  	s2 =	sld [smem:$0x3FD0];
	(tm) =	ssettm $0x1  }
0x91: {  	s18 =	sld [smem:$0x3FFB];
	_ =	sdelay $0x3  }
0x92: {  	_ =	strace s18  }
0x93: {  	s3 =	sld [smem:$0x3FFC];
	_ =	sdelay $0x3  }
0x94: {  	_ =	strace s3  }
0x95: {  	s3 =	sld [smem:$0x3FFD];
	_ =	sdelay $0x3  }
0x96: {  	_ =	strace s3  }
0x97: {  	_ =	strace $0x8FFFFFFF  }
0x98: {  	s19 =	sld [smem:$0x3FDB];
	_ =	sdelay $0x1  }
0x99: {  	s4 =	simm.s32 $_scs_section_size  }
0x9a: {  	s5 =	simm.s32 $_size__tile_overlayer_lowered;
	s6 =	simm.s32 $_tile_overlayer_lowered  }
0x9b: {  	s22 =	simm.s32 $0x1BFF;
	s21 =	sshll.u32 s6, $0x1;
	s3 =	sadd.s32 s4, s19  }
0x9c: {  	s7 =	simm.s32 $0x0;
	s20 =	sshll.u32 s5, $0x1;
	s5 =	sadd.s32 s21, s3  }
0x9d: {  	[timem:s7], [sflag:s22] =	dma.local [hbm:s5], s20  }
0x9e: {  	_ =	swait.ge [sflag:s22], s20  }
0x9f: {  	s4 =	ssub.s32 $0x0, s20;
	[sflag:s22] =	ssyncset.done $0x0  }
0xa0: {  	[sflag:s22] =	ssyncadd.s32 s4;
	_ =	sdelay $0x1  }
0xa1: {  	s23 =	simm.s32 $0x1B8B  }
0xa2: {  	_ =	swait.ge [sflag:s23], $0x1  }
0xa3: {  	[sflag:s23] =	ssyncset.done $0x0  }
0xa4: {  	s25 =	simm.s32 $0x1B8E;
	s24 =	sld [smem:$0x3FFE];
	[sflag:s23] =	ssyncadd.s32 $0xFFFFFFFF  }
0xa5: {  	s26 =	simm.s32 $execute0_lowered;
	[smem:$0x3FD2] =	sst s25  }
0xa6: {  	s5 =	sshll.u32 s26, $0x1;
	_ =	strace $0x80000046;
	[dreg:$0x1] =	wrdreg $0xFFFFFFFF  }
0xa7: {  	s28 =	simm.s32 $_size_execute0_lowered;
	s3 =	sadd.s32 s3, s5;
	[dreg:$0x0] =	wrdreg $0x0  }
0xa8: {  	s5 =	sshll.u32 s28, $0x1;
	[dreg:$0x2] =	wrdreg s3  }
0xa9: {  	[dreg:$0x3] =	wrdreg s5  }
0xaa: {  	[dreg:$0x4] =	wrdreg $0xC0  }
0xab: {  	_ =	task [dreg:s7], $0x5FFFF  }
0xac: {  	[dreg:$0x1] =	wrdreg $0xFFFFFFFF  }
0xad: {  	[dreg:$0x0] =	wrdreg $0x60  }
0xae: {  	[dreg:$0x2] =	wrdreg s2  }
0xaf: {  	[dreg:$0x3] =	wrdreg s24  }
0xb0: {  	[dreg:$0x4] =	wrdreg $0x70000  }
0xb1: {  	[dreg:$0x5] =	wrdreg $0x9  }
0xb2: {  	_ =	task.clear_ibuf [dreg:s7], $0x6FFFF;
	_ =	strace $0x90000046  }
0xb3: {  	s29 =	simm.s32 $0x9;
	_ =	strace $0x80000048  }
0xb4: {  	_ =	swait.ge [sflag:s29], $0x1  }
0xb5: {  	[sflag:s29] =	ssyncadd.s32 $0xFFFFFFFF  }
0xb6: {  	_ =	strace $0x90000048  }
0xb7: {  	_ =	sfence  }
0xb8: {  	s30 =	sld [smem:$0x0];
	_ =	sdelay $0x2  }
0xb9: {  	s31 =	sshll.u32 s1, $0xD;
	s1 =	sshrl.u32 s1, $0x2  }
0xba: {  	s3 =	sand.u32 $0x4000, s31;
	s1 =	sadd.s32 s1, s30  }
0xbb: {  	s0 =	sor.u32 s3, s0;
	s1 =	sshll.u32 s1, $0x11  }
0xbc: {  	s0 =	sor.u32 s1, s0  }
0xbd: {  	s0 =	sadd.s32 $0x8F2B, s0  }
0xbe: {  	[sflag:s0] =	ssyncadd.remote.s32 $0x1  }
0xbf: {  	_ =	sfence.sel $0xFFFF  }
0xc0: {  	[dreg:$0x0] =	wrdreg $0xFFFFFFFF;
	(pc) =	sbr.abs _section_cstart, $3  }
0xc1: {  	[dreg:$0x1] =	wrdreg $0xFFFFFFFF  }
0xc2: {  	_ =	task.clear_ibuf [dreg:s7], $0x2FFFF;
	_ =	strace $0x9FFFFFFF  }
0xc3: {  	(tm) =	ssettm $0x7FFFFFFF  }
tec
execute0_lowered:
.L_overlay_start_1:
0x0: {  	(tag) =	ssettag $0x1  }
0x1: {  	s15 =	rddreg [dreg:$0x0]  }
0x2: {  	s16 =	rddreg [dreg:$0x1]  }
0x3: {  	s1 =	rddreg [dreg:$0x2]  }
0x4: {  	s2 =	srdreg.scid;
	s3 =	simm.s32 $0x0;
	s0 =	stileid.u32  }
0x5: {  	s20 =	simm.s32 $0x5;
	s21 =	simm.s32 $0x40;
	s22 =	simm.s32 $0x1  }
0x6: {  	s23 =	simm.s32 $0x2;
	s24 =	simm.s32 $0x3;
	s26 =	simm.s32 $0x4  }
0x7: {  	s29 =	simm.s32 $0x0;
	s8 =	sand.u32 $0x1, s2;
	s6 =	smul.u32 $0x14000, s0  }
0x8: {  	[smem:$0x7FF] =	sst s3;
	s7 =	smul.u32 $0x50000, s0;
	s4 =	sadd.s32 $0x2200, s16  }
0x9: {  	s25 =	sshll.u32 s0, $0x6;
	s5 =	smul.u32 $0x140000, s8;
	_ =	strace $0x80000047  }
0xa: {  	s31 =	ssub.s32 $0x2, s8;
	s10 =	sshll.u32 s8, $0x4;
	s25 =	sor.u32 $0x1C05, s25  }
0xb: {  	s9 =	sshrl.u32 s31, $0x1;
	s12 =	sor.u32 s0, s10;
	s5 =	sadd.s32 s6, s5  }
0xc: {  	s18 =	ssub.s32 s31, s9;
	s19 =	smul.u32 $0xA00, s12;
	s5 =	sshrl.u32 s5, $0x3  }
0xd: {  	s7 =	sshrl.u32 s7, $0x2;
	s18 =	smax.u32 s18, $0x1;
	s17 =	sadd.s32 s5, s16  }
0xe: {  	s5 =	sadd.s32 s7, s1;
	s15 =	sadd.s32 s15, s19;
	s16 =	sadd.s32 $0x2600, s16  }
0xf: {  	s19 =	simm.s32 $0x5000;
	s6 =	sadd.s32 $0x2000, s5;
	s7 =	sadd.s32 $0x4000, s5  }
0x10: {  	s8 =	sadd.s32 $0x6000, s5;
	s9 =	sadd.s32 $0x8000, s5;
	s10 =	sadd.s32 $0xA000, s5  }
0x11: {  	s11 =	sadd.s32 $0xC000, s5;
	s12 =	sadd.s32 $0xE000, s5;
	s13 =	sadd.s32 $0x10000, s5  }
0x12: {  	s14 =	sadd.s32 $0x12000, s5;
	s17 =	sadd.s32 $0x2A00, s17;
	s28 =	sshrl.u32 s5, $0x3  }
.LBB2_1:
0x13: {  	[tilespmem:s19], [sflag:$0x5] =	stream.linear.gather [hbm4b:s4+s3], $0x2000, $0x38;
	[tilespmem:$0x9800] =	vst v63  }
0x14: {  	_ =	swait.ge [sflag:s20], $0x2000  }
0x15: {  	[sflag:s20] =	ssyncset.done $0x0  }
0x16: {  	[sflag:s20] =	ssyncadd.s32 $0xFFFFE000  }
0x17: {  	[spmem:s5] =	stream.linear.scatter [tilespmem:s19], [sflag:$0x5], $0x2000, $0x38;
	[tilespmem:$0x9800] =	vst v63  }
0x18: {  	_ =	swait.ge [sflag:s20], $0x2000  }
0x19: {  	[sflag:s20] =	ssyncset.done $0x0  }
0x1a: {  	[sflag:s20] =	ssyncadd.s32 $0xFFFFE000  }
0x1b: {  	[spmem:s6] =	stream.linear.scatter [tilespmem:s19], [sflag:$0x5], $0x2000, $0x38;
	[tilespmem:$0x9800] =	vst v63  }
0x1c: {  	_ =	swait.ge [sflag:s20], $0x2000  }
0x1d: {  	[sflag:s20] =	ssyncset.done $0x0  }
0x1e: {  	[sflag:s20] =	ssyncadd.s32 $0xFFFFE000  }
0x1f: {  	[spmem:s7] =	stream.linear.scatter [tilespmem:s19], [sflag:$0x5], $0x2000, $0x38;
	[tilespmem:$0x9800] =	vst v63  }
0x20: {  	_ =	swait.ge [sflag:s20], $0x2000  }
0x21: {  	[sflag:s20] =	ssyncset.done $0x0  }
0x22: {  	[sflag:s20] =	ssyncadd.s32 $0xFFFFE000  }
0x23: {  	[spmem:s8] =	stream.linear.scatter [tilespmem:s19], [sflag:$0x5], $0x2000, $0x38;
	[tilespmem:$0x9800] =	vst v63  }
0x24: {  	_ =	swait.ge [sflag:s20], $0x2000  }
0x25: {  	[sflag:s20] =	ssyncset.done $0x0  }
0x26: {  	[sflag:s20] =	ssyncadd.s32 $0xFFFFE000  }
0x27: {  	[spmem:s9] =	stream.linear.scatter [tilespmem:s19], [sflag:$0x5], $0x2000, $0x38;
	[tilespmem:$0x9800] =	vst v63  }
0x28: {  	_ =	swait.ge [sflag:s20], $0x2000  }
0x29: {  	[sflag:s20] =	ssyncset.done $0x0  }
0x2a: {  	[sflag:s20] =	ssyncadd.s32 $0xFFFFE000  }
0x2b: {  	[spmem:s10] =	stream.linear.scatter [tilespmem:s19], [sflag:$0x5], $0x2000, $0x38;
	[tilespmem:$0x9800] =	vst v63  }
0x2c: {  	_ =	swait.ge [sflag:s20], $0x2000  }
0x2d: {  	[sflag:s20] =	ssyncset.done $0x0  }
0x2e: {  	[sflag:s20] =	ssyncadd.s32 $0xFFFFE000  }
0x2f: {  	[spmem:s11] =	stream.linear.scatter [tilespmem:s19], [sflag:$0x5], $0x2000, $0x38;
	[tilespmem:$0x9800] =	vst v63  }
0x30: {  	_ =	swait.ge [sflag:s20], $0x2000  }
0x31: {  	[sflag:s20] =	ssyncset.done $0x0  }
0x32: {  	[sflag:s20] =	ssyncadd.s32 $0xFFFFE000  }
0x33: {  	[spmem:s12] =	stream.linear.scatter [tilespmem:s19], [sflag:$0x5], $0x2000, $0x38;
	[tilespmem:$0x9800] =	vst v63  }
0x34: {  	_ =	swait.ge [sflag:s20], $0x2000  }
0x35: {  	[sflag:s20] =	ssyncset.done $0x0  }
0x36: {  	[sflag:s20] =	ssyncadd.s32 $0xFFFFE000  }
0x37: {  	[spmem:s13] =	stream.linear.scatter [tilespmem:s19], [sflag:$0x5], $0x2000, $0x38;
	[tilespmem:$0x9800] =	vst v63  }
0x38: {  	_ =	swait.ge [sflag:s20], $0x2000  }
0x39: {  	[sflag:s20] =	ssyncset.done $0x0  }
0x3a: {  	[sflag:s20] =	ssyncadd.s32 $0xFFFFE000  }
0x3b: {  	[spmem:s14] =	stream.linear.scatter [tilespmem:s19], [sflag:$0x5], $0x2000, $0x38;
	[tilespmem:$0x9800] =	vst v63  }
0x3c: {  	_ =	swait.ge [sflag:s20], $0x2000  }
0x3d: {  	[sflag:s20] =	ssyncset.done $0x0  }
0x3e: {  	[sflag:s20] =	ssyncadd.s32 $0xFFFFE000  }
0x3f: {  	[bflag:$0x0] =	sbarrier.arrive $0xFFFF  }
0x40: {  	[tilespmem:s3], [sflag:$0x5] =	stream.linear.gather [hbm4b:s15+s3], $0x5000, $0x38;
	[tilespmem:$0x9800] =	vst v63  }
0x41: {  	_ =	swait.ge [sflag:s20], $0x5000  }
0x42: {  	[sflag:s20] =	ssyncset.done $0x0  }
0x43: {  	[sflag:s20] =	ssyncadd.s32 $0xFFFFB000  }
0x44: {  	[tilespmem:s19], [sflag:$0x5] =	stream.linear.gather [hbm4b:s16+s3], $0x2000, $0x38;
	[tilespmem:$0x9800] =	vst v63  }
0x45: {  	_ =	swait.ge [sflag:s20], $0x2000  }
0x46: {  	[sflag:s20] =	ssyncset.done $0x0  }
0x47: {  	s30 =	simm.s32 $0x0;
	[sflag:s20] =	ssyncadd.s32 $0xFFFFE000  }
0x48: {  	[spmem:s1] =	stream.indirect.scatter.add.f32 [tilespmem:s19], [sflag:$0x1], $0x10, s30, s21, $0xb8;
	[tilespmem:$0x9800] =	vst v63  }
0x49: {  	s30 =	simm.s32 $0x80  }
0x4a: {  	[spmem:s1] =	stream.indirect.scatter.add.f32 [tilespmem:s19], [sflag:$0x2], $0x10, s30, s21, $0xb8;
	[tilespmem:$0x9800] =	vst v63  }
0x4b: {  	s30 =	simm.s32 $0x100  }
0x4c: {  	[spmem:s1] =	stream.indirect.scatter.add.f32 [tilespmem:s19], [sflag:$0x3], $0x10, s30, s21, $0xb8;
	[tilespmem:$0x9800] =	vst v63  }
0x4d: {  	s30 =	simm.s32 $0x180  }
0x4e: {  	[spmem:s1] =	stream.indirect.scatter.add.f32 [tilespmem:s19], [sflag:$0x4], $0x10, s30, s21, $0xb8;
	[tilespmem:$0x9800] =	vst v63  }
0x4f: {  	_ =	swait.ge [sflag:s22], $0x400  }
0x50: {  	[sflag:s22] =	ssyncset.done $0x0  }
0x51: {  	[sflag:s22] =	ssyncadd.s32 $0xFFFFFC00  }
0x52: {  	_ =	swait.ge [sflag:s23], $0x400  }
0x53: {  	[sflag:s23] =	ssyncset.done $0x0  }
0x54: {  	[sflag:s23] =	ssyncadd.s32 $0xFFFFFC00  }
0x55: {  	_ =	swait.ge [sflag:s24], $0x400  }
0x56: {  	[sflag:s24] =	ssyncset.done $0x0  }
0x57: {  	[sflag:s24] =	ssyncadd.s32 $0xFFFFFC00  }
0x58: {  	_ =	swait.ge [sflag:s26], $0x400  }
0x59: {  	s31 =	simm.s32 $0x1000;
	s30 =	simm.s32 $0x800;
	[sflag:s26] =	ssyncset.done $0x0  }
.LBB2_2:
0x5a: {  	s0 =	sshra.s32 s30, $0x2  }
0x5b: {  	[sflag:s26] =	ssyncadd.s32 $0xFFFFFC00;
	s30 =	smov.u32 s31;
	s2 =	sadd.s32 $0x800, s31  }
0x5c: {  	[spmem:s1] =	stream.indirect.scatter.add.f32 [tilespmem:s19], [sflag:$0x1], $0x10, s0, s21, $0xb8;
	[tilespmem:$0x9800] =	vst v63  }
0x5d: {  	p0 =	sne.s32 s31, $0x13800;
	s31 =	sadd.s32 $0x80, s0  }
0x5e: {  	[spmem:s1] =	stream.indirect.scatter.add.f32 [tilespmem:s19], [sflag:$0x2], $0x10, s31, s21, $0xb8;
	[tilespmem:$0x9800] =	vst v63  }
0x5f: {  	s31 =	sadd.s32 $0x100, s0  }
0x60: {  	[spmem:s1] =	stream.indirect.scatter.add.f32 [tilespmem:s19], [sflag:$0x3], $0x10, s31, s21, $0xb8;
	[tilespmem:$0x9800] =	vst v63  }
0x61: {  	s0 =	sadd.s32 $0x180, s0  }
0x62: {  	[spmem:s1] =	stream.indirect.scatter.add.f32 [tilespmem:s19], [sflag:$0x4], $0x10, s0, s21, $0xb8;
	[tilespmem:$0x9800] =	vst v63  }
0x63: {  	_ =	swait.ge [sflag:s22], $0x400  }
0x64: {  	[sflag:s22] =	ssyncset.done $0x0  }
0x65: {  	[sflag:s22] =	ssyncadd.s32 $0xFFFFFC00  }
0x66: {  	_ =	swait.ge [sflag:s23], $0x400  }
0x67: {  	[sflag:s23] =	ssyncset.done $0x0  }
0x68: {  	[sflag:s23] =	ssyncadd.s32 $0xFFFFFC00  }
.Ltmp0:
0x69: {  	_ =	swait.ge [sflag:s24], $0x400;
	(pc) =	sbr.rel @p0 .LBB2_2-.Ltmp0, $4  }
0x6a: {  	[sflag:s24] =	ssyncset.done $0x0  }
0x6b: {  	[sflag:s24] =	ssyncadd.s32 $0xFFFFFC00  }
0x6c: {  	_ =	swait.ge [sflag:s26], $0x400  }
0x6d: {  	s31 =	smov.u32 s2;
	[sflag:s26] =	ssyncset.done $0x0  }
0x6e: {  	s0 =	sshra.s32 s30, $0x2;
	[sflag:s26] =	ssyncadd.s32 $0xFFFFFC00  }
0x6f: {  	[spmem:s1] =	stream.indirect.scatter.add.f32 [tilespmem:s19], [sflag:$0x1], $0x10, s0, s21, $0xb8;
	[tilespmem:$0x9800] =	vst v63  }
0x70: {  	s2 =	sadd.s32 $0x80, s0  }
0x71: {  	[spmem:s1] =	stream.indirect.scatter.add.f32 [tilespmem:s19], [sflag:$0x2], $0x10, s2, s21, $0xb8;
	[tilespmem:$0x9800] =	vst v63  }
0x72: {  	s31 =	sadd.s32 $0x100, s0  }
0x73: {  	[spmem:s1] =	stream.indirect.scatter.add.f32 [tilespmem:s19], [sflag:$0x3], $0x10, s31, s21, $0xb8;
	[tilespmem:$0x9800] =	vst v63  }
0x74: {  	s0 =	sadd.s32 $0x180, s0  }
0x75: {  	[spmem:s1] =	stream.indirect.scatter.add.f32 [tilespmem:s19], [sflag:$0x4], $0x10, s0, s21, $0xb8;
	[tilespmem:$0x9800] =	vst v63  }
0x76: {  	_ =	swait.ge [sflag:s22], $0x400  }
0x77: {  	[sflag:s22] =	ssyncset.done $0x0  }
0x78: {  	[sflag:s22] =	ssyncadd.s32 $0xFFFFFC00  }
0x79: {  	_ =	swait.ge [sflag:s23], $0x400  }
0x7a: {  	[sflag:s23] =	ssyncset.done $0x0  }
0x7b: {  	[sflag:s23] =	ssyncadd.s32 $0xFFFFFC00  }
0x7c: {  	_ =	swait.ge [sflag:s24], $0x400  }
0x7d: {  	[sflag:s24] =	ssyncset.done $0x0  }
0x7e: {  	[sflag:s24] =	ssyncadd.s32 $0xFFFFFC00  }
0x7f: {  	_ =	swait.ge [sflag:s26], $0x400  }
0x80: {  	s29 =	sadd.s32 $0x1, s29;
	[sflag:s26] =	ssyncset.done $0x0  }
0x81: {  	p0 =	sne.s32 s29, s18;
	[sflag:s26] =	ssyncadd.s32 $0xFFFFFC00  }
.Ltmp1:
0x82: {  	[bflag:$0x0] =	sbarrier.arrive $0xFFFF;
	(pc) =	sbr.rel @p0 .LBB2_1-.Ltmp1, $4  }
0x83: {  	[hbm:s17], [sflag:s25] =	dma.local [spmem:s28], $0x2800  }
0x84: {  	_ =	swait.ge [sflag:s20], $0x2800  }
0x85: {  	[sflag:s20] =	ssyncset.done $0x0  }
0x86: {  	[sflag:s20] =	ssyncadd.s32 $0xFFFFD800  }
0x87: {  	_ =	sfence.sel $0x180000  }
0x88: {  	[bflag:$0x0] =	sbarrier.arrive $0xFFFF  }
0x89: {  	_ =	strace $0x90000047  }
0x8a: {  	s0 =	stileid.u32;
	[bflag:$0x2] =	sbarrier.arrive $0xFFFF  }
0x8b: {  	p0 =	sne.s32 s0, $0x0;
	s0 =	rddreg [dreg:$0x3]  }
0x8c: {  	s0 =	sadd.s32 @!p0 $0x100000, s0  }
0x8d: {  	[sflag:s0] =	ssyncadd.tile.s32 @!p0 $0x1;
	_ =	shalt  }
.Lfunc_end2:
_tile_overlayer_lowered:
.L_overlay_start_2:
0x8e: {  	(tag) =	ssettag $0x2  }
0x8f: {  	s0 =	rddreg [dreg:$0x0];
	s2 =	stileid.u32  }
0x90: {  	s1 =	rddreg [dreg:$0x1];
	p0 =	sne.s32 s2, $0x0  }
0x91: {  	s3 =	rddreg [dreg:$0x2];
	[bflag:$0x3] =	sbarrier.arrive $0xFFFF;
	s2 =	simm.s32 @!p0 $0x1C05  }
0x92: {  	[timem:s3], [sflag:s2] =	dma.local @!p0 [hbm:s0], s1  }
0x93: {  	s0 =	simm.s32 @!p0 $0x5  }
0x94: {  	_ =	swait.ge @!p0 [sflag:s0], s1  }
0x95: {  	s1 =	ssub.s32 @!p0 $0x0, s1;
	[sflag:s0] =	ssyncset.done @!p0 $0x0  }
0x96: {  	[sflag:s0] =	ssyncadd.s32 @!p0 s1  }
0x97: {  	[bflag:$0x3] =	sbarrier.arrive $0xFFFF  }
0x98: {  	_ =	shalt  }

</sc_bundles>
